<compile_context>
chip_gen: v7x
topology: tpu7x:2x2x1
jax: 0.10.2.dev20260603
libtpu: 0.0.44.dev20260713+nightly
codegen_flags: <defaults>
</compile_context>

<pallas_src>
import functools

import jax
import jax.numpy as jnp
from jax import lax
from jax.experimental import pallas as pl
from jax.experimental.pallas import tpu as pltpu
from jax.experimental.pallas import tpu_sc as plsc

N = 10000
E = 320000
D = 128

NC = 2
NS = 16
NW = NC * NS

CH = 64
CPW = 160
E_PAD = NW * CPW * CH
NCHUNK = E_PAD // CH
KPB = 16
NBLK = CPW // KPB
NBUF = 4

NPAD = 10240
ROWS_PER_TILE = NPAD // NS

BLK = 1280
GRID = NPAD // BLK

_mesh = plsc.VectorSubcoreMesh(core_axis_name="c", subcore_axis_name="s")



HR = NPAD // 128


@functools.partial(
    pl.kernel,
    out_type=jax.ShapeDtypeStruct((NW, HR, 128), jnp.float32),
    mesh=_mesh,
    compiler_params=pltpu.CompilerParams(needs_layout_passes=False),
    scratch_types=[
        pltpu.VMEM((CPW, CH), jnp.int32),
        pltpu.VMEM((HR, 128), jnp.float32),
    ],
)
def _sc_degree(dst_hbm, out_hbm, dst_v, hist):
    c = lax.axis_index("c")
    s = lax.axis_index("s")
    wid = c * NS + s
    pltpu.sync_copy(dst_hbm.at[pl.ds(wid * CPW, CPW)], dst_v)

    zero = jnp.zeros((16,), jnp.float32)

    def zbody(t, carry):
        hist[t >> 3, pl.ds((t & 7) * 16, 16)] = zero
        return carry

    lax.fori_loop(0, HR * 8, zbody, 0)

    ones = jnp.ones((16,), jnp.float32)

    def body(t, carry):
        idx = dst_v[t >> 2, pl.ds((t & 3) * 16, 16)]
        plsc.addupdate_scatter(hist, [idx >> 7, idx & 127], ones)
        return carry

    lax.fori_loop(0, CPW * CH // 16, body, 0)
    pltpu.sync_copy(hist, out_hbm.at[wid])


@functools.partial(
    pl.kernel,
    out_type=jax.ShapeDtypeStruct((NC, NPAD, D), jnp.float32),
    mesh=_mesh,
    scratch_types=[
        pltpu.VMEM((2, KPB, CH), jnp.int32),
        pltpu.VMEM((NBUF, CH, D), jnp.float32),
        pltpu.VMEM_SHARED((NPAD, D), jnp.float32),
        pltpu.SemaphoreType.DMA,
        pltpu.SemaphoreType.DMA,
    ],
)
def _sc_mp(y_hbm, src_hbm, dst_hbm, zeros_hbm, out_hbm,
           idx_v, rows_v, acc, sem_g, sem_s):
    c = lax.axis_index("c")
    s = lax.axis_index("s")
    wid = c * NS + s
    pltpu.sync_copy(zeros_hbm.at[pl.ds(s * ROWS_PER_TILE, ROWS_PER_TILE)],
                    acc.at[pl.ds(s * ROWS_PER_TILE, ROWS_PER_TILE)])
    plsc.subcore_barrier()

    def body(blk, carry):
        rowbase = wid * CPW + blk * KPB
        pltpu.sync_copy(src_hbm.at[pl.ds(rowbase, KPB)], idx_v.at[0])
        pltpu.sync_copy(dst_hbm.at[pl.ds(rowbase, KPB)], idx_v.at[1])
        def fire_gather(k):
            return pltpu.async_copy(y_hbm.at[idx_v.at[0, k]],
                                    rows_v.at[k % NBUF], sem_g)

        g = {}
        sc = {}
        for k in range(NBUF - 1):
            g[k] = fire_gather(k)
        for k in range(KPB):
            if k + NBUF - 1 < KPB:
                if k >= 1:
                    sc[k - 1].wait()
                g[k + NBUF - 1] = fire_gather(k + NBUF - 1)
            g[k].wait()
            sc[k] = pltpu.async_copy(rows_v.at[k % NBUF],
                                     acc.at[idx_v.at[1, k]],
                                     sem_s, add=True)
        for k in range(KPB - NBUF, KPB):
            sc[k].wait()
        return carry

    lax.fori_loop(0, NBLK, body, 0)
    plsc.subcore_barrier()
    pltpu.sync_copy(acc.at[pl.ds(s * ROWS_PER_TILE, ROWS_PER_TILE)],
                    out_hbm.at[c].at[pl.ds(s * ROWS_PER_TILE, ROWS_PER_TILE)])



def _tc_mm1_body(x_ref, w_ref, xw_ref):
    xw_ref[...] = jnp.dot(x_ref[...], w_ref[...],
                          preferred_element_type=jnp.float32,
                          precision=lax.Precision.HIGHEST)


def _tc_prep_body(hist_ref, xw_ref, y_ref, dinv_ref):
    deg = jnp.sum(hist_ref[...], axis=0) + 1.0
    dinv = lax.rsqrt(deg)
    dinv_ref[...] = dinv[:, None]
    y_ref[...] = xw_ref[...] * dinv[:, None]


def _tc_mid_body(p_ref, y_ref, dinv_ref, b_ref, w_ref, y2_ref):
    dinv = dinv_ref[...]
    h = dinv * (p_ref[0] + p_ref[1] + y_ref[...]) + b_ref[...]
    h = jnp.maximum(h, 0.0)
    hw = jnp.dot(h, w_ref[...], preferred_element_type=jnp.float32,
                 precision=lax.Precision.HIGHEST)
    y2_ref[...] = hw * dinv


def _tc_post_body(p_ref, y_ref, dinv_ref, b_ref, out_ref):
    out_ref[...] = dinv_ref[...] * (p_ref[0] + p_ref[1] + y_ref[...]) + b_ref[...]


def _tc_mm1(xp, W1):
    return pl.pallas_call(
        _tc_mm1_body,
        grid=(GRID,),
        in_specs=[
            pl.BlockSpec((BLK, D), lambda i: (i, 0)),
            pl.BlockSpec((D, D), lambda i: (0, 0)),
        ],
        out_specs=pl.BlockSpec((BLK, D), lambda i: (i, 0)),
        out_shape=jax.ShapeDtypeStruct((NPAD, D), jnp.float32),
    )(xp, W1)


def _tc_prep(hist2d, xw1):
    return pl.pallas_call(
        _tc_prep_body,
        grid=(GRID,),
        in_specs=[
            pl.BlockSpec((NW, BLK), lambda i: (0, i)),
            pl.BlockSpec((BLK, D), lambda i: (i, 0)),
        ],
        out_specs=[
            pl.BlockSpec((BLK, D), lambda i: (i, 0)),
            pl.BlockSpec((BLK, 1), lambda i: (i, 0)),
        ],
        out_shape=[
            jax.ShapeDtypeStruct((NPAD, D), jnp.float32),
            jax.ShapeDtypeStruct((NPAD, 1), jnp.float32),
        ],
    )(hist2d, xw1)


def _tc_mid(p1, y1, dinv, b1, W2):
    return pl.pallas_call(
        _tc_mid_body,
        grid=(GRID,),
        in_specs=[
            pl.BlockSpec((NC, BLK, D), lambda i: (0, i, 0)),
            pl.BlockSpec((BLK, D), lambda i: (i, 0)),
            pl.BlockSpec((BLK, 1), lambda i: (i, 0)),
            pl.BlockSpec((1, D), lambda i: (0, 0)),
            pl.BlockSpec((D, D), lambda i: (0, 0)),
        ],
        out_specs=pl.BlockSpec((BLK, D), lambda i: (i, 0)),
        out_shape=jax.ShapeDtypeStruct((NPAD, D), jnp.float32),
    )(p1, y1, dinv, b1, W2)


def _tc_post(p2, y2, dinv, b2):
    return pl.pallas_call(
        _tc_post_body,
        grid=(GRID,),
        in_specs=[
            pl.BlockSpec((NC, BLK, D), lambda i: (0, i, 0)),
            pl.BlockSpec((BLK, D), lambda i: (i, 0)),
            pl.BlockSpec((BLK, 1), lambda i: (i, 0)),
            pl.BlockSpec((1, D), lambda i: (0, 0)),
        ],
        out_specs=pl.BlockSpec((BLK, D), lambda i: (i, 0)),
        out_shape=jax.ShapeDtypeStruct((N, D), jnp.float32),
    )(p2, y2, dinv, b2)



def kernel(x, edge_index, W1, b1, W2, b2):
    src = edge_index[0].astype(jnp.int32)
    dst = edge_index[1].astype(jnp.int32)
    pad_i = jnp.arange(E_PAD - E, dtype=jnp.int32)
    srcp = jnp.concatenate([src, pad_i % N]).reshape(NCHUNK, CH)
    dstp = jnp.concatenate(
        [dst, N + pad_i % (NPAD - N)]).reshape(NCHUNK, CH)
    zeros_d = jnp.zeros((NPAD, D), jnp.float32)

    hist = _sc_degree(dstp)
    xw1 = _tc_mm1(x, W1)
    y1, dinv = _tc_prep(hist.reshape(NW, NPAD), xw1)
    p1 = _sc_mp(y1, srcp, dstp, zeros_d)
    y2 = _tc_mid(p1, y1, dinv, b1.reshape(1, D), W2)
    p2 = _sc_mp(y2, srcp, dstp, zeros_d)
    return _tc_post(p2, y2, dinv, b2.reshape(1, D))

# --- scband reference (transcript-rebuilt; emitter-appended) ---
"""Pipeline reference for scband-gcnmodel-72103910966172 (READ-ONLY COPY).

The authoritative reference and input builder live on the scoring server;
editing this copy changes nothing except your own understanding.
"""

import jax, jax.numpy as jnp
import numpy as np

N_NODES = 10000
N_EDGES = 320000
D_IN = 128
D_HID = 128
D_OUT = 128


def setup_inputs(seed: int = 0) -> dict:
    key = jax.random.key(seed)
    k1, k2, k3, k4, k5, k6 = jax.random.split(key, 6)
    x = jax.random.normal(k1, (N_NODES, D_IN), dtype=jnp.float32)
    edge_index = jax.random.randint(k2, (2, N_EDGES), 0, N_NODES, dtype=jnp.int64)
    # GCNConv weights (glorot init like torch_geometric) and zero biases
    lim1 = float(np.sqrt(6.0 / (D_IN + D_HID)))
    lim2 = float(np.sqrt(6.0 / (D_HID + D_OUT)))
    W1 = jax.random.uniform(k3, (D_IN, D_HID), minval=-lim1, maxval=lim1, dtype=jnp.float32)
    b1 = jnp.zeros((D_HID,), dtype=jnp.float32)
    W2 = jax.random.uniform(k4, (D_HID, D_OUT), minval=-lim2, maxval=lim2, dtype=jnp.float32)
    b2 = jnp.zeros((D_OUT,), dtype=jnp.float32)
    return {"x": x, "edge_index": edge_index, "W1": W1, "b1": b1, "W2": W2, "b2": b2}


def _gcn_conv(x, src, dst, W, b, n_nodes):
    # torch_geometric GCNConv: add self-loops, symmetric normalization
    loop = jnp.arange(n_nodes, dtype=src.dtype)
    src_sl = jnp.concatenate([src, loop])
    dst_sl = jnp.concatenate([dst, loop])
    deg = jnp.zeros((n_nodes,), dtype=x.dtype).at[dst_sl].add(1.0)
    deg_inv_sqrt = jnp.where(deg > 0, deg ** -0.5, 0.0)
    norm = deg_inv_sqrt[src_sl] * deg_inv_sqrt[dst_sl]
    xw = x @ W
    msgs = xw[src_sl] * norm[:, None]
    out = jnp.zeros((n_nodes, W.shape[1]), dtype=x.dtype).at[dst_sl].add(msgs)
    return out + b


def reference(x, edge_index, W1, b1, W2, b2):
    src = edge_index[0]
    dst = edge_index[1]
    h = _gcn_conv(x, src, dst, W1, b1, N_NODES)
    h = jax.nn.relu(h)
    out = _gcn_conv(h, src, dst, W2, b2, N_NODES)
    return out

if __name__ == "__main__":
    import jax
    _d = setup_inputs()
    print(jax.jit(kernel)(*tuple(_d.values())))

</pallas_src>

<mosaic_0001>
#map = affine_map<(d0, d1) -> (0, 0)>
#map1 = affine_map<(d0, d1) -> (0, 0, 0)>
module attributes {stable_mosaic.version = 14 : i64} {
  func.func @_sc_degree(%arg0: i32, %arg1: i32, %arg2: memref<5120x64xi32, #tpu.memory_space<hbm>>, %arg3: memref<32x80x128xf32, #tpu.memory_space<hbm>>, %arg4: memref<160x64xi32, #tpu.memory_space<vmem>>, %arg5: memref<80x128xf32, #tpu.memory_space<vmem>>) attributes {dimension_semantics = [#tpu.dimension_semantics<core_parallel>, #tpu.dimension_semantics<subcore_parallel>], iteration_bounds = array<i64: 2, 16>, scalar_prefetch = 0 : i64, scratch_operands = 2 : i64, tpu.core_type = #tpu.core_type<sc_vector_subcore>, window_params = [{transform_indices = #map}, {transform_indices = #map1}]} {
    %mul3A = arith.constant 16 : i32
    %mul3A_0 = arith.muli %arg0, %mul3A : i32
    %add3A = arith.addi %mul3A_0, %arg1 : i32
    %mul3A_1 = arith.constant 160 : i32
    %mul3A_2 = arith.muli %add3A, %mul3A_1 : i32
    "tpu.region"() ({
      %run_scoped3A = tpu.sem_alloc : memref<!tpu.dma_semaphore, #tpu.memory_space<semaphore_mem>>
      %dma_start3A = arith.constant 0 : i32
      %dma_start3A_17 = tpu.memref_slice %arg2[%mul3A_2, %dma_start3A] : memref<5120x64xi32, #tpu.memory_space<hbm>> -> memref<160x64xi32, #tpu.memory_space<hbm>>
      %dma_start3A_18 = arith.constant 0 : i32
      %dma_start3A_19 = tpu.memref_slice %arg2[%mul3A_2, %dma_start3A_18] : memref<5120x64xi32, #tpu.memory_space<hbm>> -> memref<160x64xi32, #tpu.memory_space<hbm>>
      tpu.enqueue_dma source(%dma_start3A_19 : memref<160x64xi32, #tpu.memory_space<hbm>>) target(%arg4 : memref<160x64xi32, #tpu.memory_space<vmem>>) target_semaphore(%run_scoped3A : memref<!tpu.dma_semaphore, #tpu.memory_space<semaphore_mem>>)
      %dma_wait3A = arith.constant 0 : i32
      %dma_wait3A_20 = tpu.memref_slice %arg2[%mul3A_2, %dma_wait3A] : memref<5120x64xi32, #tpu.memory_space<hbm>> -> memref<160x64xi32, #tpu.memory_space<hbm>>
      %dma_wait3A_21 = arith.constant 0 : i32
      %dma_wait3A_22 = tpu.memref_slice %arg2[%mul3A_2, %dma_wait3A_21] : memref<5120x64xi32, #tpu.memory_space<hbm>> -> memref<160x64xi32, #tpu.memory_space<hbm>>
      tpu.wait_dma2 semaphore(%run_scoped3A : memref<!tpu.dma_semaphore, #tpu.memory_space<semaphore_mem>>) src(%dma_wait3A_22 : memref<160x64xi32, #tpu.memory_space<hbm>>) dst(%arg4 : memref<160x64xi32, #tpu.memory_space<vmem>>)
      tpu.yield
    }) : () -> ()
    %broadcast_in_dim3A = arith.constant 0.000000e+00 : f32
    %broadcast_in_dim3A_3 = vector.broadcast %broadcast_in_dim3A : f32 to vector<16xf32>
    %scan3A = arith.constant 0 : i32
    %scan3A_4 = arith.constant 0 : i32
    %scan3A_5 = arith.constant 640 : i32
    %scan3A_6 = arith.addi %scan3A_4, %scan3A_5 : i32
    %scan3A_7 = arith.constant 1 : i32
    scf.for %scan3A_17 = %scan3A_4 to %scan3A_6 step %scan3A_7  : i32 {
      %shift_right_arithmetic3A = arith.constant 3 : i32
      %shift_right_arithmetic3A_18 = arith.shrsi %scan3A_17, %shift_right_arithmetic3A : i32
      %and3A = arith.constant 7 : i32
      %and3A_19 = arith.andi %scan3A_17, %and3A : i32
      %mul3A_20 = arith.constant 16 : i32
      %mul3A_21 = arith.muli %and3A_19, %mul3A_20 : i32
      %swap3A = arith.index_cast %shift_right_arithmetic3A_18 : i32 to index
      %swap3A_22 = arith.index_cast %mul3A_21 : i32 to index
      %swap3A_23 = tpu.vector_load %arg5[%swap3A, %swap3A_22] {strides = array<i32>} : memref<80x128xf32, #tpu.memory_space<vmem>>, vector<16xf32>,
      tpu.vector_store %arg5[%swap3A, %swap3A_22], %broadcast_in_dim3A_3 {strides = array<i32>} : memref<80x128xf32, #tpu.memory_space<vmem>>, vector<16xf32>,
    }
    %scan3A_8 = arith.constant 640 : i32
    %broadcast_in_dim3A_9 = arith.constant 1.000000e+00 : f32
    %broadcast_in_dim3A_10 = vector.broadcast %broadcast_in_dim3A_9 : f32 to vector<16xf32>
    %scan3A_11 = arith.constant 0 : i32
    %scan3A_12 = arith.constant 0 : i32
    %scan3A_13 = arith.constant 640 : i32
    %scan3A_14 = arith.addi %scan3A_12, %scan3A_13 : i32
    %scan3A_15 = arith.constant 1 : i32
    scf.for %scan3A_17 = %scan3A_12 to %scan3A_14 step %scan3A_15  : i32 {
      %shift_right_arithmetic3A = arith.constant 2 : i32
      %shift_right_arithmetic3A_18 = arith.shrsi %scan3A_17, %shift_right_arithmetic3A : i32
      %and3A = arith.constant 3 : i32
      %and3A_19 = arith.andi %scan3A_17, %and3A : i32
      %mul3A_20 = arith.constant 16 : i32
      %mul3A_21 = arith.muli %and3A_19, %mul3A_20 : i32
      %get3A = arith.index_cast %shift_right_arithmetic3A_18 : i32 to index
      %get3A_22 = arith.index_cast %mul3A_21 : i32 to index
      %get3A_23 = tpu.vector_load %arg4[%get3A, %get3A_22] {strides = array<i32>} : memref<160x64xi32, #tpu.memory_space<vmem>>, vector<16xi32>,
      %shift_right_arithmetic3A_24 = arith.constant 7 : i32
      %shift_right_arithmetic3A_25 = vector.broadcast %shift_right_arithmetic3A_24 : i32 to vector<16xi32>
      %shift_right_arithmetic3A_26 = arith.shrsi %get3A_23, %shift_right_arithmetic3A_25 : vector<16xi32>
      %and3A_27 = arith.constant 127 : i32
      %and3A_28 = vector.broadcast %and3A_27 : i32 to vector<16xi32>
      %and3A_29 = arith.andi %get3A_23, %and3A_28 : vector<16xi32>
      tpu.vector_store_idx %arg5[%shift_right_arithmetic3A_26, %and3A_29], %broadcast_in_dim3A_10 {add = true} : memref<80x128xf32, #tpu.memory_space<vmem>>[vector<16xi32>, vector<16xi32>], vector<16xf32>,
    }
    %scan3A_16 = arith.constant 640 : i32
    "tpu.region"() ({
      %run_scoped3A = tpu.sem_alloc : memref<!tpu.dma_semaphore, #tpu.memory_space<semaphore_mem>>
      %dma_start3A = arith.constant 0 : i32
      %dma_start3A_17 = arith.constant 0 : i32
      %dma_start3A_18 = tpu.memref_slice %arg3[%add3A, %dma_start3A, %dma_start3A_17] : memref<32x80x128xf32, #tpu.memory_space<hbm>> -> memref<1x80x128xf32, #tpu.memory_space<hbm>>
      %dma_start3A_19 = tpu.memref_squeeze %dma_start3A_18 : memref<1x80x128xf32, #tpu.memory_space<hbm>> -> memref<80x128xf32, #tpu.memory_space<hbm>>
      %dma_start3A_20 = arith.constant 0 : i32
      %dma_start3A_21 = arith.constant 0 : i32
      %dma_start3A_22 = tpu.memref_slice %arg3[%add3A, %dma_start3A_20, %dma_start3A_21] : memref<32x80x128xf32, #tpu.memory_space<hbm>> -> memref<1x80x128xf32, #tpu.memory_space<hbm>>
      %dma_start3A_23 = tpu.memref_squeeze %dma_start3A_22 : memref<1x80x128xf32, #tpu.memory_space<hbm>> -> memref<80x128xf32, #tpu.memory_space<hbm>>
      tpu.enqueue_dma source(%arg5 : memref<80x128xf32, #tpu.memory_space<vmem>>) target(%dma_start3A_23 : memref<80x128xf32, #tpu.memory_space<hbm>>) target_semaphore(%run_scoped3A : memref<!tpu.dma_semaphore, #tpu.memory_space<semaphore_mem>>)
      %dma_wait3A = arith.constant 0 : i32
      %dma_wait3A_24 = arith.constant 0 : i32
      %dma_wait3A_25 = tpu.memref_slice %arg3[%add3A, %dma_wait3A, %dma_wait3A_24] : memref<32x80x128xf32, #tpu.memory_space<hbm>> -> memref<1x80x128xf32, #tpu.memory_space<hbm>>
      %dma_wait3A_26 = tpu.memref_squeeze %dma_wait3A_25 : memref<1x80x128xf32, #tpu.memory_space<hbm>> -> memref<80x128xf32, #tpu.memory_space<hbm>>
      %dma_wait3A_27 = arith.constant 0 : i32
      %dma_wait3A_28 = arith.constant 0 : i32
      %dma_wait3A_29 = tpu.memref_slice %arg3[%add3A, %dma_wait3A_27, %dma_wait3A_28] : memref<32x80x128xf32, #tpu.memory_space<hbm>> -> memref<1x80x128xf32, #tpu.memory_space<hbm>>
      %dma_wait3A_30 = tpu.memref_squeeze %dma_wait3A_29 : memref<1x80x128xf32, #tpu.memory_space<hbm>> -> memref<80x128xf32, #tpu.memory_space<hbm>>
      tpu.wait_dma2 semaphore(%run_scoped3A : memref<!tpu.dma_semaphore, #tpu.memory_space<semaphore_mem>>) src(%arg5 : memref<80x128xf32, #tpu.memory_space<vmem>>) dst(%dma_wait3A_30 : memref<80x128xf32, #tpu.memory_space<hbm>>)
      tpu.yield
    }) : () -> ()
    return
  }
}

#map = affine_map<(d0, d1) -> (0, 0)>
#map1 = affine_map<(d0, d1) -> (0, 0, 0)>
module attributes {stable_mosaic.version = 14 : i64} {
  func.func @_sc_mp(%arg0: i32, %arg1: i32, %arg2: memref<10240x128xf32, #tpu.memory_space<hbm>>, %arg3: memref<5120x64xi32, #tpu.memory_space<hbm>>, %arg4: memref<5120x64xi32, #tpu.memory_space<hbm>>, %arg5: memref<10240x128xf32, #tpu.memory_space<hbm>>, %arg6: memref<2x10240x128xf32, #tpu.memory_space<hbm>>, %arg7: memref<2x16x64xi32, #tpu.memory_space<vmem>>, %arg8: memref<4x64x128xf32, #tpu.memory_space<vmem>>, %arg9: memref<10240x128xf32, #tpu.memory_space<vmem_shared>>, %arg10: memref<!tpu.dma_semaphore, #tpu.memory_space<semaphore_mem>>, %arg11: memref<!tpu.dma_semaphore, #tpu.memory_space<semaphore_mem>>) attributes {dimension_semantics = [#tpu.dimension_semantics<core_parallel>, #tpu.dimension_semantics<subcore_parallel>], iteration_bounds = array<i64: 2, 16>, scalar_prefetch = 0 : i64, scratch_operands = 5 : i64, tpu.core_type = #tpu.core_type<sc_vector_subcore>, window_params = [{transform_indices = #map}, {transform_indices = #map}, {transform_indices = #map}, {transform_indices = #map}, {transform_indices = #map1}]} {
    %mul3A = arith.constant 16 : i32
    %mul3A_0 = arith.muli %arg0, %mul3A : i32
    %add3A = arith.addi %mul3A_0, %arg1 : i32
    %mul3A_1 = arith.constant 640 : i32
    %mul3A_2 = arith.muli %arg1, %mul3A_1 : i32
    %mul3A_3 = arith.constant 640 : i32
    %mul3A_4 = arith.muli %arg1, %mul3A_3 : i32
    "tpu.region"() ({
      %run_scoped3A = tpu.sem_alloc : memref<!tpu.dma_semaphore, #tpu.memory_space<semaphore_mem>>
      %dma_start3A = arith.constant 0 : i32
      %dma_start3A_15 = tpu.memref_slice %arg9[%mul3A_4, %dma_start3A] : memref<10240x128xf32, #tpu.memory_space<vmem_shared>> -> memref<640x128xf32, #tpu.memory_space<vmem_shared>>
      %dma_start3A_16 = arith.constant 0 : i32
      %dma_start3A_17 = tpu.memref_slice %arg5[%mul3A_2, %dma_start3A_16] : memref<10240x128xf32, #tpu.memory_space<hbm>> -> memref<640x128xf32, #tpu.memory_space<hbm>>
      tpu.enqueue_dma source(%dma_start3A_17 : memref<640x128xf32, #tpu.memory_space<hbm>>) target(%dma_start3A_15 : memref<640x128xf32, #tpu.memory_space<vmem_shared>>) target_semaphore(%run_scoped3A : memref<!tpu.dma_semaphore, #tpu.memory_space<semaphore_mem>>)
      %dma_wait3A = arith.constant 0 : i32
      %dma_wait3A_18 = tpu.memref_slice %arg9[%mul3A_4, %dma_wait3A] : memref<10240x128xf32, #tpu.memory_space<vmem_shared>> -> memref<640x128xf32, #tpu.memory_space<vmem_shared>>
      %dma_wait3A_19 = arith.constant 0 : i32
      %dma_wait3A_20 = tpu.memref_slice %arg5[%mul3A_2, %dma_wait3A_19] : memref<10240x128xf32, #tpu.memory_space<hbm>> -> memref<640x128xf32, #tpu.memory_space<hbm>>
      tpu.wait_dma2 semaphore(%run_scoped3A : memref<!tpu.dma_semaphore, #tpu.memory_space<semaphore_mem>>) src(%dma_wait3A_20 : memref<640x128xf32, #tpu.memory_space<hbm>>) dst(%dma_wait3A_18 : memref<640x128xf32, #tpu.memory_space<vmem_shared>>)
      tpu.yield
    }) : () -> ()
    %barrier3A = arith.constant 0 : index
    tpu.barrier barrier_id(%barrier3A)
    %scan3A = arith.constant 0 : i32
    %scan3A_5 = arith.constant 0 : i32
    %scan3A_6 = arith.constant 10 : i32
    %scan3A_7 = arith.addi %scan3A_5, %scan3A_6 : i32
    %scan3A_8 = arith.constant 1 : i32
    scf.for %scan3A_15 = %scan3A_5 to %scan3A_7 step %scan3A_8  : i32 {
      %mul3A_16 = arith.constant 160 : i32
      %mul3A_17 = arith.muli %add3A, %mul3A_16 : i32
      %mul3A_18 = arith.constant 16 : i32
      %mul3A_19 = arith.muli %scan3A_15, %mul3A_18 : i32
      %add3A_20 = arith.addi %mul3A_17, %mul3A_19 : i32
      %run_scoped3A = arith.constant 0 : i32
      "tpu.region"() ({
        %run_scoped3A_852 = tpu.sem_alloc : memref<!tpu.dma_semaphore, #tpu.memory_space<semaphore_mem>>
        %dma_start3A_853 = arith.constant 0 : i32
        %dma_start3A_854 = arith.constant 0 : i32
        %dma_start3A_855 = tpu.memref_slice %arg7[%run_scoped3A, %dma_start3A_853, %dma_start3A_854] : memref<2x16x64xi32, #tpu.memory_space<vmem>> -> memref<1x16x64xi32, #tpu.memory_space<vmem>>
        %dma_start3A_856 = tpu.memref_squeeze %dma_start3A_855 : memref<1x16x64xi32, #tpu.memory_space<vmem>> -> memref<16x64xi32, #tpu.memory_space<vmem>>
        %dma_start3A_857 = arith.constant 0 : i32
        %dma_start3A_858 = tpu.memref_slice %arg3[%add3A_20, %dma_start3A_857] : memref<5120x64xi32, #tpu.memory_space<hbm>> -> memref<16x64xi32, #tpu.memory_space<hbm>>
        %dma_start3A_859 = arith.constant 0 : i32
        %dma_start3A_860 = arith.constant 0 : i32
        %dma_start3A_861 = tpu.memref_slice %arg7[%run_scoped3A, %dma_start3A_859, %dma_start3A_860] : memref<2x16x64xi32, #tpu.memory_space<vmem>> -> memref<1x16x64xi32, #tpu.memory_space<vmem>>
        %dma_start3A_862 = tpu.memref_squeeze %dma_start3A_861 : memref<1x16x64xi32, #tpu.memory_space<vmem>> -> memref<16x64xi32, #tpu.memory_space<vmem>>
        %dma_start3A_863 = arith.constant 0 : i32
        %dma_start3A_864 = tpu.memref_slice %arg3[%add3A_20, %dma_start3A_863] : memref<5120x64xi32, #tpu.memory_space<hbm>> -> memref<16x64xi32, #tpu.memory_space<hbm>>
        tpu.enqueue_dma source(%dma_start3A_864 : memref<16x64xi32, #tpu.memory_space<hbm>>) target(%dma_start3A_862 : memref<16x64xi32, #tpu.memory_space<vmem>>) target_semaphore(%run_scoped3A_852 : memref<!tpu.dma_semaphore, #tpu.memory_space<semaphore_mem>>)
        %dma_wait3A_865 = arith.constant 0 : i32
        %dma_wait3A_866 = arith.constant 0 : i32
        %dma_wait3A_867 = tpu.memref_slice %arg7[%run_scoped3A, %dma_wait3A_865, %dma_wait3A_866] : memref<2x16x64xi32, #tpu.memory_space<vmem>> -> memref<1x16x64xi32, #tpu.memory_space<vmem>>
        %dma_wait3A_868 = tpu.memref_squeeze %dma_wait3A_867 : memref<1x16x64xi32, #tpu.memory_space<vmem>> -> memref<16x64xi32, #tpu.memory_space<vmem>>
        %dma_wait3A_869 = arith.constant 0 : i32
        %dma_wait3A_870 = tpu.memref_slice %arg3[%add3A_20, %dma_wait3A_869] : memref<5120x64xi32, #tpu.memory_space<hbm>> -> memref<16x64xi32, #tpu.memory_space<hbm>>
        %dma_wait3A_871 = arith.constant 0 : i32
        %dma_wait3A_872 = arith.constant 0 : i32
        %dma_wait3A_873 = tpu.memref_slice %arg7[%run_scoped3A, %dma_wait3A_871, %dma_wait3A_872] : memref<2x16x64xi32, #tpu.memory_space<vmem>> -> memref<1x16x64xi32, #tpu.memory_space<vmem>>
        %dma_wait3A_874 = tpu.memref_squeeze %dma_wait3A_873 : memref<1x16x64xi32, #tpu.memory_space<vmem>> -> memref<16x64xi32, #tpu.memory_space<vmem>>
        %dma_wait3A_875 = arith.constant 0 : i32
        %dma_wait3A_876 = tpu.memref_slice %arg3[%add3A_20, %dma_wait3A_875] : memref<5120x64xi32, #tpu.memory_space<hbm>> -> memref<16x64xi32, #tpu.memory_space<hbm>>
        tpu.wait_dma2 semaphore(%run_scoped3A_852 : memref<!tpu.dma_semaphore, #tpu.memory_space<semaphore_mem>>) src(%dma_wait3A_876 : memref<16x64xi32, #tpu.memory_space<hbm>>) dst(%dma_wait3A_874 : memref<16x64xi32, #tpu.memory_space<vmem>>)
        tpu.yield
      }) : () -> ()
      %run_scoped3A_21 = arith.constant 1 : i32
      "tpu.region"() ({
        %run_scoped3A_852 = tpu.sem_alloc : memref<!tpu.dma_semaphore, #tpu.memory_space<semaphore_mem>>
        %dma_start3A_853 = arith.constant 0 : i32
        %dma_start3A_854 = arith.constant 0 : i32
        %dma_start3A_855 = tpu.memref_slice %arg7[%run_scoped3A_21, %dma_start3A_853, %dma_start3A_854] : memref<2x16x64xi32, #tpu.memory_space<vmem>> -> memref<1x16x64xi32, #tpu.memory_space<vmem>>
        %dma_start3A_856 = tpu.memref_squeeze %dma_start3A_855 : memref<1x16x64xi32, #tpu.memory_space<vmem>> -> memref<16x64xi32, #tpu.memory_space<vmem>>
        %dma_start3A_857 = arith.constant 0 : i32
        %dma_start3A_858 = tpu.memref_slice %arg4[%add3A_20, %dma_start3A_857] : memref<5120x64xi32, #tpu.memory_space<hbm>> -> memref<16x64xi32, #tpu.memory_space<hbm>>
        %dma_start3A_859 = arith.constant 0 : i32
        %dma_start3A_860 = arith.constant 0 : i32
        %dma_start3A_861 = tpu.memref_slice %arg7[%run_scoped3A_21, %dma_start3A_859, %dma_start3A_860] : memref<2x16x64xi32, #tpu.memory_space<vmem>> -> memref<1x16x64xi32, #tpu.memory_space<vmem>>
        %dma_start3A_862 = tpu.memref_squeeze %dma_start3A_861 : memref<1x16x64xi32, #tpu.memory_space<vmem>> -> memref<16x64xi32, #tpu.memory_space<vmem>>
        %dma_start3A_863 = arith.constant 0 : i32
        %dma_start3A_864 = tpu.memref_slice %arg4[%add3A_20, %dma_start3A_863] : memref<5120x64xi32, #tpu.memory_space<hbm>> -> memref<16x64xi32, #tpu.memory_space<hbm>>
        tpu.enqueue_dma source(%dma_start3A_864 : memref<16x64xi32, #tpu.memory_space<hbm>>) target(%dma_start3A_862 : memref<16x64xi32, #tpu.memory_space<vmem>>) target_semaphore(%run_scoped3A_852 : memref<!tpu.dma_semaphore, #tpu.memory_space<semaphore_mem>>)
        %dma_wait3A_865 = arith.constant 0 : i32
        %dma_wait3A_866 = arith.constant 0 : i32
        %dma_wait3A_867 = tpu.memref_slice %arg7[%run_scoped3A_21, %dma_wait3A_865, %dma_wait3A_866] : memref<2x16x64xi32, #tpu.memory_space<vmem>> -> memref<1x16x64xi32, #tpu.memory_space<vmem>>
        %dma_wait3A_868 = tpu.memref_squeeze %dma_wait3A_867 : memref<1x16x64xi32, #tpu.memory_space<vmem>> -> memref<16x64xi32, #tpu.memory_space<vmem>>
        %dma_wait3A_869 = arith.constant 0 : i32
        %dma_wait3A_870 = tpu.memref_slice %arg4[%add3A_20, %dma_wait3A_869] : memref<5120x64xi32, #tpu.memory_space<hbm>> -> memref<16x64xi32, #tpu.memory_space<hbm>>
        %dma_wait3A_871 = arith.constant 0 : i32
        %dma_wait3A_872 = arith.constant 0 : i32
        %dma_wait3A_873 = tpu.memref_slice %arg7[%run_scoped3A_21, %dma_wait3A_871, %dma_wait3A_872] : memref<2x16x64xi32, #tpu.memory_space<vmem>> -> memref<1x16x64xi32, #tpu.memory_space<vmem>>
        %dma_wait3A_874 = tpu.memref_squeeze %dma_wait3A_873 : memref<1x16x64xi32, #tpu.memory_space<vmem>> -> memref<16x64xi32, #tpu.memory_space<vmem>>
        %dma_wait3A_875 = arith.constant 0 : i32
        %dma_wait3A_876 = tpu.memref_slice %arg4[%add3A_20, %dma_wait3A_875] : memref<5120x64xi32, #tpu.memory_space<hbm>> -> memref<16x64xi32, #tpu.memory_space<hbm>>
        tpu.wait_dma2 semaphore(%run_scoped3A_852 : memref<!tpu.dma_semaphore, #tpu.memory_space<semaphore_mem>>) src(%dma_wait3A_876 : memref<16x64xi32, #tpu.memory_space<hbm>>) dst(%dma_wait3A_874 : memref<16x64xi32, #tpu.memory_space<vmem>>)
        tpu.yield
      }) : () -> ()
      %dma_start3A = arith.constant 0 : i32
      %dma_start3A_22 = arith.constant 0 : i32
      %dma_start3A_23 = arith.constant 0 : i32
      %dma_start3A_24 = arith.constant 0 : i32
      %dma_start3A_25 = arith.constant 0 : i32
      %dma_start3A_26 = tpu.memref_slice %arg8[%dma_start3A_23, %dma_start3A_24, %dma_start3A_25] : memref<4x64x128xf32, #tpu.memory_space<vmem>> -> memref<1x64x128xf32, #tpu.memory_space<vmem>>
      %dma_start3A_27 = tpu.memref_squeeze %dma_start3A_26 : memref<1x64x128xf32, #tpu.memory_space<vmem>> -> memref<64x128xf32, #tpu.memory_space<vmem>>
      %dma_start3A_28 = arith.constant 0 : i32
      %dma_start3A_29 = tpu.memref_slice %arg7[%dma_start3A, %dma_start3A_22, %dma_start3A_28] : memref<2x16x64xi32, #tpu.memory_space<vmem>> -> memref<1x1x64xi32, #tpu.memory_space<vmem>>
      %dma_start3A_30 = tpu.memref_squeeze %dma_start3A_29 : memref<1x1x64xi32, #tpu.memory_space<vmem>> -> memref<64xi32, #tpu.memory_space<vmem>>
      %dma_start3A_31 = arith.constant 0 : i32
      %dma_start3A_32 = arith.constant 0 : i32
      %dma_start3A_33 = tpu.memref_slice %arg2[%dma_start3A_31, %dma_start3A_32] : memref<10240x128xf32, #tpu.memory_space<hbm>> -> memref<10240x128xf32, #tpu.memory_space<hbm>>
      tpu.enqueue_indirect_dma source(%dma_start3A_33 : memref<10240x128xf32, #tpu.memory_space<hbm>>) target(%dma_start3A_27 : memref<64x128xf32, #tpu.memory_space<vmem>>) offsets(%dma_start3A_30 : memref<64xi32, #tpu.memory_space<vmem>>) semaphore(%arg10 : memref<!tpu.dma_semaphore, #tpu.memory_space<semaphore_mem>>)
      %dma_start3A_34 = arith.constant 0 : i32
      %dma_start3A_35 = arith.constant 1 : i32
      %dma_start3A_36 = arith.constant 1 : i32
      %dma_start3A_37 = arith.constant 0 : i32
      %dma_start3A_38 = arith.constant 0 : i32
      %dma_start3A_39 = tpu.memref_slice %arg8[%dma_start3A_36, %dma_start3A_37, %dma_start3A_38] : memref<4x64x128xf32, #tpu.memory_space<vmem>> -> memref<1x64x128xf32, #tpu.memory_space<vmem>>
      %dma_start3A_40 = tpu.memref_squeeze %dma_start3A_39 : memref<1x64x128xf32, #tpu.memory_space<vmem>> -> memref<64x128xf32, #tpu.memory_space<vmem>>
      %dma_start3A_41 = arith.constant 0 : i32
      %dma_start3A_42 = tpu.memref_slice %arg7[%dma_start3A_34, %dma_start3A_35, %dma_start3A_41] : memref<2x16x64xi32, #tpu.memory_space<vmem>> -> memref<1x1x64xi32, #tpu.memory_space<vmem>>
      %dma_start3A_43 = tpu.memref_squeeze %dma_start3A_42 : memref<1x1x64xi32, #tpu.memory_space<vmem>> -> memref<64xi32, #tpu.memory_space<vmem>>
      %dma_start3A_44 = arith.constant 0 : i32
      %dma_start3A_45 = arith.constant 0 : i32
      %dma_start3A_46 = tpu.memref_slice %arg2[%dma_start3A_44, %dma_start3A_45] : memref<10240x128xf32, #tpu.memory_space<hbm>> -> memref<10240x128xf32, #tpu.memory_space<hbm>>
      tpu.enqueue_indirect_dma source(%dma_start3A_46 : memref<10240x128xf32, #tpu.memory_space<hbm>>) target(%dma_start3A_40 : memref<64x128xf32, #tpu.memory_space<vmem>>) offsets(%dma_start3A_43 : memref<64xi32, #tpu.memory_space<vmem>>) semaphore(%arg10 : memref<!tpu.dma_semaphore, #tpu.memory_space<semaphore_mem>>)
      %dma_start3A_47 = arith.constant 0 : i32
      %dma_start3A_48 = arith.constant 2 : i32
      %dma_start3A_49 = arith.constant 2 : i32
      %dma_start3A_50 = arith.constant 0 : i32
      %dma_start3A_51 = arith.constant 0 : i32
      %dma_start3A_52 = tpu.memref_slice %arg8[%dma_start3A_49, %dma_start3A_50, %dma_start3A_51] : memref<4x64x128xf32, #tpu.memory_space<vmem>> -> memref<1x64x128xf32, #tpu.memory_space<vmem>>
      %dma_start3A_53 = tpu.memref_squeeze %dma_start3A_52 : memref<1x64x128xf32, #tpu.memory_space<vmem>> -> memref<64x128xf32, #tpu.memory_space<vmem>>
      %dma_start3A_54 = arith.constant 0 : i32
      %dma_start3A_55 = tpu.memref_slice %arg7[%dma_start3A_47, %dma_start3A_48, %dma_start3A_54] : memref<2x16x64xi32, #tpu.memory_space<vmem>> -> memref<1x1x64xi32, #tpu.memory_space<vmem>>
      %dma_start3A_56 = tpu.memref_squeeze %dma_start3A_55 : memref<1x1x64xi32, #tpu.memory_space<vmem>> -> memref<64xi32, #tpu.memory_space<vmem>>
      %dma_start3A_57 = arith.constant 0 : i32
      %dma_start3A_58 = arith.constant 0 : i32
      %dma_start3A_59 = tpu.memref_slice %arg2[%dma_start3A_57, %dma_start3A_58] : memref<10240x128xf32, #tpu.memory_space<hbm>> -> memref<10240x128xf32, #tpu.memory_space<hbm>>
      tpu.enqueue_indirect_dma source(%dma_start3A_59 : memref<10240x128xf32, #tpu.memory_space<hbm>>) target(%dma_start3A_53 : memref<64x128xf32, #tpu.memory_space<vmem>>) offsets(%dma_start3A_56 : memref<64xi32, #tpu.memory_space<vmem>>) semaphore(%arg10 : memref<!tpu.dma_semaphore, #tpu.memory_space<semaphore_mem>>)
      %dma_start3A_60 = arith.constant 0 : i32
      %dma_start3A_61 = arith.constant 3 : i32
      %dma_start3A_62 = arith.constant 3 : i32
      %dma_start3A_63 = arith.constant 0 : i32
      %dma_start3A_64 = arith.constant 0 : i32
      %dma_start3A_65 = tpu.memref_slice %arg8[%dma_start3A_62, %dma_start3A_63, %dma_start3A_64] : memref<4x64x128xf32, #tpu.memory_space<vmem>> -> memref<1x64x128xf32, #tpu.memory_space<vmem>>
      %dma_start3A_66 = tpu.memref_squeeze %dma_start3A_65 : memref<1x64x128xf32, #tpu.memory_space<vmem>> -> memref<64x128xf32, #tpu.memory_space<vmem>>
      %dma_start3A_67 = arith.constant 0 : i32
      %dma_start3A_68 = tpu.memref_slice %arg7[%dma_start3A_60, %dma_start3A_61, %dma_start3A_67] : memref<2x16x64xi32, #tpu.memory_space<vmem>> -> memref<1x1x64xi32, #tpu.memory_space<vmem>>
      %dma_start3A_69 = tpu.memref_squeeze %dma_start3A_68 : memref<1x1x64xi32, #tpu.memory_space<vmem>> -> memref<64xi32, #tpu.memory_space<vmem>>
      %dma_start3A_70 = arith.constant 0 : i32
      %dma_start3A_71 = arith.constant 0 : i32
      %dma_start3A_72 = tpu.memref_slice %arg2[%dma_start3A_70, %dma_start3A_71] : memref<10240x128xf32, #tpu.memory_space<hbm>> -> memref<10240x128xf32, #tpu.memory_space<hbm>>
      tpu.enqueue_indirect_dma source(%dma_start3A_72 : memref<10240x128xf32, #tpu.memory_space<hbm>>) target(%dma_start3A_66 : memref<64x128xf32, #tpu.memory_space<vmem>>) offsets(%dma_start3A_69 : memref<64xi32, #tpu.memory_space<vmem>>) semaphore(%arg10 : memref<!tpu.dma_semaphore, #tpu.memory_space<semaphore_mem>>)
      %dma_wait3A = arith.constant 0 : i32
      %dma_wait3A_73 = arith.constant 0 : i32
      %dma_wait3A_74 = arith.constant 0 : i32
      %dma_wait3A_75 = arith.constant 0 : i32
      %dma_wait3A_76 = arith.constant 0 : i32
      %dma_wait3A_77 = tpu.memref_slice %arg8[%dma_wait3A_74, %dma_wait3A_75, %dma_wait3A_76] : memref<4x64x128xf32, #tpu.memory_space<vmem>> -> memref<1x64x128xf32, #tpu.memory_space<vmem>>
      %dma_wait3A_78 = tpu.memref_squeeze %dma_wait3A_77 : memref<1x64x128xf32, #tpu.memory_space<vmem>> -> memref<64x128xf32, #tpu.memory_space<vmem>>
      %dma_wait3A_79 = arith.constant 0 : i32
      %dma_wait3A_80 = tpu.memref_slice %arg7[%dma_wait3A, %dma_wait3A_73, %dma_wait3A_79] : memref<2x16x64xi32, #tpu.memory_space<vmem>> -> memref<1x1x64xi32, #tpu.memory_space<vmem>>
      %dma_wait3A_81 = tpu.memref_squeeze %dma_wait3A_80 : memref<1x1x64xi32, #tpu.memory_space<vmem>> -> memref<64xi32, #tpu.memory_space<vmem>>
      %dma_wait3A_82 = arith.constant 0 : i32
      %dma_wait3A_83 = arith.constant 0 : i32
      %dma_wait3A_84 = tpu.memref_slice %arg2[%dma_wait3A_82, %dma_wait3A_83] : memref<10240x128xf32, #tpu.memory_space<hbm>> -> memref<10240x128xf32, #tpu.memory_space<hbm>>
      tpu.wait_indirect_dma semaphore(%arg10 : memref<!tpu.dma_semaphore, #tpu.memory_space<semaphore_mem>>) src(%dma_wait3A_84 : memref<10240x128xf32, #tpu.memory_space<hbm>>) dst(%dma_wait3A_78 : memref<64x128xf32, #tpu.memory_space<vmem>>)
      %dma_start3A_85 = arith.constant 0 : i32
      %dma_start3A_86 = arith.constant 1 : i32
      %dma_start3A_87 = arith.constant 0 : i32
      %dma_start3A_88 = arith.constant 0 : i32
      %dma_start3A_89 = arith.constant 0 : i32
      %dma_start3A_90 = tpu.memref_slice %arg8[%dma_start3A_85, %dma_start3A_88, %dma_start3A_89] : memref<4x64x128xf32, #tpu.memory_space<vmem>> -> memref<1x64x128xf32, #tpu.memory_space<vmem>>
      %dma_start3A_91 = tpu.memref_squeeze %dma_start3A_90 : memref<1x64x128xf32, #tpu.memory_space<vmem>> -> memref<64x128xf32, #tpu.memory_space<vmem>>
      %dma_start3A_92 = arith.constant 0 : i32
      %dma_start3A_93 = tpu.memref_slice %arg7[%dma_start3A_86, %dma_start3A_87, %dma_start3A_92] : memref<2x16x64xi32, #tpu.memory_space<vmem>> -> memref<1x1x64xi32, #tpu.memory_space<vmem>>
      %dma_start3A_94 = tpu.memref_squeeze %dma_start3A_93 : memref<1x1x64xi32, #tpu.memory_space<vmem>> -> memref<64xi32, #tpu.memory_space<vmem>>
      %dma_start3A_95 = arith.constant 0 : i32
      %dma_start3A_96 = arith.constant 0 : i32
      %dma_start3A_97 = tpu.memref_slice %arg9[%dma_start3A_95, %dma_start3A_96] : memref<10240x128xf32, #tpu.memory_space<vmem_shared>> -> memref<10240x128xf32, #tpu.memory_space<vmem_shared>>
      tpu.enqueue_indirect_dma source(%dma_start3A_91 : memref<64x128xf32, #tpu.memory_space<vmem>>) target(%dma_start3A_97 : memref<10240x128xf32, #tpu.memory_space<vmem_shared>>) offsets(%dma_start3A_94 : memref<64xi32, #tpu.memory_space<vmem>>) semaphore(%arg11 : memref<!tpu.dma_semaphore, #tpu.memory_space<semaphore_mem>>) {add = true}
      %dma_wait3A_98 = arith.constant 0 : i32
      %dma_wait3A_99 = arith.constant 1 : i32
      %dma_wait3A_100 = arith.constant 0 : i32
      %dma_wait3A_101 = arith.constant 0 : i32
      %dma_wait3A_102 = arith.constant 0 : i32
      %dma_wait3A_103 = tpu.memref_slice %arg8[%dma_wait3A_98, %dma_wait3A_101, %dma_wait3A_102] : memref<4x64x128xf32, #tpu.memory_space<vmem>> -> memref<1x64x128xf32, #tpu.memory_space<vmem>>
      %dma_wait3A_104 = tpu.memref_squeeze %dma_wait3A_103 : memref<1x64x128xf32, #tpu.memory_space<vmem>> -> memref<64x128xf32, #tpu.memory_space<vmem>>
      %dma_wait3A_105 = arith.constant 0 : i32
      %dma_wait3A_106 = tpu.memref_slice %arg7[%dma_wait3A_99, %dma_wait3A_100, %dma_wait3A_105] : memref<2x16x64xi32, #tpu.memory_space<vmem>> -> memref<1x1x64xi32, #tpu.memory_space<vmem>>
      %dma_wait3A_107 = tpu.memref_squeeze %dma_wait3A_106 : memref<1x1x64xi32, #tpu.memory_space<vmem>> -> memref<64xi32, #tpu.memory_space<vmem>>
      %dma_wait3A_108 = arith.constant 0 : i32
      %dma_wait3A_109 = arith.constant 0 : i32
      %dma_wait3A_110 = tpu.memref_slice %arg9[%dma_wait3A_108, %dma_wait3A_109] : memref<10240x128xf32, #tpu.memory_space<vmem_shared>> -> memref<10240x128xf32, #tpu.memory_space<vmem_shared>>
      tpu.wait_indirect_dma semaphore(%arg11 : memref<!tpu.dma_semaphore, #tpu.memory_space<semaphore_mem>>) src(%dma_wait3A_104 : memref<64x128xf32, #tpu.memory_space<vmem>>) dst(%dma_wait3A_110 : memref<10240x128xf32, #tpu.memory_space<vmem_shared>>)
      %dma_start3A_111 = arith.constant 0 : i32
      %dma_start3A_112 = arith.constant 4 : i32
      %dma_start3A_113 = arith.constant 0 : i32
      %dma_start3A_114 = arith.constant 0 : i32
      %dma_start3A_115 = arith.constant 0 : i32
      %dma_start3A_116 = tpu.memref_slice %arg8[%dma_start3A_113, %dma_start3A_114, %dma_start3A_115] : memref<4x64x128xf32, #tpu.memory_space<vmem>> -> memref<1x64x128xf32, #tpu.memory_space<vmem>>
      %dma_start3A_117 = tpu.memref_squeeze %dma_start3A_116 : memref<1x64x128xf32, #tpu.memory_space<vmem>> -> memref<64x128xf32, #tpu.memory_space<vmem>>
      %dma_start3A_118 = arith.constant 0 : i32
      %dma_start3A_119 = tpu.memref_slice %arg7[%dma_start3A_111, %dma_start3A_112, %dma_start3A_118] : memref<2x16x64xi32, #tpu.memory_space<vmem>> -> memref<1x1x64xi32, #tpu.memory_space<vmem>>
      %dma_start3A_120 = tpu.memref_squeeze %dma_start3A_119 : memref<1x1x64xi32, #tpu.memory_space<vmem>> -> memref<64xi32, #tpu.memory_space<vmem>>
      %dma_start3A_121 = arith.constant 0 : i32
      %dma_start3A_122 = arith.constant 0 : i32
      %dma_start3A_123 = tpu.memref_slice %arg2[%dma_start3A_121, %dma_start3A_122] : memref<10240x128xf32, #tpu.memory_space<hbm>> -> memref<10240x128xf32, #tpu.memory_space<hbm>>
      tpu.enqueue_indirect_dma source(%dma_start3A_123 : memref<10240x128xf32, #tpu.memory_space<hbm>>) target(%dma_start3A_117 : memref<64x128xf32, #tpu.memory_space<vmem>>) offsets(%dma_start3A_120 : memref<64xi32, #tpu.memory_space<vmem>>) semaphore(%arg10 : memref<!tpu.dma_semaphore, #tpu.memory_space<semaphore_mem>>)
      %dma_wait3A_124 = arith.constant 0 : i32
      %dma_wait3A_125 = arith.constant 1 : i32
      %dma_wait3A_126 = arith.constant 1 : i32
      %dma_wait3A_127 = arith.constant 0 : i32
      %dma_wait3A_128 = arith.constant 0 : i32
      %dma_wait3A_129 = tpu.memref_slice %arg8[%dma_wait3A_126, %dma_wait3A_127, %dma_wait3A_128] : memref<4x64x128xf32, #tpu.memory_space<vmem>> -> memref<1x64x128xf32, #tpu.memory_space<vmem>>
      %dma_wait3A_130 = tpu.memref_squeeze %dma_wait3A_129 : memref<1x64x128xf32, #tpu.memory_space<vmem>> -> memref<64x128xf32, #tpu.memory_space<vmem>>
      %dma_wait3A_131 = arith.constant 0 : i32
      %dma_wait3A_132 = tpu.memref_slice %arg7[%dma_wait3A_124, %dma_wait3A_125, %dma_wait3A_131] : memref<2x16x64xi32, #tpu.memory_space<vmem>> -> memref<1x1x64xi32, #tpu.memory_space<vmem>>
      %dma_wait3A_133 = tpu.memref_squeeze %dma_wait3A_132 : memref<1x1x64xi32, #tpu.memory_space<vmem>> -> memref<64xi32, #tpu.memory_space<vmem>>
      %dma_wait3A_134 = arith.constant 0 : i32
      %dma_wait3A_135 = arith.constant 0 : i32
      %dma_wait3A_136 = tpu.memref_slice %arg2[%dma_wait3A_134, %dma_wait3A_135] : memref<10240x128xf32, #tpu.memory_space<hbm>> -> memref<10240x128xf32, #tpu.memory_space<hbm>>
      tpu.wait_indirect_dma semaphore(%arg10 : memref<!tpu.dma_semaphore, #tpu.memory_space<semaphore_mem>>) src(%dma_wait3A_136 : memref<10240x128xf32, #tpu.memory_space<hbm>>) dst(%dma_wait3A_130 : memref<64x128xf32, #tpu.memory_space<vmem>>)
      %dma_start3A_137 = arith.constant 1 : i32
      %dma_start3A_138 = arith.constant 1 : i32
      %dma_start3A_139 = arith.constant 1 : i32
      %dma_start3A_140 = arith.constant 0 : i32
      %dma_start3A_141 = arith.constant 0 : i32
      %dma_start3A_142 = tpu.memref_slice %arg8[%dma_start3A_137, %dma_start3A_140, %dma_start3A_141] : memref<4x64x128xf32, #tpu.memory_space<vmem>> -> memref<1x64x128xf32, #tpu.memory_space<vmem>>
      %dma_start3A_143 = tpu.memref_squeeze %dma_start3A_142 : memref<1x64x128xf32, #tpu.memory_space<vmem>> -> memref<64x128xf32, #tpu.memory_space<vmem>>
      %dma_start3A_144 = arith.constant 0 : i32
      %dma_start3A_145 = tpu.memref_slice %arg7[%dma_start3A_138, %dma_start3A_139, %dma_start3A_144] : memref<2x16x64xi32, #tpu.memory_space<vmem>> -> memref<1x1x64xi32, #tpu.memory_space<vmem>>
      %dma_start3A_146 = tpu.memref_squeeze %dma_start3A_145 : memref<1x1x64xi32, #tpu.memory_space<vmem>> -> memref<64xi32, #tpu.memory_space<vmem>>
      %dma_start3A_147 = arith.constant 0 : i32
      %dma_start3A_148 = arith.constant 0 : i32
      %dma_start3A_149 = tpu.memref_slice %arg9[%dma_start3A_147, %dma_start3A_148] : memref<10240x128xf32, #tpu.memory_space<vmem_shared>> -> memref<10240x128xf32, #tpu.memory_space<vmem_shared>>
      tpu.enqueue_indirect_dma source(%dma_start3A_143 : memref<64x128xf32, #tpu.memory_space<vmem>>) target(%dma_start3A_149 : memref<10240x128xf32, #tpu.memory_space<vmem_shared>>) offsets(%dma_start3A_146 : memref<64xi32, #tpu.memory_space<vmem>>) semaphore(%arg11 : memref<!tpu.dma_semaphore, #tpu.memory_space<semaphore_mem>>) {add = true}
      %dma_wait3A_150 = arith.constant 1 : i32
      %dma_wait3A_151 = arith.constant 1 : i32
      %dma_wait3A_152 = arith.constant 1 : i32
      %dma_wait3A_153 = arith.constant 0 : i32
      %dma_wait3A_154 = arith.constant 0 : i32
      %dma_wait3A_155 = tpu.memref_slice %arg8[%dma_wait3A_150, %dma_wait3A_153, %dma_wait3A_154] : memref<4x64x128xf32, #tpu.memory_space<vmem>> -> memref<1x64x128xf32, #tpu.memory_space<vmem>>
      %dma_wait3A_156 = tpu.memref_squeeze %dma_wait3A_155 : memref<1x64x128xf32, #tpu.memory_space<vmem>> -> memref<64x128xf32, #tpu.memory_space<vmem>>
      %dma_wait3A_157 = arith.constant 0 : i32
      %dma_wait3A_158 = tpu.memref_slice %arg7[%dma_wait3A_151, %dma_wait3A_152, %dma_wait3A_157] : memref<2x16x64xi32, #tpu.memory_space<vmem>> -> memref<1x1x64xi32, #tpu.memory_space<vmem>>
      %dma_wait3A_159 = tpu.memref_squeeze %dma_wait3A_158 : memref<1x1x64xi32, #tpu.memory_space<vmem>> -> memref<64xi32, #tpu.memory_space<vmem>>
      %dma_wait3A_160 = arith.constant 0 : i32
      %dma_wait3A_161 = arith.constant 0 : i32
      %dma_wait3A_162 = tpu.memref_slice %arg9[%dma_wait3A_160, %dma_wait3A_161] : memref<10240x128xf32, #tpu.memory_space<vmem_shared>> -> memref<10240x128xf32, #tpu.memory_space<vmem_shared>>
      tpu.wait_indirect_dma semaphore(%arg11 : memref<!tpu.dma_semaphore, #tpu.memory_space<semaphore_mem>>) src(%dma_wait3A_156 : memref<64x128xf32, #tpu.memory_space<vmem>>) dst(%dma_wait3A_162 : memref<10240x128xf32, #tpu.memory_space<vmem_shared>>)
      %dma_start3A_163 = arith.constant 0 : i32
      %dma_start3A_164 = arith.constant 5 : i32
      %dma_start3A_165 = arith.constant 1 : i32
      %dma_start3A_166 = arith.constant 0 : i32
      %dma_start3A_167 = arith.constant 0 : i32
      %dma_start3A_168 = tpu.memref_slice %arg8[%dma_start3A_165, %dma_start3A_166, %dma_start3A_167] : memref<4x64x128xf32, #tpu.memory_space<vmem>> -> memref<1x64x128xf32, #tpu.memory_space<vmem>>
      %dma_start3A_169 = tpu.memref_squeeze %dma_start3A_168 : memref<1x64x128xf32, #tpu.memory_space<vmem>> -> memref<64x128xf32, #tpu.memory_space<vmem>>
      %dma_start3A_170 = arith.constant 0 : i32
      %dma_start3A_171 = tpu.memref_slice %arg7[%dma_start3A_163, %dma_start3A_164, %dma_start3A_170] : memref<2x16x64xi32, #tpu.memory_space<vmem>> -> memref<1x1x64xi32, #tpu.memory_space<vmem>>
      %dma_start3A_172 = tpu.memref_squeeze %dma_start3A_171 : memref<1x1x64xi32, #tpu.memory_space<vmem>> -> memref<64xi32, #tpu.memory_space<vmem>>
      %dma_start3A_173 = arith.constant 0 : i32
      %dma_start3A_174 = arith.constant 0 : i32
      %dma_start3A_175 = tpu.memref_slice %arg2[%dma_start3A_173, %dma_start3A_174] : memref<10240x128xf32, #tpu.memory_space<hbm>> -> memref<10240x128xf32, #tpu.memory_space<hbm>>
      tpu.enqueue_indirect_dma source(%dma_start3A_175 : memref<10240x128xf32, #tpu.memory_space<hbm>>) target(%dma_start3A_169 : memref<64x128xf32, #tpu.memory_space<vmem>>) offsets(%dma_start3A_172 : memref<64xi32, #tpu.memory_space<vmem>>) semaphore(%arg10 : memref<!tpu.dma_semaphore, #tpu.memory_space<semaphore_mem>>)
      %dma_wait3A_176 = arith.constant 0 : i32
      %dma_wait3A_177 = arith.constant 2 : i32
      %dma_wait3A_178 = arith.constant 2 : i32
      %dma_wait3A_179 = arith.constant 0 : i32
      %dma_wait3A_180 = arith.constant 0 : i32
      %dma_wait3A_181 = tpu.memref_slice %arg8[%dma_wait3A_178, %dma_wait3A_179, %dma_wait3A_180] : memref<4x64x128xf32, #tpu.memory_space<vmem>> -> memref<1x64x128xf32, #tpu.memory_space<vmem>>
      %dma_wait3A_182 = tpu.memref_squeeze %dma_wait3A_181 : memref<1x64x128xf32, #tpu.memory_space<vmem>> -> memref<64x128xf32, #tpu.memory_space<vmem>>
      %dma_wait3A_183 = arith.constant 0 : i32
      %dma_wait3A_184 = tpu.memref_slice %arg7[%dma_wait3A_176, %dma_wait3A_177, %dma_wait3A_183] : memref<2x16x64xi32, #tpu.memory_space<vmem>> -> memref<1x1x64xi32, #tpu.memory_space<vmem>>
      %dma_wait3A_185 = tpu.memref_squeeze %dma_wait3A_184 : memref<1x1x64xi32, #tpu.memory_space<vmem>> -> memref<64xi32, #tpu.memory_space<vmem>>
      %dma_wait3A_186 = arith.constant 0 : i32
      %dma_wait3A_187 = arith.constant 0 : i32
      %dma_wait3A_188 = tpu.memref_slice %arg2[%dma_wait3A_186, %dma_wait3A_187] : memref<10240x128xf32, #tpu.memory_space<hbm>> -> memref<10240x128xf32, #tpu.memory_space<hbm>>
      tpu.wait_indirect_dma semaphore(%arg10 : memref<!tpu.dma_semaphore, #tpu.memory_space<semaphore_mem>>) src(%dma_wait3A_188 : memref<10240x128xf32, #tpu.memory_space<hbm>>) dst(%dma_wait3A_182 : memref<64x128xf32, #tpu.memory_space<vmem>>)
      %dma_start3A_189 = arith.constant 2 : i32
      %dma_start3A_190 = arith.constant 1 : i32
      %dma_start3A_191 = arith.constant 2 : i32
      %dma_start3A_192 = arith.constant 0 : i32
      %dma_start3A_193 = arith.constant 0 : i32
      %dma_start3A_194 = tpu.memref_slice %arg8[%dma_start3A_189, %dma_start3A_192, %dma_start3A_193] : memref<4x64x128xf32, #tpu.memory_space<vmem>> -> memref<1x64x128xf32, #tpu.memory_space<vmem>>
      %dma_start3A_195 = tpu.memref_squeeze %dma_start3A_194 : memref<1x64x128xf32, #tpu.memory_space<vmem>> -> memref<64x128xf32, #tpu.memory_space<vmem>>
      %dma_start3A_196 = arith.constant 0 : i32
      %dma_start3A_197 = tpu.memref_slice %arg7[%dma_start3A_190, %dma_start3A_191, %dma_start3A_196] : memref<2x16x64xi32, #tpu.memory_space<vmem>> -> memref<1x1x64xi32, #tpu.memory_space<vmem>>
      %dma_start3A_198 = tpu.memref_squeeze %dma_start3A_197 : memref<1x1x64xi32, #tpu.memory_space<vmem>> -> memref<64xi32, #tpu.memory_space<vmem>>
      %dma_start3A_199 = arith.constant 0 : i32
      %dma_start3A_200 = arith.constant 0 : i32
      %dma_start3A_201 = tpu.memref_slice %arg9[%dma_start3A_199, %dma_start3A_200] : memref<10240x128xf32, #tpu.memory_space<vmem_shared>> -> memref<10240x128xf32, #tpu.memory_space<vmem_shared>>
      tpu.enqueue_indirect_dma source(%dma_start3A_195 : memref<64x128xf32, #tpu.memory_space<vmem>>) target(%dma_start3A_201 : memref<10240x128xf32, #tpu.memory_space<vmem_shared>>) offsets(%dma_start3A_198 : memref<64xi32, #tpu.memory_space<vmem>>) semaphore(%arg11 : memref<!tpu.dma_semaphore, #tpu.memory_space<semaphore_mem>>) {add = true}
      %dma_wait3A_202 = arith.constant 2 : i32
      %dma_wait3A_203 = arith.constant 1 : i32
      %dma_wait3A_204 = arith.constant 2 : i32
      %dma_wait3A_205 = arith.constant 0 : i32
      %dma_wait3A_206 = arith.constant 0 : i32
      %dma_wait3A_207 = tpu.memref_slice %arg8[%dma_wait3A_202, %dma_wait3A_205, %dma_wait3A_206] : memref<4x64x128xf32, #tpu.memory_space<vmem>> -> memref<1x64x128xf32, #tpu.memory_space<vmem>>
      %dma_wait3A_208 = tpu.memref_squeeze %dma_wait3A_207 : memref<1x64x128xf32, #tpu.memory_space<vmem>> -> memref<64x128xf32, #tpu.memory_space<vmem>>
      %dma_wait3A_209 = arith.constant 0 : i32
      %dma_wait3A_210 = tpu.memref_slice %arg7[%dma_wait3A_203, %dma_wait3A_204, %dma_wait3A_209] : memref<2x16x64xi32, #tpu.memory_space<vmem>> -> memref<1x1x64xi32, #tpu.memory_space<vmem>>
      %dma_wait3A_211 = tpu.memref_squeeze %dma_wait3A_210 : memref<1x1x64xi32, #tpu.memory_space<vmem>> -> memref<64xi32, #tpu.memory_space<vmem>>
      %dma_wait3A_212 = arith.constant 0 : i32
      %dma_wait3A_213 = arith.constant 0 : i32
      %dma_wait3A_214 = tpu.memref_slice %arg9[%dma_wait3A_212, %dma_wait3A_213] : memref<10240x128xf32, #tpu.memory_space<vmem_shared>> -> memref<10240x128xf32, #tpu.memory_space<vmem_shared>>
      tpu.wait_indirect_dma semaphore(%arg11 : memref<!tpu.dma_semaphore, #tpu.memory_space<semaphore_mem>>) src(%dma_wait3A_208 : memref<64x128xf32, #tpu.memory_space<vmem>>) dst(%dma_wait3A_214 : memref<10240x128xf32, #tpu.memory_space<vmem_shared>>)
      %dma_start3A_215 = arith.constant 0 : i32
      %dma_start3A_216 = arith.constant 6 : i32
      %dma_start3A_217 = arith.constant 2 : i32
      %dma_start3A_218 = arith.constant 0 : i32
      %dma_start3A_219 = arith.constant 0 : i32
      %dma_start3A_220 = tpu.memref_slice %arg8[%dma_start3A_217, %dma_start3A_218, %dma_start3A_219] : memref<4x64x128xf32, #tpu.memory_space<vmem>> -> memref<1x64x128xf32, #tpu.memory_space<vmem>>
      %dma_start3A_221 = tpu.memref_squeeze %dma_start3A_220 : memref<1x64x128xf32, #tpu.memory_space<vmem>> -> memref<64x128xf32, #tpu.memory_space<vmem>>
      %dma_start3A_222 = arith.constant 0 : i32
      %dma_start3A_223 = tpu.memref_slice %arg7[%dma_start3A_215, %dma_start3A_216, %dma_start3A_222] : memref<2x16x64xi32, #tpu.memory_space<vmem>> -> memref<1x1x64xi32, #tpu.memory_space<vmem>>
      %dma_start3A_224 = tpu.memref_squeeze %dma_start3A_223 : memref<1x1x64xi32, #tpu.memory_space<vmem>> -> memref<64xi32, #tpu.memory_space<vmem>>
      %dma_start3A_225 = arith.constant 0 : i32
      %dma_start3A_226 = arith.constant 0 : i32
      %dma_start3A_227 = tpu.memref_slice %arg2[%dma_start3A_225, %dma_start3A_226] : memref<10240x128xf32, #tpu.memory_space<hbm>> -> memref<10240x128xf32, #tpu.memory_space<hbm>>
      tpu.enqueue_indirect_dma source(%dma_start3A_227 : memref<10240x128xf32, #tpu.memory_space<hbm>>) target(%dma_start3A_221 : memref<64x128xf32, #tpu.memory_space<vmem>>) offsets(%dma_start3A_224 : memref<64xi32, #tpu.memory_space<vmem>>) semaphore(%arg10 : memref<!tpu.dma_semaphore, #tpu.memory_space<semaphore_mem>>)
      %dma_wait3A_228 = arith.constant 0 : i32
      %dma_wait3A_229 = arith.constant 3 : i32
      %dma_wait3A_230 = arith.constant 3 : i32
      %dma_wait3A_231 = arith.constant 0 : i32
      %dma_wait3A_232 = arith.constant 0 : i32
      %dma_wait3A_233 = tpu.memref_slice %arg8[%dma_wait3A_230, %dma_wait3A_231, %dma_wait3A_232] : memref<4x64x128xf32, #tpu.memory_space<vmem>> -> memref<1x64x128xf32, #tpu.memory_space<vmem>>
      %dma_wait3A_234 = tpu.memref_squeeze %dma_wait3A_233 : memref<1x64x128xf32, #tpu.memory_space<vmem>> -> memref<64x128xf32, #tpu.memory_space<vmem>>
      %dma_wait3A_235 = arith.constant 0 : i32
      %dma_wait3A_236 = tpu.memref_slice %arg7[%dma_wait3A_228, %dma_wait3A_229, %dma_wait3A_235] : memref<2x16x64xi32, #tpu.memory_space<vmem>> -> memref<1x1x64xi32, #tpu.memory_space<vmem>>
      %dma_wait3A_237 = tpu.memref_squeeze %dma_wait3A_236 : memref<1x1x64xi32, #tpu.memory_space<vmem>> -> memref<64xi32, #tpu.memory_space<vmem>>
      %dma_wait3A_238 = arith.constant 0 : i32
      %dma_wait3A_239 = arith.constant 0 : i32
      %dma_wait3A_240 = tpu.memref_slice %arg2[%dma_wait3A_238, %dma_wait3A_239] : memref<10240x128xf32, #tpu.memory_space<hbm>> -> memref<10240x128xf32, #tpu.memory_space<hbm>>
      tpu.wait_indirect_dma semaphore(%arg10 : memref<!tpu.dma_semaphore, #tpu.memory_space<semaphore_mem>>) src(%dma_wait3A_240 : memref<10240x128xf32, #tpu.memory_space<hbm>>) dst(%dma_wait3A_234 : memref<64x128xf32, #tpu.memory_space<vmem>>)
      %dma_start3A_241 = arith.constant 3 : i32
      %dma_start3A_242 = arith.constant 1 : i32
      %dma_start3A_243 = arith.constant 3 : i32
      %dma_start3A_244 = arith.constant 0 : i32
      %dma_start3A_245 = arith.constant 0 : i32
      %dma_start3A_246 = tpu.memref_slice %arg8[%dma_start3A_241, %dma_start3A_244, %dma_start3A_245] : memref<4x64x128xf32, #tpu.memory_space<vmem>> -> memref<1x64x128xf32, #tpu.memory_space<vmem>>
      %dma_start3A_247 = tpu.memref_squeeze %dma_start3A_246 : memref<1x64x128xf32, #tpu.memory_space<vmem>> -> memref<64x128xf32, #tpu.memory_space<vmem>>
      %dma_start3A_248 = arith.constant 0 : i32
      %dma_start3A_249 = tpu.memref_slice %arg7[%dma_start3A_242, %dma_start3A_243, %dma_start3A_248] : memref<2x16x64xi32, #tpu.memory_space<vmem>> -> memref<1x1x64xi32, #tpu.memory_space<vmem>>
      %dma_start3A_250 = tpu.memref_squeeze %dma_start3A_249 : memref<1x1x64xi32, #tpu.memory_space<vmem>> -> memref<64xi32, #tpu.memory_space<vmem>>
      %dma_start3A_251 = arith.constant 0 : i32
      %dma_start3A_252 = arith.constant 0 : i32
      %dma_start3A_253 = tpu.memref_slice %arg9[%dma_start3A_251, %dma_start3A_252] : memref<10240x128xf32, #tpu.memory_space<vmem_shared>> -> memref<10240x128xf32, #tpu.memory_space<vmem_shared>>
      tpu.enqueue_indirect_dma source(%dma_start3A_247 : memref<64x128xf32, #tpu.memory_space<vmem>>) target(%dma_start3A_253 : memref<10240x128xf32, #tpu.memory_space<vmem_shared>>) offsets(%dma_start3A_250 : memref<64xi32, #tpu.memory_space<vmem>>) semaphore(%arg11 : memref<!tpu.dma_semaphore, #tpu.memory_space<semaphore_mem>>) {add = true}
      %dma_wait3A_254 = arith.constant 3 : i32
      %dma_wait3A_255 = arith.constant 1 : i32
      %dma_wait3A_256 = arith.constant 3 : i32
      %dma_wait3A_257 = arith.constant 0 : i32
      %dma_wait3A_258 = arith.constant 0 : i32
      %dma_wait3A_259 = tpu.memref_slice %arg8[%dma_wait3A_254, %dma_wait3A_257, %dma_wait3A_258] : memref<4x64x128xf32, #tpu.memory_space<vmem>> -> memref<1x64x128xf32, #tpu.memory_space<vmem>>
      %dma_wait3A_260 = tpu.memref_squeeze %dma_wait3A_259 : memref<1x64x128xf32, #tpu.memory_space<vmem>> -> memref<64x128xf32, #tpu.memory_space<vmem>>
      %dma_wait3A_261 = arith.constant 0 : i32
      %dma_wait3A_262 = tpu.memref_slice %arg7[%dma_wait3A_255, %dma_wait3A_256, %dma_wait3A_261] : memref<2x16x64xi32, #tpu.memory_space<vmem>> -> memref<1x1x64xi32, #tpu.memory_space<vmem>>
      %dma_wait3A_263 = tpu.memref_squeeze %dma_wait3A_262 : memref<1x1x64xi32, #tpu.memory_space<vmem>> -> memref<64xi32, #tpu.memory_space<vmem>>
      %dma_wait3A_264 = arith.constant 0 : i32
      %dma_wait3A_265 = arith.constant 0 : i32
      %dma_wait3A_266 = tpu.memref_slice %arg9[%dma_wait3A_264, %dma_wait3A_265] : memref<10240x128xf32, #tpu.memory_space<vmem_shared>> -> memref<10240x128xf32, #tpu.memory_space<vmem_shared>>
      tpu.wait_indirect_dma semaphore(%arg11 : memref<!tpu.dma_semaphore, #tpu.memory_space<semaphore_mem>>) src(%dma_wait3A_260 : memref<64x128xf32, #tpu.memory_space<vmem>>) dst(%dma_wait3A_266 : memref<10240x128xf32, #tpu.memory_space<vmem_shared>>)
      %dma_start3A_267 = arith.constant 0 : i32
      %dma_start3A_268 = arith.constant 7 : i32
      %dma_start3A_269 = arith.constant 3 : i32
      %dma_start3A_270 = arith.constant 0 : i32
      %dma_start3A_271 = arith.constant 0 : i32
      %dma_start3A_272 = tpu.memref_slice %arg8[%dma_start3A_269, %dma_start3A_270, %dma_start3A_271] : memref<4x64x128xf32, #tpu.memory_space<vmem>> -> memref<1x64x128xf32, #tpu.memory_space<vmem>>
      %dma_start3A_273 = tpu.memref_squeeze %dma_start3A_272 : memref<1x64x128xf32, #tpu.memory_space<vmem>> -> memref<64x128xf32, #tpu.memory_space<vmem>>
      %dma_start3A_274 = arith.constant 0 : i32
      %dma_start3A_275 = tpu.memref_slice %arg7[%dma_start3A_267, %dma_start3A_268, %dma_start3A_274] : memref<2x16x64xi32, #tpu.memory_space<vmem>> -> memref<1x1x64xi32, #tpu.memory_space<vmem>>
      %dma_start3A_276 = tpu.memref_squeeze %dma_start3A_275 : memref<1x1x64xi32, #tpu.memory_space<vmem>> -> memref<64xi32, #tpu.memory_space<vmem>>
      %dma_start3A_277 = arith.constant 0 : i32
      %dma_start3A_278 = arith.constant 0 : i32
      %dma_start3A_279 = tpu.memref_slice %arg2[%dma_start3A_277, %dma_start3A_278] : memref<10240x128xf32, #tpu.memory_space<hbm>> -> memref<10240x128xf32, #tpu.memory_space<hbm>>
      tpu.enqueue_indirect_dma source(%dma_start3A_279 : memref<10240x128xf32, #tpu.memory_space<hbm>>) target(%dma_start3A_273 : memref<64x128xf32, #tpu.memory_space<vmem>>) offsets(%dma_start3A_276 : memref<64xi32, #tpu.memory_space<vmem>>) semaphore(%arg10 : memref<!tpu.dma_semaphore, #tpu.memory_space<semaphore_mem>>)
      %dma_wait3A_280 = arith.constant 0 : i32
      %dma_wait3A_281 = arith.constant 4 : i32
      %dma_wait3A_282 = arith.constant 0 : i32
      %dma_wait3A_283 = arith.constant 0 : i32
      %dma_wait3A_284 = arith.constant 0 : i32
      %dma_wait3A_285 = tpu.memref_slice %arg8[%dma_wait3A_282, %dma_wait3A_283, %dma_wait3A_284] : memref<4x64x128xf32, #tpu.memory_space<vmem>> -> memref<1x64x128xf32, #tpu.memory_space<vmem>>
      %dma_wait3A_286 = tpu.memref_squeeze %dma_wait3A_285 : memref<1x64x128xf32, #tpu.memory_space<vmem>> -> memref<64x128xf32, #tpu.memory_space<vmem>>
      %dma_wait3A_287 = arith.constant 0 : i32
      %dma_wait3A_288 = tpu.memref_slice %arg7[%dma_wait3A_280, %dma_wait3A_281, %dma_wait3A_287] : memref<2x16x64xi32, #tpu.memory_space<vmem>> -> memref<1x1x64xi32, #tpu.memory_space<vmem>>
      %dma_wait3A_289 = tpu.memref_squeeze %dma_wait3A_288 : memref<1x1x64xi32, #tpu.memory_space<vmem>> -> memref<64xi32, #tpu.memory_space<vmem>>
      %dma_wait3A_290 = arith.constant 0 : i32
      %dma_wait3A_291 = arith.constant 0 : i32
      %dma_wait3A_292 = tpu.memref_slice %arg2[%dma_wait3A_290, %dma_wait3A_291] : memref<10240x128xf32, #tpu.memory_space<hbm>> -> memref<10240x128xf32, #tpu.memory_space<hbm>>
      tpu.wait_indirect_dma semaphore(%arg10 : memref<!tpu.dma_semaphore, #tpu.memory_space<semaphore_mem>>) src(%dma_wait3A_292 : memref<10240x128xf32, #tpu.memory_space<hbm>>) dst(%dma_wait3A_286 : memref<64x128xf32, #tpu.memory_space<vmem>>)
      %dma_start3A_293 = arith.constant 0 : i32
      %dma_start3A_294 = arith.constant 1 : i32
      %dma_start3A_295 = arith.constant 4 : i32
      %dma_start3A_296 = arith.constant 0 : i32
      %dma_start3A_297 = arith.constant 0 : i32
      %dma_start3A_298 = tpu.memref_slice %arg8[%dma_start3A_293, %dma_start3A_296, %dma_start3A_297] : memref<4x64x128xf32, #tpu.memory_space<vmem>> -> memref<1x64x128xf32, #tpu.memory_space<vmem>>
      %dma_start3A_299 = tpu.memref_squeeze %dma_start3A_298 : memref<1x64x128xf32, #tpu.memory_space<vmem>> -> memref<64x128xf32, #tpu.memory_space<vmem>>
      %dma_start3A_300 = arith.constant 0 : i32
      %dma_start3A_301 = tpu.memref_slice %arg7[%dma_start3A_294, %dma_start3A_295, %dma_start3A_300] : memref<2x16x64xi32, #tpu.memory_space<vmem>> -> memref<1x1x64xi32, #tpu.memory_space<vmem>>
      %dma_start3A_302 = tpu.memref_squeeze %dma_start3A_301 : memref<1x1x64xi32, #tpu.memory_space<vmem>> -> memref<64xi32, #tpu.memory_space<vmem>>
      %dma_start3A_303 = arith.constant 0 : i32
      %dma_start3A_304 = arith.constant 0 : i32
      %dma_start3A_305 = tpu.memref_slice %arg9[%dma_start3A_303, %dma_start3A_304] : memref<10240x128xf32, #tpu.memory_space<vmem_shared>> -> memref<10240x128xf32, #tpu.memory_space<vmem_shared>>
      tpu.enqueue_indirect_dma source(%dma_start3A_299 : memref<64x128xf32, #tpu.memory_space<vmem>>) target(%dma_start3A_305 : memref<10240x128xf32, #tpu.memory_space<vmem_shared>>) offsets(%dma_start3A_302 : memref<64xi32, #tpu.memory_space<vmem>>) semaphore(%arg11 : memref<!tpu.dma_semaphore, #tpu.memory_space<semaphore_mem>>) {add = true}
      %dma_wait3A_306 = arith.constant 0 : i32
      %dma_wait3A_307 = arith.constant 1 : i32
      %dma_wait3A_308 = arith.constant 4 : i32
      %dma_wait3A_309 = arith.constant 0 : i32
      %dma_wait3A_310 = arith.constant 0 : i32
      %dma_wait3A_311 = tpu.memref_slice %arg8[%dma_wait3A_306, %dma_wait3A_309, %dma_wait3A_310] : memref<4x64x128xf32, #tpu.memory_space<vmem>> -> memref<1x64x128xf32, #tpu.memory_space<vmem>>
      %dma_wait3A_312 = tpu.memref_squeeze %dma_wait3A_311 : memref<1x64x128xf32, #tpu.memory_space<vmem>> -> memref<64x128xf32, #tpu.memory_space<vmem>>
      %dma_wait3A_313 = arith.constant 0 : i32
      %dma_wait3A_314 = tpu.memref_slice %arg7[%dma_wait3A_307, %dma_wait3A_308, %dma_wait3A_313] : memref<2x16x64xi32, #tpu.memory_space<vmem>> -> memref<1x1x64xi32, #tpu.memory_space<vmem>>
      %dma_wait3A_315 = tpu.memref_squeeze %dma_wait3A_314 : memref<1x1x64xi32, #tpu.memory_space<vmem>> -> memref<64xi32, #tpu.memory_space<vmem>>
      %dma_wait3A_316 = arith.constant 0 : i32
      %dma_wait3A_317 = arith.constant 0 : i32
      %dma_wait3A_318 = tpu.memref_slice %arg9[%dma_wait3A_316, %dma_wait3A_317] : memref<10240x128xf32, #tpu.memory_space<vmem_shared>> -> memref<10240x128xf32, #tpu.memory_space<vmem_shared>>
      tpu.wait_indirect_dma semaphore(%arg11 : memref<!tpu.dma_semaphore, #tpu.memory_space<semaphore_mem>>) src(%dma_wait3A_312 : memref<64x128xf32, #tpu.memory_space<vmem>>) dst(%dma_wait3A_318 : memref<10240x128xf32, #tpu.memory_space<vmem_shared>>)
      %dma_start3A_319 = arith.constant 0 : i32
      %dma_start3A_320 = arith.constant 8 : i32
      %dma_start3A_321 = arith.constant 0 : i32
      %dma_start3A_322 = arith.constant 0 : i32
      %dma_start3A_323 = arith.constant 0 : i32
      %dma_start3A_324 = tpu.memref_slice %arg8[%dma_start3A_321, %dma_start3A_322, %dma_start3A_323] : memref<4x64x128xf32, #tpu.memory_space<vmem>> -> memref<1x64x128xf32, #tpu.memory_space<vmem>>
      %dma_start3A_325 = tpu.memref_squeeze %dma_start3A_324 : memref<1x64x128xf32, #tpu.memory_space<vmem>> -> memref<64x128xf32, #tpu.memory_space<vmem>>
      %dma_start3A_326 = arith.constant 0 : i32
      %dma_start3A_327 = tpu.memref_slice %arg7[%dma_start3A_319, %dma_start3A_320, %dma_start3A_326] : memref<2x16x64xi32, #tpu.memory_space<vmem>> -> memref<1x1x64xi32, #tpu.memory_space<vmem>>
      %dma_start3A_328 = tpu.memref_squeeze %dma_start3A_327 : memref<1x1x64xi32, #tpu.memory_space<vmem>> -> memref<64xi32, #tpu.memory_space<vmem>>
      %dma_start3A_329 = arith.constant 0 : i32
      %dma_start3A_330 = arith.constant 0 : i32
      %dma_start3A_331 = tpu.memref_slice %arg2[%dma_start3A_329, %dma_start3A_330] : memref<10240x128xf32, #tpu.memory_space<hbm>> -> memref<10240x128xf32, #tpu.memory_space<hbm>>
      tpu.enqueue_indirect_dma source(%dma_start3A_331 : memref<10240x128xf32, #tpu.memory_space<hbm>>) target(%dma_start3A_325 : memref<64x128xf32, #tpu.memory_space<vmem>>) offsets(%dma_start3A_328 : memref<64xi32, #tpu.memory_space<vmem>>) semaphore(%arg10 : memref<!tpu.dma_semaphore, #tpu.memory_space<semaphore_mem>>)
      %dma_wait3A_332 = arith.constant 0 : i32
      %dma_wait3A_333 = arith.constant 5 : i32
      %dma_wait3A_334 = arith.constant 1 : i32
      %dma_wait3A_335 = arith.constant 0 : i32
      %dma_wait3A_336 = arith.constant 0 : i32
      %dma_wait3A_337 = tpu.memref_slice %arg8[%dma_wait3A_334, %dma_wait3A_335, %dma_wait3A_336] : memref<4x64x128xf32, #tpu.memory_space<vmem>> -> memref<1x64x128xf32, #tpu.memory_space<vmem>>
      %dma_wait3A_338 = tpu.memref_squeeze %dma_wait3A_337 : memref<1x64x128xf32, #tpu.memory_space<vmem>> -> memref<64x128xf32, #tpu.memory_space<vmem>>
      %dma_wait3A_339 = arith.constant 0 : i32
      %dma_wait3A_340 = tpu.memref_slice %arg7[%dma_wait3A_332, %dma_wait3A_333, %dma_wait3A_339] : memref<2x16x64xi32, #tpu.memory_space<vmem>> -> memref<1x1x64xi32, #tpu.memory_space<vmem>>
      %dma_wait3A_341 = tpu.memref_squeeze %dma_wait3A_340 : memref<1x1x64xi32, #tpu.memory_space<vmem>> -> memref<64xi32, #tpu.memory_space<vmem>>
      %dma_wait3A_342 = arith.constant 0 : i32
      %dma_wait3A_343 = arith.constant 0 : i32
      %dma_wait3A_344 = tpu.memref_slice %arg2[%dma_wait3A_342, %dma_wait3A_343] : memref<10240x128xf32, #tpu.memory_space<hbm>> -> memref<10240x128xf32, #tpu.memory_space<hbm>>
      tpu.wait_indirect_dma semaphore(%arg10 : memref<!tpu.dma_semaphore, #tpu.memory_space<semaphore_mem>>) src(%dma_wait3A_344 : memref<10240x128xf32, #tpu.memory_space<hbm>>) dst(%dma_wait3A_338 : memref<64x128xf32, #tpu.memory_space<vmem>>)
      %dma_start3A_345 = arith.constant 1 : i32
      %dma_start3A_346 = arith.constant 1 : i32
      %dma_start3A_347 = arith.constant 5 : i32
      %dma_start3A_348 = arith.constant 0 : i32
      %dma_start3A_349 = arith.constant 0 : i32
      %dma_start3A_350 = tpu.memref_slice %arg8[%dma_start3A_345, %dma_start3A_348, %dma_start3A_349] : memref<4x64x128xf32, #tpu.memory_space<vmem>> -> memref<1x64x128xf32, #tpu.memory_space<vmem>>
      %dma_start3A_351 = tpu.memref_squeeze %dma_start3A_350 : memref<1x64x128xf32, #tpu.memory_space<vmem>> -> memref<64x128xf32, #tpu.memory_space<vmem>>
      %dma_start3A_352 = arith.constant 0 : i32
      %dma_start3A_353 = tpu.memref_slice %arg7[%dma_start3A_346, %dma_start3A_347, %dma_start3A_352] : memref<2x16x64xi32, #tpu.memory_space<vmem>> -> memref<1x1x64xi32, #tpu.memory_space<vmem>>
      %dma_start3A_354 = tpu.memref_squeeze %dma_start3A_353 : memref<1x1x64xi32, #tpu.memory_space<vmem>> -> memref<64xi32, #tpu.memory_space<vmem>>
      %dma_start3A_355 = arith.constant 0 : i32
      %dma_start3A_356 = arith.constant 0 : i32
      %dma_start3A_357 = tpu.memref_slice %arg9[%dma_start3A_355, %dma_start3A_356] : memref<10240x128xf32, #tpu.memory_space<vmem_shared>> -> memref<10240x128xf32, #tpu.memory_space<vmem_shared>>
      tpu.enqueue_indirect_dma source(%dma_start3A_351 : memref<64x128xf32, #tpu.memory_space<vmem>>) target(%dma_start3A_357 : memref<10240x128xf32, #tpu.memory_space<vmem_shared>>) offsets(%dma_start3A_354 : memref<64xi32, #tpu.memory_space<vmem>>) semaphore(%arg11 : memref<!tpu.dma_semaphore, #tpu.memory_space<semaphore_mem>>) {add = true}
      %dma_wait3A_358 = arith.constant 1 : i32
      %dma_wait3A_359 = arith.constant 1 : i32
      %dma_wait3A_360 = arith.constant 5 : i32
      %dma_wait3A_361 = arith.constant 0 : i32
      %dma_wait3A_362 = arith.constant 0 : i32
      %dma_wait3A_363 = tpu.memref_slice %arg8[%dma_wait3A_358, %dma_wait3A_361, %dma_wait3A_362] : memref<4x64x128xf32, #tpu.memory_space<vmem>> -> memref<1x64x128xf32, #tpu.memory_space<vmem>>
      %dma_wait3A_364 = tpu.memref_squeeze %dma_wait3A_363 : memref<1x64x128xf32, #tpu.memory_space<vmem>> -> memref<64x128xf32, #tpu.memory_space<vmem>>
      %dma_wait3A_365 = arith.constant 0 : i32
      %dma_wait3A_366 = tpu.memref_slice %arg7[%dma_wait3A_359, %dma_wait3A_360, %dma_wait3A_365] : memref<2x16x64xi32, #tpu.memory_space<vmem>> -> memref<1x1x64xi32, #tpu.memory_space<vmem>>
      %dma_wait3A_367 = tpu.memref_squeeze %dma_wait3A_366 : memref<1x1x64xi32, #tpu.memory_space<vmem>> -> memref<64xi32, #tpu.memory_space<vmem>>
      %dma_wait3A_368 = arith.constant 0 : i32
      %dma_wait3A_369 = arith.constant 0 : i32
      %dma_wait3A_370 = tpu.memref_slice %arg9[%dma_wait3A_368, %dma_wait3A_369] : memref<10240x128xf32, #tpu.memory_space<vmem_shared>> -> memref<10240x128xf32, #tpu.memory_space<vmem_shared>>
      tpu.wait_indirect_dma semaphore(%arg11 : memref<!tpu.dma_semaphore, #tpu.memory_space<semaphore_mem>>) src(%dma_wait3A_364 : memref<64x128xf32, #tpu.memory_space<vmem>>) dst(%dma_wait3A_370 : memref<10240x128xf32, #tpu.memory_space<vmem_shared>>)
      %dma_start3A_371 = arith.constant 0 : i32
      %dma_start3A_372 = arith.constant 9 : i32
      %dma_start3A_373 = arith.constant 1 : i32
      %dma_start3A_374 = arith.constant 0 : i32
      %dma_start3A_375 = arith.constant 0 : i32
      %dma_start3A_376 = tpu.memref_slice %arg8[%dma_start3A_373, %dma_start3A_374, %dma_start3A_375] : memref<4x64x128xf32, #tpu.memory_space<vmem>> -> memref<1x64x128xf32, #tpu.memory_space<vmem>>
      %dma_start3A_377 = tpu.memref_squeeze %dma_start3A_376 : memref<1x64x128xf32, #tpu.memory_space<vmem>> -> memref<64x128xf32, #tpu.memory_space<vmem>>
      %dma_start3A_378 = arith.constant 0 : i32
      %dma_start3A_379 = tpu.memref_slice %arg7[%dma_start3A_371, %dma_start3A_372, %dma_start3A_378] : memref<2x16x64xi32, #tpu.memory_space<vmem>> -> memref<1x1x64xi32, #tpu.memory_space<vmem>>
      %dma_start3A_380 = tpu.memref_squeeze %dma_start3A_379 : memref<1x1x64xi32, #tpu.memory_space<vmem>> -> memref<64xi32, #tpu.memory_space<vmem>>
      %dma_start3A_381 = arith.constant 0 : i32
      %dma_start3A_382 = arith.constant 0 : i32
      %dma_start3A_383 = tpu.memref_slice %arg2[%dma_start3A_381, %dma_start3A_382] : memref<10240x128xf32, #tpu.memory_space<hbm>> -> memref<10240x128xf32, #tpu.memory_space<hbm>>
      tpu.enqueue_indirect_dma source(%dma_start3A_383 : memref<10240x128xf32, #tpu.memory_space<hbm>>) target(%dma_start3A_377 : memref<64x128xf32, #tpu.memory_space<vmem>>) offsets(%dma_start3A_380 : memref<64xi32, #tpu.memory_space<vmem>>) semaphore(%arg10 : memref<!tpu.dma_semaphore, #tpu.memory_space<semaphore_mem>>)
      %dma_wait3A_384 = arith.constant 0 : i32
      %dma_wait3A_385 = arith.constant 6 : i32
      %dma_wait3A_386 = arith.constant 2 : i32
      %dma_wait3A_387 = arith.constant 0 : i32
      %dma_wait3A_388 = arith.constant 0 : i32
      %dma_wait3A_389 = tpu.memref_slice %arg8[%dma_wait3A_386, %dma_wait3A_387, %dma_wait3A_388] : memref<4x64x128xf32, #tpu.memory_space<vmem>> -> memref<1x64x128xf32, #tpu.memory_space<vmem>>
      %dma_wait3A_390 = tpu.memref_squeeze %dma_wait3A_389 : memref<1x64x128xf32, #tpu.memory_space<vmem>> -> memref<64x128xf32, #tpu.memory_space<vmem>>
      %dma_wait3A_391 = arith.constant 0 : i32
      %dma_wait3A_392 = tpu.memref_slice %arg7[%dma_wait3A_384, %dma_wait3A_385, %dma_wait3A_391] : memref<2x16x64xi32, #tpu.memory_space<vmem>> -> memref<1x1x64xi32, #tpu.memory_space<vmem>>
      %dma_wait3A_393 = tpu.memref_squeeze %dma_wait3A_392 : memref<1x1x64xi32, #tpu.memory_space<vmem>> -> memref<64xi32, #tpu.memory_space<vmem>>
      %dma_wait3A_394 = arith.constant 0 : i32
      %dma_wait3A_395 = arith.constant 0 : i32
      %dma_wait3A_396 = tpu.memref_slice %arg2[%dma_wait3A_394, %dma_wait3A_395] : memref<10240x128xf32, #tpu.memory_space<hbm>> -> memref<10240x128xf32, #tpu.memory_space<hbm>>
      tpu.wait_indirect_dma semaphore(%arg10 : memref<!tpu.dma_semaphore, #tpu.memory_space<semaphore_mem>>) src(%dma_wait3A_396 : memref<10240x128xf32, #tpu.memory_space<hbm>>) dst(%dma_wait3A_390 : memref<64x128xf32, #tpu.memory_space<vmem>>)
      %dma_start3A_397 = arith.constant 2 : i32
      %dma_start3A_398 = arith.constant 1 : i32
      %dma_start3A_399 = arith.constant 6 : i32
      %dma_start3A_400 = arith.constant 0 : i32
      %dma_start3A_401 = arith.constant 0 : i32
      %dma_start3A_402 = tpu.memref_slice %arg8[%dma_start3A_397, %dma_start3A_400, %dma_start3A_401] : memref<4x64x128xf32, #tpu.memory_space<vmem>> -> memref<1x64x128xf32, #tpu.memory_space<vmem>>
      %dma_start3A_403 = tpu.memref_squeeze %dma_start3A_402 : memref<1x64x128xf32, #tpu.memory_space<vmem>> -> memref<64x128xf32, #tpu.memory_space<vmem>>
      %dma_start3A_404 = arith.constant 0 : i32
      %dma_start3A_405 = tpu.memref_slice %arg7[%dma_start3A_398, %dma_start3A_399, %dma_start3A_404] : memref<2x16x64xi32, #tpu.memory_space<vmem>> -> memref<1x1x64xi32, #tpu.memory_space<vmem>>
      %dma_start3A_406 = tpu.memref_squeeze %dma_start3A_405 : memref<1x1x64xi32, #tpu.memory_space<vmem>> -> memref<64xi32, #tpu.memory_space<vmem>>
      %dma_start3A_407 = arith.constant 0 : i32
      %dma_start3A_408 = arith.constant 0 : i32
      %dma_start3A_409 = tpu.memref_slice %arg9[%dma_start3A_407, %dma_start3A_408] : memref<10240x128xf32, #tpu.memory_space<vmem_shared>> -> memref<10240x128xf32, #tpu.memory_space<vmem_shared>>
      tpu.enqueue_indirect_dma source(%dma_start3A_403 : memref<64x128xf32, #tpu.memory_space<vmem>>) target(%dma_start3A_409 : memref<10240x128xf32, #tpu.memory_space<vmem_shared>>) offsets(%dma_start3A_406 : memref<64xi32, #tpu.memory_space<vmem>>) semaphore(%arg11 : memref<!tpu.dma_semaphore, #tpu.memory_space<semaphore_mem>>) {add = true}
      %dma_wait3A_410 = arith.constant 2 : i32
      %dma_wait3A_411 = arith.constant 1 : i32
      %dma_wait3A_412 = arith.constant 6 : i32
      %dma_wait3A_413 = arith.constant 0 : i32
      %dma_wait3A_414 = arith.constant 0 : i32
      %dma_wait3A_415 = tpu.memref_slice %arg8[%dma_wait3A_410, %dma_wait3A_413, %dma_wait3A_414] : memref<4x64x128xf32, #tpu.memory_space<vmem>> -> memref<1x64x128xf32, #tpu.memory_space<vmem>>
      %dma_wait3A_416 = tpu.memref_squeeze %dma_wait3A_415 : memref<1x64x128xf32, #tpu.memory_space<vmem>> -> memref<64x128xf32, #tpu.memory_space<vmem>>
      %dma_wait3A_417 = arith.constant 0 : i32
      %dma_wait3A_418 = tpu.memref_slice %arg7[%dma_wait3A_411, %dma_wait3A_412, %dma_wait3A_417] : memref<2x16x64xi32, #tpu.memory_space<vmem>> -> memref<1x1x64xi32, #tpu.memory_space<vmem>>
      %dma_wait3A_419 = tpu.memref_squeeze %dma_wait3A_418 : memref<1x1x64xi32, #tpu.memory_space<vmem>> -> memref<64xi32, #tpu.memory_space<vmem>>
      %dma_wait3A_420 = arith.constant 0 : i32
      %dma_wait3A_421 = arith.constant 0 : i32
      %dma_wait3A_422 = tpu.memref_slice %arg9[%dma_wait3A_420, %dma_wait3A_421] : memref<10240x128xf32, #tpu.memory_space<vmem_shared>> -> memref<10240x128xf32, #tpu.memory_space<vmem_shared>>
      tpu.wait_indirect_dma semaphore(%arg11 : memref<!tpu.dma_semaphore, #tpu.memory_space<semaphore_mem>>) src(%dma_wait3A_416 : memref<64x128xf32, #tpu.memory_space<vmem>>) dst(%dma_wait3A_422 : memref<10240x128xf32, #tpu.memory_space<vmem_shared>>)
      %dma_start3A_423 = arith.constant 0 : i32
      %dma_start3A_424 = arith.constant 10 : i32
      %dma_start3A_425 = arith.constant 2 : i32
      %dma_start3A_426 = arith.constant 0 : i32
      %dma_start3A_427 = arith.constant 0 : i32
      %dma_start3A_428 = tpu.memref_slice %arg8[%dma_start3A_425, %dma_start3A_426, %dma_start3A_427] : memref<4x64x128xf32, #tpu.memory_space<vmem>> -> memref<1x64x128xf32, #tpu.memory_space<vmem>>
      %dma_start3A_429 = tpu.memref_squeeze %dma_start3A_428 : memref<1x64x128xf32, #tpu.memory_space<vmem>> -> memref<64x128xf32, #tpu.memory_space<vmem>>
      %dma_start3A_430 = arith.constant 0 : i32
      %dma_start3A_431 = tpu.memref_slice %arg7[%dma_start3A_423, %dma_start3A_424, %dma_start3A_430] : memref<2x16x64xi32, #tpu.memory_space<vmem>> -> memref<1x1x64xi32, #tpu.memory_space<vmem>>
      %dma_start3A_432 = tpu.memref_squeeze %dma_start3A_431 : memref<1x1x64xi32, #tpu.memory_space<vmem>> -> memref<64xi32, #tpu.memory_space<vmem>>
      %dma_start3A_433 = arith.constant 0 : i32
      %dma_start3A_434 = arith.constant 0 : i32
      %dma_start3A_435 = tpu.memref_slice %arg2[%dma_start3A_433, %dma_start3A_434] : memref<10240x128xf32, #tpu.memory_space<hbm>> -> memref<10240x128xf32, #tpu.memory_space<hbm>>
      tpu.enqueue_indirect_dma source(%dma_start3A_435 : memref<10240x128xf32, #tpu.memory_space<hbm>>) target(%dma_start3A_429 : memref<64x128xf32, #tpu.memory_space<vmem>>) offsets(%dma_start3A_432 : memref<64xi32, #tpu.memory_space<vmem>>) semaphore(%arg10 : memref<!tpu.dma_semaphore, #tpu.memory_space<semaphore_mem>>)
      %dma_wait3A_436 = arith.constant 0 : i32
      %dma_wait3A_437 = arith.constant 7 : i32
      %dma_wait3A_438 = arith.constant 3 : i32
      %dma_wait3A_439 = arith.constant 0 : i32
      %dma_wait3A_440 = arith.constant 0 : i32
      %dma_wait3A_441 = tpu.memref_slice %arg8[%dma_wait3A_438, %dma_wait3A_439, %dma_wait3A_440] : memref<4x64x128xf32, #tpu.memory_space<vmem>> -> memref<1x64x128xf32, #tpu.memory_space<vmem>>
      %dma_wait3A_442 = tpu.memref_squeeze %dma_wait3A_441 : memref<1x64x128xf32, #tpu.memory_space<vmem>> -> memref<64x128xf32, #tpu.memory_space<vmem>>
      %dma_wait3A_443 = arith.constant 0 : i32
      %dma_wait3A_444 = tpu.memref_slice %arg7[%dma_wait3A_436, %dma_wait3A_437, %dma_wait3A_443] : memref<2x16x64xi32, #tpu.memory_space<vmem>> -> memref<1x1x64xi32, #tpu.memory_space<vmem>>
      %dma_wait3A_445 = tpu.memref_squeeze %dma_wait3A_444 : memref<1x1x64xi32, #tpu.memory_space<vmem>> -> memref<64xi32, #tpu.memory_space<vmem>>
      %dma_wait3A_446 = arith.constant 0 : i32
      %dma_wait3A_447 = arith.constant 0 : i32
      %dma_wait3A_448 = tpu.memref_slice %arg2[%dma_wait3A_446, %dma_wait3A_447] : memref<10240x128xf32, #tpu.memory_space<hbm>> -> memref<10240x128xf32, #tpu.memory_space<hbm>>
      tpu.wait_indirect_dma semaphore(%arg10 : memref<!tpu.dma_semaphore, #tpu.memory_space<semaphore_mem>>) src(%dma_wait3A_448 : memref<10240x128xf32, #tpu.memory_space<hbm>>) dst(%dma_wait3A_442 : memref<64x128xf32, #tpu.memory_space<vmem>>)
      %dma_start3A_449 = arith.constant 3 : i32
      %dma_start3A_450 = arith.constant 1 : i32
      %dma_start3A_451 = arith.constant 7 : i32
      %dma_start3A_452 = arith.constant 0 : i32
      %dma_start3A_453 = arith.constant 0 : i32
      %dma_start3A_454 = tpu.memref_slice %arg8[%dma_start3A_449, %dma_start3A_452, %dma_start3A_453] : memref<4x64x128xf32, #tpu.memory_space<vmem>> -> memref<1x64x128xf32, #tpu.memory_space<vmem>>
      %dma_start3A_455 = tpu.memref_squeeze %dma_start3A_454 : memref<1x64x128xf32, #tpu.memory_space<vmem>> -> memref<64x128xf32, #tpu.memory_space<vmem>>
      %dma_start3A_456 = arith.constant 0 : i32
      %dma_start3A_457 = tpu.memref_slice %arg7[%dma_start3A_450, %dma_start3A_451, %dma_start3A_456] : memref<2x16x64xi32, #tpu.memory_space<vmem>> -> memref<1x1x64xi32, #tpu.memory_space<vmem>>
      %dma_start3A_458 = tpu.memref_squeeze %dma_start3A_457 : memref<1x1x64xi32, #tpu.memory_space<vmem>> -> memref<64xi32, #tpu.memory_space<vmem>>
      %dma_start3A_459 = arith.constant 0 : i32
      %dma_start3A_460 = arith.constant 0 : i32
      %dma_start3A_461 = tpu.memref_slice %arg9[%dma_start3A_459, %dma_start3A_460] : memref<10240x128xf32, #tpu.memory_space<vmem_shared>> -> memref<10240x128xf32, #tpu.memory_space<vmem_shared>>
      tpu.enqueue_indirect_dma source(%dma_start3A_455 : memref<64x128xf32, #tpu.memory_space<vmem>>) target(%dma_start3A_461 : memref<10240x128xf32, #tpu.memory_space<vmem_shared>>) offsets(%dma_start3A_458 : memref<64xi32, #tpu.memory_space<vmem>>) semaphore(%arg11 : memref<!tpu.dma_semaphore, #tpu.memory_space<semaphore_mem>>) {add = true}
      %dma_wait3A_462 = arith.constant 3 : i32
      %dma_wait3A_463 = arith.constant 1 : i32
      %dma_wait3A_464 = arith.constant 7 : i32
      %dma_wait3A_465 = arith.constant 0 : i32
      %dma_wait3A_466 = arith.constant 0 : i32
      %dma_wait3A_467 = tpu.memref_slice %arg8[%dma_wait3A_462, %dma_wait3A_465, %dma_wait3A_466] : memref<4x64x128xf32, #tpu.memory_space<vmem>> -> memref<1x64x128xf32, #tpu.memory_space<vmem>>
      %dma_wait3A_468 = tpu.memref_squeeze %dma_wait3A_467 : memref<1x64x128xf32, #tpu.memory_space<vmem>> -> memref<64x128xf32, #tpu.memory_space<vmem>>
      %dma_wait3A_469 = arith.constant 0 : i32
      %dma_wait3A_470 = tpu.memref_slice %arg7[%dma_wait3A_463, %dma_wait3A_464, %dma_wait3A_469] : memref<2x16x64xi32, #tpu.memory_space<vmem>> -> memref<1x1x64xi32, #tpu.memory_space<vmem>>
      %dma_wait3A_471 = tpu.memref_squeeze %dma_wait3A_470 : memref<1x1x64xi32, #tpu.memory_space<vmem>> -> memref<64xi32, #tpu.memory_space<vmem>>
      %dma_wait3A_472 = arith.constant 0 : i32
      %dma_wait3A_473 = arith.constant 0 : i32
      %dma_wait3A_474 = tpu.memref_slice %arg9[%dma_wait3A_472, %dma_wait3A_473] : memref<10240x128xf32, #tpu.memory_space<vmem_shared>> -> memref<10240x128xf32, #tpu.memory_space<vmem_shared>>
      tpu.wait_indirect_dma semaphore(%arg11 : memref<!tpu.dma_semaphore, #tpu.memory_space<semaphore_mem>>) src(%dma_wait3A_468 : memref<64x128xf32, #tpu.memory_space<vmem>>) dst(%dma_wait3A_474 : memref<10240x128xf32, #tpu.memory_space<vmem_shared>>)
      %dma_start3A_475 = arith.constant 0 : i32
      %dma_start3A_476 = arith.constant 11 : i32
      %dma_start3A_477 = arith.constant 3 : i32
      %dma_start3A_478 = arith.constant 0 : i32
      %dma_start3A_479 = arith.constant 0 : i32
      %dma_start3A_480 = tpu.memref_slice %arg8[%dma_start3A_477, %dma_start3A_478, %dma_start3A_479] : memref<4x64x128xf32, #tpu.memory_space<vmem>> -> memref<1x64x128xf32, #tpu.memory_space<vmem>>
      %dma_start3A_481 = tpu.memref_squeeze %dma_start3A_480 : memref<1x64x128xf32, #tpu.memory_space<vmem>> -> memref<64x128xf32, #tpu.memory_space<vmem>>
      %dma_start3A_482 = arith.constant 0 : i32
      %dma_start3A_483 = tpu.memref_slice %arg7[%dma_start3A_475, %dma_start3A_476, %dma_start3A_482] : memref<2x16x64xi32, #tpu.memory_space<vmem>> -> memref<1x1x64xi32, #tpu.memory_space<vmem>>
      %dma_start3A_484 = tpu.memref_squeeze %dma_start3A_483 : memref<1x1x64xi32, #tpu.memory_space<vmem>> -> memref<64xi32, #tpu.memory_space<vmem>>
      %dma_start3A_485 = arith.constant 0 : i32
      %dma_start3A_486 = arith.constant 0 : i32
      %dma_start3A_487 = tpu.memref_slice %arg2[%dma_start3A_485, %dma_start3A_486] : memref<10240x128xf32, #tpu.memory_space<hbm>> -> memref<10240x128xf32, #tpu.memory_space<hbm>>
      tpu.enqueue_indirect_dma source(%dma_start3A_487 : memref<10240x128xf32, #tpu.memory_space<hbm>>) target(%dma_start3A_481 : memref<64x128xf32, #tpu.memory_space<vmem>>) offsets(%dma_start3A_484 : memref<64xi32, #tpu.memory_space<vmem>>) semaphore(%arg10 : memref<!tpu.dma_semaphore, #tpu.memory_space<semaphore_mem>>)
      %dma_wait3A_488 = arith.constant 0 : i32
      %dma_wait3A_489 = arith.constant 8 : i32
      %dma_wait3A_490 = arith.constant 0 : i32
      %dma_wait3A_491 = arith.constant 0 : i32
      %dma_wait3A_492 = arith.constant 0 : i32
      %dma_wait3A_493 = tpu.memref_slice %arg8[%dma_wait3A_490, %dma_wait3A_491, %dma_wait3A_492] : memref<4x64x128xf32, #tpu.memory_space<vmem>> -> memref<1x64x128xf32, #tpu.memory_space<vmem>>
      %dma_wait3A_494 = tpu.memref_squeeze %dma_wait3A_493 : memref<1x64x128xf32, #tpu.memory_space<vmem>> -> memref<64x128xf32, #tpu.memory_space<vmem>>
      %dma_wait3A_495 = arith.constant 0 : i32
      %dma_wait3A_496 = tpu.memref_slice %arg7[%dma_wait3A_488, %dma_wait3A_489, %dma_wait3A_495] : memref<2x16x64xi32, #tpu.memory_space<vmem>> -> memref<1x1x64xi32, #tpu.memory_space<vmem>>
      %dma_wait3A_497 = tpu.memref_squeeze %dma_wait3A_496 : memref<1x1x64xi32, #tpu.memory_space<vmem>> -> memref<64xi32, #tpu.memory_space<vmem>>
      %dma_wait3A_498 = arith.constant 0 : i32
      %dma_wait3A_499 = arith.constant 0 : i32
      %dma_wait3A_500 = tpu.memref_slice %arg2[%dma_wait3A_498, %dma_wait3A_499] : memref<10240x128xf32, #tpu.memory_space<hbm>> -> memref<10240x128xf32, #tpu.memory_space<hbm>>
      tpu.wait_indirect_dma semaphore(%arg10 : memref<!tpu.dma_semaphore, #tpu.memory_space<semaphore_mem>>) src(%dma_wait3A_500 : memref<10240x128xf32, #tpu.memory_space<hbm>>) dst(%dma_wait3A_494 : memref<64x128xf32, #tpu.memory_space<vmem>>)
      %dma_start3A_501 = arith.constant 0 : i32
      %dma_start3A_502 = arith.constant 1 : i32
      %dma_start3A_503 = arith.constant 8 : i32
      %dma_start3A_504 = arith.constant 0 : i32
      %dma_start3A_505 = arith.constant 0 : i32
      %dma_start3A_506 = tpu.memref_slice %arg8[%dma_start3A_501, %dma_start3A_504, %dma_start3A_505] : memref<4x64x128xf32, #tpu.memory_space<vmem>> -> memref<1x64x128xf32, #tpu.memory_space<vmem>>
      %dma_start3A_507 = tpu.memref_squeeze %dma_start3A_506 : memref<1x64x128xf32, #tpu.memory_space<vmem>> -> memref<64x128xf32, #tpu.memory_space<vmem>>
      %dma_start3A_508 = arith.constant 0 : i32
      %dma_start3A_509 = tpu.memref_slice %arg7[%dma_start3A_502, %dma_start3A_503, %dma_start3A_508] : memref<2x16x64xi32, #tpu.memory_space<vmem>> -> memref<1x1x64xi32, #tpu.memory_space<vmem>>
      %dma_start3A_510 = tpu.memref_squeeze %dma_start3A_509 : memref<1x1x64xi32, #tpu.memory_space<vmem>> -> memref<64xi32, #tpu.memory_space<vmem>>
      %dma_start3A_511 = arith.constant 0 : i32
      %dma_start3A_512 = arith.constant 0 : i32
      %dma_start3A_513 = tpu.memref_slice %arg9[%dma_start3A_511, %dma_start3A_512] : memref<10240x128xf32, #tpu.memory_space<vmem_shared>> -> memref<10240x128xf32, #tpu.memory_space<vmem_shared>>
      tpu.enqueue_indirect_dma source(%dma_start3A_507 : memref<64x128xf32, #tpu.memory_space<vmem>>) target(%dma_start3A_513 : memref<10240x128xf32, #tpu.memory_space<vmem_shared>>) offsets(%dma_start3A_510 : memref<64xi32, #tpu.memory_space<vmem>>) semaphore(%arg11 : memref<!tpu.dma_semaphore, #tpu.memory_space<semaphore_mem>>) {add = true}
      %dma_wait3A_514 = arith.constant 0 : i32
      %dma_wait3A_515 = arith.constant 1 : i32
      %dma_wait3A_516 = arith.constant 8 : i32
      %dma_wait3A_517 = arith.constant 0 : i32
      %dma_wait3A_518 = arith.constant 0 : i32
      %dma_wait3A_519 = tpu.memref_slice %arg8[%dma_wait3A_514, %dma_wait3A_517, %dma_wait3A_518] : memref<4x64x128xf32, #tpu.memory_space<vmem>> -> memref<1x64x128xf32, #tpu.memory_space<vmem>>
      %dma_wait3A_520 = tpu.memref_squeeze %dma_wait3A_519 : memref<1x64x128xf32, #tpu.memory_space<vmem>> -> memref<64x128xf32, #tpu.memory_space<vmem>>
      %dma_wait3A_521 = arith.constant 0 : i32
      %dma_wait3A_522 = tpu.memref_slice %arg7[%dma_wait3A_515, %dma_wait3A_516, %dma_wait3A_521] : memref<2x16x64xi32, #tpu.memory_space<vmem>> -> memref<1x1x64xi32, #tpu.memory_space<vmem>>
      %dma_wait3A_523 = tpu.memref_squeeze %dma_wait3A_522 : memref<1x1x64xi32, #tpu.memory_space<vmem>> -> memref<64xi32, #tpu.memory_space<vmem>>
      %dma_wait3A_524 = arith.constant 0 : i32
      %dma_wait3A_525 = arith.constant 0 : i32
      %dma_wait3A_526 = tpu.memref_slice %arg9[%dma_wait3A_524, %dma_wait3A_525] : memref<10240x128xf32, #tpu.memory_space<vmem_shared>> -> memref<10240x128xf32, #tpu.memory_space<vmem_shared>>
      tpu.wait_indirect_dma semaphore(%arg11 : memref<!tpu.dma_semaphore, #tpu.memory_space<semaphore_mem>>) src(%dma_wait3A_520 : memref<64x128xf32, #tpu.memory_space<vmem>>) dst(%dma_wait3A_526 : memref<10240x128xf32, #tpu.memory_space<vmem_shared>>)
      %dma_start3A_527 = arith.constant 0 : i32
      %dma_start3A_528 = arith.constant 12 : i32
      %dma_start3A_529 = arith.constant 0 : i32
      %dma_start3A_530 = arith.constant 0 : i32
      %dma_start3A_531 = arith.constant 0 : i32
      %dma_start3A_532 = tpu.memref_slice %arg8[%dma_start3A_529, %dma_start3A_530, %dma_start3A_531] : memref<4x64x128xf32, #tpu.memory_space<vmem>> -> memref<1x64x128xf32, #tpu.memory_space<vmem>>
      %dma_start3A_533 = tpu.memref_squeeze %dma_start3A_532 : memref<1x64x128xf32, #tpu.memory_space<vmem>> -> memref<64x128xf32, #tpu.memory_space<vmem>>
      %dma_start3A_534 = arith.constant 0 : i32
      %dma_start3A_535 = tpu.memref_slice %arg7[%dma_start3A_527, %dma_start3A_528, %dma_start3A_534] : memref<2x16x64xi32, #tpu.memory_space<vmem>> -> memref<1x1x64xi32, #tpu.memory_space<vmem>>
      %dma_start3A_536 = tpu.memref_squeeze %dma_start3A_535 : memref<1x1x64xi32, #tpu.memory_space<vmem>> -> memref<64xi32, #tpu.memory_space<vmem>>
      %dma_start3A_537 = arith.constant 0 : i32
      %dma_start3A_538 = arith.constant 0 : i32
      %dma_start3A_539 = tpu.memref_slice %arg2[%dma_start3A_537, %dma_start3A_538] : memref<10240x128xf32, #tpu.memory_space<hbm>> -> memref<10240x128xf32, #tpu.memory_space<hbm>>
      tpu.enqueue_indirect_dma source(%dma_start3A_539 : memref<10240x128xf32, #tpu.memory_space<hbm>>) target(%dma_start3A_533 : memref<64x128xf32, #tpu.memory_space<vmem>>) offsets(%dma_start3A_536 : memref<64xi32, #tpu.memory_space<vmem>>) semaphore(%arg10 : memref<!tpu.dma_semaphore, #tpu.memory_space<semaphore_mem>>)
      %dma_wait3A_540 = arith.constant 0 : i32
      %dma_wait3A_541 = arith.constant 9 : i32
      %dma_wait3A_542 = arith.constant 1 : i32
      %dma_wait3A_543 = arith.constant 0 : i32
      %dma_wait3A_544 = arith.constant 0 : i32
      %dma_wait3A_545 = tpu.memref_slice %arg8[%dma_wait3A_542, %dma_wait3A_543, %dma_wait3A_544] : memref<4x64x128xf32, #tpu.memory_space<vmem>> -> memref<1x64x128xf32, #tpu.memory_space<vmem>>
      %dma_wait3A_546 = tpu.memref_squeeze %dma_wait3A_545 : memref<1x64x128xf32, #tpu.memory_space<vmem>> -> memref<64x128xf32, #tpu.memory_space<vmem>>
      %dma_wait3A_547 = arith.constant 0 : i32
      %dma_wait3A_548 = tpu.memref_slice %arg7[%dma_wait3A_540, %dma_wait3A_541, %dma_wait3A_547] : memref<2x16x64xi32, #tpu.memory_space<vmem>> -> memref<1x1x64xi32, #tpu.memory_space<vmem>>
      %dma_wait3A_549 = tpu.memref_squeeze %dma_wait3A_548 : memref<1x1x64xi32, #tpu.memory_space<vmem>> -> memref<64xi32, #tpu.memory_space<vmem>>
      %dma_wait3A_550 = arith.constant 0 : i32
      %dma_wait3A_551 = arith.constant 0 : i32
      %dma_wait3A_552 = tpu.memref_slice %arg2[%dma_wait3A_550, %dma_wait3A_551] : memref<10240x128xf32, #tpu.memory_space<hbm>> -> memref<10240x128xf32, #tpu.memory_space<hbm>>
      tpu.wait_indirect_dma semaphore(%arg10 : memref<!tpu.dma_semaphore, #tpu.memory_space<semaphore_mem>>) src(%dma_wait3A_552 : memref<10240x128xf32, #tpu.memory_space<hbm>>) dst(%dma_wait3A_546 : memref<64x128xf32, #tpu.memory_space<vmem>>)
      %dma_start3A_553 = arith.constant 1 : i32
      %dma_start3A_554 = arith.constant 1 : i32
      %dma_start3A_555 = arith.constant 9 : i32
      %dma_start3A_556 = arith.constant 0 : i32
      %dma_start3A_557 = arith.constant 0 : i32
      %dma_start3A_558 = tpu.memref_slice %arg8[%dma_start3A_553, %dma_start3A_556, %dma_start3A_557] : memref<4x64x128xf32, #tpu.memory_space<vmem>> -> memref<1x64x128xf32, #tpu.memory_space<vmem>>
      %dma_start3A_559 = tpu.memref_squeeze %dma_start3A_558 : memref<1x64x128xf32, #tpu.memory_space<vmem>> -> memref<64x128xf32, #tpu.memory_space<vmem>>
      %dma_start3A_560 = arith.constant 0 : i32
      %dma_start3A_561 = tpu.memref_slice %arg7[%dma_start3A_554, %dma_start3A_555, %dma_start3A_560] : memref<2x16x64xi32, #tpu.memory_space<vmem>> -> memref<1x1x64xi32, #tpu.memory_space<vmem>>
      %dma_start3A_562 = tpu.memref_squeeze %dma_start3A_561 : memref<1x1x64xi32, #tpu.memory_space<vmem>> -> memref<64xi32, #tpu.memory_space<vmem>>
      %dma_start3A_563 = arith.constant 0 : i32
      %dma_start3A_564 = arith.constant 0 : i32
      %dma_start3A_565 = tpu.memref_slice %arg9[%dma_start3A_563, %dma_start3A_564] : memref<10240x128xf32, #tpu.memory_space<vmem_shared>> -> memref<10240x128xf32, #tpu.memory_space<vmem_shared>>
      tpu.enqueue_indirect_dma source(%dma_start3A_559 : memref<64x128xf32, #tpu.memory_space<vmem>>) target(%dma_start3A_565 : memref<10240x128xf32, #tpu.memory_space<vmem_shared>>) offsets(%dma_start3A_562 : memref<64xi32, #tpu.memory_space<vmem>>) semaphore(%arg11 : memref<!tpu.dma_semaphore, #tpu.memory_space<semaphore_mem>>) {add = true}
      %dma_wait3A_566 = arith.constant 1 : i32
      %dma_wait3A_567 = arith.constant 1 : i32
      %dma_wait3A_568 = arith.constant 9 : i32
      %dma_wait3A_569 = arith.constant 0 : i32
      %dma_wait3A_570 = arith.constant 0 : i32
      %dma_wait3A_571 = tpu.memref_slice %arg8[%dma_wait3A_566, %dma_wait3A_569, %dma_wait3A_570] : memref<4x64x128xf32, #tpu.memory_space<vmem>> -> memref<1x64x128xf32, #tpu.memory_space<vmem>>
      %dma_wait3A_572 = tpu.memref_squeeze %dma_wait3A_571 : memref<1x64x128xf32, #tpu.memory_space<vmem>> -> memref<64x128xf32, #tpu.memory_space<vmem>>
      %dma_wait3A_573 = arith.constant 0 : i32
      %dma_wait3A_574 = tpu.memref_slice %arg7[%dma_wait3A_567, %dma_wait3A_568, %dma_wait3A_573] : memref<2x16x64xi32, #tpu.memory_space<vmem>> -> memref<1x1x64xi32, #tpu.memory_space<vmem>>
      %dma_wait3A_575 = tpu.memref_squeeze %dma_wait3A_574 : memref<1x1x64xi32, #tpu.memory_space<vmem>> -> memref<64xi32, #tpu.memory_space<vmem>>
      %dma_wait3A_576 = arith.constant 0 : i32
      %dma_wait3A_577 = arith.constant 0 : i32
      %dma_wait3A_578 = tpu.memref_slice %arg9[%dma_wait3A_576, %dma_wait3A_577] : memref<10240x128xf32, #tpu.memory_space<vmem_shared>> -> memref<10240x128xf32, #tpu.memory_space<vmem_shared>>
      tpu.wait_indirect_dma semaphore(%arg11 : memref<!tpu.dma_semaphore, #tpu.memory_space<semaphore_mem>>) src(%dma_wait3A_572 : memref<64x128xf32, #tpu.memory_space<vmem>>) dst(%dma_wait3A_578 : memref<10240x128xf32, #tpu.memory_space<vmem_shared>>)
      %dma_start3A_579 = arith.constant 0 : i32
      %dma_start3A_580 = arith.constant 13 : i32
      %dma_start3A_581 = arith.constant 1 : i32
      %dma_start3A_582 = arith.constant 0 : i32
      %dma_start3A_583 = arith.constant 0 : i32
      %dma_start3A_584 = tpu.memref_slice %arg8[%dma_start3A_581, %dma_start3A_582, %dma_start3A_583] : memref<4x64x128xf32, #tpu.memory_space<vmem>> -> memref<1x64x128xf32, #tpu.memory_space<vmem>>
      %dma_start3A_585 = tpu.memref_squeeze %dma_start3A_584 : memref<1x64x128xf32, #tpu.memory_space<vmem>> -> memref<64x128xf32, #tpu.memory_space<vmem>>
      %dma_start3A_586 = arith.constant 0 : i32
      %dma_start3A_587 = tpu.memref_slice %arg7[%dma_start3A_579, %dma_start3A_580, %dma_start3A_586] : memref<2x16x64xi32, #tpu.memory_space<vmem>> -> memref<1x1x64xi32, #tpu.memory_space<vmem>>
      %dma_start3A_588 = tpu.memref_squeeze %dma_start3A_587 : memref<1x1x64xi32, #tpu.memory_space<vmem>> -> memref<64xi32, #tpu.memory_space<vmem>>
      %dma_start3A_589 = arith.constant 0 : i32
      %dma_start3A_590 = arith.constant 0 : i32
      %dma_start3A_591 = tpu.memref_slice %arg2[%dma_start3A_589, %dma_start3A_590] : memref<10240x128xf32, #tpu.memory_space<hbm>> -> memref<10240x128xf32, #tpu.memory_space<hbm>>
      tpu.enqueue_indirect_dma source(%dma_start3A_591 : memref<10240x128xf32, #tpu.memory_space<hbm>>) target(%dma_start3A_585 : memref<64x128xf32, #tpu.memory_space<vmem>>) offsets(%dma_start3A_588 : memref<64xi32, #tpu.memory_space<vmem>>) semaphore(%arg10 : memref<!tpu.dma_semaphore, #tpu.memory_space<semaphore_mem>>)
      %dma_wait3A_592 = arith.constant 0 : i32
      %dma_wait3A_593 = arith.constant 10 : i32
      %dma_wait3A_594 = arith.constant 2 : i32
      %dma_wait3A_595 = arith.constant 0 : i32
      %dma_wait3A_596 = arith.constant 0 : i32
      %dma_wait3A_597 = tpu.memref_slice %arg8[%dma_wait3A_594, %dma_wait3A_595, %dma_wait3A_596] : memref<4x64x128xf32, #tpu.memory_space<vmem>> -> memref<1x64x128xf32, #tpu.memory_space<vmem>>
      %dma_wait3A_598 = tpu.memref_squeeze %dma_wait3A_597 : memref<1x64x128xf32, #tpu.memory_space<vmem>> -> memref<64x128xf32, #tpu.memory_space<vmem>>
      %dma_wait3A_599 = arith.constant 0 : i32
      %dma_wait3A_600 = tpu.memref_slice %arg7[%dma_wait3A_592, %dma_wait3A_593, %dma_wait3A_599] : memref<2x16x64xi32, #tpu.memory_space<vmem>> -> memref<1x1x64xi32, #tpu.memory_space<vmem>>
      %dma_wait3A_601 = tpu.memref_squeeze %dma_wait3A_600 : memref<1x1x64xi32, #tpu.memory_space<vmem>> -> memref<64xi32, #tpu.memory_space<vmem>>
      %dma_wait3A_602 = arith.constant 0 : i32
      %dma_wait3A_603 = arith.constant 0 : i32
      %dma_wait3A_604 = tpu.memref_slice %arg2[%dma_wait3A_602, %dma_wait3A_603] : memref<10240x128xf32, #tpu.memory_space<hbm>> -> memref<10240x128xf32, #tpu.memory_space<hbm>>
      tpu.wait_indirect_dma semaphore(%arg10 : memref<!tpu.dma_semaphore, #tpu.memory_space<semaphore_mem>>) src(%dma_wait3A_604 : memref<10240x128xf32, #tpu.memory_space<hbm>>) dst(%dma_wait3A_598 : memref<64x128xf32, #tpu.memory_space<vmem>>)
      %dma_start3A_605 = arith.constant 2 : i32
      %dma_start3A_606 = arith.constant 1 : i32
      %dma_start3A_607 = arith.constant 10 : i32
      %dma_start3A_608 = arith.constant 0 : i32
      %dma_start3A_609 = arith.constant 0 : i32
      %dma_start3A_610 = tpu.memref_slice %arg8[%dma_start3A_605, %dma_start3A_608, %dma_start3A_609] : memref<4x64x128xf32, #tpu.memory_space<vmem>> -> memref<1x64x128xf32, #tpu.memory_space<vmem>>
      %dma_start3A_611 = tpu.memref_squeeze %dma_start3A_610 : memref<1x64x128xf32, #tpu.memory_space<vmem>> -> memref<64x128xf32, #tpu.memory_space<vmem>>
      %dma_start3A_612 = arith.constant 0 : i32
      %dma_start3A_613 = tpu.memref_slice %arg7[%dma_start3A_606, %dma_start3A_607, %dma_start3A_612] : memref<2x16x64xi32, #tpu.memory_space<vmem>> -> memref<1x1x64xi32, #tpu.memory_space<vmem>>
      %dma_start3A_614 = tpu.memref_squeeze %dma_start3A_613 : memref<1x1x64xi32, #tpu.memory_space<vmem>> -> memref<64xi32, #tpu.memory_space<vmem>>
      %dma_start3A_615 = arith.constant 0 : i32
      %dma_start3A_616 = arith.constant 0 : i32
      %dma_start3A_617 = tpu.memref_slice %arg9[%dma_start3A_615, %dma_start3A_616] : memref<10240x128xf32, #tpu.memory_space<vmem_shared>> -> memref<10240x128xf32, #tpu.memory_space<vmem_shared>>
      tpu.enqueue_indirect_dma source(%dma_start3A_611 : memref<64x128xf32, #tpu.memory_space<vmem>>) target(%dma_start3A_617 : memref<10240x128xf32, #tpu.memory_space<vmem_shared>>) offsets(%dma_start3A_614 : memref<64xi32, #tpu.memory_space<vmem>>) semaphore(%arg11 : memref<!tpu.dma_semaphore, #tpu.memory_space<semaphore_mem>>) {add = true}
      %dma_wait3A_618 = arith.constant 2 : i32
      %dma_wait3A_619 = arith.constant 1 : i32
      %dma_wait3A_620 = arith.constant 10 : i32
      %dma_wait3A_621 = arith.constant 0 : i32
      %dma_wait3A_622 = arith.constant 0 : i32
      %dma_wait3A_623 = tpu.memref_slice %arg8[%dma_wait3A_618, %dma_wait3A_621, %dma_wait3A_622] : memref<4x64x128xf32, #tpu.memory_space<vmem>> -> memref<1x64x128xf32, #tpu.memory_space<vmem>>
      %dma_wait3A_624 = tpu.memref_squeeze %dma_wait3A_623 : memref<1x64x128xf32, #tpu.memory_space<vmem>> -> memref<64x128xf32, #tpu.memory_space<vmem>>
      %dma_wait3A_625 = arith.constant 0 : i32
      %dma_wait3A_626 = tpu.memref_slice %arg7[%dma_wait3A_619, %dma_wait3A_620, %dma_wait3A_625] : memref<2x16x64xi32, #tpu.memory_space<vmem>> -> memref<1x1x64xi32, #tpu.memory_space<vmem>>
      %dma_wait3A_627 = tpu.memref_squeeze %dma_wait3A_626 : memref<1x1x64xi32, #tpu.memory_space<vmem>> -> memref<64xi32, #tpu.memory_space<vmem>>
      %dma_wait3A_628 = arith.constant 0 : i32
      %dma_wait3A_629 = arith.constant 0 : i32
      %dma_wait3A_630 = tpu.memref_slice %arg9[%dma_wait3A_628, %dma_wait3A_629] : memref<10240x128xf32, #tpu.memory_space<vmem_shared>> -> memref<10240x128xf32, #tpu.memory_space<vmem_shared>>
      tpu.wait_indirect_dma semaphore(%arg11 : memref<!tpu.dma_semaphore, #tpu.memory_space<semaphore_mem>>) src(%dma_wait3A_624 : memref<64x128xf32, #tpu.memory_space<vmem>>) dst(%dma_wait3A_630 : memref<10240x128xf32, #tpu.memory_space<vmem_shared>>)
      %dma_start3A_631 = arith.constant 0 : i32
      %dma_start3A_632 = arith.constant 14 : i32
      %dma_start3A_633 = arith.constant 2 : i32
      %dma_start3A_634 = arith.constant 0 : i32
      %dma_start3A_635 = arith.constant 0 : i32
      %dma_start3A_636 = tpu.memref_slice %arg8[%dma_start3A_633, %dma_start3A_634, %dma_start3A_635] : memref<4x64x128xf32, #tpu.memory_space<vmem>> -> memref<1x64x128xf32, #tpu.memory_space<vmem>>
      %dma_start3A_637 = tpu.memref_squeeze %dma_start3A_636 : memref<1x64x128xf32, #tpu.memory_space<vmem>> -> memref<64x128xf32, #tpu.memory_space<vmem>>
      %dma_start3A_638 = arith.constant 0 : i32
      %dma_start3A_639 = tpu.memref_slice %arg7[%dma_start3A_631, %dma_start3A_632, %dma_start3A_638] : memref<2x16x64xi32, #tpu.memory_space<vmem>> -> memref<1x1x64xi32, #tpu.memory_space<vmem>>
      %dma_start3A_640 = tpu.memref_squeeze %dma_start3A_639 : memref<1x1x64xi32, #tpu.memory_space<vmem>> -> memref<64xi32, #tpu.memory_space<vmem>>
      %dma_start3A_641 = arith.constant 0 : i32
      %dma_start3A_642 = arith.constant 0 : i32
      %dma_start3A_643 = tpu.memref_slice %arg2[%dma_start3A_641, %dma_start3A_642] : memref<10240x128xf32, #tpu.memory_space<hbm>> -> memref<10240x128xf32, #tpu.memory_space<hbm>>
      tpu.enqueue_indirect_dma source(%dma_start3A_643 : memref<10240x128xf32, #tpu.memory_space<hbm>>) target(%dma_start3A_637 : memref<64x128xf32, #tpu.memory_space<vmem>>) offsets(%dma_start3A_640 : memref<64xi32, #tpu.memory_space<vmem>>) semaphore(%arg10 : memref<!tpu.dma_semaphore, #tpu.memory_space<semaphore_mem>>)
      %dma_wait3A_644 = arith.constant 0 : i32
      %dma_wait3A_645 = arith.constant 11 : i32
      %dma_wait3A_646 = arith.constant 3 : i32
      %dma_wait3A_647 = arith.constant 0 : i32
      %dma_wait3A_648 = arith.constant 0 : i32
      %dma_wait3A_649 = tpu.memref_slice %arg8[%dma_wait3A_646, %dma_wait3A_647, %dma_wait3A_648] : memref<4x64x128xf32, #tpu.memory_space<vmem>> -> memref<1x64x128xf32, #tpu.memory_space<vmem>>
      %dma_wait3A_650 = tpu.memref_squeeze %dma_wait3A_649 : memref<1x64x128xf32, #tpu.memory_space<vmem>> -> memref<64x128xf32, #tpu.memory_space<vmem>>
      %dma_wait3A_651 = arith.constant 0 : i32
      %dma_wait3A_652 = tpu.memref_slice %arg7[%dma_wait3A_644, %dma_wait3A_645, %dma_wait3A_651] : memref<2x16x64xi32, #tpu.memory_space<vmem>> -> memref<1x1x64xi32, #tpu.memory_space<vmem>>
      %dma_wait3A_653 = tpu.memref_squeeze %dma_wait3A_652 : memref<1x1x64xi32, #tpu.memory_space<vmem>> -> memref<64xi32, #tpu.memory_space<vmem>>
      %dma_wait3A_654 = arith.constant 0 : i32
      %dma_wait3A_655 = arith.constant 0 : i32
      %dma_wait3A_656 = tpu.memref_slice %arg2[%dma_wait3A_654, %dma_wait3A_655] : memref<10240x128xf32, #tpu.memory_space<hbm>> -> memref<10240x128xf32, #tpu.memory_space<hbm>>
      tpu.wait_indirect_dma semaphore(%arg10 : memref<!tpu.dma_semaphore, #tpu.memory_space<semaphore_mem>>) src(%dma_wait3A_656 : memref<10240x128xf32, #tpu.memory_space<hbm>>) dst(%dma_wait3A_650 : memref<64x128xf32, #tpu.memory_space<vmem>>)
      %dma_start3A_657 = arith.constant 3 : i32
      %dma_start3A_658 = arith.constant 1 : i32
      %dma_start3A_659 = arith.constant 11 : i32
      %dma_start3A_660 = arith.constant 0 : i32
      %dma_start3A_661 = arith.constant 0 : i32
      %dma_start3A_662 = tpu.memref_slice %arg8[%dma_start3A_657, %dma_start3A_660, %dma_start3A_661] : memref<4x64x128xf32, #tpu.memory_space<vmem>> -> memref<1x64x128xf32, #tpu.memory_space<vmem>>
      %dma_start3A_663 = tpu.memref_squeeze %dma_start3A_662 : memref<1x64x128xf32, #tpu.memory_space<vmem>> -> memref<64x128xf32, #tpu.memory_space<vmem>>
      %dma_start3A_664 = arith.constant 0 : i32
      %dma_start3A_665 = tpu.memref_slice %arg7[%dma_start3A_658, %dma_start3A_659, %dma_start3A_664] : memref<2x16x64xi32, #tpu.memory_space<vmem>> -> memref<1x1x64xi32, #tpu.memory_space<vmem>>
      %dma_start3A_666 = tpu.memref_squeeze %dma_start3A_665 : memref<1x1x64xi32, #tpu.memory_space<vmem>> -> memref<64xi32, #tpu.memory_space<vmem>>
      %dma_start3A_667 = arith.constant 0 : i32
      %dma_start3A_668 = arith.constant 0 : i32
      %dma_start3A_669 = tpu.memref_slice %arg9[%dma_start3A_667, %dma_start3A_668] : memref<10240x128xf32, #tpu.memory_space<vmem_shared>> -> memref<10240x128xf32, #tpu.memory_space<vmem_shared>>
      tpu.enqueue_indirect_dma source(%dma_start3A_663 : memref<64x128xf32, #tpu.memory_space<vmem>>) target(%dma_start3A_669 : memref<10240x128xf32, #tpu.memory_space<vmem_shared>>) offsets(%dma_start3A_666 : memref<64xi32, #tpu.memory_space<vmem>>) semaphore(%arg11 : memref<!tpu.dma_semaphore, #tpu.memory_space<semaphore_mem>>) {add = true}
      %dma_wait3A_670 = arith.constant 3 : i32
      %dma_wait3A_671 = arith.constant 1 : i32
      %dma_wait3A_672 = arith.constant 11 : i32
      %dma_wait3A_673 = arith.constant 0 : i32
      %dma_wait3A_674 = arith.constant 0 : i32
      %dma_wait3A_675 = tpu.memref_slice %arg8[%dma_wait3A_670, %dma_wait3A_673, %dma_wait3A_674] : memref<4x64x128xf32, #tpu.memory_space<vmem>> -> memref<1x64x128xf32, #tpu.memory_space<vmem>>
      %dma_wait3A_676 = tpu.memref_squeeze %dma_wait3A_675 : memref<1x64x128xf32, #tpu.memory_space<vmem>> -> memref<64x128xf32, #tpu.memory_space<vmem>>
      %dma_wait3A_677 = arith.constant 0 : i32
      %dma_wait3A_678 = tpu.memref_slice %arg7[%dma_wait3A_671, %dma_wait3A_672, %dma_wait3A_677] : memref<2x16x64xi32, #tpu.memory_space<vmem>> -> memref<1x1x64xi32, #tpu.memory_space<vmem>>
      %dma_wait3A_679 = tpu.memref_squeeze %dma_wait3A_678 : memref<1x1x64xi32, #tpu.memory_space<vmem>> -> memref<64xi32, #tpu.memory_space<vmem>>
      %dma_wait3A_680 = arith.constant 0 : i32
      %dma_wait3A_681 = arith.constant 0 : i32
      %dma_wait3A_682 = tpu.memref_slice %arg9[%dma_wait3A_680, %dma_wait3A_681] : memref<10240x128xf32, #tpu.memory_space<vmem_shared>> -> memref<10240x128xf32, #tpu.memory_space<vmem_shared>>
      tpu.wait_indirect_dma semaphore(%arg11 : memref<!tpu.dma_semaphore, #tpu.memory_space<semaphore_mem>>) src(%dma_wait3A_676 : memref<64x128xf32, #tpu.memory_space<vmem>>) dst(%dma_wait3A_682 : memref<10240x128xf32, #tpu.memory_space<vmem_shared>>)
      %dma_start3A_683 = arith.constant 0 : i32
      %dma_start3A_684 = arith.constant 15 : i32
      %dma_start3A_685 = arith.constant 3 : i32
      %dma_start3A_686 = arith.constant 0 : i32
      %dma_start3A_687 = arith.constant 0 : i32
      %dma_start3A_688 = tpu.memref_slice %arg8[%dma_start3A_685, %dma_start3A_686, %dma_start3A_687] : memref<4x64x128xf32, #tpu.memory_space<vmem>> -> memref<1x64x128xf32, #tpu.memory_space<vmem>>
      %dma_start3A_689 = tpu.memref_squeeze %dma_start3A_688 : memref<1x64x128xf32, #tpu.memory_space<vmem>> -> memref<64x128xf32, #tpu.memory_space<vmem>>
      %dma_start3A_690 = arith.constant 0 : i32
      %dma_start3A_691 = tpu.memref_slice %arg7[%dma_start3A_683, %dma_start3A_684, %dma_start3A_690] : memref<2x16x64xi32, #tpu.memory_space<vmem>> -> memref<1x1x64xi32, #tpu.memory_space<vmem>>
      %dma_start3A_692 = tpu.memref_squeeze %dma_start3A_691 : memref<1x1x64xi32, #tpu.memory_space<vmem>> -> memref<64xi32, #tpu.memory_space<vmem>>
      %dma_start3A_693 = arith.constant 0 : i32
      %dma_start3A_694 = arith.constant 0 : i32
      %dma_start3A_695 = tpu.memref_slice %arg2[%dma_start3A_693, %dma_start3A_694] : memref<10240x128xf32, #tpu.memory_space<hbm>> -> memref<10240x128xf32, #tpu.memory_space<hbm>>
      tpu.enqueue_indirect_dma source(%dma_start3A_695 : memref<10240x128xf32, #tpu.memory_space<hbm>>) target(%dma_start3A_689 : memref<64x128xf32, #tpu.memory_space<vmem>>) offsets(%dma_start3A_692 : memref<64xi32, #tpu.memory_space<vmem>>) semaphore(%arg10 : memref<!tpu.dma_semaphore, #tpu.memory_space<semaphore_mem>>)
      %dma_wait3A_696 = arith.constant 0 : i32
      %dma_wait3A_697 = arith.constant 12 : i32
      %dma_wait3A_698 = arith.constant 0 : i32
      %dma_wait3A_699 = arith.constant 0 : i32
      %dma_wait3A_700 = arith.constant 0 : i32
      %dma_wait3A_701 = tpu.memref_slice %arg8[%dma_wait3A_698, %dma_wait3A_699, %dma_wait3A_700] : memref<4x64x128xf32, #tpu.memory_space<vmem>> -> memref<1x64x128xf32, #tpu.memory_space<vmem>>
      %dma_wait3A_702 = tpu.memref_squeeze %dma_wait3A_701 : memref<1x64x128xf32, #tpu.memory_space<vmem>> -> memref<64x128xf32, #tpu.memory_space<vmem>>
      %dma_wait3A_703 = arith.constant 0 : i32
      %dma_wait3A_704 = tpu.memref_slice %arg7[%dma_wait3A_696, %dma_wait3A_697, %dma_wait3A_703] : memref<2x16x64xi32, #tpu.memory_space<vmem>> -> memref<1x1x64xi32, #tpu.memory_space<vmem>>
      %dma_wait3A_705 = tpu.memref_squeeze %dma_wait3A_704 : memref<1x1x64xi32, #tpu.memory_space<vmem>> -> memref<64xi32, #tpu.memory_space<vmem>>
      %dma_wait3A_706 = arith.constant 0 : i32
      %dma_wait3A_707 = arith.constant 0 : i32
      %dma_wait3A_708 = tpu.memref_slice %arg2[%dma_wait3A_706, %dma_wait3A_707] : memref<10240x128xf32, #tpu.memory_space<hbm>> -> memref<10240x128xf32, #tpu.memory_space<hbm>>
      tpu.wait_indirect_dma semaphore(%arg10 : memref<!tpu.dma_semaphore, #tpu.memory_space<semaphore_mem>>) src(%dma_wait3A_708 : memref<10240x128xf32, #tpu.memory_space<hbm>>) dst(%dma_wait3A_702 : memref<64x128xf32, #tpu.memory_space<vmem>>)
      %dma_start3A_709 = arith.constant 0 : i32
      %dma_start3A_710 = arith.constant 1 : i32
      %dma_start3A_711 = arith.constant 12 : i32
      %dma_start3A_712 = arith.constant 0 : i32
      %dma_start3A_713 = arith.constant 0 : i32
      %dma_start3A_714 = tpu.memref_slice %arg8[%dma_start3A_709, %dma_start3A_712, %dma_start3A_713] : memref<4x64x128xf32, #tpu.memory_space<vmem>> -> memref<1x64x128xf32, #tpu.memory_space<vmem>>
      %dma_start3A_715 = tpu.memref_squeeze %dma_start3A_714 : memref<1x64x128xf32, #tpu.memory_space<vmem>> -> memref<64x128xf32, #tpu.memory_space<vmem>>
      %dma_start3A_716 = arith.constant 0 : i32
      %dma_start3A_717 = tpu.memref_slice %arg7[%dma_start3A_710, %dma_start3A_711, %dma_start3A_716] : memref<2x16x64xi32, #tpu.memory_space<vmem>> -> memref<1x1x64xi32, #tpu.memory_space<vmem>>
      %dma_start3A_718 = tpu.memref_squeeze %dma_start3A_717 : memref<1x1x64xi32, #tpu.memory_space<vmem>> -> memref<64xi32, #tpu.memory_space<vmem>>
      %dma_start3A_719 = arith.constant 0 : i32
      %dma_start3A_720 = arith.constant 0 : i32
      %dma_start3A_721 = tpu.memref_slice %arg9[%dma_start3A_719, %dma_start3A_720] : memref<10240x128xf32, #tpu.memory_space<vmem_shared>> -> memref<10240x128xf32, #tpu.memory_space<vmem_shared>>
      tpu.enqueue_indirect_dma source(%dma_start3A_715 : memref<64x128xf32, #tpu.memory_space<vmem>>) target(%dma_start3A_721 : memref<10240x128xf32, #tpu.memory_space<vmem_shared>>) offsets(%dma_start3A_718 : memref<64xi32, #tpu.memory_space<vmem>>) semaphore(%arg11 : memref<!tpu.dma_semaphore, #tpu.memory_space<semaphore_mem>>) {add = true}
      %dma_wait3A_722 = arith.constant 0 : i32
      %dma_wait3A_723 = arith.constant 13 : i32
      %dma_wait3A_724 = arith.constant 1 : i32
      %dma_wait3A_725 = arith.constant 0 : i32
      %dma_wait3A_726 = arith.constant 0 : i32
      %dma_wait3A_727 = tpu.memref_slice %arg8[%dma_wait3A_724, %dma_wait3A_725, %dma_wait3A_726] : memref<4x64x128xf32, #tpu.memory_space<vmem>> -> memref<1x64x128xf32, #tpu.memory_space<vmem>>
      %dma_wait3A_728 = tpu.memref_squeeze %dma_wait3A_727 : memref<1x64x128xf32, #tpu.memory_space<vmem>> -> memref<64x128xf32, #tpu.memory_space<vmem>>
      %dma_wait3A_729 = arith.constant 0 : i32
      %dma_wait3A_730 = tpu.memref_slice %arg7[%dma_wait3A_722, %dma_wait3A_723, %dma_wait3A_729] : memref<2x16x64xi32, #tpu.memory_space<vmem>> -> memref<1x1x64xi32, #tpu.memory_space<vmem>>
      %dma_wait3A_731 = tpu.memref_squeeze %dma_wait3A_730 : memref<1x1x64xi32, #tpu.memory_space<vmem>> -> memref<64xi32, #tpu.memory_space<vmem>>
      %dma_wait3A_732 = arith.constant 0 : i32
      %dma_wait3A_733 = arith.constant 0 : i32
      %dma_wait3A_734 = tpu.memref_slice %arg2[%dma_wait3A_732, %dma_wait3A_733] : memref<10240x128xf32, #tpu.memory_space<hbm>> -> memref<10240x128xf32, #tpu.memory_space<hbm>>
      tpu.wait_indirect_dma semaphore(%arg10 : memref<!tpu.dma_semaphore, #tpu.memory_space<semaphore_mem>>) src(%dma_wait3A_734 : memref<10240x128xf32, #tpu.memory_space<hbm>>) dst(%dma_wait3A_728 : memref<64x128xf32, #tpu.memory_space<vmem>>)
      %dma_start3A_735 = arith.constant 1 : i32
      %dma_start3A_736 = arith.constant 1 : i32
      %dma_start3A_737 = arith.constant 13 : i32
      %dma_start3A_738 = arith.constant 0 : i32
      %dma_start3A_739 = arith.constant 0 : i32
      %dma_start3A_740 = tpu.memref_slice %arg8[%dma_start3A_735, %dma_start3A_738, %dma_start3A_739] : memref<4x64x128xf32, #tpu.memory_space<vmem>> -> memref<1x64x128xf32, #tpu.memory_space<vmem>>
      %dma_start3A_741 = tpu.memref_squeeze %dma_start3A_740 : memref<1x64x128xf32, #tpu.memory_space<vmem>> -> memref<64x128xf32, #tpu.memory_space<vmem>>
      %dma_start3A_742 = arith.constant 0 : i32
      %dma_start3A_743 = tpu.memref_slice %arg7[%dma_start3A_736, %dma_start3A_737, %dma_start3A_742] : memref<2x16x64xi32, #tpu.memory_space<vmem>> -> memref<1x1x64xi32, #tpu.memory_space<vmem>>
      %dma_start3A_744 = tpu.memref_squeeze %dma_start3A_743 : memref<1x1x64xi32, #tpu.memory_space<vmem>> -> memref<64xi32, #tpu.memory_space<vmem>>
      %dma_start3A_745 = arith.constant 0 : i32
      %dma_start3A_746 = arith.constant 0 : i32
      %dma_start3A_747 = tpu.memref_slice %arg9[%dma_start3A_745, %dma_start3A_746] : memref<10240x128xf32, #tpu.memory_space<vmem_shared>> -> memref<10240x128xf32, #tpu.memory_space<vmem_shared>>
      tpu.enqueue_indirect_dma source(%dma_start3A_741 : memref<64x128xf32, #tpu.memory_space<vmem>>) target(%dma_start3A_747 : memref<10240x128xf32, #tpu.memory_space<vmem_shared>>) offsets(%dma_start3A_744 : memref<64xi32, #tpu.memory_space<vmem>>) semaphore(%arg11 : memref<!tpu.dma_semaphore, #tpu.memory_space<semaphore_mem>>) {add = true}
      %dma_wait3A_748 = arith.constant 0 : i32
      %dma_wait3A_749 = arith.constant 14 : i32
      %dma_wait3A_750 = arith.constant 2 : i32
      %dma_wait3A_751 = arith.constant 0 : i32
      %dma_wait3A_752 = arith.constant 0 : i32
      %dma_wait3A_753 = tpu.memref_slice %arg8[%dma_wait3A_750, %dma_wait3A_751, %dma_wait3A_752] : memref<4x64x128xf32, #tpu.memory_space<vmem>> -> memref<1x64x128xf32, #tpu.memory_space<vmem>>
      %dma_wait3A_754 = tpu.memref_squeeze %dma_wait3A_753 : memref<1x64x128xf32, #tpu.memory_space<vmem>> -> memref<64x128xf32, #tpu.memory_space<vmem>>
      %dma_wait3A_755 = arith.constant 0 : i32
      %dma_wait3A_756 = tpu.memref_slice %arg7[%dma_wait3A_748, %dma_wait3A_749, %dma_wait3A_755] : memref<2x16x64xi32, #tpu.memory_space<vmem>> -> memref<1x1x64xi32, #tpu.memory_space<vmem>>
      %dma_wait3A_757 = tpu.memref_squeeze %dma_wait3A_756 : memref<1x1x64xi32, #tpu.memory_space<vmem>> -> memref<64xi32, #tpu.memory_space<vmem>>
      %dma_wait3A_758 = arith.constant 0 : i32
      %dma_wait3A_759 = arith.constant 0 : i32
      %dma_wait3A_760 = tpu.memref_slice %arg2[%dma_wait3A_758, %dma_wait3A_759] : memref<10240x128xf32, #tpu.memory_space<hbm>> -> memref<10240x128xf32, #tpu.memory_space<hbm>>
      tpu.wait_indirect_dma semaphore(%arg10 : memref<!tpu.dma_semaphore, #tpu.memory_space<semaphore_mem>>) src(%dma_wait3A_760 : memref<10240x128xf32, #tpu.memory_space<hbm>>) dst(%dma_wait3A_754 : memref<64x128xf32, #tpu.memory_space<vmem>>)
      %dma_start3A_761 = arith.constant 2 : i32
      %dma_start3A_762 = arith.constant 1 : i32
      %dma_start3A_763 = arith.constant 14 : i32
      %dma_start3A_764 = arith.constant 0 : i32
      %dma_start3A_765 = arith.constant 0 : i32
      %dma_start3A_766 = tpu.memref_slice %arg8[%dma_start3A_761, %dma_start3A_764, %dma_start3A_765] : memref<4x64x128xf32, #tpu.memory_space<vmem>> -> memref<1x64x128xf32, #tpu.memory_space<vmem>>
      %dma_start3A_767 = tpu.memref_squeeze %dma_start3A_766 : memref<1x64x128xf32, #tpu.memory_space<vmem>> -> memref<64x128xf32, #tpu.memory_space<vmem>>
      %dma_start3A_768 = arith.constant 0 : i32
      %dma_start3A_769 = tpu.memref_slice %arg7[%dma_start3A_762, %dma_start3A_763, %dma_start3A_768] : memref<2x16x64xi32, #tpu.memory_space<vmem>> -> memref<1x1x64xi32, #tpu.memory_space<vmem>>
      %dma_start3A_770 = tpu.memref_squeeze %dma_start3A_769 : memref<1x1x64xi32, #tpu.memory_space<vmem>> -> memref<64xi32, #tpu.memory_space<vmem>>
      %dma_start3A_771 = arith.constant 0 : i32
      %dma_start3A_772 = arith.constant 0 : i32
      %dma_start3A_773 = tpu.memref_slice %arg9[%dma_start3A_771, %dma_start3A_772] : memref<10240x128xf32, #tpu.memory_space<vmem_shared>> -> memref<10240x128xf32, #tpu.memory_space<vmem_shared>>
      tpu.enqueue_indirect_dma source(%dma_start3A_767 : memref<64x128xf32, #tpu.memory_space<vmem>>) target(%dma_start3A_773 : memref<10240x128xf32, #tpu.memory_space<vmem_shared>>) offsets(%dma_start3A_770 : memref<64xi32, #tpu.memory_space<vmem>>) semaphore(%arg11 : memref<!tpu.dma_semaphore, #tpu.memory_space<semaphore_mem>>) {add = true}
      %dma_wait3A_774 = arith.constant 0 : i32
      %dma_wait3A_775 = arith.constant 15 : i32
      %dma_wait3A_776 = arith.constant 3 : i32
      %dma_wait3A_777 = arith.constant 0 : i32
      %dma_wait3A_778 = arith.constant 0 : i32
      %dma_wait3A_779 = tpu.memref_slice %arg8[%dma_wait3A_776, %dma_wait3A_777, %dma_wait3A_778] : memref<4x64x128xf32, #tpu.memory_space<vmem>> -> memref<1x64x128xf32, #tpu.memory_space<vmem>>
      %dma_wait3A_780 = tpu.memref_squeeze %dma_wait3A_779 : memref<1x64x128xf32, #tpu.memory_space<vmem>> -> memref<64x128xf32, #tpu.memory_space<vmem>>
      %dma_wait3A_781 = arith.constant 0 : i32
      %dma_wait3A_782 = tpu.memref_slice %arg7[%dma_wait3A_774, %dma_wait3A_775, %dma_wait3A_781] : memref<2x16x64xi32, #tpu.memory_space<vmem>> -> memref<1x1x64xi32, #tpu.memory_space<vmem>>
      %dma_wait3A_783 = tpu.memref_squeeze %dma_wait3A_782 : memref<1x1x64xi32, #tpu.memory_space<vmem>> -> memref<64xi32, #tpu.memory_space<vmem>>
      %dma_wait3A_784 = arith.constant 0 : i32
      %dma_wait3A_785 = arith.constant 0 : i32
      %dma_wait3A_786 = tpu.memref_slice %arg2[%dma_wait3A_784, %dma_wait3A_785] : memref<10240x128xf32, #tpu.memory_space<hbm>> -> memref<10240x128xf32, #tpu.memory_space<hbm>>
      tpu.wait_indirect_dma semaphore(%arg10 : memref<!tpu.dma_semaphore, #tpu.memory_space<semaphore_mem>>) src(%dma_wait3A_786 : memref<10240x128xf32, #tpu.memory_space<hbm>>) dst(%dma_wait3A_780 : memref<64x128xf32, #tpu.memory_space<vmem>>)
      %dma_start3A_787 = arith.constant 3 : i32
      %dma_start3A_788 = arith.constant 1 : i32
      %dma_start3A_789 = arith.constant 15 : i32
      %dma_start3A_790 = arith.constant 0 : i32
      %dma_start3A_791 = arith.constant 0 : i32
      %dma_start3A_792 = tpu.memref_slice %arg8[%dma_start3A_787, %dma_start3A_790, %dma_start3A_791] : memref<4x64x128xf32, #tpu.memory_space<vmem>> -> memref<1x64x128xf32, #tpu.memory_space<vmem>>
      %dma_start3A_793 = tpu.memref_squeeze %dma_start3A_792 : memref<1x64x128xf32, #tpu.memory_space<vmem>> -> memref<64x128xf32, #tpu.memory_space<vmem>>
      %dma_start3A_794 = arith.constant 0 : i32
      %dma_start3A_795 = tpu.memref_slice %arg7[%dma_start3A_788, %dma_start3A_789, %dma_start3A_794] : memref<2x16x64xi32, #tpu.memory_space<vmem>> -> memref<1x1x64xi32, #tpu.memory_space<vmem>>
      %dma_start3A_796 = tpu.memref_squeeze %dma_start3A_795 : memref<1x1x64xi32, #tpu.memory_space<vmem>> -> memref<64xi32, #tpu.memory_space<vmem>>
      %dma_start3A_797 = arith.constant 0 : i32
      %dma_start3A_798 = arith.constant 0 : i32
      %dma_start3A_799 = tpu.memref_slice %arg9[%dma_start3A_797, %dma_start3A_798] : memref<10240x128xf32, #tpu.memory_space<vmem_shared>> -> memref<10240x128xf32, #tpu.memory_space<vmem_shared>>
      tpu.enqueue_indirect_dma source(%dma_start3A_793 : memref<64x128xf32, #tpu.memory_space<vmem>>) target(%dma_start3A_799 : memref<10240x128xf32, #tpu.memory_space<vmem_shared>>) offsets(%dma_start3A_796 : memref<64xi32, #tpu.memory_space<vmem>>) semaphore(%arg11 : memref<!tpu.dma_semaphore, #tpu.memory_space<semaphore_mem>>) {add = true}
      %dma_wait3A_800 = arith.constant 0 : i32
      %dma_wait3A_801 = arith.constant 1 : i32
      %dma_wait3A_802 = arith.constant 12 : i32
      %dma_wait3A_803 = arith.constant 0 : i32
      %dma_wait3A_804 = arith.constant 0 : i32
      %dma_wait3A_805 = tpu.memref_slice %arg8[%dma_wait3A_800, %dma_wait3A_803, %dma_wait3A_804] : memref<4x64x128xf32, #tpu.memory_space<vmem>> -> memref<1x64x128xf32, #tpu.memory_space<vmem>>
      %dma_wait3A_806 = tpu.memref_squeeze %dma_wait3A_805 : memref<1x64x128xf32, #tpu.memory_space<vmem>> -> memref<64x128xf32, #tpu.memory_space<vmem>>
      %dma_wait3A_807 = arith.constant 0 : i32
      %dma_wait3A_808 = tpu.memref_slice %arg7[%dma_wait3A_801, %dma_wait3A_802, %dma_wait3A_807] : memref<2x16x64xi32, #tpu.memory_space<vmem>> -> memref<1x1x64xi32, #tpu.memory_space<vmem>>
      %dma_wait3A_809 = tpu.memref_squeeze %dma_wait3A_808 : memref<1x1x64xi32, #tpu.memory_space<vmem>> -> memref<64xi32, #tpu.memory_space<vmem>>
      %dma_wait3A_810 = arith.constant 0 : i32
      %dma_wait3A_811 = arith.constant 0 : i32
      %dma_wait3A_812 = tpu.memref_slice %arg9[%dma_wait3A_810, %dma_wait3A_811] : memref<10240x128xf32, #tpu.memory_space<vmem_shared>> -> memref<10240x128xf32, #tpu.memory_space<vmem_shared>>
      tpu.wait_indirect_dma semaphore(%arg11 : memref<!tpu.dma_semaphore, #tpu.memory_space<semaphore_mem>>) src(%dma_wait3A_806 : memref<64x128xf32, #tpu.memory_space<vmem>>) dst(%dma_wait3A_812 : memref<10240x128xf32, #tpu.memory_space<vmem_shared>>)
      %dma_wait3A_813 = arith.constant 1 : i32
      %dma_wait3A_814 = arith.constant 1 : i32
      %dma_wait3A_815 = arith.constant 13 : i32
      %dma_wait3A_816 = arith.constant 0 : i32
      %dma_wait3A_817 = arith.constant 0 : i32
      %dma_wait3A_818 = tpu.memref_slice %arg8[%dma_wait3A_813, %dma_wait3A_816, %dma_wait3A_817] : memref<4x64x128xf32, #tpu.memory_space<vmem>> -> memref<1x64x128xf32, #tpu.memory_space<vmem>>
      %dma_wait3A_819 = tpu.memref_squeeze %dma_wait3A_818 : memref<1x64x128xf32, #tpu.memory_space<vmem>> -> memref<64x128xf32, #tpu.memory_space<vmem>>
      %dma_wait3A_820 = arith.constant 0 : i32
      %dma_wait3A_821 = tpu.memref_slice %arg7[%dma_wait3A_814, %dma_wait3A_815, %dma_wait3A_820] : memref<2x16x64xi32, #tpu.memory_space<vmem>> -> memref<1x1x64xi32, #tpu.memory_space<vmem>>
      %dma_wait3A_822 = tpu.memref_squeeze %dma_wait3A_821 : memref<1x1x64xi32, #tpu.memory_space<vmem>> -> memref<64xi32, #tpu.memory_space<vmem>>
      %dma_wait3A_823 = arith.constant 0 : i32
      %dma_wait3A_824 = arith.constant 0 : i32
      %dma_wait3A_825 = tpu.memref_slice %arg9[%dma_wait3A_823, %dma_wait3A_824] : memref<10240x128xf32, #tpu.memory_space<vmem_shared>> -> memref<10240x128xf32, #tpu.memory_space<vmem_shared>>
      tpu.wait_indirect_dma semaphore(%arg11 : memref<!tpu.dma_semaphore, #tpu.memory_space<semaphore_mem>>) src(%dma_wait3A_819 : memref<64x128xf32, #tpu.memory_space<vmem>>) dst(%dma_wait3A_825 : memref<10240x128xf32, #tpu.memory_space<vmem_shared>>)
      %dma_wait3A_826 = arith.constant 2 : i32
      %dma_wait3A_827 = arith.constant 1 : i32
      %dma_wait3A_828 = arith.constant 14 : i32
      %dma_wait3A_829 = arith.constant 0 : i32
      %dma_wait3A_830 = arith.constant 0 : i32
      %dma_wait3A_831 = tpu.memref_slice %arg8[%dma_wait3A_826, %dma_wait3A_829, %dma_wait3A_830] : memref<4x64x128xf32, #tpu.memory_space<vmem>> -> memref<1x64x128xf32, #tpu.memory_space<vmem>>
      %dma_wait3A_832 = tpu.memref_squeeze %dma_wait3A_831 : memref<1x64x128xf32, #tpu.memory_space<vmem>> -> memref<64x128xf32, #tpu.memory_space<vmem>>
      %dma_wait3A_833 = arith.constant 0 : i32
      %dma_wait3A_834 = tpu.memref_slice %arg7[%dma_wait3A_827, %dma_wait3A_828, %dma_wait3A_833] : memref<2x16x64xi32, #tpu.memory_space<vmem>> -> memref<1x1x64xi32, #tpu.memory_space<vmem>>
      %dma_wait3A_835 = tpu.memref_squeeze %dma_wait3A_834 : memref<1x1x64xi32, #tpu.memory_space<vmem>> -> memref<64xi32, #tpu.memory_space<vmem>>
      %dma_wait3A_836 = arith.constant 0 : i32
      %dma_wait3A_837 = arith.constant 0 : i32
      %dma_wait3A_838 = tpu.memref_slice %arg9[%dma_wait3A_836, %dma_wait3A_837] : memref<10240x128xf32, #tpu.memory_space<vmem_shared>> -> memref<10240x128xf32, #tpu.memory_space<vmem_shared>>
      tpu.wait_indirect_dma semaphore(%arg11 : memref<!tpu.dma_semaphore, #tpu.memory_space<semaphore_mem>>) src(%dma_wait3A_832 : memref<64x128xf32, #tpu.memory_space<vmem>>) dst(%dma_wait3A_838 : memref<10240x128xf32, #tpu.memory_space<vmem_shared>>)
      %dma_wait3A_839 = arith.constant 3 : i32
      %dma_wait3A_840 = arith.constant 1 : i32
      %dma_wait3A_841 = arith.constant 15 : i32
      %dma_wait3A_842 = arith.constant 0 : i32
      %dma_wait3A_843 = arith.constant 0 : i32
      %dma_wait3A_844 = tpu.memref_slice %arg8[%dma_wait3A_839, %dma_wait3A_842, %dma_wait3A_843] : memref<4x64x128xf32, #tpu.memory_space<vmem>> -> memref<1x64x128xf32, #tpu.memory_space<vmem>>
      %dma_wait3A_845 = tpu.memref_squeeze %dma_wait3A_844 : memref<1x64x128xf32, #tpu.memory_space<vmem>> -> memref<64x128xf32, #tpu.memory_space<vmem>>
      %dma_wait3A_846 = arith.constant 0 : i32
      %dma_wait3A_847 = tpu.memref_slice %arg7[%dma_wait3A_840, %dma_wait3A_841, %dma_wait3A_846] : memref<2x16x64xi32, #tpu.memory_space<vmem>> -> memref<1x1x64xi32, #tpu.memory_space<vmem>>
      %dma_wait3A_848 = tpu.memref_squeeze %dma_wait3A_847 : memref<1x1x64xi32, #tpu.memory_space<vmem>> -> memref<64xi32, #tpu.memory_space<vmem>>
      %dma_wait3A_849 = arith.constant 0 : i32
      %dma_wait3A_850 = arith.constant 0 : i32
      %dma_wait3A_851 = tpu.memref_slice %arg9[%dma_wait3A_849, %dma_wait3A_850] : memref<10240x128xf32, #tpu.memory_space<vmem_shared>> -> memref<10240x128xf32, #tpu.memory_space<vmem_shared>>
      tpu.wait_indirect_dma semaphore(%arg11 : memref<!tpu.dma_semaphore, #tpu.memory_space<semaphore_mem>>) src(%dma_wait3A_845 : memref<64x128xf32, #tpu.memory_space<vmem>>) dst(%dma_wait3A_851 : memref<10240x128xf32, #tpu.memory_space<vmem_shared>>)
    }
    %scan3A_9 = arith.constant 10 : i32
    %barrier3A_10 = arith.constant 0 : index
    tpu.barrier barrier_id(%barrier3A_10)
    %mul3A_11 = arith.constant 640 : i32
    %mul3A_12 = arith.muli %arg1, %mul3A_11 : i32
    %mul3A_13 = arith.constant 640 : i32
    %mul3A_14 = arith.muli %arg1, %mul3A_13 : i32
    "tpu.region"() ({
      %run_scoped3A = tpu.sem_alloc : memref<!tpu.dma_semaphore, #tpu.memory_space<semaphore_mem>>
      %dma_start3A = arith.constant 0 : i32
      %dma_start3A_15 = arith.constant 0 : i32
      %dma_start3A_16 = tpu.memref_slice %arg6[%arg0, %dma_start3A, %dma_start3A_15] : memref<2x10240x128xf32, #tpu.memory_space<hbm>> -> memref<1x10240x128xf32, #tpu.memory_space<hbm>>
      %dma_start3A_17 = tpu.memref_squeeze %dma_start3A_16 : memref<1x10240x128xf32, #tpu.memory_space<hbm>> -> memref<10240x128xf32, #tpu.memory_space<hbm>>
      %dma_start3A_18 = arith.constant 0 : i32
      %dma_start3A_19 = tpu.memref_slice %dma_start3A_17[%mul3A_14, %dma_start3A_18] : memref<10240x128xf32, #tpu.memory_space<hbm>> -> memref<640x128xf32, #tpu.memory_space<hbm>>
      %dma_start3A_20 = arith.constant 0 : i32
      %dma_start3A_21 = tpu.memref_slice %arg9[%mul3A_12, %dma_start3A_20] : memref<10240x128xf32, #tpu.memory_space<vmem_shared>> -> memref<640x128xf32, #tpu.memory_space<vmem_shared>>
      tpu.enqueue_dma source(%dma_start3A_21 : memref<640x128xf32, #tpu.memory_space<vmem_shared>>) target(%dma_start3A_19 : memref<640x128xf32, #tpu.memory_space<hbm>>) target_semaphore(%run_scoped3A : memref<!tpu.dma_semaphore, #tpu.memory_space<semaphore_mem>>)
      %dma_wait3A = arith.constant 0 : i32
      %dma_wait3A_22 = arith.constant 0 : i32
      %dma_wait3A_23 = tpu.memref_slice %arg6[%arg0, %dma_wait3A, %dma_wait3A_22] : memref<2x10240x128xf32, #tpu.memory_space<hbm>> -> memref<1x10240x128xf32, #tpu.memory_space<hbm>>
      %dma_wait3A_24 = tpu.memref_squeeze %dma_wait3A_23 : memref<1x10240x128xf32, #tpu.memory_space<hbm>> -> memref<10240x128xf32, #tpu.memory_space<hbm>>
      %dma_wait3A_25 = arith.constant 0 : i32
      %dma_wait3A_26 = tpu.memref_slice %dma_wait3A_24[%mul3A_14, %dma_wait3A_25] : memref<10240x128xf32, #tpu.memory_space<hbm>> -> memref<640x128xf32, #tpu.memory_space<hbm>>
      %dma_wait3A_27 = arith.constant 0 : i32
      %dma_wait3A_28 = tpu.memref_slice %arg9[%mul3A_12, %dma_wait3A_27] : memref<10240x128xf32, #tpu.memory_space<vmem_shared>> -> memref<640x128xf32, #tpu.memory_space<vmem_shared>>
      tpu.wait_dma2 semaphore(%run_scoped3A : memref<!tpu.dma_semaphore, #tpu.memory_space<semaphore_mem>>) src(%dma_wait3A_28 : memref<640x128xf32, #tpu.memory_space<vmem_shared>>) dst(%dma_wait3A_26 : memref<640x128xf32, #tpu.memory_space<hbm>>)
      tpu.yield
    }) : () -> ()
    return
  }
}

#map = affine_map<(d0, d1) -> (0, 0)>
#map1 = affine_map<(d0, d1) -> (0, 0, 0)>
module attributes {stable_mosaic.version = 14 : i64} {
  func.func @_sc_mp(%arg0: i32, %arg1: i32, %arg2: memref<10240x128xf32, #tpu.memory_space<hbm>>, %arg3: memref<5120x64xi32, #tpu.memory_space<hbm>>, %arg4: memref<5120x64xi32, #tpu.memory_space<hbm>>, %arg5: memref<10240x128xf32, #tpu.memory_space<hbm>>, %arg6: memref<2x10240x128xf32, #tpu.memory_space<hbm>>, %arg7: memref<2x16x64xi32, #tpu.memory_space<vmem>>, %arg8: memref<4x64x128xf32, #tpu.memory_space<vmem>>, %arg9: memref<10240x128xf32, #tpu.memory_space<vmem_shared>>, %arg10: memref<!tpu.dma_semaphore, #tpu.memory_space<semaphore_mem>>, %arg11: memref<!tpu.dma_semaphore, #tpu.memory_space<semaphore_mem>>) attributes {dimension_semantics = [#tpu.dimension_semantics<core_parallel>, #tpu.dimension_semantics<subcore_parallel>], iteration_bounds = array<i64: 2, 16>, scalar_prefetch = 0 : i64, scratch_operands = 5 : i64, tpu.core_type = #tpu.core_type<sc_vector_subcore>, window_params = [{transform_indices = #map}, {transform_indices = #map}, {transform_indices = #map}, {transform_indices = #map}, {transform_indices = #map1}]} {
    %mul3A = arith.constant 16 : i32
    %mul3A_0 = arith.muli %arg0, %mul3A : i32
    %add3A = arith.addi %mul3A_0, %arg1 : i32
    %mul3A_1 = arith.constant 640 : i32
    %mul3A_2 = arith.muli %arg1, %mul3A_1 : i32
    %mul3A_3 = arith.constant 640 : i32
    %mul3A_4 = arith.muli %arg1, %mul3A_3 : i32
    "tpu.region"() ({
      %run_scoped3A = tpu.sem_alloc : memref<!tpu.dma_semaphore, #tpu.memory_space<semaphore_mem>>
      %dma_start3A = arith.constant 0 : i32
      %dma_start3A_15 = tpu.memref_slice %arg9[%mul3A_4, %dma_start3A] : memref<10240x128xf32, #tpu.memory_space<vmem_shared>> -> memref<640x128xf32, #tpu.memory_space<vmem_shared>>
      %dma_start3A_16 = arith.constant 0 : i32
      %dma_start3A_17 = tpu.memref_slice %arg5[%mul3A_2, %dma_start3A_16] : memref<10240x128xf32, #tpu.memory_space<hbm>> -> memref<640x128xf32, #tpu.memory_space<hbm>>
      tpu.enqueue_dma source(%dma_start3A_17 : memref<640x128xf32, #tpu.memory_space<hbm>>) target(%dma_start3A_15 : memref<640x128xf32, #tpu.memory_space<vmem_shared>>) target_semaphore(%run_scoped3A : memref<!tpu.dma_semaphore, #tpu.memory_space<semaphore_mem>>)
      %dma_wait3A = arith.constant 0 : i32
      %dma_wait3A_18 = tpu.memref_slice %arg9[%mul3A_4, %dma_wait3A] : memref<10240x128xf32, #tpu.memory_space<vmem_shared>> -> memref<640x128xf32, #tpu.memory_space<vmem_shared>>
      %dma_wait3A_19 = arith.constant 0 : i32
      %dma_wait3A_20 = tpu.memref_slice %arg5[%mul3A_2, %dma_wait3A_19] : memref<10240x128xf32, #tpu.memory_space<hbm>> -> memref<640x128xf32, #tpu.memory_space<hbm>>
      tpu.wait_dma2 semaphore(%run_scoped3A : memref<!tpu.dma_semaphore, #tpu.memory_space<semaphore_mem>>) src(%dma_wait3A_20 : memref<640x128xf32, #tpu.memory_space<hbm>>) dst(%dma_wait3A_18 : memref<640x128xf32, #tpu.memory_space<vmem_shared>>)
      tpu.yield
    }) : () -> ()
    %barrier3A = arith.constant 0 : index
    tpu.barrier barrier_id(%barrier3A)
    %scan3A = arith.constant 0 : i32
    %scan3A_5 = arith.constant 0 : i32
    %scan3A_6 = arith.constant 10 : i32
    %scan3A_7 = arith.addi %scan3A_5, %scan3A_6 : i32
    %scan3A_8 = arith.constant 1 : i32
    scf.for %scan3A_15 = %scan3A_5 to %scan3A_7 step %scan3A_8  : i32 {
      %mul3A_16 = arith.constant 160 : i32
      %mul3A_17 = arith.muli %add3A, %mul3A_16 : i32
      %mul3A_18 = arith.constant 16 : i32
      %mul3A_19 = arith.muli %scan3A_15, %mul3A_18 : i32
      %add3A_20 = arith.addi %mul3A_17, %mul3A_19 : i32
      %run_scoped3A = arith.constant 0 : i32
      "tpu.region"() ({
        %run_scoped3A_852 = tpu.sem_alloc : memref<!tpu.dma_semaphore, #tpu.memory_space<semaphore_mem>>
        %dma_start3A_853 = arith.constant 0 : i32
        %dma_start3A_854 = arith.constant 0 : i32
        %dma_start3A_855 = tpu.memref_slice %arg7[%run_scoped3A, %dma_start3A_853, %dma_start3A_854] : memref<2x16x64xi32, #tpu.memory_space<vmem>> -> memref<1x16x64xi32, #tpu.memory_space<vmem>>
        %dma_start3A_856 = tpu.memref_squeeze %dma_start3A_855 : memref<1x16x64xi32, #tpu.memory_space<vmem>> -> memref<16x64xi32, #tpu.memory_space<vmem>>
        %dma_start3A_857 = arith.constant 0 : i32
        %dma_start3A_858 = tpu.memref_slice %arg3[%add3A_20, %dma_start3A_857] : memref<5120x64xi32, #tpu.memory_space<hbm>> -> memref<16x64xi32, #tpu.memory_space<hbm>>
        %dma_start3A_859 = arith.constant 0 : i32
        %dma_start3A_860 = arith.constant 0 : i32
        %dma_start3A_861 = tpu.memref_slice %arg7[%run_scoped3A, %dma_start3A_859, %dma_start3A_860] : memref<2x16x64xi32, #tpu.memory_space<vmem>> -> memref<1x16x64xi32, #tpu.memory_space<vmem>>
        %dma_start3A_862 = tpu.memref_squeeze %dma_start3A_861 : memref<1x16x64xi32, #tpu.memory_space<vmem>> -> memref<16x64xi32, #tpu.memory_space<vmem>>
        %dma_start3A_863 = arith.constant 0 : i32
        %dma_start3A_864 = tpu.memref_slice %arg3[%add3A_20, %dma_start3A_863] : memref<5120x64xi32, #tpu.memory_space<hbm>> -> memref<16x64xi32, #tpu.memory_space<hbm>>
        tpu.enqueue_dma source(%dma_start3A_864 : memref<16x64xi32, #tpu.memory_space<hbm>>) target(%dma_start3A_862 : memref<16x64xi32, #tpu.memory_space<vmem>>) target_semaphore(%run_scoped3A_852 : memref<!tpu.dma_semaphore, #tpu.memory_space<semaphore_mem>>)
        %dma_wait3A_865 = arith.constant 0 : i32
        %dma_wait3A_866 = arith.constant 0 : i32
        %dma_wait3A_867 = tpu.memref_slice %arg7[%run_scoped3A, %dma_wait3A_865, %dma_wait3A_866] : memref<2x16x64xi32, #tpu.memory_space<vmem>> -> memref<1x16x64xi32, #tpu.memory_space<vmem>>
        %dma_wait3A_868 = tpu.memref_squeeze %dma_wait3A_867 : memref<1x16x64xi32, #tpu.memory_space<vmem>> -> memref<16x64xi32, #tpu.memory_space<vmem>>
        %dma_wait3A_869 = arith.constant 0 : i32
        %dma_wait3A_870 = tpu.memref_slice %arg3[%add3A_20, %dma_wait3A_869] : memref<5120x64xi32, #tpu.memory_space<hbm>> -> memref<16x64xi32, #tpu.memory_space<hbm>>
        %dma_wait3A_871 = arith.constant 0 : i32
        %dma_wait3A_872 = arith.constant 0 : i32
        %dma_wait3A_873 = tpu.memref_slice %arg7[%run_scoped3A, %dma_wait3A_871, %dma_wait3A_872] : memref<2x16x64xi32, #tpu.memory_space<vmem>> -> memref<1x16x64xi32, #tpu.memory_space<vmem>>
        %dma_wait3A_874 = tpu.memref_squeeze %dma_wait3A_873 : memref<1x16x64xi32, #tpu.memory_space<vmem>> -> memref<16x64xi32, #tpu.memory_space<vmem>>
        %dma_wait3A_875 = arith.constant 0 : i32
        %dma_wait3A_876 = tpu.memref_slice %arg3[%add3A_20, %dma_wait3A_875] : memref<5120x64xi32, #tpu.memory_space<hbm>> -> memref<16x64xi32, #tpu.memory_space<hbm>>
        tpu.wait_dma2 semaphore(%run_scoped3A_852 : memref<!tpu.dma_semaphore, #tpu.memory_space<semaphore_mem>>) src(%dma_wait3A_876 : memref<16x64xi32, #tpu.memory_space<hbm>>) dst(%dma_wait3A_874 : memref<16x64xi32, #tpu.memory_space<vmem>>)
        tpu.yield
      }) : () -> ()
      %run_scoped3A_21 = arith.constant 1 : i32
      "tpu.region"() ({
        %run_scoped3A_852 = tpu.sem_alloc : memref<!tpu.dma_semaphore, #tpu.memory_space<semaphore_mem>>
        %dma_start3A_853 = arith.constant 0 : i32
        %dma_start3A_854 = arith.constant 0 : i32
        %dma_start3A_855 = tpu.memref_slice %arg7[%run_scoped3A_21, %dma_start3A_853, %dma_start3A_854] : memref<2x16x64xi32, #tpu.memory_space<vmem>> -> memref<1x16x64xi32, #tpu.memory_space<vmem>>
        %dma_start3A_856 = tpu.memref_squeeze %dma_start3A_855 : memref<1x16x64xi32, #tpu.memory_space<vmem>> -> memref<16x64xi32, #tpu.memory_space<vmem>>
        %dma_start3A_857 = arith.constant 0 : i32
        %dma_start3A_858 = tpu.memref_slice %arg4[%add3A_20, %dma_start3A_857] : memref<5120x64xi32, #tpu.memory_space<hbm>> -> memref<16x64xi32, #tpu.memory_space<hbm>>
        %dma_start3A_859 = arith.constant 0 : i32
        %dma_start3A_860 = arith.constant 0 : i32
        %dma_start3A_861 = tpu.memref_slice %arg7[%run_scoped3A_21, %dma_start3A_859, %dma_start3A_860] : memref<2x16x64xi32, #tpu.memory_space<vmem>> -> memref<1x16x64xi32, #tpu.memory_space<vmem>>
        %dma_start3A_862 = tpu.memref_squeeze %dma_start3A_861 : memref<1x16x64xi32, #tpu.memory_space<vmem>> -> memref<16x64xi32, #tpu.memory_space<vmem>>
        %dma_start3A_863 = arith.constant 0 : i32
        %dma_start3A_864 = tpu.memref_slice %arg4[%add3A_20, %dma_start3A_863] : memref<5120x64xi32, #tpu.memory_space<hbm>> -> memref<16x64xi32, #tpu.memory_space<hbm>>
        tpu.enqueue_dma source(%dma_start3A_864 : memref<16x64xi32, #tpu.memory_space<hbm>>) target(%dma_start3A_862 : memref<16x64xi32, #tpu.memory_space<vmem>>) target_semaphore(%run_scoped3A_852 : memref<!tpu.dma_semaphore, #tpu.memory_space<semaphore_mem>>)
        %dma_wait3A_865 = arith.constant 0 : i32
        %dma_wait3A_866 = arith.constant 0 : i32
        %dma_wait3A_867 = tpu.memref_slice %arg7[%run_scoped3A_21, %dma_wait3A_865, %dma_wait3A_866] : memref<2x16x64xi32, #tpu.memory_space<vmem>> -> memref<1x16x64xi32, #tpu.memory_space<vmem>>
        %dma_wait3A_868 = tpu.memref_squeeze %dma_wait3A_867 : memref<1x16x64xi32, #tpu.memory_space<vmem>> -> memref<16x64xi32, #tpu.memory_space<vmem>>
        %dma_wait3A_869 = arith.constant 0 : i32
        %dma_wait3A_870 = tpu.memref_slice %arg4[%add3A_20, %dma_wait3A_869] : memref<5120x64xi32, #tpu.memory_space<hbm>> -> memref<16x64xi32, #tpu.memory_space<hbm>>
        %dma_wait3A_871 = arith.constant 0 : i32
        %dma_wait3A_872 = arith.constant 0 : i32
        %dma_wait3A_873 = tpu.memref_slice %arg7[%run_scoped3A_21, %dma_wait3A_871, %dma_wait3A_872] : memref<2x16x64xi32, #tpu.memory_space<vmem>> -> memref<1x16x64xi32, #tpu.memory_space<vmem>>
        %dma_wait3A_874 = tpu.memref_squeeze %dma_wait3A_873 : memref<1x16x64xi32, #tpu.memory_space<vmem>> -> memref<16x64xi32, #tpu.memory_space<vmem>>
        %dma_wait3A_875 = arith.constant 0 : i32
        %dma_wait3A_876 = tpu.memref_slice %arg4[%add3A_20, %dma_wait3A_875] : memref<5120x64xi32, #tpu.memory_space<hbm>> -> memref<16x64xi32, #tpu.memory_space<hbm>>
        tpu.wait_dma2 semaphore(%run_scoped3A_852 : memref<!tpu.dma_semaphore, #tpu.memory_space<semaphore_mem>>) src(%dma_wait3A_876 : memref<16x64xi32, #tpu.memory_space<hbm>>) dst(%dma_wait3A_874 : memref<16x64xi32, #tpu.memory_space<vmem>>)
        tpu.yield
      }) : () -> ()
      %dma_start3A = arith.constant 0 : i32
      %dma_start3A_22 = arith.constant 0 : i32
      %dma_start3A_23 = arith.constant 0 : i32
      %dma_start3A_24 = arith.constant 0 : i32
      %dma_start3A_25 = arith.constant 0 : i32
      %dma_start3A_26 = tpu.memref_slice %arg8[%dma_start3A_23, %dma_start3A_24, %dma_start3A_25] : memref<4x64x128xf32, #tpu.memory_space<vmem>> -> memref<1x64x128xf32, #tpu.memory_space<vmem>>
      %dma_start3A_27 = tpu.memref_squeeze %dma_start3A_26 : memref<1x64x128xf32, #tpu.memory_space<vmem>> -> memref<64x128xf32, #tpu.memory_space<vmem>>
      %dma_start3A_28 = arith.constant 0 : i32
      %dma_start3A_29 = tpu.memref_slice %arg7[%dma_start3A, %dma_start3A_22, %dma_start3A_28] : memref<2x16x64xi32, #tpu.memory_space<vmem>> -> memref<1x1x64xi32, #tpu.memory_space<vmem>>
      %dma_start3A_30 = tpu.memref_squeeze %dma_start3A_29 : memref<1x1x64xi32, #tpu.memory_space<vmem>> -> memref<64xi32, #tpu.memory_space<vmem>>
      %dma_start3A_31 = arith.constant 0 : i32
      %dma_start3A_32 = arith.constant 0 : i32
      %dma_start3A_33 = tpu.memref_slice %arg2[%dma_start3A_31, %dma_start3A_32] : memref<10240x128xf32, #tpu.memory_space<hbm>> -> memref<10240x128xf32, #tpu.memory_space<hbm>>
      tpu.enqueue_indirect_dma source(%dma_start3A_33 : memref<10240x128xf32, #tpu.memory_space<hbm>>) target(%dma_start3A_27 : memref<64x128xf32, #tpu.memory_space<vmem>>) offsets(%dma_start3A_30 : memref<64xi32, #tpu.memory_space<vmem>>) semaphore(%arg10 : memref<!tpu.dma_semaphore, #tpu.memory_space<semaphore_mem>>)
      %dma_start3A_34 = arith.constant 0 : i32
      %dma_start3A_35 = arith.constant 1 : i32
      %dma_start3A_36 = arith.constant 1 : i32
      %dma_start3A_37 = arith.constant 0 : i32
      %dma_start3A_38 = arith.constant 0 : i32
      %dma_start3A_39 = tpu.memref_slice %arg8[%dma_start3A_36, %dma_start3A_37, %dma_start3A_38] : memref<4x64x128xf32, #tpu.memory_space<vmem>> -> memref<1x64x128xf32, #tpu.memory_space<vmem>>
      %dma_start3A_40 = tpu.memref_squeeze %dma_start3A_39 : memref<1x64x128xf32, #tpu.memory_space<vmem>> -> memref<64x128xf32, #tpu.memory_space<vmem>>
      %dma_start3A_41 = arith.constant 0 : i32
      %dma_start3A_42 = tpu.memref_slice %arg7[%dma_start3A_34, %dma_start3A_35, %dma_start3A_41] : memref<2x16x64xi32, #tpu.memory_space<vmem>> -> memref<1x1x64xi32, #tpu.memory_space<vmem>>
      %dma_start3A_43 = tpu.memref_squeeze %dma_start3A_42 : memref<1x1x64xi32, #tpu.memory_space<vmem>> -> memref<64xi32, #tpu.memory_space<vmem>>
      %dma_start3A_44 = arith.constant 0 : i32
      %dma_start3A_45 = arith.constant 0 : i32
      %dma_start3A_46 = tpu.memref_slice %arg2[%dma_start3A_44, %dma_start3A_45] : memref<10240x128xf32, #tpu.memory_space<hbm>> -> memref<10240x128xf32, #tpu.memory_space<hbm>>
      tpu.enqueue_indirect_dma source(%dma_start3A_46 : memref<10240x128xf32, #tpu.memory_space<hbm>>) target(%dma_start3A_40 : memref<64x128xf32, #tpu.memory_space<vmem>>) offsets(%dma_start3A_43 : memref<64xi32, #tpu.memory_space<vmem>>) semaphore(%arg10 : memref<!tpu.dma_semaphore, #tpu.memory_space<semaphore_mem>>)
      %dma_start3A_47 = arith.constant 0 : i32
      %dma_start3A_48 = arith.constant 2 : i32
      %dma_start3A_49 = arith.constant 2 : i32
      %dma_start3A_50 = arith.constant 0 : i32
      %dma_start3A_51 = arith.constant 0 : i32
      %dma_start3A_52 = tpu.memref_slice %arg8[%dma_start3A_49, %dma_start3A_50, %dma_start3A_51] : memref<4x64x128xf32, #tpu.memory_space<vmem>> -> memref<1x64x128xf32, #tpu.memory_space<vmem>>
      %dma_start3A_53 = tpu.memref_squeeze %dma_start3A_52 : memref<1x64x128xf32, #tpu.memory_space<vmem>> -> memref<64x128xf32, #tpu.memory_space<vmem>>
      %dma_start3A_54 = arith.constant 0 : i32
      %dma_start3A_55 = tpu.memref_slice %arg7[%dma_start3A_47, %dma_start3A_48, %dma_start3A_54] : memref<2x16x64xi32, #tpu.memory_space<vmem>> -> memref<1x1x64xi32, #tpu.memory_space<vmem>>
      %dma_start3A_56 = tpu.memref_squeeze %dma_start3A_55 : memref<1x1x64xi32, #tpu.memory_space<vmem>> -> memref<64xi32, #tpu.memory_space<vmem>>
      %dma_start3A_57 = arith.constant 0 : i32
      %dma_start3A_58 = arith.constant 0 : i32
      %dma_start3A_59 = tpu.memref_slice %arg2[%dma_start3A_57, %dma_start3A_58] : memref<10240x128xf32, #tpu.memory_space<hbm>> -> memref<10240x128xf32, #tpu.memory_space<hbm>>
      tpu.enqueue_indirect_dma source(%dma_start3A_59 : memref<10240x128xf32, #tpu.memory_space<hbm>>) target(%dma_start3A_53 : memref<64x128xf32, #tpu.memory_space<vmem>>) offsets(%dma_start3A_56 : memref<64xi32, #tpu.memory_space<vmem>>) semaphore(%arg10 : memref<!tpu.dma_semaphore, #tpu.memory_space<semaphore_mem>>)
      %dma_start3A_60 = arith.constant 0 : i32
      %dma_start3A_61 = arith.constant 3 : i32
      %dma_start3A_62 = arith.constant 3 : i32
      %dma_start3A_63 = arith.constant 0 : i32
      %dma_start3A_64 = arith.constant 0 : i32
      %dma_start3A_65 = tpu.memref_slice %arg8[%dma_start3A_62, %dma_start3A_63, %dma_start3A_64] : memref<4x64x128xf32, #tpu.memory_space<vmem>> -> memref<1x64x128xf32, #tpu.memory_space<vmem>>
      %dma_start3A_66 = tpu.memref_squeeze %dma_start3A_65 : memref<1x64x128xf32, #tpu.memory_space<vmem>> -> memref<64x128xf32, #tpu.memory_space<vmem>>
      %dma_start3A_67 = arith.constant 0 : i32
      %dma_start3A_68 = tpu.memref_slice %arg7[%dma_start3A_60, %dma_start3A_61, %dma_start3A_67] : memref<2x16x64xi32, #tpu.memory_space<vmem>> -> memref<1x1x64xi32, #tpu.memory_space<vmem>>
      %dma_start3A_69 = tpu.memref_squeeze %dma_start3A_68 : memref<1x1x64xi32, #tpu.memory_space<vmem>> -> memref<64xi32, #tpu.memory_space<vmem>>
      %dma_start3A_70 = arith.constant 0 : i32
      %dma_start3A_71 = arith.constant 0 : i32
      %dma_start3A_72 = tpu.memref_slice %arg2[%dma_start3A_70, %dma_start3A_71] : memref<10240x128xf32, #tpu.memory_space<hbm>> -> memref<10240x128xf32, #tpu.memory_space<hbm>>
      tpu.enqueue_indirect_dma source(%dma_start3A_72 : memref<10240x128xf32, #tpu.memory_space<hbm>>) target(%dma_start3A_66 : memref<64x128xf32, #tpu.memory_space<vmem>>) offsets(%dma_start3A_69 : memref<64xi32, #tpu.memory_space<vmem>>) semaphore(%arg10 : memref<!tpu.dma_semaphore, #tpu.memory_space<semaphore_mem>>)
      %dma_wait3A = arith.constant 0 : i32
      %dma_wait3A_73 = arith.constant 0 : i32
      %dma_wait3A_74 = arith.constant 0 : i32
      %dma_wait3A_75 = arith.constant 0 : i32
      %dma_wait3A_76 = arith.constant 0 : i32
      %dma_wait3A_77 = tpu.memref_slice %arg8[%dma_wait3A_74, %dma_wait3A_75, %dma_wait3A_76] : memref<4x64x128xf32, #tpu.memory_space<vmem>> -> memref<1x64x128xf32, #tpu.memory_space<vmem>>
      %dma_wait3A_78 = tpu.memref_squeeze %dma_wait3A_77 : memref<1x64x128xf32, #tpu.memory_space<vmem>> -> memref<64x128xf32, #tpu.memory_space<vmem>>
      %dma_wait3A_79 = arith.constant 0 : i32
      %dma_wait3A_80 = tpu.memref_slice %arg7[%dma_wait3A, %dma_wait3A_73, %dma_wait3A_79] : memref<2x16x64xi32, #tpu.memory_space<vmem>> -> memref<1x1x64xi32, #tpu.memory_space<vmem>>
      %dma_wait3A_81 = tpu.memref_squeeze %dma_wait3A_80 : memref<1x1x64xi32, #tpu.memory_space<vmem>> -> memref<64xi32, #tpu.memory_space<vmem>>
      %dma_wait3A_82 = arith.constant 0 : i32
      %dma_wait3A_83 = arith.constant 0 : i32
      %dma_wait3A_84 = tpu.memref_slice %arg2[%dma_wait3A_82, %dma_wait3A_83] : memref<10240x128xf32, #tpu.memory_space<hbm>> -> memref<10240x128xf32, #tpu.memory_space<hbm>>
      tpu.wait_indirect_dma semaphore(%arg10 : memref<!tpu.dma_semaphore, #tpu.memory_space<semaphore_mem>>) src(%dma_wait3A_84 : memref<10240x128xf32, #tpu.memory_space<hbm>>) dst(%dma_wait3A_78 : memref<64x128xf32, #tpu.memory_space<vmem>>)
      %dma_start3A_85 = arith.constant 0 : i32
      %dma_start3A_86 = arith.constant 1 : i32
      %dma_start3A_87 = arith.constant 0 : i32
      %dma_start3A_88 = arith.constant 0 : i32
      %dma_start3A_89 = arith.constant 0 : i32
      %dma_start3A_90 = tpu.memref_slice %arg8[%dma_start3A_85, %dma_start3A_88, %dma_start3A_89] : memref<4x64x128xf32, #tpu.memory_space<vmem>> -> memref<1x64x128xf32, #tpu.memory_space<vmem>>
      %dma_start3A_91 = tpu.memref_squeeze %dma_start3A_90 : memref<1x64x128xf32, #tpu.memory_space<vmem>> -> memref<64x128xf32, #tpu.memory_space<vmem>>
      %dma_start3A_92 = arith.constant 0 : i32
      %dma_start3A_93 = tpu.memref_slice %arg7[%dma_start3A_86, %dma_start3A_87, %dma_start3A_92] : memref<2x16x64xi32, #tpu.memory_space<vmem>> -> memref<1x1x64xi32, #tpu.memory_space<vmem>>
      %dma_start3A_94 = tpu.memref_squeeze %dma_start3A_93 : memref<1x1x64xi32, #tpu.memory_space<vmem>> -> memref<64xi32, #tpu.memory_space<vmem>>
      %dma_start3A_95 = arith.constant 0 : i32
      %dma_start3A_96 = arith.constant 0 : i32
      %dma_start3A_97 = tpu.memref_slice %arg9[%dma_start3A_95, %dma_start3A_96] : memref<10240x128xf32, #tpu.memory_space<vmem_shared>> -> memref<10240x128xf32, #tpu.memory_space<vmem_shared>>
      tpu.enqueue_indirect_dma source(%dma_start3A_91 : memref<64x128xf32, #tpu.memory_space<vmem>>) target(%dma_start3A_97 : memref<10240x128xf32, #tpu.memory_space<vmem_shared>>) offsets(%dma_start3A_94 : memref<64xi32, #tpu.memory_space<vmem>>) semaphore(%arg11 : memref<!tpu.dma_semaphore, #tpu.memory_space<semaphore_mem>>) {add = true}
      %dma_wait3A_98 = arith.constant 0 : i32
      %dma_wait3A_99 = arith.constant 1 : i32
      %dma_wait3A_100 = arith.constant 0 : i32
      %dma_wait3A_101 = arith.constant 0 : i32
      %dma_wait3A_102 = arith.constant 0 : i32
      %dma_wait3A_103 = tpu.memref_slice %arg8[%dma_wait3A_98, %dma_wait3A_101, %dma_wait3A_102] : memref<4x64x128xf32, #tpu.memory_space<vmem>> -> memref<1x64x128xf32, #tpu.memory_space<vmem>>
      %dma_wait3A_104 = tpu.memref_squeeze %dma_wait3A_103 : memref<1x64x128xf32, #tpu.memory_space<vmem>> -> memref<64x128xf32, #tpu.memory_space<vmem>>
      %dma_wait3A_105 = arith.constant 0 : i32
      %dma_wait3A_106 = tpu.memref_slice %arg7[%dma_wait3A_99, %dma_wait3A_100, %dma_wait3A_105] : memref<2x16x64xi32, #tpu.memory_space<vmem>> -> memref<1x1x64xi32, #tpu.memory_space<vmem>>
      %dma_wait3A_107 = tpu.memref_squeeze %dma_wait3A_106 : memref<1x1x64xi32, #tpu.memory_space<vmem>> -> memref<64xi32, #tpu.memory_space<vmem>>
      %dma_wait3A_108 = arith.constant 0 : i32
      %dma_wait3A_109 = arith.constant 0 : i32
      %dma_wait3A_110 = tpu.memref_slice %arg9[%dma_wait3A_108, %dma_wait3A_109] : memref<10240x128xf32, #tpu.memory_space<vmem_shared>> -> memref<10240x128xf32, #tpu.memory_space<vmem_shared>>
      tpu.wait_indirect_dma semaphore(%arg11 : memref<!tpu.dma_semaphore, #tpu.memory_space<semaphore_mem>>) src(%dma_wait3A_104 : memref<64x128xf32, #tpu.memory_space<vmem>>) dst(%dma_wait3A_110 : memref<10240x128xf32, #tpu.memory_space<vmem_shared>>)
      %dma_start3A_111 = arith.constant 0 : i32
      %dma_start3A_112 = arith.constant 4 : i32
      %dma_start3A_113 = arith.constant 0 : i32
      %dma_start3A_114 = arith.constant 0 : i32
      %dma_start3A_115 = arith.constant 0 : i32
      %dma_start3A_116 = tpu.memref_slice %arg8[%dma_start3A_113, %dma_start3A_114, %dma_start3A_115] : memref<4x64x128xf32, #tpu.memory_space<vmem>> -> memref<1x64x128xf32, #tpu.memory_space<vmem>>
      %dma_start3A_117 = tpu.memref_squeeze %dma_start3A_116 : memref<1x64x128xf32, #tpu.memory_space<vmem>> -> memref<64x128xf32, #tpu.memory_space<vmem>>
      %dma_start3A_118 = arith.constant 0 : i32
      %dma_start3A_119 = tpu.memref_slice %arg7[%dma_start3A_111, %dma_start3A_112, %dma_start3A_118] : memref<2x16x64xi32, #tpu.memory_space<vmem>> -> memref<1x1x64xi32, #tpu.memory_space<vmem>>
      %dma_start3A_120 = tpu.memref_squeeze %dma_start3A_119 : memref<1x1x64xi32, #tpu.memory_space<vmem>> -> memref<64xi32, #tpu.memory_space<vmem>>
      %dma_start3A_121 = arith.constant 0 : i32
      %dma_start3A_122 = arith.constant 0 : i32
      %dma_start3A_123 = tpu.memref_slice %arg2[%dma_start3A_121, %dma_start3A_122] : memref<10240x128xf32, #tpu.memory_space<hbm>> -> memref<10240x128xf32, #tpu.memory_space<hbm>>
      tpu.enqueue_indirect_dma source(%dma_start3A_123 : memref<10240x128xf32, #tpu.memory_space<hbm>>) target(%dma_start3A_117 : memref<64x128xf32, #tpu.memory_space<vmem>>) offsets(%dma_start3A_120 : memref<64xi32, #tpu.memory_space<vmem>>) semaphore(%arg10 : memref<!tpu.dma_semaphore, #tpu.memory_space<semaphore_mem>>)
      %dma_wait3A_124 = arith.constant 0 : i32
      %dma_wait3A_125 = arith.constant 1 : i32
      %dma_wait3A_126 = arith.constant 1 : i32
      %dma_wait3A_127 = arith.constant 0 : i32
      %dma_wait3A_128 = arith.constant 0 : i32
      %dma_wait3A_129 = tpu.memref_slice %arg8[%dma_wait3A_126, %dma_wait3A_127, %dma_wait3A_128] : memref<4x64x128xf32, #tpu.memory_space<vmem>> -> memref<1x64x128xf32, #tpu.memory_space<vmem>>
      %dma_wait3A_130 = tpu.memref_squeeze %dma_wait3A_129 : memref<1x64x128xf32, #tpu.memory_space<vmem>> -> memref<64x128xf32, #tpu.memory_space<vmem>>
      %dma_wait3A_131 = arith.constant 0 : i32
      %dma_wait3A_132 = tpu.memref_slice %arg7[%dma_wait3A_124, %dma_wait3A_125, %dma_wait3A_131] : memref<2x16x64xi32, #tpu.memory_space<vmem>> -> memref<1x1x64xi32, #tpu.memory_space<vmem>>
      %dma_wait3A_133 = tpu.memref_squeeze %dma_wait3A_132 : memref<1x1x64xi32, #tpu.memory_space<vmem>> -> memref<64xi32, #tpu.memory_space<vmem>>
      %dma_wait3A_134 = arith.constant 0 : i32
      %dma_wait3A_135 = arith.constant 0 : i32
      %dma_wait3A_136 = tpu.memref_slice %arg2[%dma_wait3A_134, %dma_wait3A_135] : memref<10240x128xf32, #tpu.memory_space<hbm>> -> memref<10240x128xf32, #tpu.memory_space<hbm>>
      tpu.wait_indirect_dma semaphore(%arg10 : memref<!tpu.dma_semaphore, #tpu.memory_space<semaphore_mem>>) src(%dma_wait3A_136 : memref<10240x128xf32, #tpu.memory_space<hbm>>) dst(%dma_wait3A_130 : memref<64x128xf32, #tpu.memory_space<vmem>>)
      %dma_start3A_137 = arith.constant 1 : i32
      %dma_start3A_138 = arith.constant 1 : i32
      %dma_start3A_139 = arith.constant 1 : i32
      %dma_start3A_140 = arith.constant 0 : i32
      %dma_start3A_141 = arith.constant 0 : i32
      %dma_start3A_142 = tpu.memref_slice %arg8[%dma_start3A_137, %dma_start3A_140, %dma_start3A_141] : memref<4x64x128xf32, #tpu.memory_space<vmem>> -> memref<1x64x128xf32, #tpu.memory_space<vmem>>
      %dma_start3A_143 = tpu.memref_squeeze %dma_start3A_142 : memref<1x64x128xf32, #tpu.memory_space<vmem>> -> memref<64x128xf32, #tpu.memory_space<vmem>>
      %dma_start3A_144 = arith.constant 0 : i32
      %dma_start3A_145 = tpu.memref_slice %arg7[%dma_start3A_138, %dma_start3A_139, %dma_start3A_144] : memref<2x16x64xi32, #tpu.memory_space<vmem>> -> memref<1x1x64xi32, #tpu.memory_space<vmem>>
      %dma_start3A_146 = tpu.memref_squeeze %dma_start3A_145 : memref<1x1x64xi32, #tpu.memory_space<vmem>> -> memref<64xi32, #tpu.memory_space<vmem>>
      %dma_start3A_147 = arith.constant 0 : i32
      %dma_start3A_148 = arith.constant 0 : i32
      %dma_start3A_149 = tpu.memref_slice %arg9[%dma_start3A_147, %dma_start3A_148] : memref<10240x128xf32, #tpu.memory_space<vmem_shared>> -> memref<10240x128xf32, #tpu.memory_space<vmem_shared>>
      tpu.enqueue_indirect_dma source(%dma_start3A_143 : memref<64x128xf32, #tpu.memory_space<vmem>>) target(%dma_start3A_149 : memref<10240x128xf32, #tpu.memory_space<vmem_shared>>) offsets(%dma_start3A_146 : memref<64xi32, #tpu.memory_space<vmem>>) semaphore(%arg11 : memref<!tpu.dma_semaphore, #tpu.memory_space<semaphore_mem>>) {add = true}
      %dma_wait3A_150 = arith.constant 1 : i32
      %dma_wait3A_151 = arith.constant 1 : i32
      %dma_wait3A_152 = arith.constant 1 : i32
      %dma_wait3A_153 = arith.constant 0 : i32
      %dma_wait3A_154 = arith.constant 0 : i32
      %dma_wait3A_155 = tpu.memref_slice %arg8[%dma_wait3A_150, %dma_wait3A_153, %dma_wait3A_154] : memref<4x64x128xf32, #tpu.memory_space<vmem>> -> memref<1x64x128xf32, #tpu.memory_space<vmem>>
      %dma_wait3A_156 = tpu.memref_squeeze %dma_wait3A_155 : memref<1x64x128xf32, #tpu.memory_space<vmem>> -> memref<64x128xf32, #tpu.memory_space<vmem>>
      %dma_wait3A_157 = arith.constant 0 : i32
      %dma_wait3A_158 = tpu.memref_slice %arg7[%dma_wait3A_151, %dma_wait3A_152, %dma_wait3A_157] : memref<2x16x64xi32, #tpu.memory_space<vmem>> -> memref<1x1x64xi32, #tpu.memory_space<vmem>>
      %dma_wait3A_159 = tpu.memref_squeeze %dma_wait3A_158 : memref<1x1x64xi32, #tpu.memory_space<vmem>> -> memref<64xi32, #tpu.memory_space<vmem>>
      %dma_wait3A_160 = arith.constant 0 : i32
      %dma_wait3A_161 = arith.constant 0 : i32
      %dma_wait3A_162 = tpu.memref_slice %arg9[%dma_wait3A_160, %dma_wait3A_161] : memref<10240x128xf32, #tpu.memory_space<vmem_shared>> -> memref<10240x128xf32, #tpu.memory_space<vmem_shared>>
      tpu.wait_indirect_dma semaphore(%arg11 : memref<!tpu.dma_semaphore, #tpu.memory_space<semaphore_mem>>) src(%dma_wait3A_156 : memref<64x128xf32, #tpu.memory_space<vmem>>) dst(%dma_wait3A_162 : memref<10240x128xf32, #tpu.memory_space<vmem_shared>>)
      %dma_start3A_163 = arith.constant 0 : i32
      %dma_start3A_164 = arith.constant 5 : i32
      %dma_start3A_165 = arith.constant 1 : i32
      %dma_start3A_166 = arith.constant 0 : i32
      %dma_start3A_167 = arith.constant 0 : i32
      %dma_start3A_168 = tpu.memref_slice %arg8[%dma_start3A_165, %dma_start3A_166, %dma_start3A_167] : memref<4x64x128xf32, #tpu.memory_space<vmem>> -> memref<1x64x128xf32, #tpu.memory_space<vmem>>
      %dma_start3A_169 = tpu.memref_squeeze %dma_start3A_168 : memref<1x64x128xf32, #tpu.memory_space<vmem>> -> memref<64x128xf32, #tpu.memory_space<vmem>>
      %dma_start3A_170 = arith.constant 0 : i32
      %dma_start3A_171 = tpu.memref_slice %arg7[%dma_start3A_163, %dma_start3A_164, %dma_start3A_170] : memref<2x16x64xi32, #tpu.memory_space<vmem>> -> memref<1x1x64xi32, #tpu.memory_space<vmem>>
      %dma_start3A_172 = tpu.memref_squeeze %dma_start3A_171 : memref<1x1x64xi32, #tpu.memory_space<vmem>> -> memref<64xi32, #tpu.memory_space<vmem>>
      %dma_start3A_173 = arith.constant 0 : i32
      %dma_start3A_174 = arith.constant 0 : i32
      %dma_start3A_175 = tpu.memref_slice %arg2[%dma_start3A_173, %dma_start3A_174] : memref<10240x128xf32, #tpu.memory_space<hbm>> -> memref<10240x128xf32, #tpu.memory_space<hbm>>
      tpu.enqueue_indirect_dma source(%dma_start3A_175 : memref<10240x128xf32, #tpu.memory_space<hbm>>) target(%dma_start3A_169 : memref<64x128xf32, #tpu.memory_space<vmem>>) offsets(%dma_start3A_172 : memref<64xi32, #tpu.memory_space<vmem>>) semaphore(%arg10 : memref<!tpu.dma_semaphore, #tpu.memory_space<semaphore_mem>>)
      %dma_wait3A_176 = arith.constant 0 : i32
      %dma_wait3A_177 = arith.constant 2 : i32
      %dma_wait3A_178 = arith.constant 2 : i32
      %dma_wait3A_179 = arith.constant 0 : i32
      %dma_wait3A_180 = arith.constant 0 : i32
      %dma_wait3A_181 = tpu.memref_slice %arg8[%dma_wait3A_178, %dma_wait3A_179, %dma_wait3A_180] : memref<4x64x128xf32, #tpu.memory_space<vmem>> -> memref<1x64x128xf32, #tpu.memory_space<vmem>>
      %dma_wait3A_182 = tpu.memref_squeeze %dma_wait3A_181 : memref<1x64x128xf32, #tpu.memory_space<vmem>> -> memref<64x128xf32, #tpu.memory_space<vmem>>
      %dma_wait3A_183 = arith.constant 0 : i32
      %dma_wait3A_184 = tpu.memref_slice %arg7[%dma_wait3A_176, %dma_wait3A_177, %dma_wait3A_183] : memref<2x16x64xi32, #tpu.memory_space<vmem>> -> memref<1x1x64xi32, #tpu.memory_space<vmem>>
      %dma_wait3A_185 = tpu.memref_squeeze %dma_wait3A_184 : memref<1x1x64xi32, #tpu.memory_space<vmem>> -> memref<64xi32, #tpu.memory_space<vmem>>
      %dma_wait3A_186 = arith.constant 0 : i32
      %dma_wait3A_187 = arith.constant 0 : i32
      %dma_wait3A_188 = tpu.memref_slice %arg2[%dma_wait3A_186, %dma_wait3A_187] : memref<10240x128xf32, #tpu.memory_space<hbm>> -> memref<10240x128xf32, #tpu.memory_space<hbm>>
      tpu.wait_indirect_dma semaphore(%arg10 : memref<!tpu.dma_semaphore, #tpu.memory_space<semaphore_mem>>) src(%dma_wait3A_188 : memref<10240x128xf32, #tpu.memory_space<hbm>>) dst(%dma_wait3A_182 : memref<64x128xf32, #tpu.memory_space<vmem>>)
      %dma_start3A_189 = arith.constant 2 : i32
      %dma_start3A_190 = arith.constant 1 : i32
      %dma_start3A_191 = arith.constant 2 : i32
      %dma_start3A_192 = arith.constant 0 : i32
      %dma_start3A_193 = arith.constant 0 : i32
      %dma_start3A_194 = tpu.memref_slice %arg8[%dma_start3A_189, %dma_start3A_192, %dma_start3A_193] : memref<4x64x128xf32, #tpu.memory_space<vmem>> -> memref<1x64x128xf32, #tpu.memory_space<vmem>>
      %dma_start3A_195 = tpu.memref_squeeze %dma_start3A_194 : memref<1x64x128xf32, #tpu.memory_space<vmem>> -> memref<64x128xf32, #tpu.memory_space<vmem>>
      %dma_start3A_196 = arith.constant 0 : i32
      %dma_start3A_197 = tpu.memref_slice %arg7[%dma_start3A_190, %dma_start3A_191, %dma_start3A_196] : memref<2x16x64xi32, #tpu.memory_space<vmem>> -> memref<1x1x64xi32, #tpu.memory_space<vmem>>
      %dma_start3A_198 = tpu.memref_squeeze %dma_start3A_197 : memref<1x1x64xi32, #tpu.memory_space<vmem>> -> memref<64xi32, #tpu.memory_space<vmem>>
      %dma_start3A_199 = arith.constant 0 : i32
      %dma_start3A_200 = arith.constant 0 : i32
      %dma_start3A_201 = tpu.memref_slice %arg9[%dma_start3A_199, %dma_start3A_200] : memref<10240x128xf32, #tpu.memory_space<vmem_shared>> -> memref<10240x128xf32, #tpu.memory_space<vmem_shared>>
      tpu.enqueue_indirect_dma source(%dma_start3A_195 : memref<64x128xf32, #tpu.memory_space<vmem>>) target(%dma_start3A_201 : memref<10240x128xf32, #tpu.memory_space<vmem_shared>>) offsets(%dma_start3A_198 : memref<64xi32, #tpu.memory_space<vmem>>) semaphore(%arg11 : memref<!tpu.dma_semaphore, #tpu.memory_space<semaphore_mem>>) {add = true}
      %dma_wait3A_202 = arith.constant 2 : i32
      %dma_wait3A_203 = arith.constant 1 : i32
      %dma_wait3A_204 = arith.constant 2 : i32
      %dma_wait3A_205 = arith.constant 0 : i32
      %dma_wait3A_206 = arith.constant 0 : i32
      %dma_wait3A_207 = tpu.memref_slice %arg8[%dma_wait3A_202, %dma_wait3A_205, %dma_wait3A_206] : memref<4x64x128xf32, #tpu.memory_space<vmem>> -> memref<1x64x128xf32, #tpu.memory_space<vmem>>
      %dma_wait3A_208 = tpu.memref_squeeze %dma_wait3A_207 : memref<1x64x128xf32, #tpu.memory_space<vmem>> -> memref<64x128xf32, #tpu.memory_space<vmem>>
      %dma_wait3A_209 = arith.constant 0 : i32
      %dma_wait3A_210 = tpu.memref_slice %arg7[%dma_wait3A_203, %dma_wait3A_204, %dma_wait3A_209] : memref<2x16x64xi32, #tpu.memory_space<vmem>> -> memref<1x1x64xi32, #tpu.memory_space<vmem>>
      %dma_wait3A_211 = tpu.memref_squeeze %dma_wait3A_210 : memref<1x1x64xi32, #tpu.memory_space<vmem>> -> memref<64xi32, #tpu.memory_space<vmem>>
      %dma_wait3A_212 = arith.constant 0 : i32
      %dma_wait3A_213 = arith.constant 0 : i32
      %dma_wait3A_214 = tpu.memref_slice %arg9[%dma_wait3A_212, %dma_wait3A_213] : memref<10240x128xf32, #tpu.memory_space<vmem_shared>> -> memref<10240x128xf32, #tpu.memory_space<vmem_shared>>
      tpu.wait_indirect_dma semaphore(%arg11 : memref<!tpu.dma_semaphore, #tpu.memory_space<semaphore_mem>>) src(%dma_wait3A_208 : memref<64x128xf32, #tpu.memory_space<vmem>>) dst(%dma_wait3A_214 : memref<10240x128xf32, #tpu.memory_space<vmem_shared>>)
      %dma_start3A_215 = arith.constant 0 : i32
      %dma_start3A_216 = arith.constant 6 : i32
      %dma_start3A_217 = arith.constant 2 : i32
      %dma_start3A_218 = arith.constant 0 : i32
      %dma_start3A_219 = arith.constant 0 : i32
      %dma_start3A_220 = tpu.memref_slice %arg8[%dma_start3A_217, %dma_start3A_218, %dma_start3A_219] : memref<4x64x128xf32, #tpu.memory_space<vmem>> -> memref<1x64x128xf32, #tpu.memory_space<vmem>>
      %dma_start3A_221 = tpu.memref_squeeze %dma_start3A_220 : memref<1x64x128xf32, #tpu.memory_space<vmem>> -> memref<64x128xf32, #tpu.memory_space<vmem>>
      %dma_start3A_222 = arith.constant 0 : i32
      %dma_start3A_223 = tpu.memref_slice %arg7[%dma_start3A_215, %dma_start3A_216, %dma_start3A_222] : memref<2x16x64xi32, #tpu.memory_space<vmem>> -> memref<1x1x64xi32, #tpu.memory_space<vmem>>
      %dma_start3A_224 = tpu.memref_squeeze %dma_start3A_223 : memref<1x1x64xi32, #tpu.memory_space<vmem>> -> memref<64xi32, #tpu.memory_space<vmem>>
      %dma_start3A_225 = arith.constant 0 : i32
      %dma_start3A_226 = arith.constant 0 : i32
      %dma_start3A_227 = tpu.memref_slice %arg2[%dma_start3A_225, %dma_start3A_226] : memref<10240x128xf32, #tpu.memory_space<hbm>> -> memref<10240x128xf32, #tpu.memory_space<hbm>>
      tpu.enqueue_indirect_dma source(%dma_start3A_227 : memref<10240x128xf32, #tpu.memory_space<hbm>>) target(%dma_start3A_221 : memref<64x128xf32, #tpu.memory_space<vmem>>) offsets(%dma_start3A_224 : memref<64xi32, #tpu.memory_space<vmem>>) semaphore(%arg10 : memref<!tpu.dma_semaphore, #tpu.memory_space<semaphore_mem>>)
      %dma_wait3A_228 = arith.constant 0 : i32
      %dma_wait3A_229 = arith.constant 3 : i32
      %dma_wait3A_230 = arith.constant 3 : i32
      %dma_wait3A_231 = arith.constant 0 : i32
      %dma_wait3A_232 = arith.constant 0 : i32
      %dma_wait3A_233 = tpu.memref_slice %arg8[%dma_wait3A_230, %dma_wait3A_231, %dma_wait3A_232] : memref<4x64x128xf32, #tpu.memory_space<vmem>> -> memref<1x64x128xf32, #tpu.memory_space<vmem>>
      %dma_wait3A_234 = tpu.memref_squeeze %dma_wait3A_233 : memref<1x64x128xf32, #tpu.memory_space<vmem>> -> memref<64x128xf32, #tpu.memory_space<vmem>>
      %dma_wait3A_235 = arith.constant 0 : i32
      %dma_wait3A_236 = tpu.memref_slice %arg7[%dma_wait3A_228, %dma_wait3A_229, %dma_wait3A_235] : memref<2x16x64xi32, #tpu.memory_space<vmem>> -> memref<1x1x64xi32, #tpu.memory_space<vmem>>
      %dma_wait3A_237 = tpu.memref_squeeze %dma_wait3A_236 : memref<1x1x64xi32, #tpu.memory_space<vmem>> -> memref<64xi32, #tpu.memory_space<vmem>>
      %dma_wait3A_238 = arith.constant 0 : i32
      %dma_wait3A_239 = arith.constant 0 : i32
      %dma_wait3A_240 = tpu.memref_slice %arg2[%dma_wait3A_238, %dma_wait3A_239] : memref<10240x128xf32, #tpu.memory_space<hbm>> -> memref<10240x128xf32, #tpu.memory_space<hbm>>
      tpu.wait_indirect_dma semaphore(%arg10 : memref<!tpu.dma_semaphore, #tpu.memory_space<semaphore_mem>>) src(%dma_wait3A_240 : memref<10240x128xf32, #tpu.memory_space<hbm>>) dst(%dma_wait3A_234 : memref<64x128xf32, #tpu.memory_space<vmem>>)
      %dma_start3A_241 = arith.constant 3 : i32
      %dma_start3A_242 = arith.constant 1 : i32
      %dma_start3A_243 = arith.constant 3 : i32
      %dma_start3A_244 = arith.constant 0 : i32
      %dma_start3A_245 = arith.constant 0 : i32
      %dma_start3A_246 = tpu.memref_slice %arg8[%dma_start3A_241, %dma_start3A_244, %dma_start3A_245] : memref<4x64x128xf32, #tpu.memory_space<vmem>> -> memref<1x64x128xf32, #tpu.memory_space<vmem>>
      %dma_start3A_247 = tpu.memref_squeeze %dma_start3A_246 : memref<1x64x128xf32, #tpu.memory_space<vmem>> -> memref<64x128xf32, #tpu.memory_space<vmem>>
      %dma_start3A_248 = arith.constant 0 : i32
      %dma_start3A_249 = tpu.memref_slice %arg7[%dma_start3A_242, %dma_start3A_243, %dma_start3A_248] : memref<2x16x64xi32, #tpu.memory_space<vmem>> -> memref<1x1x64xi32, #tpu.memory_space<vmem>>
      %dma_start3A_250 = tpu.memref_squeeze %dma_start3A_249 : memref<1x1x64xi32, #tpu.memory_space<vmem>> -> memref<64xi32, #tpu.memory_space<vmem>>
      %dma_start3A_251 = arith.constant 0 : i32
      %dma_start3A_252 = arith.constant 0 : i32
      %dma_start3A_253 = tpu.memref_slice %arg9[%dma_start3A_251, %dma_start3A_252] : memref<10240x128xf32, #tpu.memory_space<vmem_shared>> -> memref<10240x128xf32, #tpu.memory_space<vmem_shared>>
      tpu.enqueue_indirect_dma source(%dma_start3A_247 : memref<64x128xf32, #tpu.memory_space<vmem>>) target(%dma_start3A_253 : memref<10240x128xf32, #tpu.memory_space<vmem_shared>>) offsets(%dma_start3A_250 : memref<64xi32, #tpu.memory_space<vmem>>) semaphore(%arg11 : memref<!tpu.dma_semaphore, #tpu.memory_space<semaphore_mem>>) {add = true}
      %dma_wait3A_254 = arith.constant 3 : i32
      %dma_wait3A_255 = arith.constant 1 : i32
      %dma_wait3A_256 = arith.constant 3 : i32
      %dma_wait3A_257 = arith.constant 0 : i32
      %dma_wait3A_258 = arith.constant 0 : i32
      %dma_wait3A_259 = tpu.memref_slice %arg8[%dma_wait3A_254, %dma_wait3A_257, %dma_wait3A_258] : memref<4x64x128xf32, #tpu.memory_space<vmem>> -> memref<1x64x128xf32, #tpu.memory_space<vmem>>
      %dma_wait3A_260 = tpu.memref_squeeze %dma_wait3A_259 : memref<1x64x128xf32, #tpu.memory_space<vmem>> -> memref<64x128xf32, #tpu.memory_space<vmem>>
      %dma_wait3A_261 = arith.constant 0 : i32
      %dma_wait3A_262 = tpu.memref_slice %arg7[%dma_wait3A_255, %dma_wait3A_256, %dma_wait3A_261] : memref<2x16x64xi32, #tpu.memory_space<vmem>> -> memref<1x1x64xi32, #tpu.memory_space<vmem>>
      %dma_wait3A_263 = tpu.memref_squeeze %dma_wait3A_262 : memref<1x1x64xi32, #tpu.memory_space<vmem>> -> memref<64xi32, #tpu.memory_space<vmem>>
      %dma_wait3A_264 = arith.constant 0 : i32
      %dma_wait3A_265 = arith.constant 0 : i32
      %dma_wait3A_266 = tpu.memref_slice %arg9[%dma_wait3A_264, %dma_wait3A_265] : memref<10240x128xf32, #tpu.memory_space<vmem_shared>> -> memref<10240x128xf32, #tpu.memory_space<vmem_shared>>
      tpu.wait_indirect_dma semaphore(%arg11 : memref<!tpu.dma_semaphore, #tpu.memory_space<semaphore_mem>>) src(%dma_wait3A_260 : memref<64x128xf32, #tpu.memory_space<vmem>>) dst(%dma_wait3A_266 : memref<10240x128xf32, #tpu.memory_space<vmem_shared>>)
      %dma_start3A_267 = arith.constant 0 : i32
      %dma_start3A_268 = arith.constant 7 : i32
      %dma_start3A_269 = arith.constant 3 : i32
      %dma_start3A_270 = arith.constant 0 : i32
      %dma_start3A_271 = arith.constant 0 : i32
      %dma_start3A_272 = tpu.memref_slice %arg8[%dma_start3A_269, %dma_start3A_270, %dma_start3A_271] : memref<4x64x128xf32, #tpu.memory_space<vmem>> -> memref<1x64x128xf32, #tpu.memory_space<vmem>>
      %dma_start3A_273 = tpu.memref_squeeze %dma_start3A_272 : memref<1x64x128xf32, #tpu.memory_space<vmem>> -> memref<64x128xf32, #tpu.memory_space<vmem>>
      %dma_start3A_274 = arith.constant 0 : i32
      %dma_start3A_275 = tpu.memref_slice %arg7[%dma_start3A_267, %dma_start3A_268, %dma_start3A_274] : memref<2x16x64xi32, #tpu.memory_space<vmem>> -> memref<1x1x64xi32, #tpu.memory_space<vmem>>
      %dma_start3A_276 = tpu.memref_squeeze %dma_start3A_275 : memref<1x1x64xi32, #tpu.memory_space<vmem>> -> memref<64xi32, #tpu.memory_space<vmem>>
      %dma_start3A_277 = arith.constant 0 : i32
      %dma_start3A_278 = arith.constant 0 : i32
      %dma_start3A_279 = tpu.memref_slice %arg2[%dma_start3A_277, %dma_start3A_278] : memref<10240x128xf32, #tpu.memory_space<hbm>> -> memref<10240x128xf32, #tpu.memory_space<hbm>>
      tpu.enqueue_indirect_dma source(%dma_start3A_279 : memref<10240x128xf32, #tpu.memory_space<hbm>>) target(%dma_start3A_273 : memref<64x128xf32, #tpu.memory_space<vmem>>) offsets(%dma_start3A_276 : memref<64xi32, #tpu.memory_space<vmem>>) semaphore(%arg10 : memref<!tpu.dma_semaphore, #tpu.memory_space<semaphore_mem>>)
      %dma_wait3A_280 = arith.constant 0 : i32
      %dma_wait3A_281 = arith.constant 4 : i32
      %dma_wait3A_282 = arith.constant 0 : i32
      %dma_wait3A_283 = arith.constant 0 : i32
      %dma_wait3A_284 = arith.constant 0 : i32
      %dma_wait3A_285 = tpu.memref_slice %arg8[%dma_wait3A_282, %dma_wait3A_283, %dma_wait3A_284] : memref<4x64x128xf32, #tpu.memory_space<vmem>> -> memref<1x64x128xf32, #tpu.memory_space<vmem>>
      %dma_wait3A_286 = tpu.memref_squeeze %dma_wait3A_285 : memref<1x64x128xf32, #tpu.memory_space<vmem>> -> memref<64x128xf32, #tpu.memory_space<vmem>>
      %dma_wait3A_287 = arith.constant 0 : i32
      %dma_wait3A_288 = tpu.memref_slice %arg7[%dma_wait3A_280, %dma_wait3A_281, %dma_wait3A_287] : memref<2x16x64xi32, #tpu.memory_space<vmem>> -> memref<1x1x64xi32, #tpu.memory_space<vmem>>
      %dma_wait3A_289 = tpu.memref_squeeze %dma_wait3A_288 : memref<1x1x64xi32, #tpu.memory_space<vmem>> -> memref<64xi32, #tpu.memory_space<vmem>>
      %dma_wait3A_290 = arith.constant 0 : i32
      %dma_wait3A_291 = arith.constant 0 : i32
      %dma_wait3A_292 = tpu.memref_slice %arg2[%dma_wait3A_290, %dma_wait3A_291] : memref<10240x128xf32, #tpu.memory_space<hbm>> -> memref<10240x128xf32, #tpu.memory_space<hbm>>
      tpu.wait_indirect_dma semaphore(%arg10 : memref<!tpu.dma_semaphore, #tpu.memory_space<semaphore_mem>>) src(%dma_wait3A_292 : memref<10240x128xf32, #tpu.memory_space<hbm>>) dst(%dma_wait3A_286 : memref<64x128xf32, #tpu.memory_space<vmem>>)
      %dma_start3A_293 = arith.constant 0 : i32
      %dma_start3A_294 = arith.constant 1 : i32
      %dma_start3A_295 = arith.constant 4 : i32
      %dma_start3A_296 = arith.constant 0 : i32
      %dma_start3A_297 = arith.constant 0 : i32
      %dma_start3A_298 = tpu.memref_slice %arg8[%dma_start3A_293, %dma_start3A_296, %dma_start3A_297] : memref<4x64x128xf32, #tpu.memory_space<vmem>> -> memref<1x64x128xf32, #tpu.memory_space<vmem>>
      %dma_start3A_299 = tpu.memref_squeeze %dma_start3A_298 : memref<1x64x128xf32, #tpu.memory_space<vmem>> -> memref<64x128xf32, #tpu.memory_space<vmem>>
      %dma_start3A_300 = arith.constant 0 : i32
      %dma_start3A_301 = tpu.memref_slice %arg7[%dma_start3A_294, %dma_start3A_295, %dma_start3A_300] : memref<2x16x64xi32, #tpu.memory_space<vmem>> -> memref<1x1x64xi32, #tpu.memory_space<vmem>>
      %dma_start3A_302 = tpu.memref_squeeze %dma_start3A_301 : memref<1x1x64xi32, #tpu.memory_space<vmem>> -> memref<64xi32, #tpu.memory_space<vmem>>
      %dma_start3A_303 = arith.constant 0 : i32
      %dma_start3A_304 = arith.constant 0 : i32
      %dma_start3A_305 = tpu.memref_slice %arg9[%dma_start3A_303, %dma_start3A_304] : memref<10240x128xf32, #tpu.memory_space<vmem_shared>> -> memref<10240x128xf32, #tpu.memory_space<vmem_shared>>
      tpu.enqueue_indirect_dma source(%dma_start3A_299 : memref<64x128xf32, #tpu.memory_space<vmem>>) target(%dma_start3A_305 : memref<10240x128xf32, #tpu.memory_space<vmem_shared>>) offsets(%dma_start3A_302 : memref<64xi32, #tpu.memory_space<vmem>>) semaphore(%arg11 : memref<!tpu.dma_semaphore, #tpu.memory_space<semaphore_mem>>) {add = true}
      %dma_wait3A_306 = arith.constant 0 : i32
      %dma_wait3A_307 = arith.constant 1 : i32
      %dma_wait3A_308 = arith.constant 4 : i32
      %dma_wait3A_309 = arith.constant 0 : i32
      %dma_wait3A_310 = arith.constant 0 : i32
      %dma_wait3A_311 = tpu.memref_slice %arg8[%dma_wait3A_306, %dma_wait3A_309, %dma_wait3A_310] : memref<4x64x128xf32, #tpu.memory_space<vmem>> -> memref<1x64x128xf32, #tpu.memory_space<vmem>>
      %dma_wait3A_312 = tpu.memref_squeeze %dma_wait3A_311 : memref<1x64x128xf32, #tpu.memory_space<vmem>> -> memref<64x128xf32, #tpu.memory_space<vmem>>
      %dma_wait3A_313 = arith.constant 0 : i32
      %dma_wait3A_314 = tpu.memref_slice %arg7[%dma_wait3A_307, %dma_wait3A_308, %dma_wait3A_313] : memref<2x16x64xi32, #tpu.memory_space<vmem>> -> memref<1x1x64xi32, #tpu.memory_space<vmem>>
      %dma_wait3A_315 = tpu.memref_squeeze %dma_wait3A_314 : memref<1x1x64xi32, #tpu.memory_space<vmem>> -> memref<64xi32, #tpu.memory_space<vmem>>
      %dma_wait3A_316 = arith.constant 0 : i32
      %dma_wait3A_317 = arith.constant 0 : i32
      %dma_wait3A_318 = tpu.memref_slice %arg9[%dma_wait3A_316, %dma_wait3A_317] : memref<10240x128xf32, #tpu.memory_space<vmem_shared>> -> memref<10240x128xf32, #tpu.memory_space<vmem_shared>>
      tpu.wait_indirect_dma semaphore(%arg11 : memref<!tpu.dma_semaphore, #tpu.memory_space<semaphore_mem>>) src(%dma_wait3A_312 : memref<64x128xf32, #tpu.memory_space<vmem>>) dst(%dma_wait3A_318 : memref<10240x128xf32, #tpu.memory_space<vmem_shared>>)
      %dma_start3A_319 = arith.constant 0 : i32
      %dma_start3A_320 = arith.constant 8 : i32
      %dma_start3A_321 = arith.constant 0 : i32
      %dma_start3A_322 = arith.constant 0 : i32
      %dma_start3A_323 = arith.constant 0 : i32
      %dma_start3A_324 = tpu.memref_slice %arg8[%dma_start3A_321, %dma_start3A_322, %dma_start3A_323] : memref<4x64x128xf32, #tpu.memory_space<vmem>> -> memref<1x64x128xf32, #tpu.memory_space<vmem>>
      %dma_start3A_325 = tpu.memref_squeeze %dma_start3A_324 : memref<1x64x128xf32, #tpu.memory_space<vmem>> -> memref<64x128xf32, #tpu.memory_space<vmem>>
      %dma_start3A_326 = arith.constant 0 : i32
      %dma_start3A_327 = tpu.memref_slice %arg7[%dma_start3A_319, %dma_start3A_320, %dma_start3A_326] : memref<2x16x64xi32, #tpu.memory_space<vmem>> -> memref<1x1x64xi32, #tpu.memory_space<vmem>>
      %dma_start3A_328 = tpu.memref_squeeze %dma_start3A_327 : memref<1x1x64xi32, #tpu.memory_space<vmem>> -> memref<64xi32, #tpu.memory_space<vmem>>
      %dma_start3A_329 = arith.constant 0 : i32
      %dma_start3A_330 = arith.constant 0 : i32
      %dma_start3A_331 = tpu.memref_slice %arg2[%dma_start3A_329, %dma_start3A_330] : memref<10240x128xf32, #tpu.memory_space<hbm>> -> memref<10240x128xf32, #tpu.memory_space<hbm>>
      tpu.enqueue_indirect_dma source(%dma_start3A_331 : memref<10240x128xf32, #tpu.memory_space<hbm>>) target(%dma_start3A_325 : memref<64x128xf32, #tpu.memory_space<vmem>>) offsets(%dma_start3A_328 : memref<64xi32, #tpu.memory_space<vmem>>) semaphore(%arg10 : memref<!tpu.dma_semaphore, #tpu.memory_space<semaphore_mem>>)
      %dma_wait3A_332 = arith.constant 0 : i32
      %dma_wait3A_333 = arith.constant 5 : i32
      %dma_wait3A_334 = arith.constant 1 : i32
      %dma_wait3A_335 = arith.constant 0 : i32
      %dma_wait3A_336 = arith.constant 0 : i32
      %dma_wait3A_337 = tpu.memref_slice %arg8[%dma_wait3A_334, %dma_wait3A_335, %dma_wait3A_336] : memref<4x64x128xf32, #tpu.memory_space<vmem>> -> memref<1x64x128xf32, #tpu.memory_space<vmem>>
      %dma_wait3A_338 = tpu.memref_squeeze %dma_wait3A_337 : memref<1x64x128xf32, #tpu.memory_space<vmem>> -> memref<64x128xf32, #tpu.memory_space<vmem>>
      %dma_wait3A_339 = arith.constant 0 : i32
      %dma_wait3A_340 = tpu.memref_slice %arg7[%dma_wait3A_332, %dma_wait3A_333, %dma_wait3A_339] : memref<2x16x64xi32, #tpu.memory_space<vmem>> -> memref<1x1x64xi32, #tpu.memory_space<vmem>>
      %dma_wait3A_341 = tpu.memref_squeeze %dma_wait3A_340 : memref<1x1x64xi32, #tpu.memory_space<vmem>> -> memref<64xi32, #tpu.memory_space<vmem>>
      %dma_wait3A_342 = arith.constant 0 : i32
      %dma_wait3A_343 = arith.constant 0 : i32
      %dma_wait3A_344 = tpu.memref_slice %arg2[%dma_wait3A_342, %dma_wait3A_343] : memref<10240x128xf32, #tpu.memory_space<hbm>> -> memref<10240x128xf32, #tpu.memory_space<hbm>>
      tpu.wait_indirect_dma semaphore(%arg10 : memref<!tpu.dma_semaphore, #tpu.memory_space<semaphore_mem>>) src(%dma_wait3A_344 : memref<10240x128xf32, #tpu.memory_space<hbm>>) dst(%dma_wait3A_338 : memref<64x128xf32, #tpu.memory_space<vmem>>)
      %dma_start3A_345 = arith.constant 1 : i32
      %dma_start3A_346 = arith.constant 1 : i32
      %dma_start3A_347 = arith.constant 5 : i32
      %dma_start3A_348 = arith.constant 0 : i32
      %dma_start3A_349 = arith.constant 0 : i32
      %dma_start3A_350 = tpu.memref_slice %arg8[%dma_start3A_345, %dma_start3A_348, %dma_start3A_349] : memref<4x64x128xf32, #tpu.memory_space<vmem>> -> memref<1x64x128xf32, #tpu.memory_space<vmem>>
      %dma_start3A_351 = tpu.memref_squeeze %dma_start3A_350 : memref<1x64x128xf32, #tpu.memory_space<vmem>> -> memref<64x128xf32, #tpu.memory_space<vmem>>
      %dma_start3A_352 = arith.constant 0 : i32
      %dma_start3A_353 = tpu.memref_slice %arg7[%dma_start3A_346, %dma_start3A_347, %dma_start3A_352] : memref<2x16x64xi32, #tpu.memory_space<vmem>> -> memref<1x1x64xi32, #tpu.memory_space<vmem>>
      %dma_start3A_354 = tpu.memref_squeeze %dma_start3A_353 : memref<1x1x64xi32, #tpu.memory_space<vmem>> -> memref<64xi32, #tpu.memory_space<vmem>>
      %dma_start3A_355 = arith.constant 0 : i32
      %dma_start3A_356 = arith.constant 0 : i32
      %dma_start3A_357 = tpu.memref_slice %arg9[%dma_start3A_355, %dma_start3A_356] : memref<10240x128xf32, #tpu.memory_space<vmem_shared>> -> memref<10240x128xf32, #tpu.memory_space<vmem_shared>>
      tpu.enqueue_indirect_dma source(%dma_start3A_351 : memref<64x128xf32, #tpu.memory_space<vmem>>) target(%dma_start3A_357 : memref<10240x128xf32, #tpu.memory_space<vmem_shared>>) offsets(%dma_start3A_354 : memref<64xi32, #tpu.memory_space<vmem>>) semaphore(%arg11 : memref<!tpu.dma_semaphore, #tpu.memory_space<semaphore_mem>>) {add = true}
      %dma_wait3A_358 = arith.constant 1 : i32
      %dma_wait3A_359 = arith.constant 1 : i32
      %dma_wait3A_360 = arith.constant 5 : i32
      %dma_wait3A_361 = arith.constant 0 : i32
      %dma_wait3A_362 = arith.constant 0 : i32
      %dma_wait3A_363 = tpu.memref_slice %arg8[%dma_wait3A_358, %dma_wait3A_361, %dma_wait3A_362] : memref<4x64x128xf32, #tpu.memory_space<vmem>> -> memref<1x64x128xf32, #tpu.memory_space<vmem>>
      %dma_wait3A_364 = tpu.memref_squeeze %dma_wait3A_363 : memref<1x64x128xf32, #tpu.memory_space<vmem>> -> memref<64x128xf32, #tpu.memory_space<vmem>>
      %dma_wait3A_365 = arith.constant 0 : i32
      %dma_wait3A_366 = tpu.memref_slice %arg7[%dma_wait3A_359, %dma_wait3A_360, %dma_wait3A_365] : memref<2x16x64xi32, #tpu.memory_space<vmem>> -> memref<1x1x64xi32, #tpu.memory_space<vmem>>
      %dma_wait3A_367 = tpu.memref_squeeze %dma_wait3A_366 : memref<1x1x64xi32, #tpu.memory_space<vmem>> -> memref<64xi32, #tpu.memory_space<vmem>>
      %dma_wait3A_368 = arith.constant 0 : i32
      %dma_wait3A_369 = arith.constant 0 : i32
      %dma_wait3A_370 = tpu.memref_slice %arg9[%dma_wait3A_368, %dma_wait3A_369] : memref<10240x128xf32, #tpu.memory_space<vmem_shared>> -> memref<10240x128xf32, #tpu.memory_space<vmem_shared>>
      tpu.wait_indirect_dma semaphore(%arg11 : memref<!tpu.dma_semaphore, #tpu.memory_space<semaphore_mem>>) src(%dma_wait3A_364 : memref<64x128xf32, #tpu.memory_space<vmem>>) dst(%dma_wait3A_370 : memref<10240x128xf32, #tpu.memory_space<vmem_shared>>)
      %dma_start3A_371 = arith.constant 0 : i32
      %dma_start3A_372 = arith.constant 9 : i32
      %dma_start3A_373 = arith.constant 1 : i32
      %dma_start3A_374 = arith.constant 0 : i32
      %dma_start3A_375 = arith.constant 0 : i32
      %dma_start3A_376 = tpu.memref_slice %arg8[%dma_start3A_373, %dma_start3A_374, %dma_start3A_375] : memref<4x64x128xf32, #tpu.memory_space<vmem>> -> memref<1x64x128xf32, #tpu.memory_space<vmem>>
      %dma_start3A_377 = tpu.memref_squeeze %dma_start3A_376 : memref<1x64x128xf32, #tpu.memory_space<vmem>> -> memref<64x128xf32, #tpu.memory_space<vmem>>
      %dma_start3A_378 = arith.constant 0 : i32
      %dma_start3A_379 = tpu.memref_slice %arg7[%dma_start3A_371, %dma_start3A_372, %dma_start3A_378] : memref<2x16x64xi32, #tpu.memory_space<vmem>> -> memref<1x1x64xi32, #tpu.memory_space<vmem>>
      %dma_start3A_380 = tpu.memref_squeeze %dma_start3A_379 : memref<1x1x64xi32, #tpu.memory_space<vmem>> -> memref<64xi32, #tpu.memory_space<vmem>>
      %dma_start3A_381 = arith.constant 0 : i32
      %dma_start3A_382 = arith.constant 0 : i32
      %dma_start3A_383 = tpu.memref_slice %arg2[%dma_start3A_381, %dma_start3A_382] : memref<10240x128xf32, #tpu.memory_space<hbm>> -> memref<10240x128xf32, #tpu.memory_space<hbm>>
      tpu.enqueue_indirect_dma source(%dma_start3A_383 : memref<10240x128xf32, #tpu.memory_space<hbm>>) target(%dma_start3A_377 : memref<64x128xf32, #tpu.memory_space<vmem>>) offsets(%dma_start3A_380 : memref<64xi32, #tpu.memory_space<vmem>>) semaphore(%arg10 : memref<!tpu.dma_semaphore, #tpu.memory_space<semaphore_mem>>)
      %dma_wait3A_384 = arith.constant 0 : i32
      %dma_wait3A_385 = arith.constant 6 : i32
      %dma_wait3A_386 = arith.constant 2 : i32
      %dma_wait3A_387 = arith.constant 0 : i32
      %dma_wait3A_388 = arith.constant 0 : i32
      %dma_wait3A_389 = tpu.memref_slice %arg8[%dma_wait3A_386, %dma_wait3A_387, %dma_wait3A_388] : memref<4x64x128xf32, #tpu.memory_space<vmem>> -> memref<1x64x128xf32, #tpu.memory_space<vmem>>
      %dma_wait3A_390 = tpu.memref_squeeze %dma_wait3A_389 : memref<1x64x128xf32, #tpu.memory_space<vmem>> -> memref<64x128xf32, #tpu.memory_space<vmem>>
      %dma_wait3A_391 = arith.constant 0 : i32
      %dma_wait3A_392 = tpu.memref_slice %arg7[%dma_wait3A_384, %dma_wait3A_385, %dma_wait3A_391] : memref<2x16x64xi32, #tpu.memory_space<vmem>> -> memref<1x1x64xi32, #tpu.memory_space<vmem>>
      %dma_wait3A_393 = tpu.memref_squeeze %dma_wait3A_392 : memref<1x1x64xi32, #tpu.memory_space<vmem>> -> memref<64xi32, #tpu.memory_space<vmem>>
      %dma_wait3A_394 = arith.constant 0 : i32
      %dma_wait3A_395 = arith.constant 0 : i32
      %dma_wait3A_396 = tpu.memref_slice %arg2[%dma_wait3A_394, %dma_wait3A_395] : memref<10240x128xf32, #tpu.memory_space<hbm>> -> memref<10240x128xf32, #tpu.memory_space<hbm>>
      tpu.wait_indirect_dma semaphore(%arg10 : memref<!tpu.dma_semaphore, #tpu.memory_space<semaphore_mem>>) src(%dma_wait3A_396 : memref<10240x128xf32, #tpu.memory_space<hbm>>) dst(%dma_wait3A_390 : memref<64x128xf32, #tpu.memory_space<vmem>>)
      %dma_start3A_397 = arith.constant 2 : i32
      %dma_start3A_398 = arith.constant 1 : i32
      %dma_start3A_399 = arith.constant 6 : i32
      %dma_start3A_400 = arith.constant 0 : i32
      %dma_start3A_401 = arith.constant 0 : i32
      %dma_start3A_402 = tpu.memref_slice %arg8[%dma_start3A_397, %dma_start3A_400, %dma_start3A_401] : memref<4x64x128xf32, #tpu.memory_space<vmem>> -> memref<1x64x128xf32, #tpu.memory_space<vmem>>
      %dma_start3A_403 = tpu.memref_squeeze %dma_start3A_402 : memref<1x64x128xf32, #tpu.memory_space<vmem>> -> memref<64x128xf32, #tpu.memory_space<vmem>>
      %dma_start3A_404 = arith.constant 0 : i32
      %dma_start3A_405 = tpu.memref_slice %arg7[%dma_start3A_398, %dma_start3A_399, %dma_start3A_404] : memref<2x16x64xi32, #tpu.memory_space<vmem>> -> memref<1x1x64xi32, #tpu.memory_space<vmem>>
      %dma_start3A_406 = tpu.memref_squeeze %dma_start3A_405 : memref<1x1x64xi32, #tpu.memory_space<vmem>> -> memref<64xi32, #tpu.memory_space<vmem>>
      %dma_start3A_407 = arith.constant 0 : i32
      %dma_start3A_408 = arith.constant 0 : i32
      %dma_start3A_409 = tpu.memref_slice %arg9[%dma_start3A_407, %dma_start3A_408] : memref<10240x128xf32, #tpu.memory_space<vmem_shared>> -> memref<10240x128xf32, #tpu.memory_space<vmem_shared>>
      tpu.enqueue_indirect_dma source(%dma_start3A_403 : memref<64x128xf32, #tpu.memory_space<vmem>>) target(%dma_start3A_409 : memref<10240x128xf32, #tpu.memory_space<vmem_shared>>) offsets(%dma_start3A_406 : memref<64xi32, #tpu.memory_space<vmem>>) semaphore(%arg11 : memref<!tpu.dma_semaphore, #tpu.memory_space<semaphore_mem>>) {add = true}
      %dma_wait3A_410 = arith.constant 2 : i32
      %dma_wait3A_411 = arith.constant 1 : i32
      %dma_wait3A_412 = arith.constant 6 : i32
      %dma_wait3A_413 = arith.constant 0 : i32
      %dma_wait3A_414 = arith.constant 0 : i32
      %dma_wait3A_415 = tpu.memref_slice %arg8[%dma_wait3A_410, %dma_wait3A_413, %dma_wait3A_414] : memref<4x64x128xf32, #tpu.memory_space<vmem>> -> memref<1x64x128xf32, #tpu.memory_space<vmem>>
      %dma_wait3A_416 = tpu.memref_squeeze %dma_wait3A_415 : memref<1x64x128xf32, #tpu.memory_space<vmem>> -> memref<64x128xf32, #tpu.memory_space<vmem>>
      %dma_wait3A_417 = arith.constant 0 : i32
      %dma_wait3A_418 = tpu.memref_slice %arg7[%dma_wait3A_411, %dma_wait3A_412, %dma_wait3A_417] : memref<2x16x64xi32, #tpu.memory_space<vmem>> -> memref<1x1x64xi32, #tpu.memory_space<vmem>>
      %dma_wait3A_419 = tpu.memref_squeeze %dma_wait3A_418 : memref<1x1x64xi32, #tpu.memory_space<vmem>> -> memref<64xi32, #tpu.memory_space<vmem>>
      %dma_wait3A_420 = arith.constant 0 : i32
      %dma_wait3A_421 = arith.constant 0 : i32
      %dma_wait3A_422 = tpu.memref_slice %arg9[%dma_wait3A_420, %dma_wait3A_421] : memref<10240x128xf32, #tpu.memory_space<vmem_shared>> -> memref<10240x128xf32, #tpu.memory_space<vmem_shared>>
      tpu.wait_indirect_dma semaphore(%arg11 : memref<!tpu.dma_semaphore, #tpu.memory_space<semaphore_mem>>) src(%dma_wait3A_416 : memref<64x128xf32, #tpu.memory_space<vmem>>) dst(%dma_wait3A_422 : memref<10240x128xf32, #tpu.memory_space<vmem_shared>>)
      %dma_start3A_423 = arith.constant 0 : i32
      %dma_start3A_424 = arith.constant 10 : i32
      %dma_start3A_425 = arith.constant 2 : i32
      %dma_start3A_426 = arith.constant 0 : i32
      %dma_start3A_427 = arith.constant 0 : i32
      %dma_start3A_428 = tpu.memref_slice %arg8[%dma_start3A_425, %dma_start3A_426, %dma_start3A_427] : memref<4x64x128xf32, #tpu.memory_space<vmem>> -> memref<1x64x128xf32, #tpu.memory_space<vmem>>
      %dma_start3A_429 = tpu.memref_squeeze %dma_start3A_428 : memref<1x64x128xf32, #tpu.memory_space<vmem>> -> memref<64x128xf32, #tpu.memory_space<vmem>>
      %dma_start3A_430 = arith.constant 0 : i32
      %dma_start3A_431 = tpu.memref_slice %arg7[%dma_start3A_423, %dma_start3A_424, %dma_start3A_430] : memref<2x16x64xi32, #tpu.memory_space<vmem>> -> memref<1x1x64xi32, #tpu.memory_space<vmem>>
      %dma_start3A_432 = tpu.memref_squeeze %dma_start3A_431 : memref<1x1x64xi32, #tpu.memory_space<vmem>> -> memref<64xi32, #tpu.memory_space<vmem>>
      %dma_start3A_433 = arith.constant 0 : i32
      %dma_start3A_434 = arith.constant 0 : i32
      %dma_start3A_435 = tpu.memref_slice %arg2[%dma_start3A_433, %dma_start3A_434] : memref<10240x128xf32, #tpu.memory_space<hbm>> -> memref<10240x128xf32, #tpu.memory_space<hbm>>
      tpu.enqueue_indirect_dma source(%dma_start3A_435 : memref<10240x128xf32, #tpu.memory_space<hbm>>) target(%dma_start3A_429 : memref<64x128xf32, #tpu.memory_space<vmem>>) offsets(%dma_start3A_432 : memref<64xi32, #tpu.memory_space<vmem>>) semaphore(%arg10 : memref<!tpu.dma_semaphore, #tpu.memory_space<semaphore_mem>>)
      %dma_wait3A_436 = arith.constant 0 : i32
      %dma_wait3A_437 = arith.constant 7 : i32
      %dma_wait3A_438 = arith.constant 3 : i32
      %dma_wait3A_439 = arith.constant 0 : i32
      %dma_wait3A_440 = arith.constant 0 : i32
      %dma_wait3A_441 = tpu.memref_slice %arg8[%dma_wait3A_438, %dma_wait3A_439, %dma_wait3A_440] : memref<4x64x128xf32, #tpu.memory_space<vmem>> -> memref<1x64x128xf32, #tpu.memory_space<vmem>>
      %dma_wait3A_442 = tpu.memref_squeeze %dma_wait3A_441 : memref<1x64x128xf32, #tpu.memory_space<vmem>> -> memref<64x128xf32, #tpu.memory_space<vmem>>
      %dma_wait3A_443 = arith.constant 0 : i32
      %dma_wait3A_444 = tpu.memref_slice %arg7[%dma_wait3A_436, %dma_wait3A_437, %dma_wait3A_443] : memref<2x16x64xi32, #tpu.memory_space<vmem>> -> memref<1x1x64xi32, #tpu.memory_space<vmem>>
      %dma_wait3A_445 = tpu.memref_squeeze %dma_wait3A_444 : memref<1x1x64xi32, #tpu.memory_space<vmem>> -> memref<64xi32, #tpu.memory_space<vmem>>
      %dma_wait3A_446 = arith.constant 0 : i32
      %dma_wait3A_447 = arith.constant 0 : i32
      %dma_wait3A_448 = tpu.memref_slice %arg2[%dma_wait3A_446, %dma_wait3A_447] : memref<10240x128xf32, #tpu.memory_space<hbm>> -> memref<10240x128xf32, #tpu.memory_space<hbm>>
      tpu.wait_indirect_dma semaphore(%arg10 : memref<!tpu.dma_semaphore, #tpu.memory_space<semaphore_mem>>) src(%dma_wait3A_448 : memref<10240x128xf32, #tpu.memory_space<hbm>>) dst(%dma_wait3A_442 : memref<64x128xf32, #tpu.memory_space<vmem>>)
      %dma_start3A_449 = arith.constant 3 : i32
      %dma_start3A_450 = arith.constant 1 : i32
      %dma_start3A_451 = arith.constant 7 : i32
      %dma_start3A_452 = arith.constant 0 : i32
      %dma_start3A_453 = arith.constant 0 : i32
      %dma_start3A_454 = tpu.memref_slice %arg8[%dma_start3A_449, %dma_start3A_452, %dma_start3A_453] : memref<4x64x128xf32, #tpu.memory_space<vmem>> -> memref<1x64x128xf32, #tpu.memory_space<vmem>>
      %dma_start3A_455 = tpu.memref_squeeze %dma_start3A_454 : memref<1x64x128xf32, #tpu.memory_space<vmem>> -> memref<64x128xf32, #tpu.memory_space<vmem>>
      %dma_start3A_456 = arith.constant 0 : i32
      %dma_start3A_457 = tpu.memref_slice %arg7[%dma_start3A_450, %dma_start3A_451, %dma_start3A_456] : memref<2x16x64xi32, #tpu.memory_space<vmem>> -> memref<1x1x64xi32, #tpu.memory_space<vmem>>
      %dma_start3A_458 = tpu.memref_squeeze %dma_start3A_457 : memref<1x1x64xi32, #tpu.memory_space<vmem>> -> memref<64xi32, #tpu.memory_space<vmem>>
      %dma_start3A_459 = arith.constant 0 : i32
      %dma_start3A_460 = arith.constant 0 : i32
      %dma_start3A_461 = tpu.memref_slice %arg9[%dma_start3A_459, %dma_start3A_460] : memref<10240x128xf32, #tpu.memory_space<vmem_shared>> -> memref<10240x128xf32, #tpu.memory_space<vmem_shared>>
      tpu.enqueue_indirect_dma source(%dma_start3A_455 : memref<64x128xf32, #tpu.memory_space<vmem>>) target(%dma_start3A_461 : memref<10240x128xf32, #tpu.memory_space<vmem_shared>>) offsets(%dma_start3A_458 : memref<64xi32, #tpu.memory_space<vmem>>) semaphore(%arg11 : memref<!tpu.dma_semaphore, #tpu.memory_space<semaphore_mem>>) {add = true}
      %dma_wait3A_462 = arith.constant 3 : i32
      %dma_wait3A_463 = arith.constant 1 : i32
      %dma_wait3A_464 = arith.constant 7 : i32
      %dma_wait3A_465 = arith.constant 0 : i32
      %dma_wait3A_466 = arith.constant 0 : i32
      %dma_wait3A_467 = tpu.memref_slice %arg8[%dma_wait3A_462, %dma_wait3A_465, %dma_wait3A_466] : memref<4x64x128xf32, #tpu.memory_space<vmem>> -> memref<1x64x128xf32, #tpu.memory_space<vmem>>
      %dma_wait3A_468 = tpu.memref_squeeze %dma_wait3A_467 : memref<1x64x128xf32, #tpu.memory_space<vmem>> -> memref<64x128xf32, #tpu.memory_space<vmem>>
      %dma_wait3A_469 = arith.constant 0 : i32
      %dma_wait3A_470 = tpu.memref_slice %arg7[%dma_wait3A_463, %dma_wait3A_464, %dma_wait3A_469] : memref<2x16x64xi32, #tpu.memory_space<vmem>> -> memref<1x1x64xi32, #tpu.memory_space<vmem>>
      %dma_wait3A_471 = tpu.memref_squeeze %dma_wait3A_470 : memref<1x1x64xi32, #tpu.memory_space<vmem>> -> memref<64xi32, #tpu.memory_space<vmem>>
      %dma_wait3A_472 = arith.constant 0 : i32
      %dma_wait3A_473 = arith.constant 0 : i32
      %dma_wait3A_474 = tpu.memref_slice %arg9[%dma_wait3A_472, %dma_wait3A_473] : memref<10240x128xf32, #tpu.memory_space<vmem_shared>> -> memref<10240x128xf32, #tpu.memory_space<vmem_shared>>
      tpu.wait_indirect_dma semaphore(%arg11 : memref<!tpu.dma_semaphore, #tpu.memory_space<semaphore_mem>>) src(%dma_wait3A_468 : memref<64x128xf32, #tpu.memory_space<vmem>>) dst(%dma_wait3A_474 : memref<10240x128xf32, #tpu.memory_space<vmem_shared>>)
      %dma_start3A_475 = arith.constant 0 : i32
      %dma_start3A_476 = arith.constant 11 : i32
      %dma_start3A_477 = arith.constant 3 : i32
      %dma_start3A_478 = arith.constant 0 : i32
      %dma_start3A_479 = arith.constant 0 : i32
      %dma_start3A_480 = tpu.memref_slice %arg8[%dma_start3A_477, %dma_start3A_478, %dma_start3A_479] : memref<4x64x128xf32, #tpu.memory_space<vmem>> -> memref<1x64x128xf32, #tpu.memory_space<vmem>>
      %dma_start3A_481 = tpu.memref_squeeze %dma_start3A_480 : memref<1x64x128xf32, #tpu.memory_space<vmem>> -> memref<64x128xf32, #tpu.memory_space<vmem>>
      %dma_start3A_482 = arith.constant 0 : i32
      %dma_start3A_483 = tpu.memref_slice %arg7[%dma_start3A_475, %dma_start3A_476, %dma_start3A_482] : memref<2x16x64xi32, #tpu.memory_space<vmem>> -> memref<1x1x64xi32, #tpu.memory_space<vmem>>
      %dma_start3A_484 = tpu.memref_squeeze %dma_start3A_483 : memref<1x1x64xi32, #tpu.memory_space<vmem>> -> memref<64xi32, #tpu.memory_space<vmem>>
      %dma_start3A_485 = arith.constant 0 : i32
      %dma_start3A_486 = arith.constant 0 : i32
      %dma_start3A_487 = tpu.memref_slice %arg2[%dma_start3A_485, %dma_start3A_486] : memref<10240x128xf32, #tpu.memory_space<hbm>> -> memref<10240x128xf32, #tpu.memory_space<hbm>>
      tpu.enqueue_indirect_dma source(%dma_start3A_487 : memref<10240x128xf32, #tpu.memory_space<hbm>>) target(%dma_start3A_481 : memref<64x128xf32, #tpu.memory_space<vmem>>) offsets(%dma_start3A_484 : memref<64xi32, #tpu.memory_space<vmem>>) semaphore(%arg10 : memref<!tpu.dma_semaphore, #tpu.memory_space<semaphore_mem>>)
      %dma_wait3A_488 = arith.constant 0 : i32
      %dma_wait3A_489 = arith.constant 8 : i32
      %dma_wait3A_490 = arith.constant 0 : i32
      %dma_wait3A_491 = arith.constant 0 : i32
      %dma_wait3A_492 = arith.constant 0 : i32
      %dma_wait3A_493 = tpu.memref_slice %arg8[%dma_wait3A_490, %dma_wait3A_491, %dma_wait3A_492] : memref<4x64x128xf32, #tpu.memory_space<vmem>> -> memref<1x64x128xf32, #tpu.memory_space<vmem>>
      %dma_wait3A_494 = tpu.memref_squeeze %dma_wait3A_493 : memref<1x64x128xf32, #tpu.memory_space<vmem>> -> memref<64x128xf32, #tpu.memory_space<vmem>>
      %dma_wait3A_495 = arith.constant 0 : i32
      %dma_wait3A_496 = tpu.memref_slice %arg7[%dma_wait3A_488, %dma_wait3A_489, %dma_wait3A_495] : memref<2x16x64xi32, #tpu.memory_space<vmem>> -> memref<1x1x64xi32, #tpu.memory_space<vmem>>
      %dma_wait3A_497 = tpu.memref_squeeze %dma_wait3A_496 : memref<1x1x64xi32, #tpu.memory_space<vmem>> -> memref<64xi32, #tpu.memory_space<vmem>>
      %dma_wait3A_498 = arith.constant 0 : i32
      %dma_wait3A_499 = arith.constant 0 : i32
      %dma_wait3A_500 = tpu.memref_slice %arg2[%dma_wait3A_498, %dma_wait3A_499] : memref<10240x128xf32, #tpu.memory_space<hbm>> -> memref<10240x128xf32, #tpu.memory_space<hbm>>
      tpu.wait_indirect_dma semaphore(%arg10 : memref<!tpu.dma_semaphore, #tpu.memory_space<semaphore_mem>>) src(%dma_wait3A_500 : memref<10240x128xf32, #tpu.memory_space<hbm>>) dst(%dma_wait3A_494 : memref<64x128xf32, #tpu.memory_space<vmem>>)
      %dma_start3A_501 = arith.constant 0 : i32
      %dma_start3A_502 = arith.constant 1 : i32
      %dma_start3A_503 = arith.constant 8 : i32
      %dma_start3A_504 = arith.constant 0 : i32
      %dma_start3A_505 = arith.constant 0 : i32
      %dma_start3A_506 = tpu.memref_slice %arg8[%dma_start3A_501, %dma_start3A_504, %dma_start3A_505] : memref<4x64x128xf32, #tpu.memory_space<vmem>> -> memref<1x64x128xf32, #tpu.memory_space<vmem>>
      %dma_start3A_507 = tpu.memref_squeeze %dma_start3A_506 : memref<1x64x128xf32, #tpu.memory_space<vmem>> -> memref<64x128xf32, #tpu.memory_space<vmem>>
      %dma_start3A_508 = arith.constant 0 : i32
      %dma_start3A_509 = tpu.memref_slice %arg7[%dma_start3A_502, %dma_start3A_503, %dma_start3A_508] : memref<2x16x64xi32, #tpu.memory_space<vmem>> -> memref<1x1x64xi32, #tpu.memory_space<vmem>>
      %dma_start3A_510 = tpu.memref_squeeze %dma_start3A_509 : memref<1x1x64xi32, #tpu.memory_space<vmem>> -> memref<64xi32, #tpu.memory_space<vmem>>
      %dma_start3A_511 = arith.constant 0 : i32
      %dma_start3A_512 = arith.constant 0 : i32
      %dma_start3A_513 = tpu.memref_slice %arg9[%dma_start3A_511, %dma_start3A_512] : memref<10240x128xf32, #tpu.memory_space<vmem_shared>> -> memref<10240x128xf32, #tpu.memory_space<vmem_shared>>
      tpu.enqueue_indirect_dma source(%dma_start3A_507 : memref<64x128xf32, #tpu.memory_space<vmem>>) target(%dma_start3A_513 : memref<10240x128xf32, #tpu.memory_space<vmem_shared>>) offsets(%dma_start3A_510 : memref<64xi32, #tpu.memory_space<vmem>>) semaphore(%arg11 : memref<!tpu.dma_semaphore, #tpu.memory_space<semaphore_mem>>) {add = true}
      %dma_wait3A_514 = arith.constant 0 : i32
      %dma_wait3A_515 = arith.constant 1 : i32
      %dma_wait3A_516 = arith.constant 8 : i32
      %dma_wait3A_517 = arith.constant 0 : i32
      %dma_wait3A_518 = arith.constant 0 : i32
      %dma_wait3A_519 = tpu.memref_slice %arg8[%dma_wait3A_514, %dma_wait3A_517, %dma_wait3A_518] : memref<4x64x128xf32, #tpu.memory_space<vmem>> -> memref<1x64x128xf32, #tpu.memory_space<vmem>>
      %dma_wait3A_520 = tpu.memref_squeeze %dma_wait3A_519 : memref<1x64x128xf32, #tpu.memory_space<vmem>> -> memref<64x128xf32, #tpu.memory_space<vmem>>
      %dma_wait3A_521 = arith.constant 0 : i32
      %dma_wait3A_522 = tpu.memref_slice %arg7[%dma_wait3A_515, %dma_wait3A_516, %dma_wait3A_521] : memref<2x16x64xi32, #tpu.memory_space<vmem>> -> memref<1x1x64xi32, #tpu.memory_space<vmem>>
      %dma_wait3A_523 = tpu.memref_squeeze %dma_wait3A_522 : memref<1x1x64xi32, #tpu.memory_space<vmem>> -> memref<64xi32, #tpu.memory_space<vmem>>
      %dma_wait3A_524 = arith.constant 0 : i32
      %dma_wait3A_525 = arith.constant 0 : i32
      %dma_wait3A_526 = tpu.memref_slice %arg9[%dma_wait3A_524, %dma_wait3A_525] : memref<10240x128xf32, #tpu.memory_space<vmem_shared>> -> memref<10240x128xf32, #tpu.memory_space<vmem_shared>>
      tpu.wait_indirect_dma semaphore(%arg11 : memref<!tpu.dma_semaphore, #tpu.memory_space<semaphore_mem>>) src(%dma_wait3A_520 : memref<64x128xf32, #tpu.memory_space<vmem>>) dst(%dma_wait3A_526 : memref<10240x128xf32, #tpu.memory_space<vmem_shared>>)
      %dma_start3A_527 = arith.constant 0 : i32
      %dma_start3A_528 = arith.constant 12 : i32
      %dma_start3A_529 = arith.constant 0 : i32
      %dma_start3A_530 = arith.constant 0 : i32
      %dma_start3A_531 = arith.constant 0 : i32
      %dma_start3A_532 = tpu.memref_slice %arg8[%dma_start3A_529, %dma_start3A_530, %dma_start3A_531] : memref<4x64x128xf32, #tpu.memory_space<vmem>> -> memref<1x64x128xf32, #tpu.memory_space<vmem>>
      %dma_start3A_533 = tpu.memref_squeeze %dma_start3A_532 : memref<1x64x128xf32, #tpu.memory_space<vmem>> -> memref<64x128xf32, #tpu.memory_space<vmem>>
      %dma_start3A_534 = arith.constant 0 : i32
      %dma_start3A_535 = tpu.memref_slice %arg7[%dma_start3A_527, %dma_start3A_528, %dma_start3A_534] : memref<2x16x64xi32, #tpu.memory_space<vmem>> -> memref<1x1x64xi32, #tpu.memory_space<vmem>>
      %dma_start3A_536 = tpu.memref_squeeze %dma_start3A_535 : memref<1x1x64xi32, #tpu.memory_space<vmem>> -> memref<64xi32, #tpu.memory_space<vmem>>
      %dma_start3A_537 = arith.constant 0 : i32
      %dma_start3A_538 = arith.constant 0 : i32
      %dma_start3A_539 = tpu.memref_slice %arg2[%dma_start3A_537, %dma_start3A_538] : memref<10240x128xf32, #tpu.memory_space<hbm>> -> memref<10240x128xf32, #tpu.memory_space<hbm>>
      tpu.enqueue_indirect_dma source(%dma_start3A_539 : memref<10240x128xf32, #tpu.memory_space<hbm>>) target(%dma_start3A_533 : memref<64x128xf32, #tpu.memory_space<vmem>>) offsets(%dma_start3A_536 : memref<64xi32, #tpu.memory_space<vmem>>) semaphore(%arg10 : memref<!tpu.dma_semaphore, #tpu.memory_space<semaphore_mem>>)
      %dma_wait3A_540 = arith.constant 0 : i32
      %dma_wait3A_541 = arith.constant 9 : i32
      %dma_wait3A_542 = arith.constant 1 : i32
      %dma_wait3A_543 = arith.constant 0 : i32
      %dma_wait3A_544 = arith.constant 0 : i32
      %dma_wait3A_545 = tpu.memref_slice %arg8[%dma_wait3A_542, %dma_wait3A_543, %dma_wait3A_544] : memref<4x64x128xf32, #tpu.memory_space<vmem>> -> memref<1x64x128xf32, #tpu.memory_space<vmem>>
      %dma_wait3A_546 = tpu.memref_squeeze %dma_wait3A_545 : memref<1x64x128xf32, #tpu.memory_space<vmem>> -> memref<64x128xf32, #tpu.memory_space<vmem>>
      %dma_wait3A_547 = arith.constant 0 : i32
      %dma_wait3A_548 = tpu.memref_slice %arg7[%dma_wait3A_540, %dma_wait3A_541, %dma_wait3A_547] : memref<2x16x64xi32, #tpu.memory_space<vmem>> -> memref<1x1x64xi32, #tpu.memory_space<vmem>>
      %dma_wait3A_549 = tpu.memref_squeeze %dma_wait3A_548 : memref<1x1x64xi32, #tpu.memory_space<vmem>> -> memref<64xi32, #tpu.memory_space<vmem>>
      %dma_wait3A_550 = arith.constant 0 : i32
      %dma_wait3A_551 = arith.constant 0 : i32
      %dma_wait3A_552 = tpu.memref_slice %arg2[%dma_wait3A_550, %dma_wait3A_551] : memref<10240x128xf32, #tpu.memory_space<hbm>> -> memref<10240x128xf32, #tpu.memory_space<hbm>>
      tpu.wait_indirect_dma semaphore(%arg10 : memref<!tpu.dma_semaphore, #tpu.memory_space<semaphore_mem>>) src(%dma_wait3A_552 : memref<10240x128xf32, #tpu.memory_space<hbm>>) dst(%dma_wait3A_546 : memref<64x128xf32, #tpu.memory_space<vmem>>)
      %dma_start3A_553 = arith.constant 1 : i32
      %dma_start3A_554 = arith.constant 1 : i32
      %dma_start3A_555 = arith.constant 9 : i32
      %dma_start3A_556 = arith.constant 0 : i32
      %dma_start3A_557 = arith.constant 0 : i32
      %dma_start3A_558 = tpu.memref_slice %arg8[%dma_start3A_553, %dma_start3A_556, %dma_start3A_557] : memref<4x64x128xf32, #tpu.memory_space<vmem>> -> memref<1x64x128xf32, #tpu.memory_space<vmem>>
      %dma_start3A_559 = tpu.memref_squeeze %dma_start3A_558 : memref<1x64x128xf32, #tpu.memory_space<vmem>> -> memref<64x128xf32, #tpu.memory_space<vmem>>
      %dma_start3A_560 = arith.constant 0 : i32
      %dma_start3A_561 = tpu.memref_slice %arg7[%dma_start3A_554, %dma_start3A_555, %dma_start3A_560] : memref<2x16x64xi32, #tpu.memory_space<vmem>> -> memref<1x1x64xi32, #tpu.memory_space<vmem>>
      %dma_start3A_562 = tpu.memref_squeeze %dma_start3A_561 : memref<1x1x64xi32, #tpu.memory_space<vmem>> -> memref<64xi32, #tpu.memory_space<vmem>>
      %dma_start3A_563 = arith.constant 0 : i32
      %dma_start3A_564 = arith.constant 0 : i32
      %dma_start3A_565 = tpu.memref_slice %arg9[%dma_start3A_563, %dma_start3A_564] : memref<10240x128xf32, #tpu.memory_space<vmem_shared>> -> memref<10240x128xf32, #tpu.memory_space<vmem_shared>>
      tpu.enqueue_indirect_dma source(%dma_start3A_559 : memref<64x128xf32, #tpu.memory_space<vmem>>) target(%dma_start3A_565 : memref<10240x128xf32, #tpu.memory_space<vmem_shared>>) offsets(%dma_start3A_562 : memref<64xi32, #tpu.memory_space<vmem>>) semaphore(%arg11 : memref<!tpu.dma_semaphore, #tpu.memory_space<semaphore_mem>>) {add = true}
      %dma_wait3A_566 = arith.constant 1 : i32
      %dma_wait3A_567 = arith.constant 1 : i32
      %dma_wait3A_568 = arith.constant 9 : i32
      %dma_wait3A_569 = arith.constant 0 : i32
      %dma_wait3A_570 = arith.constant 0 : i32
      %dma_wait3A_571 = tpu.memref_slice %arg8[%dma_wait3A_566, %dma_wait3A_569, %dma_wait3A_570] : memref<4x64x128xf32, #tpu.memory_space<vmem>> -> memref<1x64x128xf32, #tpu.memory_space<vmem>>
      %dma_wait3A_572 = tpu.memref_squeeze %dma_wait3A_571 : memref<1x64x128xf32, #tpu.memory_space<vmem>> -> memref<64x128xf32, #tpu.memory_space<vmem>>
      %dma_wait3A_573 = arith.constant 0 : i32
      %dma_wait3A_574 = tpu.memref_slice %arg7[%dma_wait3A_567, %dma_wait3A_568, %dma_wait3A_573] : memref<2x16x64xi32, #tpu.memory_space<vmem>> -> memref<1x1x64xi32, #tpu.memory_space<vmem>>
      %dma_wait3A_575 = tpu.memref_squeeze %dma_wait3A_574 : memref<1x1x64xi32, #tpu.memory_space<vmem>> -> memref<64xi32, #tpu.memory_space<vmem>>
      %dma_wait3A_576 = arith.constant 0 : i32
      %dma_wait3A_577 = arith.constant 0 : i32
      %dma_wait3A_578 = tpu.memref_slice %arg9[%dma_wait3A_576, %dma_wait3A_577] : memref<10240x128xf32, #tpu.memory_space<vmem_shared>> -> memref<10240x128xf32, #tpu.memory_space<vmem_shared>>
      tpu.wait_indirect_dma semaphore(%arg11 : memref<!tpu.dma_semaphore, #tpu.memory_space<semaphore_mem>>) src(%dma_wait3A_572 : memref<64x128xf32, #tpu.memory_space<vmem>>) dst(%dma_wait3A_578 : memref<10240x128xf32, #tpu.memory_space<vmem_shared>>)
      %dma_start3A_579 = arith.constant 0 : i32
      %dma_start3A_580 = arith.constant 13 : i32
      %dma_start3A_581 = arith.constant 1 : i32
      %dma_start3A_582 = arith.constant 0 : i32
      %dma_start3A_583 = arith.constant 0 : i32
      %dma_start3A_584 = tpu.memref_slice %arg8[%dma_start3A_581, %dma_start3A_582, %dma_start3A_583] : memref<4x64x128xf32, #tpu.memory_space<vmem>> -> memref<1x64x128xf32, #tpu.memory_space<vmem>>
      %dma_start3A_585 = tpu.memref_squeeze %dma_start3A_584 : memref<1x64x128xf32, #tpu.memory_space<vmem>> -> memref<64x128xf32, #tpu.memory_space<vmem>>
      %dma_start3A_586 = arith.constant 0 : i32
      %dma_start3A_587 = tpu.memref_slice %arg7[%dma_start3A_579, %dma_start3A_580, %dma_start3A_586] : memref<2x16x64xi32, #tpu.memory_space<vmem>> -> memref<1x1x64xi32, #tpu.memory_space<vmem>>
      %dma_start3A_588 = tpu.memref_squeeze %dma_start3A_587 : memref<1x1x64xi32, #tpu.memory_space<vmem>> -> memref<64xi32, #tpu.memory_space<vmem>>
      %dma_start3A_589 = arith.constant 0 : i32
      %dma_start3A_590 = arith.constant 0 : i32
      %dma_start3A_591 = tpu.memref_slice %arg2[%dma_start3A_589, %dma_start3A_590] : memref<10240x128xf32, #tpu.memory_space<hbm>> -> memref<10240x128xf32, #tpu.memory_space<hbm>>
      tpu.enqueue_indirect_dma source(%dma_start3A_591 : memref<10240x128xf32, #tpu.memory_space<hbm>>) target(%dma_start3A_585 : memref<64x128xf32, #tpu.memory_space<vmem>>) offsets(%dma_start3A_588 : memref<64xi32, #tpu.memory_space<vmem>>) semaphore(%arg10 : memref<!tpu.dma_semaphore, #tpu.memory_space<semaphore_mem>>)
      %dma_wait3A_592 = arith.constant 0 : i32
      %dma_wait3A_593 = arith.constant 10 : i32
      %dma_wait3A_594 = arith.constant 2 : i32
      %dma_wait3A_595 = arith.constant 0 : i32
      %dma_wait3A_596 = arith.constant 0 : i32
      %dma_wait3A_597 = tpu.memref_slice %arg8[%dma_wait3A_594, %dma_wait3A_595, %dma_wait3A_596] : memref<4x64x128xf32, #tpu.memory_space<vmem>> -> memref<1x64x128xf32, #tpu.memory_space<vmem>>
      %dma_wait3A_598 = tpu.memref_squeeze %dma_wait3A_597 : memref<1x64x128xf32, #tpu.memory_space<vmem>> -> memref<64x128xf32, #tpu.memory_space<vmem>>
      %dma_wait3A_599 = arith.constant 0 : i32
      %dma_wait3A_600 = tpu.memref_slice %arg7[%dma_wait3A_592, %dma_wait3A_593, %dma_wait3A_599] : memref<2x16x64xi32, #tpu.memory_space<vmem>> -> memref<1x1x64xi32, #tpu.memory_space<vmem>>
      %dma_wait3A_601 = tpu.memref_squeeze %dma_wait3A_600 : memref<1x1x64xi32, #tpu.memory_space<vmem>> -> memref<64xi32, #tpu.memory_space<vmem>>
      %dma_wait3A_602 = arith.constant 0 : i32
      %dma_wait3A_603 = arith.constant 0 : i32
      %dma_wait3A_604 = tpu.memref_slice %arg2[%dma_wait3A_602, %dma_wait3A_603] : memref<10240x128xf32, #tpu.memory_space<hbm>> -> memref<10240x128xf32, #tpu.memory_space<hbm>>
      tpu.wait_indirect_dma semaphore(%arg10 : memref<!tpu.dma_semaphore, #tpu.memory_space<semaphore_mem>>) src(%dma_wait3A_604 : memref<10240x128xf32, #tpu.memory_space<hbm>>) dst(%dma_wait3A_598 : memref<64x128xf32, #tpu.memory_space<vmem>>)
      %dma_start3A_605 = arith.constant 2 : i32
      %dma_start3A_606 = arith.constant 1 : i32
      %dma_start3A_607 = arith.constant 10 : i32
      %dma_start3A_608 = arith.constant 0 : i32
      %dma_start3A_609 = arith.constant 0 : i32
      %dma_start3A_610 = tpu.memref_slice %arg8[%dma_start3A_605, %dma_start3A_608, %dma_start3A_609] : memref<4x64x128xf32, #tpu.memory_space<vmem>> -> memref<1x64x128xf32, #tpu.memory_space<vmem>>
      %dma_start3A_611 = tpu.memref_squeeze %dma_start3A_610 : memref<1x64x128xf32, #tpu.memory_space<vmem>> -> memref<64x128xf32, #tpu.memory_space<vmem>>
      %dma_start3A_612 = arith.constant 0 : i32
      %dma_start3A_613 = tpu.memref_slice %arg7[%dma_start3A_606, %dma_start3A_607, %dma_start3A_612] : memref<2x16x64xi32, #tpu.memory_space<vmem>> -> memref<1x1x64xi32, #tpu.memory_space<vmem>>
      %dma_start3A_614 = tpu.memref_squeeze %dma_start3A_613 : memref<1x1x64xi32, #tpu.memory_space<vmem>> -> memref<64xi32, #tpu.memory_space<vmem>>
      %dma_start3A_615 = arith.constant 0 : i32
      %dma_start3A_616 = arith.constant 0 : i32
      %dma_start3A_617 = tpu.memref_slice %arg9[%dma_start3A_615, %dma_start3A_616] : memref<10240x128xf32, #tpu.memory_space<vmem_shared>> -> memref<10240x128xf32, #tpu.memory_space<vmem_shared>>
      tpu.enqueue_indirect_dma source(%dma_start3A_611 : memref<64x128xf32, #tpu.memory_space<vmem>>) target(%dma_start3A_617 : memref<10240x128xf32, #tpu.memory_space<vmem_shared>>) offsets(%dma_start3A_614 : memref<64xi32, #tpu.memory_space<vmem>>) semaphore(%arg11 : memref<!tpu.dma_semaphore, #tpu.memory_space<semaphore_mem>>) {add = true}
      %dma_wait3A_618 = arith.constant 2 : i32
      %dma_wait3A_619 = arith.constant 1 : i32
      %dma_wait3A_620 = arith.constant 10 : i32
      %dma_wait3A_621 = arith.constant 0 : i32
      %dma_wait3A_622 = arith.constant 0 : i32
      %dma_wait3A_623 = tpu.memref_slice %arg8[%dma_wait3A_618, %dma_wait3A_621, %dma_wait3A_622] : memref<4x64x128xf32, #tpu.memory_space<vmem>> -> memref<1x64x128xf32, #tpu.memory_space<vmem>>
      %dma_wait3A_624 = tpu.memref_squeeze %dma_wait3A_623 : memref<1x64x128xf32, #tpu.memory_space<vmem>> -> memref<64x128xf32, #tpu.memory_space<vmem>>
      %dma_wait3A_625 = arith.constant 0 : i32
      %dma_wait3A_626 = tpu.memref_slice %arg7[%dma_wait3A_619, %dma_wait3A_620, %dma_wait3A_625] : memref<2x16x64xi32, #tpu.memory_space<vmem>> -> memref<1x1x64xi32, #tpu.memory_space<vmem>>
      %dma_wait3A_627 = tpu.memref_squeeze %dma_wait3A_626 : memref<1x1x64xi32, #tpu.memory_space<vmem>> -> memref<64xi32, #tpu.memory_space<vmem>>
      %dma_wait3A_628 = arith.constant 0 : i32
      %dma_wait3A_629 = arith.constant 0 : i32
      %dma_wait3A_630 = tpu.memref_slice %arg9[%dma_wait3A_628, %dma_wait3A_629] : memref<10240x128xf32, #tpu.memory_space<vmem_shared>> -> memref<10240x128xf32, #tpu.memory_space<vmem_shared>>
      tpu.wait_indirect_dma semaphore(%arg11 : memref<!tpu.dma_semaphore, #tpu.memory_space<semaphore_mem>>) src(%dma_wait3A_624 : memref<64x128xf32, #tpu.memory_space<vmem>>) dst(%dma_wait3A_630 : memref<10240x128xf32, #tpu.memory_space<vmem_shared>>)
      %dma_start3A_631 = arith.constant 0 : i32
      %dma_start3A_632 = arith.constant 14 : i32
      %dma_start3A_633 = arith.constant 2 : i32
      %dma_start3A_634 = arith.constant 0 : i32
      %dma_start3A_635 = arith.constant 0 : i32
      %dma_start3A_636 = tpu.memref_slice %arg8[%dma_start3A_633, %dma_start3A_634, %dma_start3A_635] : memref<4x64x128xf32, #tpu.memory_space<vmem>> -> memref<1x64x128xf32, #tpu.memory_space<vmem>>
      %dma_start3A_637 = tpu.memref_squeeze %dma_start3A_636 : memref<1x64x128xf32, #tpu.memory_space<vmem>> -> memref<64x128xf32, #tpu.memory_space<vmem>>
      %dma_start3A_638 = arith.constant 0 : i32
      %dma_start3A_639 = tpu.memref_slice %arg7[%dma_start3A_631, %dma_start3A_632, %dma_start3A_638] : memref<2x16x64xi32, #tpu.memory_space<vmem>> -> memref<1x1x64xi32, #tpu.memory_space<vmem>>
      %dma_start3A_640 = tpu.memref_squeeze %dma_start3A_639 : memref<1x1x64xi32, #tpu.memory_space<vmem>> -> memref<64xi32, #tpu.memory_space<vmem>>
      %dma_start3A_641 = arith.constant 0 : i32
      %dma_start3A_642 = arith.constant 0 : i32
      %dma_start3A_643 = tpu.memref_slice %arg2[%dma_start3A_641, %dma_start3A_642] : memref<10240x128xf32, #tpu.memory_space<hbm>> -> memref<10240x128xf32, #tpu.memory_space<hbm>>
      tpu.enqueue_indirect_dma source(%dma_start3A_643 : memref<10240x128xf32, #tpu.memory_space<hbm>>) target(%dma_start3A_637 : memref<64x128xf32, #tpu.memory_space<vmem>>) offsets(%dma_start3A_640 : memref<64xi32, #tpu.memory_space<vmem>>) semaphore(%arg10 : memref<!tpu.dma_semaphore, #tpu.memory_space<semaphore_mem>>)
      %dma_wait3A_644 = arith.constant 0 : i32
      %dma_wait3A_645 = arith.constant 11 : i32
      %dma_wait3A_646 = arith.constant 3 : i32
      %dma_wait3A_647 = arith.constant 0 : i32
      %dma_wait3A_648 = arith.constant 0 : i32
      %dma_wait3A_649 = tpu.memref_slice %arg8[%dma_wait3A_646, %dma_wait3A_647, %dma_wait3A_648] : memref<4x64x128xf32, #tpu.memory_space<vmem>> -> memref<1x64x128xf32, #tpu.memory_space<vmem>>
      %dma_wait3A_650 = tpu.memref_squeeze %dma_wait3A_649 : memref<1x64x128xf32, #tpu.memory_space<vmem>> -> memref<64x128xf32, #tpu.memory_space<vmem>>
      %dma_wait3A_651 = arith.constant 0 : i32
      %dma_wait3A_652 = tpu.memref_slice %arg7[%dma_wait3A_644, %dma_wait3A_645, %dma_wait3A_651] : memref<2x16x64xi32, #tpu.memory_space<vmem>> -> memref<1x1x64xi32, #tpu.memory_space<vmem>>
      %dma_wait3A_653 = tpu.memref_squeeze %dma_wait3A_652 : memref<1x1x64xi32, #tpu.memory_space<vmem>> -> memref<64xi32, #tpu.memory_space<vmem>>
      %dma_wait3A_654 = arith.constant 0 : i32
      %dma_wait3A_655 = arith.constant 0 : i32
      %dma_wait3A_656 = tpu.memref_slice %arg2[%dma_wait3A_654, %dma_wait3A_655] : memref<10240x128xf32, #tpu.memory_space<hbm>> -> memref<10240x128xf32, #tpu.memory_space<hbm>>
      tpu.wait_indirect_dma semaphore(%arg10 : memref<!tpu.dma_semaphore, #tpu.memory_space<semaphore_mem>>) src(%dma_wait3A_656 : memref<10240x128xf32, #tpu.memory_space<hbm>>) dst(%dma_wait3A_650 : memref<64x128xf32, #tpu.memory_space<vmem>>)
      %dma_start3A_657 = arith.constant 3 : i32
      %dma_start3A_658 = arith.constant 1 : i32
      %dma_start3A_659 = arith.constant 11 : i32
      %dma_start3A_660 = arith.constant 0 : i32
      %dma_start3A_661 = arith.constant 0 : i32
      %dma_start3A_662 = tpu.memref_slice %arg8[%dma_start3A_657, %dma_start3A_660, %dma_start3A_661] : memref<4x64x128xf32, #tpu.memory_space<vmem>> -> memref<1x64x128xf32, #tpu.memory_space<vmem>>
      %dma_start3A_663 = tpu.memref_squeeze %dma_start3A_662 : memref<1x64x128xf32, #tpu.memory_space<vmem>> -> memref<64x128xf32, #tpu.memory_space<vmem>>
      %dma_start3A_664 = arith.constant 0 : i32
      %dma_start3A_665 = tpu.memref_slice %arg7[%dma_start3A_658, %dma_start3A_659, %dma_start3A_664] : memref<2x16x64xi32, #tpu.memory_space<vmem>> -> memref<1x1x64xi32, #tpu.memory_space<vmem>>
      %dma_start3A_666 = tpu.memref_squeeze %dma_start3A_665 : memref<1x1x64xi32, #tpu.memory_space<vmem>> -> memref<64xi32, #tpu.memory_space<vmem>>
      %dma_start3A_667 = arith.constant 0 : i32
      %dma_start3A_668 = arith.constant 0 : i32
      %dma_start3A_669 = tpu.memref_slice %arg9[%dma_start3A_667, %dma_start3A_668] : memref<10240x128xf32, #tpu.memory_space<vmem_shared>> -> memref<10240x128xf32, #tpu.memory_space<vmem_shared>>
      tpu.enqueue_indirect_dma source(%dma_start3A_663 : memref<64x128xf32, #tpu.memory_space<vmem>>) target(%dma_start3A_669 : memref<10240x128xf32, #tpu.memory_space<vmem_shared>>) offsets(%dma_start3A_666 : memref<64xi32, #tpu.memory_space<vmem>>) semaphore(%arg11 : memref<!tpu.dma_semaphore, #tpu.memory_space<semaphore_mem>>) {add = true}
      %dma_wait3A_670 = arith.constant 3 : i32
      %dma_wait3A_671 = arith.constant 1 : i32
      %dma_wait3A_672 = arith.constant 11 : i32
      %dma_wait3A_673 = arith.constant 0 : i32
      %dma_wait3A_674 = arith.constant 0 : i32
      %dma_wait3A_675 = tpu.memref_slice %arg8[%dma_wait3A_670, %dma_wait3A_673, %dma_wait3A_674] : memref<4x64x128xf32, #tpu.memory_space<vmem>> -> memref<1x64x128xf32, #tpu.memory_space<vmem>>
      %dma_wait3A_676 = tpu.memref_squeeze %dma_wait3A_675 : memref<1x64x128xf32, #tpu.memory_space<vmem>> -> memref<64x128xf32, #tpu.memory_space<vmem>>
      %dma_wait3A_677 = arith.constant 0 : i32
      %dma_wait3A_678 = tpu.memref_slice %arg7[%dma_wait3A_671, %dma_wait3A_672, %dma_wait3A_677] : memref<2x16x64xi32, #tpu.memory_space<vmem>> -> memref<1x1x64xi32, #tpu.memory_space<vmem>>
      %dma_wait3A_679 = tpu.memref_squeeze %dma_wait3A_678 : memref<1x1x64xi32, #tpu.memory_space<vmem>> -> memref<64xi32, #tpu.memory_space<vmem>>
      %dma_wait3A_680 = arith.constant 0 : i32
      %dma_wait3A_681 = arith.constant 0 : i32
      %dma_wait3A_682 = tpu.memref_slice %arg9[%dma_wait3A_680, %dma_wait3A_681] : memref<10240x128xf32, #tpu.memory_space<vmem_shared>> -> memref<10240x128xf32, #tpu.memory_space<vmem_shared>>
      tpu.wait_indirect_dma semaphore(%arg11 : memref<!tpu.dma_semaphore, #tpu.memory_space<semaphore_mem>>) src(%dma_wait3A_676 : memref<64x128xf32, #tpu.memory_space<vmem>>) dst(%dma_wait3A_682 : memref<10240x128xf32, #tpu.memory_space<vmem_shared>>)
      %dma_start3A_683 = arith.constant 0 : i32
      %dma_start3A_684 = arith.constant 15 : i32
      %dma_start3A_685 = arith.constant 3 : i32
      %dma_start3A_686 = arith.constant 0 : i32
      %dma_start3A_687 = arith.constant 0 : i32
      %dma_start3A_688 = tpu.memref_slice %arg8[%dma_start3A_685, %dma_start3A_686, %dma_start3A_687] : memref<4x64x128xf32, #tpu.memory_space<vmem>> -> memref<1x64x128xf32, #tpu.memory_space<vmem>>
      %dma_start3A_689 = tpu.memref_squeeze %dma_start3A_688 : memref<1x64x128xf32, #tpu.memory_space<vmem>> -> memref<64x128xf32, #tpu.memory_space<vmem>>
      %dma_start3A_690 = arith.constant 0 : i32
      %dma_start3A_691 = tpu.memref_slice %arg7[%dma_start3A_683, %dma_start3A_684, %dma_start3A_690] : memref<2x16x64xi32, #tpu.memory_space<vmem>> -> memref<1x1x64xi32, #tpu.memory_space<vmem>>
      %dma_start3A_692 = tpu.memref_squeeze %dma_start3A_691 : memref<1x1x64xi32, #tpu.memory_space<vmem>> -> memref<64xi32, #tpu.memory_space<vmem>>
      %dma_start3A_693 = arith.constant 0 : i32
      %dma_start3A_694 = arith.constant 0 : i32
      %dma_start3A_695 = tpu.memref_slice %arg2[%dma_start3A_693, %dma_start3A_694] : memref<10240x128xf32, #tpu.memory_space<hbm>> -> memref<10240x128xf32, #tpu.memory_space<hbm>>
      tpu.enqueue_indirect_dma source(%dma_start3A_695 : memref<10240x128xf32, #tpu.memory_space<hbm>>) target(%dma_start3A_689 : memref<64x128xf32, #tpu.memory_space<vmem>>) offsets(%dma_start3A_692 : memref<64xi32, #tpu.memory_space<vmem>>) semaphore(%arg10 : memref<!tpu.dma_semaphore, #tpu.memory_space<semaphore_mem>>)
      %dma_wait3A_696 = arith.constant 0 : i32
      %dma_wait3A_697 = arith.constant 12 : i32
      %dma_wait3A_698 = arith.constant 0 : i32
      %dma_wait3A_699 = arith.constant 0 : i32
      %dma_wait3A_700 = arith.constant 0 : i32
      %dma_wait3A_701 = tpu.memref_slice %arg8[%dma_wait3A_698, %dma_wait3A_699, %dma_wait3A_700] : memref<4x64x128xf32, #tpu.memory_space<vmem>> -> memref<1x64x128xf32, #tpu.memory_space<vmem>>
      %dma_wait3A_702 = tpu.memref_squeeze %dma_wait3A_701 : memref<1x64x128xf32, #tpu.memory_space<vmem>> -> memref<64x128xf32, #tpu.memory_space<vmem>>
      %dma_wait3A_703 = arith.constant 0 : i32
      %dma_wait3A_704 = tpu.memref_slice %arg7[%dma_wait3A_696, %dma_wait3A_697, %dma_wait3A_703] : memref<2x16x64xi32, #tpu.memory_space<vmem>> -> memref<1x1x64xi32, #tpu.memory_space<vmem>>
      %dma_wait3A_705 = tpu.memref_squeeze %dma_wait3A_704 : memref<1x1x64xi32, #tpu.memory_space<vmem>> -> memref<64xi32, #tpu.memory_space<vmem>>
      %dma_wait3A_706 = arith.constant 0 : i32
      %dma_wait3A_707 = arith.constant 0 : i32
      %dma_wait3A_708 = tpu.memref_slice %arg2[%dma_wait3A_706, %dma_wait3A_707] : memref<10240x128xf32, #tpu.memory_space<hbm>> -> memref<10240x128xf32, #tpu.memory_space<hbm>>
      tpu.wait_indirect_dma semaphore(%arg10 : memref<!tpu.dma_semaphore, #tpu.memory_space<semaphore_mem>>) src(%dma_wait3A_708 : memref<10240x128xf32, #tpu.memory_space<hbm>>) dst(%dma_wait3A_702 : memref<64x128xf32, #tpu.memory_space<vmem>>)
      %dma_start3A_709 = arith.constant 0 : i32
      %dma_start3A_710 = arith.constant 1 : i32
      %dma_start3A_711 = arith.constant 12 : i32
      %dma_start3A_712 = arith.constant 0 : i32
      %dma_start3A_713 = arith.constant 0 : i32
      %dma_start3A_714 = tpu.memref_slice %arg8[%dma_start3A_709, %dma_start3A_712, %dma_start3A_713] : memref<4x64x128xf32, #tpu.memory_space<vmem>> -> memref<1x64x128xf32, #tpu.memory_space<vmem>>
      %dma_start3A_715 = tpu.memref_squeeze %dma_start3A_714 : memref<1x64x128xf32, #tpu.memory_space<vmem>> -> memref<64x128xf32, #tpu.memory_space<vmem>>
      %dma_start3A_716 = arith.constant 0 : i32
      %dma_start3A_717 = tpu.memref_slice %arg7[%dma_start3A_710, %dma_start3A_711, %dma_start3A_716] : memref<2x16x64xi32, #tpu.memory_space<vmem>> -> memref<1x1x64xi32, #tpu.memory_space<vmem>>
      %dma_start3A_718 = tpu.memref_squeeze %dma_start3A_717 : memref<1x1x64xi32, #tpu.memory_space<vmem>> -> memref<64xi32, #tpu.memory_space<vmem>>
      %dma_start3A_719 = arith.constant 0 : i32
      %dma_start3A_720 = arith.constant 0 : i32
      %dma_start3A_721 = tpu.memref_slice %arg9[%dma_start3A_719, %dma_start3A_720] : memref<10240x128xf32, #tpu.memory_space<vmem_shared>> -> memref<10240x128xf32, #tpu.memory_space<vmem_shared>>
      tpu.enqueue_indirect_dma source(%dma_start3A_715 : memref<64x128xf32, #tpu.memory_space<vmem>>) target(%dma_start3A_721 : memref<10240x128xf32, #tpu.memory_space<vmem_shared>>) offsets(%dma_start3A_718 : memref<64xi32, #tpu.memory_space<vmem>>) semaphore(%arg11 : memref<!tpu.dma_semaphore, #tpu.memory_space<semaphore_mem>>) {add = true}
      %dma_wait3A_722 = arith.constant 0 : i32
      %dma_wait3A_723 = arith.constant 13 : i32
      %dma_wait3A_724 = arith.constant 1 : i32
      %dma_wait3A_725 = arith.constant 0 : i32
      %dma_wait3A_726 = arith.constant 0 : i32
      %dma_wait3A_727 = tpu.memref_slice %arg8[%dma_wait3A_724, %dma_wait3A_725, %dma_wait3A_726] : memref<4x64x128xf32, #tpu.memory_space<vmem>> -> memref<1x64x128xf32, #tpu.memory_space<vmem>>
      %dma_wait3A_728 = tpu.memref_squeeze %dma_wait3A_727 : memref<1x64x128xf32, #tpu.memory_space<vmem>> -> memref<64x128xf32, #tpu.memory_space<vmem>>
      %dma_wait3A_729 = arith.constant 0 : i32
      %dma_wait3A_730 = tpu.memref_slice %arg7[%dma_wait3A_722, %dma_wait3A_723, %dma_wait3A_729] : memref<2x16x64xi32, #tpu.memory_space<vmem>> -> memref<1x1x64xi32, #tpu.memory_space<vmem>>
      %dma_wait3A_731 = tpu.memref_squeeze %dma_wait3A_730 : memref<1x1x64xi32, #tpu.memory_space<vmem>> -> memref<64xi32, #tpu.memory_space<vmem>>
      %dma_wait3A_732 = arith.constant 0 : i32
      %dma_wait3A_733 = arith.constant 0 : i32
      %dma_wait3A_734 = tpu.memref_slice %arg2[%dma_wait3A_732, %dma_wait3A_733] : memref<10240x128xf32, #tpu.memory_space<hbm>> -> memref<10240x128xf32, #tpu.memory_space<hbm>>
      tpu.wait_indirect_dma semaphore(%arg10 : memref<!tpu.dma_semaphore, #tpu.memory_space<semaphore_mem>>) src(%dma_wait3A_734 : memref<10240x128xf32, #tpu.memory_space<hbm>>) dst(%dma_wait3A_728 : memref<64x128xf32, #tpu.memory_space<vmem>>)
      %dma_start3A_735 = arith.constant 1 : i32
      %dma_start3A_736 = arith.constant 1 : i32
      %dma_start3A_737 = arith.constant 13 : i32
      %dma_start3A_738 = arith.constant 0 : i32
      %dma_start3A_739 = arith.constant 0 : i32
      %dma_start3A_740 = tpu.memref_slice %arg8[%dma_start3A_735, %dma_start3A_738, %dma_start3A_739] : memref<4x64x128xf32, #tpu.memory_space<vmem>> -> memref<1x64x128xf32, #tpu.memory_space<vmem>>
      %dma_start3A_741 = tpu.memref_squeeze %dma_start3A_740 : memref<1x64x128xf32, #tpu.memory_space<vmem>> -> memref<64x128xf32, #tpu.memory_space<vmem>>
      %dma_start3A_742 = arith.constant 0 : i32
      %dma_start3A_743 = tpu.memref_slice %arg7[%dma_start3A_736, %dma_start3A_737, %dma_start3A_742] : memref<2x16x64xi32, #tpu.memory_space<vmem>> -> memref<1x1x64xi32, #tpu.memory_space<vmem>>
      %dma_start3A_744 = tpu.memref_squeeze %dma_start3A_743 : memref<1x1x64xi32, #tpu.memory_space<vmem>> -> memref<64xi32, #tpu.memory_space<vmem>>
      %dma_start3A_745 = arith.constant 0 : i32
      %dma_start3A_746 = arith.constant 0 : i32
      %dma_start3A_747 = tpu.memref_slice %arg9[%dma_start3A_745, %dma_start3A_746] : memref<10240x128xf32, #tpu.memory_space<vmem_shared>> -> memref<10240x128xf32, #tpu.memory_space<vmem_shared>>
      tpu.enqueue_indirect_dma source(%dma_start3A_741 : memref<64x128xf32, #tpu.memory_space<vmem>>) target(%dma_start3A_747 : memref<10240x128xf32, #tpu.memory_space<vmem_shared>>) offsets(%dma_start3A_744 : memref<64xi32, #tpu.memory_space<vmem>>) semaphore(%arg11 : memref<!tpu.dma_semaphore, #tpu.memory_space<semaphore_mem>>) {add = true}
      %dma_wait3A_748 = arith.constant 0 : i32
      %dma_wait3A_749 = arith.constant 14 : i32
      %dma_wait3A_750 = arith.constant 2 : i32
      %dma_wait3A_751 = arith.constant 0 : i32
      %dma_wait3A_752 = arith.constant 0 : i32
      %dma_wait3A_753 = tpu.memref_slice %arg8[%dma_wait3A_750, %dma_wait3A_751, %dma_wait3A_752] : memref<4x64x128xf32, #tpu.memory_space<vmem>> -> memref<1x64x128xf32, #tpu.memory_space<vmem>>
      %dma_wait3A_754 = tpu.memref_squeeze %dma_wait3A_753 : memref<1x64x128xf32, #tpu.memory_space<vmem>> -> memref<64x128xf32, #tpu.memory_space<vmem>>
      %dma_wait3A_755 = arith.constant 0 : i32
      %dma_wait3A_756 = tpu.memref_slice %arg7[%dma_wait3A_748, %dma_wait3A_749, %dma_wait3A_755] : memref<2x16x64xi32, #tpu.memory_space<vmem>> -> memref<1x1x64xi32, #tpu.memory_space<vmem>>
      %dma_wait3A_757 = tpu.memref_squeeze %dma_wait3A_756 : memref<1x1x64xi32, #tpu.memory_space<vmem>> -> memref<64xi32, #tpu.memory_space<vmem>>
      %dma_wait3A_758 = arith.constant 0 : i32
      %dma_wait3A_759 = arith.constant 0 : i32
      %dma_wait3A_760 = tpu.memref_slice %arg2[%dma_wait3A_758, %dma_wait3A_759] : memref<10240x128xf32, #tpu.memory_space<hbm>> -> memref<10240x128xf32, #tpu.memory_space<hbm>>
      tpu.wait_indirect_dma semaphore(%arg10 : memref<!tpu.dma_semaphore, #tpu.memory_space<semaphore_mem>>) src(%dma_wait3A_760 : memref<10240x128xf32, #tpu.memory_space<hbm>>) dst(%dma_wait3A_754 : memref<64x128xf32, #tpu.memory_space<vmem>>)
      %dma_start3A_761 = arith.constant 2 : i32
      %dma_start3A_762 = arith.constant 1 : i32
      %dma_start3A_763 = arith.constant 14 : i32
      %dma_start3A_764 = arith.constant 0 : i32
      %dma_start3A_765 = arith.constant 0 : i32
      %dma_start3A_766 = tpu.memref_slice %arg8[%dma_start3A_761, %dma_start3A_764, %dma_start3A_765] : memref<4x64x128xf32, #tpu.memory_space<vmem>> -> memref<1x64x128xf32, #tpu.memory_space<vmem>>
      %dma_start3A_767 = tpu.memref_squeeze %dma_start3A_766 : memref<1x64x128xf32, #tpu.memory_space<vmem>> -> memref<64x128xf32, #tpu.memory_space<vmem>>
      %dma_start3A_768 = arith.constant 0 : i32
      %dma_start3A_769 = tpu.memref_slice %arg7[%dma_start3A_762, %dma_start3A_763, %dma_start3A_768] : memref<2x16x64xi32, #tpu.memory_space<vmem>> -> memref<1x1x64xi32, #tpu.memory_space<vmem>>
      %dma_start3A_770 = tpu.memref_squeeze %dma_start3A_769 : memref<1x1x64xi32, #tpu.memory_space<vmem>> -> memref<64xi32, #tpu.memory_space<vmem>>
      %dma_start3A_771 = arith.constant 0 : i32
      %dma_start3A_772 = arith.constant 0 : i32
      %dma_start3A_773 = tpu.memref_slice %arg9[%dma_start3A_771, %dma_start3A_772] : memref<10240x128xf32, #tpu.memory_space<vmem_shared>> -> memref<10240x128xf32, #tpu.memory_space<vmem_shared>>
      tpu.enqueue_indirect_dma source(%dma_start3A_767 : memref<64x128xf32, #tpu.memory_space<vmem>>) target(%dma_start3A_773 : memref<10240x128xf32, #tpu.memory_space<vmem_shared>>) offsets(%dma_start3A_770 : memref<64xi32, #tpu.memory_space<vmem>>) semaphore(%arg11 : memref<!tpu.dma_semaphore, #tpu.memory_space<semaphore_mem>>) {add = true}
      %dma_wait3A_774 = arith.constant 0 : i32
      %dma_wait3A_775 = arith.constant 15 : i32
      %dma_wait3A_776 = arith.constant 3 : i32
      %dma_wait3A_777 = arith.constant 0 : i32
      %dma_wait3A_778 = arith.constant 0 : i32
      %dma_wait3A_779 = tpu.memref_slice %arg8[%dma_wait3A_776, %dma_wait3A_777, %dma_wait3A_778] : memref<4x64x128xf32, #tpu.memory_space<vmem>> -> memref<1x64x128xf32, #tpu.memory_space<vmem>>
      %dma_wait3A_780 = tpu.memref_squeeze %dma_wait3A_779 : memref<1x64x128xf32, #tpu.memory_space<vmem>> -> memref<64x128xf32, #tpu.memory_space<vmem>>
      %dma_wait3A_781 = arith.constant 0 : i32
      %dma_wait3A_782 = tpu.memref_slice %arg7[%dma_wait3A_774, %dma_wait3A_775, %dma_wait3A_781] : memref<2x16x64xi32, #tpu.memory_space<vmem>> -> memref<1x1x64xi32, #tpu.memory_space<vmem>>
      %dma_wait3A_783 = tpu.memref_squeeze %dma_wait3A_782 : memref<1x1x64xi32, #tpu.memory_space<vmem>> -> memref<64xi32, #tpu.memory_space<vmem>>
      %dma_wait3A_784 = arith.constant 0 : i32
      %dma_wait3A_785 = arith.constant 0 : i32
      %dma_wait3A_786 = tpu.memref_slice %arg2[%dma_wait3A_784, %dma_wait3A_785] : memref<10240x128xf32, #tpu.memory_space<hbm>> -> memref<10240x128xf32, #tpu.memory_space<hbm>>
      tpu.wait_indirect_dma semaphore(%arg10 : memref<!tpu.dma_semaphore, #tpu.memory_space<semaphore_mem>>) src(%dma_wait3A_786 : memref<10240x128xf32, #tpu.memory_space<hbm>>) dst(%dma_wait3A_780 : memref<64x128xf32, #tpu.memory_space<vmem>>)
      %dma_start3A_787 = arith.constant 3 : i32
      %dma_start3A_788 = arith.constant 1 : i32
      %dma_start3A_789 = arith.constant 15 : i32
      %dma_start3A_790 = arith.constant 0 : i32
      %dma_start3A_791 = arith.constant 0 : i32
      %dma_start3A_792 = tpu.memref_slice %arg8[%dma_start3A_787, %dma_start3A_790, %dma_start3A_791] : memref<4x64x128xf32, #tpu.memory_space<vmem>> -> memref<1x64x128xf32, #tpu.memory_space<vmem>>
      %dma_start3A_793 = tpu.memref_squeeze %dma_start3A_792 : memref<1x64x128xf32, #tpu.memory_space<vmem>> -> memref<64x128xf32, #tpu.memory_space<vmem>>
      %dma_start3A_794 = arith.constant 0 : i32
      %dma_start3A_795 = tpu.memref_slice %arg7[%dma_start3A_788, %dma_start3A_789, %dma_start3A_794] : memref<2x16x64xi32, #tpu.memory_space<vmem>> -> memref<1x1x64xi32, #tpu.memory_space<vmem>>
      %dma_start3A_796 = tpu.memref_squeeze %dma_start3A_795 : memref<1x1x64xi32, #tpu.memory_space<vmem>> -> memref<64xi32, #tpu.memory_space<vmem>>
      %dma_start3A_797 = arith.constant 0 : i32
      %dma_start3A_798 = arith.constant 0 : i32
      %dma_start3A_799 = tpu.memref_slice %arg9[%dma_start3A_797, %dma_start3A_798] : memref<10240x128xf32, #tpu.memory_space<vmem_shared>> -> memref<10240x128xf32, #tpu.memory_space<vmem_shared>>
      tpu.enqueue_indirect_dma source(%dma_start3A_793 : memref<64x128xf32, #tpu.memory_space<vmem>>) target(%dma_start3A_799 : memref<10240x128xf32, #tpu.memory_space<vmem_shared>>) offsets(%dma_start3A_796 : memref<64xi32, #tpu.memory_space<vmem>>) semaphore(%arg11 : memref<!tpu.dma_semaphore, #tpu.memory_space<semaphore_mem>>) {add = true}
      %dma_wait3A_800 = arith.constant 0 : i32
      %dma_wait3A_801 = arith.constant 1 : i32
      %dma_wait3A_802 = arith.constant 12 : i32
      %dma_wait3A_803 = arith.constant 0 : i32
      %dma_wait3A_804 = arith.constant 0 : i32
      %dma_wait3A_805 = tpu.memref_slice %arg8[%dma_wait3A_800, %dma_wait3A_803, %dma_wait3A_804] : memref<4x64x128xf32, #tpu.memory_space<vmem>> -> memref<1x64x128xf32, #tpu.memory_space<vmem>>
      %dma_wait3A_806 = tpu.memref_squeeze %dma_wait3A_805 : memref<1x64x128xf32, #tpu.memory_space<vmem>> -> memref<64x128xf32, #tpu.memory_space<vmem>>
      %dma_wait3A_807 = arith.constant 0 : i32
      %dma_wait3A_808 = tpu.memref_slice %arg7[%dma_wait3A_801, %dma_wait3A_802, %dma_wait3A_807] : memref<2x16x64xi32, #tpu.memory_space<vmem>> -> memref<1x1x64xi32, #tpu.memory_space<vmem>>
      %dma_wait3A_809 = tpu.memref_squeeze %dma_wait3A_808 : memref<1x1x64xi32, #tpu.memory_space<vmem>> -> memref<64xi32, #tpu.memory_space<vmem>>
      %dma_wait3A_810 = arith.constant 0 : i32
      %dma_wait3A_811 = arith.constant 0 : i32
      %dma_wait3A_812 = tpu.memref_slice %arg9[%dma_wait3A_810, %dma_wait3A_811] : memref<10240x128xf32, #tpu.memory_space<vmem_shared>> -> memref<10240x128xf32, #tpu.memory_space<vmem_shared>>
      tpu.wait_indirect_dma semaphore(%arg11 : memref<!tpu.dma_semaphore, #tpu.memory_space<semaphore_mem>>) src(%dma_wait3A_806 : memref<64x128xf32, #tpu.memory_space<vmem>>) dst(%dma_wait3A_812 : memref<10240x128xf32, #tpu.memory_space<vmem_shared>>)
      %dma_wait3A_813 = arith.constant 1 : i32
      %dma_wait3A_814 = arith.constant 1 : i32
      %dma_wait3A_815 = arith.constant 13 : i32
      %dma_wait3A_816 = arith.constant 0 : i32
      %dma_wait3A_817 = arith.constant 0 : i32
      %dma_wait3A_818 = tpu.memref_slice %arg8[%dma_wait3A_813, %dma_wait3A_816, %dma_wait3A_817] : memref<4x64x128xf32, #tpu.memory_space<vmem>> -> memref<1x64x128xf32, #tpu.memory_space<vmem>>
      %dma_wait3A_819 = tpu.memref_squeeze %dma_wait3A_818 : memref<1x64x128xf32, #tpu.memory_space<vmem>> -> memref<64x128xf32, #tpu.memory_space<vmem>>
      %dma_wait3A_820 = arith.constant 0 : i32
      %dma_wait3A_821 = tpu.memref_slice %arg7[%dma_wait3A_814, %dma_wait3A_815, %dma_wait3A_820] : memref<2x16x64xi32, #tpu.memory_space<vmem>> -> memref<1x1x64xi32, #tpu.memory_space<vmem>>
      %dma_wait3A_822 = tpu.memref_squeeze %dma_wait3A_821 : memref<1x1x64xi32, #tpu.memory_space<vmem>> -> memref<64xi32, #tpu.memory_space<vmem>>
      %dma_wait3A_823 = arith.constant 0 : i32
      %dma_wait3A_824 = arith.constant 0 : i32
      %dma_wait3A_825 = tpu.memref_slice %arg9[%dma_wait3A_823, %dma_wait3A_824] : memref<10240x128xf32, #tpu.memory_space<vmem_shared>> -> memref<10240x128xf32, #tpu.memory_space<vmem_shared>>
      tpu.wait_indirect_dma semaphore(%arg11 : memref<!tpu.dma_semaphore, #tpu.memory_space<semaphore_mem>>) src(%dma_wait3A_819 : memref<64x128xf32, #tpu.memory_space<vmem>>) dst(%dma_wait3A_825 : memref<10240x128xf32, #tpu.memory_space<vmem_shared>>)
      %dma_wait3A_826 = arith.constant 2 : i32
      %dma_wait3A_827 = arith.constant 1 : i32
      %dma_wait3A_828 = arith.constant 14 : i32
      %dma_wait3A_829 = arith.constant 0 : i32
      %dma_wait3A_830 = arith.constant 0 : i32
      %dma_wait3A_831 = tpu.memref_slice %arg8[%dma_wait3A_826, %dma_wait3A_829, %dma_wait3A_830] : memref<4x64x128xf32, #tpu.memory_space<vmem>> -> memref<1x64x128xf32, #tpu.memory_space<vmem>>
      %dma_wait3A_832 = tpu.memref_squeeze %dma_wait3A_831 : memref<1x64x128xf32, #tpu.memory_space<vmem>> -> memref<64x128xf32, #tpu.memory_space<vmem>>
      %dma_wait3A_833 = arith.constant 0 : i32
      %dma_wait3A_834 = tpu.memref_slice %arg7[%dma_wait3A_827, %dma_wait3A_828, %dma_wait3A_833] : memref<2x16x64xi32, #tpu.memory_space<vmem>> -> memref<1x1x64xi32, #tpu.memory_space<vmem>>
      %dma_wait3A_835 = tpu.memref_squeeze %dma_wait3A_834 : memref<1x1x64xi32, #tpu.memory_space<vmem>> -> memref<64xi32, #tpu.memory_space<vmem>>
      %dma_wait3A_836 = arith.constant 0 : i32
      %dma_wait3A_837 = arith.constant 0 : i32
      %dma_wait3A_838 = tpu.memref_slice %arg9[%dma_wait3A_836, %dma_wait3A_837] : memref<10240x128xf32, #tpu.memory_space<vmem_shared>> -> memref<10240x128xf32, #tpu.memory_space<vmem_shared>>
      tpu.wait_indirect_dma semaphore(%arg11 : memref<!tpu.dma_semaphore, #tpu.memory_space<semaphore_mem>>) src(%dma_wait3A_832 : memref<64x128xf32, #tpu.memory_space<vmem>>) dst(%dma_wait3A_838 : memref<10240x128xf32, #tpu.memory_space<vmem_shared>>)
      %dma_wait3A_839 = arith.constant 3 : i32
      %dma_wait3A_840 = arith.constant 1 : i32
      %dma_wait3A_841 = arith.constant 15 : i32
      %dma_wait3A_842 = arith.constant 0 : i32
      %dma_wait3A_843 = arith.constant 0 : i32
      %dma_wait3A_844 = tpu.memref_slice %arg8[%dma_wait3A_839, %dma_wait3A_842, %dma_wait3A_843] : memref<4x64x128xf32, #tpu.memory_space<vmem>> -> memref<1x64x128xf32, #tpu.memory_space<vmem>>
      %dma_wait3A_845 = tpu.memref_squeeze %dma_wait3A_844 : memref<1x64x128xf32, #tpu.memory_space<vmem>> -> memref<64x128xf32, #tpu.memory_space<vmem>>
      %dma_wait3A_846 = arith.constant 0 : i32
      %dma_wait3A_847 = tpu.memref_slice %arg7[%dma_wait3A_840, %dma_wait3A_841, %dma_wait3A_846] : memref<2x16x64xi32, #tpu.memory_space<vmem>> -> memref<1x1x64xi32, #tpu.memory_space<vmem>>
      %dma_wait3A_848 = tpu.memref_squeeze %dma_wait3A_847 : memref<1x1x64xi32, #tpu.memory_space<vmem>> -> memref<64xi32, #tpu.memory_space<vmem>>
      %dma_wait3A_849 = arith.constant 0 : i32
      %dma_wait3A_850 = arith.constant 0 : i32
      %dma_wait3A_851 = tpu.memref_slice %arg9[%dma_wait3A_849, %dma_wait3A_850] : memref<10240x128xf32, #tpu.memory_space<vmem_shared>> -> memref<10240x128xf32, #tpu.memory_space<vmem_shared>>
      tpu.wait_indirect_dma semaphore(%arg11 : memref<!tpu.dma_semaphore, #tpu.memory_space<semaphore_mem>>) src(%dma_wait3A_845 : memref<64x128xf32, #tpu.memory_space<vmem>>) dst(%dma_wait3A_851 : memref<10240x128xf32, #tpu.memory_space<vmem_shared>>)
    }
    %scan3A_9 = arith.constant 10 : i32
    %barrier3A_10 = arith.constant 0 : index
    tpu.barrier barrier_id(%barrier3A_10)
    %mul3A_11 = arith.constant 640 : i32
    %mul3A_12 = arith.muli %arg1, %mul3A_11 : i32
    %mul3A_13 = arith.constant 640 : i32
    %mul3A_14 = arith.muli %arg1, %mul3A_13 : i32
    "tpu.region"() ({
      %run_scoped3A = tpu.sem_alloc : memref<!tpu.dma_semaphore, #tpu.memory_space<semaphore_mem>>
      %dma_start3A = arith.constant 0 : i32
      %dma_start3A_15 = arith.constant 0 : i32
      %dma_start3A_16 = tpu.memref_slice %arg6[%arg0, %dma_start3A, %dma_start3A_15] : memref<2x10240x128xf32, #tpu.memory_space<hbm>> -> memref<1x10240x128xf32, #tpu.memory_space<hbm>>
      %dma_start3A_17 = tpu.memref_squeeze %dma_start3A_16 : memref<1x10240x128xf32, #tpu.memory_space<hbm>> -> memref<10240x128xf32, #tpu.memory_space<hbm>>
      %dma_start3A_18 = arith.constant 0 : i32
      %dma_start3A_19 = tpu.memref_slice %dma_start3A_17[%mul3A_14, %dma_start3A_18] : memref<10240x128xf32, #tpu.memory_space<hbm>> -> memref<640x128xf32, #tpu.memory_space<hbm>>
      %dma_start3A_20 = arith.constant 0 : i32
      %dma_start3A_21 = tpu.memref_slice %arg9[%mul3A_12, %dma_start3A_20] : memref<10240x128xf32, #tpu.memory_space<vmem_shared>> -> memref<640x128xf32, #tpu.memory_space<vmem_shared>>
      tpu.enqueue_dma source(%dma_start3A_21 : memref<640x128xf32, #tpu.memory_space<vmem_shared>>) target(%dma_start3A_19 : memref<640x128xf32, #tpu.memory_space<hbm>>) target_semaphore(%run_scoped3A : memref<!tpu.dma_semaphore, #tpu.memory_space<semaphore_mem>>)
      %dma_wait3A = arith.constant 0 : i32
      %dma_wait3A_22 = arith.constant 0 : i32
      %dma_wait3A_23 = tpu.memref_slice %arg6[%arg0, %dma_wait3A, %dma_wait3A_22] : memref<2x10240x128xf32, #tpu.memory_space<hbm>> -> memref<1x10240x128xf32, #tpu.memory_space<hbm>>
      %dma_wait3A_24 = tpu.memref_squeeze %dma_wait3A_23 : memref<1x10240x128xf32, #tpu.memory_space<hbm>> -> memref<10240x128xf32, #tpu.memory_space<hbm>>
      %dma_wait3A_25 = arith.constant 0 : i32
      %dma_wait3A_26 = tpu.memref_slice %dma_wait3A_24[%mul3A_14, %dma_wait3A_25] : memref<10240x128xf32, #tpu.memory_space<hbm>> -> memref<640x128xf32, #tpu.memory_space<hbm>>
      %dma_wait3A_27 = arith.constant 0 : i32
      %dma_wait3A_28 = tpu.memref_slice %arg9[%mul3A_12, %dma_wait3A_27] : memref<10240x128xf32, #tpu.memory_space<vmem_shared>> -> memref<640x128xf32, #tpu.memory_space<vmem_shared>>
      tpu.wait_dma2 semaphore(%run_scoped3A : memref<!tpu.dma_semaphore, #tpu.memory_space<semaphore_mem>>) src(%dma_wait3A_28 : memref<640x128xf32, #tpu.memory_space<vmem_shared>>) dst(%dma_wait3A_26 : memref<640x128xf32, #tpu.memory_space<hbm>>)
      tpu.yield
    }) : () -> ()
    return
  }
}

module attributes {stable_mosaic.version = 14 : i64} {
  func.func @_tc_mm1_body(%arg0: i32, %arg1: memref<1280x128xf32, #tpu.memory_space<vmem>>, %arg2: memref<128x128xf32, #tpu.memory_space<vmem>>, %arg3: memref<1280x128xf32, #tpu.memory_space<vmem>>) attributes {dimension_semantics = [#tpu.dimension_semantics<arbitrary>], iteration_bounds = array<i64: 8>, scalar_prefetch = 0 : i64, scratch_operands = 0 : i64, tpu.core_type = #tpu.core_type<tc>, window_params = [{transform_indices = @transform_0, window_bounds = array<i64: 1280, 128>}, {pipeline_mode = #tpu.pipeline_mode<synchronous>, transform_indices = @transform_1, window_bounds = array<i64: 128, 128>}, {transform_indices = @transform_2, window_bounds = array<i64: 1280, 128>}]} {
    %get3A = arith.constant 0 : index
    %get3A_0 = arith.constant 0 : index
    %get3A_1 = vector.load %arg1[%get3A, %get3A_0] : memref<1280x128xf32, #tpu.memory_space<vmem>>, vector<1280x128xf32>
    %get3A_2 = arith.constant 0 : index
    %get3A_3 = arith.constant 0 : index
    %get3A_4 = vector.load %arg2[%get3A_2, %get3A_3] : memref<128x128xf32, #tpu.memory_space<vmem>>, vector<128x128xf32>
    %dot_general3A = arith.constant dense<0.000000e+00> : vector<1280x128xf32>
    %dot_general3A_5 = tpu.matmul %get3A_1, %get3A_4, %dot_general3A {dimension_numbers = #tpu.dot_dimension_numbers<[1], [0], [0], [1], [0, 0, 1, 1], [], []>, precision = #tpu.contract_precision<fp32>, transpose_lhs_hint = false} : vector<1280x128xf32>, vector<128x128xf32>, vector<1280x128xf32> -> vector<1280x128xf32>
    %swap3A = arith.constant 0 : index
    %swap3A_6 = arith.constant 0 : index
    %swap3A_7 = vector.load %arg3[%swap3A, %swap3A_6] : memref<1280x128xf32, #tpu.memory_space<vmem>>, vector<1280x128xf32>
    tpu.vector_store %arg3[%swap3A, %swap3A_6], %dot_general3A_5 {strides = array<i32>} : memref<1280x128xf32, #tpu.memory_space<vmem>>, vector<1280x128xf32>,
    return
  }
  func.func @transform_0(%arg0: i32) -> (i32, i32) {
    %c0_i32 = arith.constant 0 : i32
    %c0_i32_0 = arith.constant 0 : i32
    return %arg0, %c0_i32 : i32, i32
  }
  func.func @transform_1(%arg0: i32) -> (i32, i32) {
    %c0_i32 = arith.constant 0 : i32
    %c0_i32_0 = arith.constant 0 : i32
    %c0_i32_1 = arith.constant 0 : i32
    return %c0_i32, %c0_i32_0 : i32, i32
  }
  func.func @transform_2(%arg0: i32) -> (i32, i32) {
    %c0_i32 = arith.constant 0 : i32
    %c0_i32_0 = arith.constant 0 : i32
    return %arg0, %c0_i32 : i32, i32
  }
}

module attributes {stable_mosaic.version = 14 : i64} {
  func.func @_tc_prep_body(%arg0: i32, %arg1: memref<32x1280xf32, #tpu.memory_space<vmem>>, %arg2: memref<1280x128xf32, #tpu.memory_space<vmem>>, %arg3: memref<1280x128xf32, #tpu.memory_space<vmem>>, %arg4: memref<1280x1xf32, #tpu.memory_space<vmem>>) attributes {dimension_semantics = [#tpu.dimension_semantics<arbitrary>], iteration_bounds = array<i64: 8>, scalar_prefetch = 0 : i64, scratch_operands = 0 : i64, tpu.core_type = #tpu.core_type<tc>, window_params = [{transform_indices = @transform_0, window_bounds = array<i64: 32, 1280>}, {transform_indices = @transform_1, window_bounds = array<i64: 1280, 128>}, {transform_indices = @transform_2, window_bounds = array<i64: 1280, 128>}, {transform_indices = @transform_3, window_bounds = array<i64: 1280, 1>}]} {
    %get3A = arith.constant 0 : index
    %get3A_0 = arith.constant 0 : index
    %get3A_1 = vector.load %arg1[%get3A, %get3A_0] : memref<32x1280xf32, #tpu.memory_space<vmem>>, vector<32x1280xf32>
    %reduce_sum3A = arith.constant dense<0.000000e+00> : vector<1280xf32>
    %reduce_sum3A_2 = vector.multi_reduction <add>, %get3A_1, %reduce_sum3A [0] : vector<32x1280xf32> to vector<1280xf32>
    %add3A = arith.constant 1.000000e+00 : f32
    %add3A_3 = vector.broadcast %add3A : f32 to vector<1280xf32>
    %add3A_4 = arith.addf %reduce_sum3A_2, %add3A_3 : vector<1280xf32>
    %rsqrt3A = math.rsqrt %add3A_4 : vector<1280xf32>
    %broadcast_in_dim3A = vector.shape_cast %rsqrt3A : vector<1280xf32> to vector<1280x1xf32>
    %swap3A = arith.constant 0 : index
    %swap3A_5 = arith.constant 0 : index
    %swap3A_6 = vector.load %arg4[%swap3A, %swap3A_5] : memref<1280x1xf32, #tpu.memory_space<vmem>>, vector<1280x1xf32>
    tpu.vector_store %arg4[%swap3A, %swap3A_5], %broadcast_in_dim3A {strides = array<i32>} : memref<1280x1xf32, #tpu.memory_space<vmem>>, vector<1280x1xf32>,
    %get3A_7 = arith.constant 0 : index
    %get3A_8 = arith.constant 0 : index
    %get3A_9 = vector.load %arg2[%get3A_7, %get3A_8] : memref<1280x128xf32, #tpu.memory_space<vmem>>, vector<1280x128xf32>
    %broadcast_in_dim3A_10 = vector.shape_cast %rsqrt3A : vector<1280xf32> to vector<1280x1xf32>
    %mul3A = vector.broadcast %broadcast_in_dim3A_10 : vector<1280x1xf32> to vector<1280x128xf32>
    %mul3A_11 = arith.mulf %get3A_9, %mul3A : vector<1280x128xf32>
    %swap3A_12 = arith.constant 0 : index
    %swap3A_13 = arith.constant 0 : index
    %swap3A_14 = vector.load %arg3[%swap3A_12, %swap3A_13] : memref<1280x128xf32, #tpu.memory_space<vmem>>, vector<1280x128xf32>
    tpu.vector_store %arg3[%swap3A_12, %swap3A_13], %mul3A_11 {strides = array<i32>} : memref<1280x128xf32, #tpu.memory_space<vmem>>, vector<1280x128xf32>,
    return
  }
  func.func @transform_0(%arg0: i32) -> (i32, i32) {
    %c0_i32 = arith.constant 0 : i32
    %c0_i32_0 = arith.constant 0 : i32
    return %c0_i32, %arg0 : i32, i32
  }
  func.func @transform_1(%arg0: i32) -> (i32, i32) {
    %c0_i32 = arith.constant 0 : i32
    %c0_i32_0 = arith.constant 0 : i32
    return %arg0, %c0_i32 : i32, i32
  }
  func.func @transform_2(%arg0: i32) -> (i32, i32) {
    %c0_i32 = arith.constant 0 : i32
    %c0_i32_0 = arith.constant 0 : i32
    return %arg0, %c0_i32 : i32, i32
  }
  func.func @transform_3(%arg0: i32) -> (i32, i32) {
    %c0_i32 = arith.constant 0 : i32
    %c0_i32_0 = arith.constant 0 : i32
    return %arg0, %c0_i32 : i32, i32
  }
}

module attributes {stable_mosaic.version = 14 : i64} {
  func.func @_tc_mid_body(%arg0: i32, %arg1: memref<2x1280x128xf32, #tpu.memory_space<vmem>>, %arg2: memref<1280x128xf32, #tpu.memory_space<vmem>>, %arg3: memref<1280x1xf32, #tpu.memory_space<vmem>>, %arg4: memref<1x128xf32, #tpu.memory_space<vmem>>, %arg5: memref<128x128xf32, #tpu.memory_space<vmem>>, %arg6: memref<1280x128xf32, #tpu.memory_space<vmem>>) attributes {dimension_semantics = [#tpu.dimension_semantics<arbitrary>], iteration_bounds = array<i64: 8>, scalar_prefetch = 0 : i64, scratch_operands = 0 : i64, tpu.core_type = #tpu.core_type<tc>, window_params = [{transform_indices = @transform_0, window_bounds = array<i64: 2, 1280, 128>}, {transform_indices = @transform_1, window_bounds = array<i64: 1280, 128>}, {transform_indices = @transform_2, window_bounds = array<i64: 1280, 1>}, {pipeline_mode = #tpu.pipeline_mode<synchronous>, transform_indices = @transform_3, window_bounds = array<i64: 1, 128>}, {pipeline_mode = #tpu.pipeline_mode<synchronous>, transform_indices = @transform_4, window_bounds = array<i64: 128, 128>}, {transform_indices = @transform_5, window_bounds = array<i64: 1280, 128>}]} {
    %get3A = arith.constant 0 : index
    %get3A_0 = arith.constant 0 : index
    %get3A_1 = vector.load %arg3[%get3A, %get3A_0] : memref<1280x1xf32, #tpu.memory_space<vmem>>, vector<1280x1xf32>
    %get3A_2 = arith.constant 0 : index
    %get3A_3 = arith.constant 0 : index
    %get3A_4 = arith.constant 0 : index
    %get3A_5 = vector.load %arg1[%get3A_2, %get3A_3, %get3A_4] : memref<2x1280x128xf32, #tpu.memory_space<vmem>>, vector<1x1280x128xf32>
    %get3A_6 = vector.shape_cast %get3A_5 : vector<1x1280x128xf32> to vector<1280x128xf32>
    %get3A_7 = arith.constant 1 : index
    %get3A_8 = arith.constant 0 : index
    %get3A_9 = arith.constant 0 : index
    %get3A_10 = vector.load %arg1[%get3A_7, %get3A_8, %get3A_9] : memref<2x1280x128xf32, #tpu.memory_space<vmem>>, vector<1x1280x128xf32>
    %get3A_11 = vector.shape_cast %get3A_10 : vector<1x1280x128xf32> to vector<1280x128xf32>
    %add3A = arith.addf %get3A_6, %get3A_11 : vector<1280x128xf32>
    %get3A_12 = arith.constant 0 : index
    %get3A_13 = arith.constant 0 : index
    %get3A_14 = vector.load %arg2[%get3A_12, %get3A_13] : memref<1280x128xf32, #tpu.memory_space<vmem>>, vector<1280x128xf32>
    %add3A_15 = arith.addf %add3A, %get3A_14 : vector<1280x128xf32>
    %mul3A = vector.broadcast %get3A_1 : vector<1280x1xf32> to vector<1280x128xf32>
    %mul3A_16 = arith.mulf %mul3A, %add3A_15 : vector<1280x128xf32>
    %get3A_17 = arith.constant 0 : index
    %get3A_18 = arith.constant 0 : index
    %get3A_19 = vector.load %arg4[%get3A_17, %get3A_18] : memref<1x128xf32, #tpu.memory_space<vmem>>, vector<1x128xf32>
    %add3A_20 = vector.broadcast %get3A_19 : vector<1x128xf32> to vector<1280x128xf32>
    %add3A_21 = arith.addf %mul3A_16, %add3A_20 : vector<1280x128xf32>
    %max3A = arith.constant 0.000000e+00 : f32
    %max3A_22 = vector.broadcast %max3A : f32 to vector<1280x128xf32>
    %max3A_23 = arith.maximumf %add3A_21, %max3A_22 : vector<1280x128xf32>
    %get3A_24 = arith.constant 0 : index
    %get3A_25 = arith.constant 0 : index
    %get3A_26 = vector.load %arg5[%get3A_24, %get3A_25] : memref<128x128xf32, #tpu.memory_space<vmem>>, vector<128x128xf32>
    %dot_general3A = arith.constant dense<0.000000e+00> : vector<1280x128xf32>
    %dot_general3A_27 = tpu.matmul %max3A_23, %get3A_26, %dot_general3A {dimension_numbers = #tpu.dot_dimension_numbers<[1], [0], [0], [1], [0, 0, 1, 1], [], []>, precision = #tpu.contract_precision<fp32>, transpose_lhs_hint = false} : vector<1280x128xf32>, vector<128x128xf32>, vector<1280x128xf32> -> vector<1280x128xf32>
    %mul3A_28 = vector.broadcast %get3A_1 : vector<1280x1xf32> to vector<1280x128xf32>
    %mul3A_29 = arith.mulf %dot_general3A_27, %mul3A_28 : vector<1280x128xf32>
    %swap3A = arith.constant 0 : index
    %swap3A_30 = arith.constant 0 : index
    %swap3A_31 = vector.load %arg6[%swap3A, %swap3A_30] : memref<1280x128xf32, #tpu.memory_space<vmem>>, vector<1280x128xf32>
    tpu.vector_store %arg6[%swap3A, %swap3A_30], %mul3A_29 {strides = array<i32>} : memref<1280x128xf32, #tpu.memory_space<vmem>>, vector<1280x128xf32>,
    return
  }
  func.func @transform_0(%arg0: i32) -> (i32, i32, i32) {
    %c0_i32 = arith.constant 0 : i32
    %c0_i32_0 = arith.constant 0 : i32
    %c0_i32_1 = arith.constant 0 : i32
    return %c0_i32, %arg0, %c0_i32_0 : i32, i32, i32
  }
  func.func @transform_1(%arg0: i32) -> (i32, i32) {
    %c0_i32 = arith.constant 0 : i32
    %c0_i32_0 = arith.constant 0 : i32
    return %arg0, %c0_i32 : i32, i32
  }
  func.func @transform_2(%arg0: i32) -> (i32, i32) {
    %c0_i32 = arith.constant 0 : i32
    %c0_i32_0 = arith.constant 0 : i32
    return %arg0, %c0_i32 : i32, i32
  }
  func.func @transform_3(%arg0: i32) -> (i32, i32) {
    %c0_i32 = arith.constant 0 : i32
    %c0_i32_0 = arith.constant 0 : i32
    %c0_i32_1 = arith.constant 0 : i32
    return %c0_i32, %c0_i32_0 : i32, i32
  }
  func.func @transform_4(%arg0: i32) -> (i32, i32) {
    %c0_i32 = arith.constant 0 : i32
    %c0_i32_0 = arith.constant 0 : i32
    %c0_i32_1 = arith.constant 0 : i32
    return %c0_i32, %c0_i32_0 : i32, i32
  }
  func.func @transform_5(%arg0: i32) -> (i32, i32) {
    %c0_i32 = arith.constant 0 : i32
    %c0_i32_0 = arith.constant 0 : i32
    return %arg0, %c0_i32 : i32, i32
  }
}

module attributes {stable_mosaic.version = 14 : i64} {
  func.func @_tc_post_body(%arg0: i32, %arg1: memref<2x1280x128xf32, #tpu.memory_space<vmem>>, %arg2: memref<1280x128xf32, #tpu.memory_space<vmem>>, %arg3: memref<1280x1xf32, #tpu.memory_space<vmem>>, %arg4: memref<1x128xf32, #tpu.memory_space<vmem>>, %arg5: memref<1280x128xf32, #tpu.memory_space<vmem>>) attributes {dimension_semantics = [#tpu.dimension_semantics<arbitrary>], iteration_bounds = array<i64: 8>, scalar_prefetch = 0 : i64, scratch_operands = 0 : i64, tpu.core_type = #tpu.core_type<tc>, window_params = [{transform_indices = @transform_0, window_bounds = array<i64: 2, 1280, 128>}, {transform_indices = @transform_1, window_bounds = array<i64: 1280, 128>}, {transform_indices = @transform_2, window_bounds = array<i64: 1280, 1>}, {pipeline_mode = #tpu.pipeline_mode<synchronous>, transform_indices = @transform_3, window_bounds = array<i64: 1, 128>}, {transform_indices = @transform_4, window_bounds = array<i64: 1280, 128>}]} {
    %get3A = arith.constant 0 : index
    %get3A_0 = arith.constant 0 : index
    %get3A_1 = vector.load %arg3[%get3A, %get3A_0] : memref<1280x1xf32, #tpu.memory_space<vmem>>, vector<1280x1xf32>
    %get3A_2 = arith.constant 0 : index
    %get3A_3 = arith.constant 0 : index
    %get3A_4 = arith.constant 0 : index
    %get3A_5 = vector.load %arg1[%get3A_2, %get3A_3, %get3A_4] : memref<2x1280x128xf32, #tpu.memory_space<vmem>>, vector<1x1280x128xf32>
    %get3A_6 = vector.shape_cast %get3A_5 : vector<1x1280x128xf32> to vector<1280x128xf32>
    %get3A_7 = arith.constant 1 : index
    %get3A_8 = arith.constant 0 : index
    %get3A_9 = arith.constant 0 : index
    %get3A_10 = vector.load %arg1[%get3A_7, %get3A_8, %get3A_9] : memref<2x1280x128xf32, #tpu.memory_space<vmem>>, vector<1x1280x128xf32>
    %get3A_11 = vector.shape_cast %get3A_10 : vector<1x1280x128xf32> to vector<1280x128xf32>
    %add3A = arith.addf %get3A_6, %get3A_11 : vector<1280x128xf32>
    %get3A_12 = arith.constant 0 : index
    %get3A_13 = arith.constant 0 : index
    %get3A_14 = vector.load %arg2[%get3A_12, %get3A_13] : memref<1280x128xf32, #tpu.memory_space<vmem>>, vector<1280x128xf32>
    %add3A_15 = arith.addf %add3A, %get3A_14 : vector<1280x128xf32>
    %mul3A = vector.broadcast %get3A_1 : vector<1280x1xf32> to vector<1280x128xf32>
    %mul3A_16 = arith.mulf %mul3A, %add3A_15 : vector<1280x128xf32>
    %get3A_17 = arith.constant 0 : index
    %get3A_18 = arith.constant 0 : index
    %get3A_19 = vector.load %arg4[%get3A_17, %get3A_18] : memref<1x128xf32, #tpu.memory_space<vmem>>, vector<1x128xf32>
    %add3A_20 = vector.broadcast %get3A_19 : vector<1x128xf32> to vector<1280x128xf32>
    %add3A_21 = arith.addf %mul3A_16, %add3A_20 : vector<1280x128xf32>
    %swap3A = arith.constant 0 : index
    %swap3A_22 = arith.constant 0 : index
    %swap3A_23 = vector.load %arg5[%swap3A, %swap3A_22] : memref<1280x128xf32, #tpu.memory_space<vmem>>, vector<1280x128xf32>
    tpu.vector_store %arg5[%swap3A, %swap3A_22], %add3A_21 {strides = array<i32>} : memref<1280x128xf32, #tpu.memory_space<vmem>>, vector<1280x128xf32>,
    return
  }
  func.func @transform_0(%arg0: i32) -> (i32, i32, i32) {
    %c0_i32 = arith.constant 0 : i32
    %c0_i32_0 = arith.constant 0 : i32
    %c0_i32_1 = arith.constant 0 : i32
    return %c0_i32, %arg0, %c0_i32_0 : i32, i32, i32
  }
  func.func @transform_1(%arg0: i32) -> (i32, i32) {
    %c0_i32 = arith.constant 0 : i32
    %c0_i32_0 = arith.constant 0 : i32
    return %arg0, %c0_i32 : i32, i32
  }
  func.func @transform_2(%arg0: i32) -> (i32, i32) {
    %c0_i32 = arith.constant 0 : i32
    %c0_i32_0 = arith.constant 0 : i32
    return %arg0, %c0_i32 : i32, i32
  }
  func.func @transform_3(%arg0: i32) -> (i32, i32) {
    %c0_i32 = arith.constant 0 : i32
    %c0_i32_0 = arith.constant 0 : i32
    %c0_i32_1 = arith.constant 0 : i32
    return %c0_i32, %c0_i32_0 : i32, i32
  }
  func.func @transform_4(%arg0: i32) -> (i32, i32) {
    %c0_i32 = arith.constant 0 : i32
    %c0_i32_0 = arith.constant 0 : i32
    return %arg0, %c0_i32 : i32, i32
  }
}

</mosaic_0001>

<sc_bundles>
// kernel: kernel.12.cloned.1.call-start
scs
__scs_entry_jumppad:
0x0: {  	(pc) =	sbr.rel $0x88, $3  }
0x1: {  	(tag) =	ssettag $0x0;
	lr =	simm.s32 $0x1  }
0x2: {  	[smem:$0x3F9B] =	sst lr;
	_ =	strace $0xD0000000  }
0x3: {  	_ = 	snop  }
0x4: {  	_ = 	snop  }
0x5: {  	_ = 	snop  }
0x6: {  	_ = 	snop  }
0x7: {  	_ = 	snop  }
__scs_overlays_trampoline_lowered:
0x8: {  	[smem:$0x3FAA] =	sst s0  }
0x9: {  	[smem:$0x3FAB] =	sst s1  }
0xa: {  	[smem:$0x3FAC] =	sst s2  }
0xb: {  	[smem:$0x3FAD] =	sst s3  }
0xc: {  	[smem:$0x3FAE] =	sst s4  }
0xd: {  	[smem:$0x3FAF] =	sst s5  }
0xe: {  	[smem:$0x3FB0] =	sst s6  }
0xf: {  	[smem:$0x3FB1] =	sst s7  }
0x10: {  	[smem:$0x3FB2] =	sst s8  }
0x11: {  	[smem:$0x3FB3] =	sst s9;
	s0 =	simm.s32 @!p0 $0x0  }
0x12: {  	s1 =	sld [smem:$0x3F99];
	s0 =	simm.s32 @p0 $0x1  }
0x13: {  	[smem:$0x3FB4] =	sst s0;
	s0 =	simm.s32 @!p1 $0x0  }
0x14: {  	s2 =	sld [smem:$0x3F98];
	s0 =	simm.s32 @p1 $0x1  }
0x15: {  	[smem:$0x3FB5] =	sst s0;
	s0 =	simm.s32 @!p2 $0x0  }
0x16: {  	s3 =	sld [smem:$0x3FDB];
	s0 =	simm.s32 @p2 $0x1  }
0x17: {  	s4 =	simm.s32 $0x1BF5;
	[smem:$0x3FB7] =	sst s0  }
0x18: {  	s0 =	sld [smem:$0x3F9A];
	_ =	swait.ge [sflag:s4], $0x0  }
0x19: {  	s7 =	sld [smem:$0x3F9B]  }
0x1a: {  	s8 =	sadd.s32 $0xFFFFE003, lr  }
0x1b: {  	s9 =	sadd.s32 $0xFFFFFEF7, lr;
	s5 =	simm.s32 $0xFFFFFFFF;
	p2 =	slt.u32 s8, $0xFFFFF086  }
0x1c: {  	p1 =	slt.u32 s9, $0xF7A;
	s5 =	simm.s32 @!p2 $0x0  }
0x1d: {  	s5 =	simm.s32 @p1 $0x1;
	p0 =	seq.s32 s7, s2  }
0x1e: {  	s7 =	smul.u32 @!p0 $0xF7A, s2;
	p2 =	seq.s32 @!p0 s5, $0x0  }
0x1f: {  	s9 =	smul.u32 $0xF7A, s1;
	s8 =	simm.s32 @!p0 $0x1BF5;
	p2 =	por !p2, p0  }
0x20: {  	[sflag:s8] =	ssyncset.s32 @!p0 $0xFFFFF086;
	s6 =	sadd.s32 @!p0 s3, s7;
	s7 =	simm.s32 @!p0 $0x108  }
0x21: {  	s3 =	sadd.s32 s3, s9;
	s6 =	sadd.s32 @!p0 $0x88, s6;
	s7 =	simm.s32 @p2 $0x1082  }
0x22: {  	[simem:s7], [sflag:s8] =	dma.local @!p0 [hbm:s6], $0xF7A  }
0x23: {  	s9 =	sor.u32 $0xD0000000, s2;
	s6 =	simm.s32 $0x108;
	_ =	swait.ge @!p0 [sflag:s8], $0x0  }
0x24: {  	s3 =	sadd.s32 $0x88, s3;
	s6 =	simm.s32 @!p1 $0x1082;
	[sflag:s4] =	ssyncset.s32 $0xFFFFF086  }
0x25: {  	[simem:s6], [sflag:s4] =	dma.local [hbm:s3], $0xF7A  }
0x26: {  	[smem:$0x3F9B] =	sst s1;
	(tag) =	ssettag s2;
	_ =	strace s9  }
0x27: {  	s1 =	sld [smem:$0x3FAB]  }
0x28: {  	s2 =	sld [smem:$0x3FAC]  }
0x29: {  	s4 =	sld [smem:$0x3FAE]  }
0x2a: {  	p0 =	seq.s32 s5, $0x0;
	s5 =	sld [smem:$0x3FAF]  }
0x2b: {  	s6 =	sld [smem:$0x3FB0]  }
0x2c: {  	s7 =	sld [smem:$0x3FB1]  }
0x2d: {  	s3 =	simm.s32 $0x108;
	s8 =	sld [smem:$0x3FB2]  }
0x2e: {  	s3 =	simm.s32 @!p0 $0x1082;
	s9 =	sld [smem:$0x3FB3]  }
0x2f: {  	lr =	sadd.s32 s0, s3;
	s0 =	sld [smem:$0x3FAA]  }
0x30: {  	s3 =	sld [smem:$0x3FAD]  }
0x31: {  	[smem:$0x3FB6] =	sst s10  }
0x32: {  	s10 =	sld [smem:$0x3FB4];
	_ =	sdelay $0x3  }
0x33: {  	p0 =	seq.s32 s10, $0x1;
	s10 =	sld [smem:$0x3FB6];
	_ =	sdelay $0x3  }
0x34: {  	[smem:$0x3FB6] =	sst s10  }
0x35: {  	s10 =	sld [smem:$0x3FB5];
	_ =	sdelay $0x3  }
0x36: {  	p1 =	seq.s32 s10, $0x1;
	s10 =	sld [smem:$0x3FB6];
	_ =	sdelay $0x3  }
0x37: {  	[smem:$0x3FB6] =	sst s10  }
0x38: {  	s10 =	sld [smem:$0x3FB7]  }
0x39: {  	_ = 	snop;
	(pc) =	sbr.ind lr, $3  }
0x3a: {  	_ = 	snop  }
0x3b: {  	_ = 	snop  }
0x3c: {  	p2 =	seq.s32 s10, $0x1;
	s10 =	sld [smem:$0x3FB6]  }
0x3d: {  	_ =	shalt  }
0x3e: {  	_ =	shalt  }
0x3f: {  	_ =	shalt  }
0x40: {  	_ =	shalt  }
0x41: {  	_ =	shalt  }
0x42: {  	_ =	shalt  }
0x43: {  	_ =	shalt  }
0x44: {  	_ =	shalt  }
0x45: {  	_ =	shalt  }
0x46: {  	_ =	shalt  }
0x47: {  	_ =	shalt  }
0x48: {  	_ =	shalt  }
0x49: {  	_ =	shalt  }
0x4a: {  	_ =	shalt  }
0x4b: {  	_ =	shalt  }
0x4c: {  	_ =	shalt  }
0x4d: {  	_ =	shalt  }
0x4e: {  	_ =	shalt  }
0x4f: {  	_ =	shalt  }
0x50: {  	_ =	shalt  }
0x51: {  	_ =	shalt  }
0x52: {  	_ =	shalt  }
0x53: {  	_ =	shalt  }
0x54: {  	_ =	shalt  }
0x55: {  	_ =	shalt  }
0x56: {  	_ =	shalt  }
0x57: {  	_ =	shalt  }
0x58: {  	_ =	shalt  }
0x59: {  	_ =	shalt  }
0x5a: {  	_ =	shalt  }
0x5b: {  	_ =	shalt  }
0x5c: {  	_ =	shalt  }
0x5d: {  	_ =	shalt  }
0x5e: {  	_ =	shalt  }
0x5f: {  	_ =	shalt  }
0x60: {  	_ =	shalt  }
0x61: {  	_ =	shalt  }
0x62: {  	_ =	shalt  }
0x63: {  	_ =	shalt  }
0x64: {  	_ =	shalt  }
0x65: {  	_ =	shalt  }
0x66: {  	_ =	shalt  }
0x67: {  	_ =	shalt  }
0x68: {  	_ =	shalt  }
0x69: {  	_ =	shalt  }
0x6a: {  	_ =	shalt  }
0x6b: {  	_ =	shalt  }
0x6c: {  	_ =	shalt  }
0x6d: {  	_ =	shalt  }
0x6e: {  	_ =	shalt  }
0x6f: {  	_ =	shalt  }
0x70: {  	_ =	shalt  }
0x71: {  	_ =	shalt  }
0x72: {  	_ =	shalt  }
0x73: {  	_ =	shalt  }
0x74: {  	_ =	shalt  }
0x75: {  	_ =	shalt  }
0x76: {  	_ =	shalt  }
0x77: {  	_ =	shalt  }
0x78: {  	_ =	shalt  }
0x79: {  	_ =	shalt  }
0x7a: {  	_ =	shalt  }
0x7b: {  	_ =	shalt  }
0x7c: {  	_ =	shalt  }
0x7d: {  	_ =	shalt  }
0x7e: {  	_ =	shalt  }
0x7f: {  	_ =	shalt  }
0x80: {  	_ =	shalt  }
0x81: {  	_ =	shalt  }
0x82: {  	_ =	shalt  }
0x83: {  	_ =	shalt  }
0x84: {  	_ =	shalt  }
0x85: {  	_ =	shalt  }
0x86: {  	_ =	shalt  }
0x87: {  	_ =	shalt  }
.Lfunc_end0:
.L_simem_size_0:
called_computation.1_lowered:
.L_overlay_start_0:
0x88: {  	s2 =	sld [smem:$0x3FD9]  }
0x89: {  	s3 =	sld [smem:$0x3FFE];
	_ =	sdelay $0x1  }
0x8a: {  	s1 =	srdreg.scid  }
0x8b: {  	s0 =	sand.u32 $0x1, s1  }
0x8c: {  	s17 =	sshll.u32 s0, $0xA;
	s2 =	sadd.s32 s3, s2  }
0x8d: {  	s2 =	sadd.s32 s2, s17  }
0x8e: {  	[smem:$0x3FC2] =	sst s2  }
0x8f: {  	_ = 	snop  }
0x90: {  	s2 =	sld [smem:$0x3FD0];
	(tm) =	ssettm $0x1  }
0x91: {  	s18 =	sld [smem:$0x3FFB];
	_ =	sdelay $0x3  }
0x92: {  	_ =	strace s18  }
0x93: {  	s3 =	sld [smem:$0x3FFC];
	_ =	sdelay $0x3  }
0x94: {  	_ =	strace s3  }
0x95: {  	s3 =	sld [smem:$0x3FFD];
	_ =	sdelay $0x3  }
0x96: {  	_ =	strace s3  }
0x97: {  	_ =	strace $0x8FFFFFFF  }
0x98: {  	s19 =	sld [smem:$0x3FDB];
	_ =	sdelay $0x1  }
0x99: {  	s4 =	simm.s32 $_scs_section_size  }
0x9a: {  	s5 =	simm.s32 $_size__tile_overlayer_lowered;
	s6 =	simm.s32 $_tile_overlayer_lowered  }
0x9b: {  	s22 =	simm.s32 $0x1BFF;
	s21 =	sshll.u32 s6, $0x1;
	s3 =	sadd.s32 s4, s19  }
0x9c: {  	s7 =	simm.s32 $0x0;
	s20 =	sshll.u32 s5, $0x1;
	s5 =	sadd.s32 s21, s3  }
0x9d: {  	[timem:s7], [sflag:s22] =	dma.local [hbm:s5], s20  }
0x9e: {  	_ =	swait.ge [sflag:s22], s20  }
0x9f: {  	s4 =	ssub.s32 $0x0, s20;
	[sflag:s22] =	ssyncset.done $0x0  }
0xa0: {  	[sflag:s22] =	ssyncadd.s32 s4;
	_ =	sdelay $0x1  }
0xa1: {  	s23 =	simm.s32 $0x1B8B  }
0xa2: {  	_ =	swait.ge [sflag:s23], $0x1  }
0xa3: {  	[sflag:s23] =	ssyncset.done $0x0  }
0xa4: {  	s25 =	simm.s32 $0x1B8E;
	s24 =	sld [smem:$0x3FFE];
	[sflag:s23] =	ssyncadd.s32 $0xFFFFFFFF  }
0xa5: {  	s26 =	simm.s32 $execute0_lowered;
	[smem:$0x3FD2] =	sst s25  }
0xa6: {  	s5 =	sshll.u32 s26, $0x1;
	_ =	strace $0x80000049;
	[dreg:$0x1] =	wrdreg $0xFFFFFFFF  }
0xa7: {  	s28 =	simm.s32 $_size_execute0_lowered;
	s3 =	sadd.s32 s3, s5;
	[dreg:$0x0] =	wrdreg $0x0  }
0xa8: {  	s5 =	sshll.u32 s28, $0x1;
	[dreg:$0x2] =	wrdreg s3  }
0xa9: {  	[dreg:$0x3] =	wrdreg s5  }
0xaa: {  	[dreg:$0x4] =	wrdreg $0xC0  }
0xab: {  	_ =	task [dreg:s7], $0x5FFFF  }
0xac: {  	[dreg:$0x1] =	wrdreg $0xFFFFFFFF  }
0xad: {  	[dreg:$0x0] =	wrdreg $0x60  }
0xae: {  	[dreg:$0x2] =	wrdreg s24  }
0xaf: {  	[dreg:$0x3] =	wrdreg s2  }
0xb0: {  	[dreg:$0x4] =	wrdreg $0x90000  }
0xb1: {  	[dreg:$0x5] =	wrdreg $0x9  }
0xb2: {  	_ =	task.clear_ibuf [dreg:s7], $0x6FFFF;
	_ =	strace $0x90000049  }
0xb3: {  	s29 =	simm.s32 $0x9;
	_ =	strace $0x8000004B  }
0xb4: {  	_ =	swait.ge [sflag:s29], $0x1  }
0xb5: {  	[sflag:s29] =	ssyncadd.s32 $0xFFFFFFFF  }
0xb6: {  	_ =	strace $0x9000004B  }
0xb7: {  	_ =	sfence  }
0xb8: {  	s30 =	sld [smem:$0x0];
	_ =	sdelay $0x2  }
0xb9: {  	s31 =	sshll.u32 s1, $0xD;
	s1 =	sshrl.u32 s1, $0x2  }
0xba: {  	s3 =	sand.u32 $0x4000, s31;
	s1 =	sadd.s32 s1, s30  }
0xbb: {  	s0 =	sor.u32 s3, s0;
	s1 =	sshll.u32 s1, $0x11  }
0xbc: {  	s0 =	sor.u32 s1, s0  }
0xbd: {  	s0 =	sadd.s32 $0x8F2B, s0  }
0xbe: {  	[sflag:s0] =	ssyncadd.remote.s32 $0x1  }
0xbf: {  	_ =	sfence.sel $0xFFFF  }
0xc0: {  	[dreg:$0x0] =	wrdreg $0xFFFFFFFF;
	(pc) =	sbr.abs _section_cstart, $3  }
0xc1: {  	[dreg:$0x1] =	wrdreg $0xFFFFFFFF  }
0xc2: {  	_ =	task.clear_ibuf [dreg:s7], $0x2FFFF;
	_ =	strace $0x9FFFFFFF  }
0xc3: {  	(tm) =	ssettm $0x7FFFFFFF  }
tec
execute0_lowered:
.L_overlay_start_1:
0x0: {  	(tag) =	ssettag $0x1  }
0x1: {  	s1 =	rddreg [dreg:$0x0]  }
0x2: {  	s5 =	rddreg [dreg:$0x1];
	s0 =	srdreg.scid  }
0x3: {  	s2 =	rddreg [dreg:$0x2];
	s12 =	stileid.u32;
	s3 =	simm.s32 $0x0  }
0x4: {  	s13 =	simm.s32 $0x100;
	s14 =	simm.s32 $0x180;
	s15 =	simm.s32 $0x200  }
0x5: {  	s16 =	simm.s32 $0x880;
	s17 =	simm.s32 $0x280;
	[smem:$0x7FF] =	sst s3  }
0x6: {  	s18 =	simm.s32 $0x900;
	_ =	strace $0x8000004A;
	[dreg:$0x7] =	wrdreg s13  }
0x7: {  	s19 =	simm.s32 $0x300;
	s20 =	simm.s32 $0x980;
	[dreg:$0x8] =	wrdreg s14  }
0x8: {  	s21 =	simm.s32 $0x380;
	s22 =	simm.s32 $0xA00;
	[dreg:$0x9] =	wrdreg s15  }
0x9: {  	s23 =	simm.s32 $0x400;
	s28 =	simm.s32 $0x700;
	[dreg:$0xa] =	wrdreg s16  }
0xa: {  	s29 =	simm.s32 $0xD80;
	s4 =	smul.u32 $0x5000, s12;
	[dreg:$0xb] =	wrdreg s17  }
0xb: {  	s6 =	sand.u32 $0x1, s0;
	s10 =	smul.u32 $0x50000, s12;
	[dreg:$0xc] =	wrdreg s18  }
0xc: {  	s30 =	simm.s32 $0x780;
	s0 =	smul.u32 $0x50000, s6;
	[dreg:$0xd] =	wrdreg s19  }
0xd: {  	s31 =	simm.s32 $0xE00;
	s8 =	smul.u32 $0x28000, s6;
	[dreg:$0xe] =	wrdreg s20  }
0xe: {  	s6 =	ssub.s32 $0x2, s6;
	s13 =	simm.s32 $0x3000;
	[dreg:$0xf] =	wrdreg s21  }
0xf: {  	s14 =	simm.s32 $0x5000;
	[dreg:$0x10] =	wrdreg s22;
	s15 =	simm.s32 $0x7000  }
0x10: {  	[dreg:$0x11] =	wrdreg s23;
	s16 =	simm.s32 $0x1;
	s17 =	simm.s32 $0x2  }
0x11: {  	s18 =	simm.s32 $0x500;
	s19 =	simm.s32 $0xB80;
	s20 =	simm.s32 $0x580  }
0x12: {  	s21 =	simm.s32 $0xC00;
	s22 =	simm.s32 $0x600;
	s23 =	simm.s32 $0xC80  }
0x13: {  	s24 =	sshrl.u32 s6, $0x1;
	s25 =	sshrl.u32 s10, $0x2;
	s7 =	sadd.s32 s4, s0  }
0x14: {  	s0 =	smul.u32 $0x2800, s12;
	s4 =	sadd.s32 $0x20200, s1;
	s6 =	ssub.s32 s6, s24  }
0x15: {  	s26 =	sadd.s32 s25, s2;
	s12 =	sshll.u32 s12, $0x6;
	s24 =	simm.s32 $0xA80  }
0x16: {  	s25 =	simm.s32 $0x480;
	s7 =	sshrl.u32 s7, $0x3;
	[dreg:$0x12] =	wrdreg s24  }
0x17: {  	s6 =	smax.u32 s6, $0x1;
	[dreg:$0x13] =	wrdreg s25;
	s9 =	sadd.s32 s7, s1  }
0x18: {  	s11 =	sadd.s32 s0, s1;
	s5 =	sadd.s32 s7, s5;
	[dreg:$0x17] =	wrdreg s6  }
0x19: {  	s7 =	sshrl.u32 s26, $0x3;
	s26 =	simm.s32 $0xB00;
	[dreg:$0x4] =	wrdreg s5  }
0x1a: {  	s1 =	sadd.s32 s8, s1;
	s8 =	sor.u32 $0x1C03, s12;
	[dreg:$0x14] =	wrdreg s26  }
0x1b: {  	s25 =	simm.s32 $0x680;
	s24 =	simm.s32 $0x0;
	[dreg:$0x16] =	wrdreg s8  }
0x1c: {  	s12 =	simm.s32 $0x1000;
	s10 =	sadd.s32 $0x48200, s11;
	[dreg:$0x18] =	wrdreg s7  }
0x1d: {  	s9 =	sadd.s32 $0xC200, s9;
	s11 =	simm.s32 $0x80;
	[dreg:$0x15] =	wrdreg s10  }
0x1e: {  	s1 =	sadd.s32 $0x70200, s1;
	s26 =	simm.s32 $0xD00;
	[dreg:$0x5] =	wrdreg s9  }
0x1f: {  	s5 =	simm.s32 $0xF80;
	[dreg:$0x6] =	wrdreg s11;
	s9 =	simm.s32 $0x3  }
0x20: {  	s10 =	simm.s32 $0x800;
	s11 =	simm.s32 $0x40;
	s0 =	sadd.s32 s0, s1  }
0x21: {  	s1 =	simm.s32 $0xF00;
	[dreg:$0x19] =	wrdreg s0;
	s0 =	simm.s32 $0xE80  }
.LBB2_1:
0x22: {  	[dreg:$0x1a] =	wrdreg s24  }
0x23: {  	s6 =	rddreg [dreg:$0x15]  }
0x24: {  	[spmem:s7], [sflag:s8] =	dma.local [hbm:s6], $0x2800  }
0x25: {  	_ =	swait.ge [sflag:s9], $0x2800  }
0x26: {  	[sflag:s9] =	ssyncset.done $0x0  }
0x27: {  	[sflag:s9] =	ssyncadd.s32 $0xFFFFD800  }
0x28: {  	[bflag:$0x0] =	sbarrier.arrive $0xFFFF  }
0x29: {  	s7 =	rddreg [dreg:$0x5]  }
0x2a: {  	s6 =	sadd.s32 $0x0, s7  }
0x2b: {  	[tilespmem:s3], [sflag:$0x3] =	stream.linear.gather [hbm4b:s6+s3], $0x800, $0x38;
	[tilespmem:$0x1D000] =	vst v63  }
0x2c: {  	_ =	swait.ge [sflag:s9], $0x800  }
0x2d: {  	s8 =	rddreg [dreg:$0x4];
	[sflag:s9] =	ssyncset.done $0x0  }
0x2e: {  	[sflag:s9] =	ssyncadd.s32 $0xFFFFF800;
	s6 =	sadd.s32 $0x0, s8  }
0x2f: {  	[tilespmem:s10], [sflag:$0x3] =	stream.linear.gather [hbm4b:s6+s3], $0x800, $0x38;
	[tilespmem:$0x1D000] =	vst v63  }
0x30: {  	_ =	swait.ge [sflag:s9], $0x800  }
0x31: {  	[sflag:s9] =	ssyncset.done $0x0  }
0x32: {  	[sflag:s9] =	ssyncadd.s32 $0xFFFFF800  }
0x33: {  	[tilespmem:s12], [sflag:$0x1] =	stream.indirect.gather [hbm4b:s4+s11], $0x80, s3, s11, $0xb8;
	[tilespmem:$0x1D000] =	vst v63  }
0x34: {  	s24 =	rddreg [dreg:$0x6]  }
0x35: {  	[tilespmem:s13], [sflag:$0x1] =	stream.indirect.gather [hbm4b:s4+s11], $0x80, s24, s11, $0xb8;
	[tilespmem:$0x1D000] =	vst v63  }
0x36: {  	s7 =	rddreg [dreg:$0x7]  }
0x37: {  	[tilespmem:s14], [sflag:$0x1] =	stream.indirect.gather [hbm4b:s4+s11], $0x80, s7, s11, $0xb8;
	[tilespmem:$0x1D000] =	vst v63  }
0x38: {  	s24 =	rddreg [dreg:$0x8]  }
0x39: {  	[tilespmem:s15], [sflag:$0x1] =	stream.indirect.gather [hbm4b:s4+s11], $0x80, s24, s11, $0xb8;
	[tilespmem:$0x1D000] =	vst v63  }
0x3a: {  	_ =	swait.ge [sflag:s16], $0x2000  }
0x3b: {  	[sflag:s16] =	ssyncset.done $0x0  }
0x3c: {  	[sflag:s16] =	ssyncadd.s32 $0xFFFFE000  }
0x3d: {  	[spmem:s2] =	stream.indirect.scatter.add.f32 [tilespmem:s12], [sflag:$0x2], $0x80, s10, s11, $0xb8;
	[tilespmem:$0x1D000] =	vst v63  }
0x3e: {  	_ =	swait.ge [sflag:s17], $0x2000  }
0x3f: {  	[sflag:s17] =	ssyncset.done $0x0  }
0x40: {  	s7 =	rddreg [dreg:$0x9];
	[sflag:s17] =	ssyncadd.s32 $0xFFFFE000  }
0x41: {  	[tilespmem:s12], [sflag:$0x1] =	stream.indirect.gather [hbm4b:s4+s11], $0x80, s7, s11, $0xb8;
	[tilespmem:$0x1D000] =	vst v63  }
0x42: {  	_ =	swait.ge [sflag:s16], $0x2000  }
0x43: {  	[sflag:s16] =	ssyncset.done $0x0  }
0x44: {  	s8 =	rddreg [dreg:$0xa];
	[sflag:s16] =	ssyncadd.s32 $0xFFFFE000  }
0x45: {  	[spmem:s2] =	stream.indirect.scatter.add.f32 [tilespmem:s13], [sflag:$0x2], $0x80, s8, s11, $0xb8;
	[tilespmem:$0x1D000] =	vst v63  }
0x46: {  	_ =	swait.ge [sflag:s17], $0x2000  }
0x47: {  	[sflag:s17] =	ssyncset.done $0x0  }
0x48: {  	s24 =	rddreg [dreg:$0xb];
	[sflag:s17] =	ssyncadd.s32 $0xFFFFE000  }
0x49: {  	[tilespmem:s13], [sflag:$0x1] =	stream.indirect.gather [hbm4b:s4+s11], $0x80, s24, s11, $0xb8;
	[tilespmem:$0x1D000] =	vst v63  }
0x4a: {  	_ =	swait.ge [sflag:s16], $0x2000  }
0x4b: {  	[sflag:s16] =	ssyncset.done $0x0  }
0x4c: {  	s7 =	rddreg [dreg:$0xc];
	[sflag:s16] =	ssyncadd.s32 $0xFFFFE000  }
0x4d: {  	[spmem:s2] =	stream.indirect.scatter.add.f32 [tilespmem:s14], [sflag:$0x2], $0x80, s7, s11, $0xb8;
	[tilespmem:$0x1D000] =	vst v63  }
0x4e: {  	_ =	swait.ge [sflag:s17], $0x2000  }
0x4f: {  	[sflag:s17] =	ssyncset.done $0x0  }
0x50: {  	s8 =	rddreg [dreg:$0xd];
	[sflag:s17] =	ssyncadd.s32 $0xFFFFE000  }
0x51: {  	[tilespmem:s14], [sflag:$0x1] =	stream.indirect.gather [hbm4b:s4+s11], $0x80, s8, s11, $0xb8;
	[tilespmem:$0x1D000] =	vst v63  }
0x52: {  	_ =	swait.ge [sflag:s16], $0x2000  }
0x53: {  	[sflag:s16] =	ssyncset.done $0x0  }
0x54: {  	s24 =	rddreg [dreg:$0xe];
	[sflag:s16] =	ssyncadd.s32 $0xFFFFE000  }
0x55: {  	[spmem:s2] =	stream.indirect.scatter.add.f32 [tilespmem:s15], [sflag:$0x2], $0x80, s24, s11, $0xb8;
	[tilespmem:$0x1D000] =	vst v63  }
0x56: {  	_ =	swait.ge [sflag:s17], $0x2000  }
0x57: {  	[sflag:s17] =	ssyncset.done $0x0  }
0x58: {  	s7 =	rddreg [dreg:$0xf];
	[sflag:s17] =	ssyncadd.s32 $0xFFFFE000  }
0x59: {  	[tilespmem:s15], [sflag:$0x1] =	stream.indirect.gather [hbm4b:s4+s11], $0x80, s7, s11, $0xb8;
	[tilespmem:$0x1D000] =	vst v63  }
0x5a: {  	_ =	swait.ge [sflag:s16], $0x2000  }
0x5b: {  	[sflag:s16] =	ssyncset.done $0x0  }
0x5c: {  	s8 =	rddreg [dreg:$0x10];
	[sflag:s16] =	ssyncadd.s32 $0xFFFFE000  }
0x5d: {  	[spmem:s2] =	stream.indirect.scatter.add.f32 [tilespmem:s12], [sflag:$0x2], $0x80, s8, s11, $0xb8;
	[tilespmem:$0x1D000] =	vst v63  }
0x5e: {  	_ =	swait.ge [sflag:s17], $0x2000  }
0x5f: {  	[sflag:s17] =	ssyncset.done $0x0  }
0x60: {  	s24 =	rddreg [dreg:$0x11];
	[sflag:s17] =	ssyncadd.s32 $0xFFFFE000  }
0x61: {  	[tilespmem:s12], [sflag:$0x1] =	stream.indirect.gather [hbm4b:s4+s11], $0x80, s24, s11, $0xb8;
	[tilespmem:$0x1D000] =	vst v63  }
0x62: {  	_ =	swait.ge [sflag:s16], $0x2000  }
0x63: {  	[sflag:s16] =	ssyncset.done $0x0  }
0x64: {  	s7 =	rddreg [dreg:$0x12];
	[sflag:s16] =	ssyncadd.s32 $0xFFFFE000  }
0x65: {  	[spmem:s2] =	stream.indirect.scatter.add.f32 [tilespmem:s13], [sflag:$0x2], $0x80, s7, s11, $0xb8;
	[tilespmem:$0x1D000] =	vst v63  }
0x66: {  	_ =	swait.ge [sflag:s17], $0x2000  }
0x67: {  	[sflag:s17] =	ssyncset.done $0x0  }
0x68: {  	s8 =	rddreg [dreg:$0x13];
	[sflag:s17] =	ssyncadd.s32 $0xFFFFE000  }
0x69: {  	[tilespmem:s13], [sflag:$0x1] =	stream.indirect.gather [hbm4b:s4+s11], $0x80, s8, s11, $0xb8;
	[tilespmem:$0x1D000] =	vst v63  }
0x6a: {  	_ =	swait.ge [sflag:s16], $0x2000  }
0x6b: {  	[sflag:s16] =	ssyncset.done $0x0  }
0x6c: {  	s24 =	rddreg [dreg:$0x14];
	[sflag:s16] =	ssyncadd.s32 $0xFFFFE000  }
0x6d: {  	[spmem:s2] =	stream.indirect.scatter.add.f32 [tilespmem:s14], [sflag:$0x2], $0x80, s24, s11, $0xb8;
	[tilespmem:$0x1D000] =	vst v63  }
0x6e: {  	_ =	swait.ge [sflag:s17], $0x2000  }
0x6f: {  	[sflag:s17] =	ssyncset.done $0x0  }
0x70: {  	[sflag:s17] =	ssyncadd.s32 $0xFFFFE000  }
0x71: {  	[tilespmem:s14], [sflag:$0x1] =	stream.indirect.gather [hbm4b:s4+s11], $0x80, s18, s11, $0xb8;
	[tilespmem:$0x1D000] =	vst v63  }
0x72: {  	_ =	swait.ge [sflag:s16], $0x2000  }
0x73: {  	[sflag:s16] =	ssyncset.done $0x0  }
0x74: {  	[sflag:s16] =	ssyncadd.s32 $0xFFFFE000  }
0x75: {  	[spmem:s2] =	stream.indirect.scatter.add.f32 [tilespmem:s15], [sflag:$0x2], $0x80, s19, s11, $0xb8;
	[tilespmem:$0x1D000] =	vst v63  }
0x76: {  	_ =	swait.ge [sflag:s17], $0x2000  }
0x77: {  	[sflag:s17] =	ssyncset.done $0x0  }
0x78: {  	[sflag:s17] =	ssyncadd.s32 $0xFFFFE000  }
0x79: {  	[tilespmem:s15], [sflag:$0x1] =	stream.indirect.gather [hbm4b:s4+s11], $0x80, s20, s11, $0xb8;
	[tilespmem:$0x1D000] =	vst v63  }
0x7a: {  	_ =	swait.ge [sflag:s16], $0x2000  }
0x7b: {  	[sflag:s16] =	ssyncset.done $0x0  }
0x7c: {  	[sflag:s16] =	ssyncadd.s32 $0xFFFFE000  }
0x7d: {  	[spmem:s2] =	stream.indirect.scatter.add.f32 [tilespmem:s12], [sflag:$0x2], $0x80, s21, s11, $0xb8;
	[tilespmem:$0x1D000] =	vst v63  }
0x7e: {  	_ =	swait.ge [sflag:s17], $0x2000  }
0x7f: {  	[sflag:s17] =	ssyncset.done $0x0  }
0x80: {  	[sflag:s17] =	ssyncadd.s32 $0xFFFFE000  }
0x81: {  	[tilespmem:s12], [sflag:$0x1] =	stream.indirect.gather [hbm4b:s4+s11], $0x80, s22, s11, $0xb8;
	[tilespmem:$0x1D000] =	vst v63  }
0x82: {  	_ =	swait.ge [sflag:s16], $0x2000  }
0x83: {  	[sflag:s16] =	ssyncset.done $0x0  }
0x84: {  	[sflag:s16] =	ssyncadd.s32 $0xFFFFE000  }
0x85: {  	[spmem:s2] =	stream.indirect.scatter.add.f32 [tilespmem:s13], [sflag:$0x2], $0x80, s23, s11, $0xb8;
	[tilespmem:$0x1D000] =	vst v63  }
0x86: {  	_ =	swait.ge [sflag:s17], $0x2000  }
0x87: {  	[sflag:s17] =	ssyncset.done $0x0  }
0x88: {  	[sflag:s17] =	ssyncadd.s32 $0xFFFFE000  }
0x89: {  	[tilespmem:s13], [sflag:$0x1] =	stream.indirect.gather [hbm4b:s4+s11], $0x80, s25, s11, $0xb8;
	[tilespmem:$0x1D000] =	vst v63  }
0x8a: {  	_ =	swait.ge [sflag:s16], $0x2000  }
0x8b: {  	[sflag:s16] =	ssyncset.done $0x0  }
0x8c: {  	[sflag:s16] =	ssyncadd.s32 $0xFFFFE000  }
0x8d: {  	[spmem:s2] =	stream.indirect.scatter.add.f32 [tilespmem:s14], [sflag:$0x2], $0x80, s26, s11, $0xb8;
	[tilespmem:$0x1D000] =	vst v63  }
0x8e: {  	_ =	swait.ge [sflag:s17], $0x2000  }
0x8f: {  	[sflag:s17] =	ssyncset.done $0x0  }
0x90: {  	[sflag:s17] =	ssyncadd.s32 $0xFFFFE000  }
0x91: {  	[tilespmem:s14], [sflag:$0x1] =	stream.indirect.gather [hbm4b:s4+s11], $0x80, s28, s11, $0xb8;
	[tilespmem:$0x1D000] =	vst v63  }
0x92: {  	_ =	swait.ge [sflag:s16], $0x2000  }
0x93: {  	[sflag:s16] =	ssyncset.done $0x0  }
0x94: {  	[sflag:s16] =	ssyncadd.s32 $0xFFFFE000  }
0x95: {  	[spmem:s2] =	stream.indirect.scatter.add.f32 [tilespmem:s15], [sflag:$0x2], $0x80, s29, s11, $0xb8;
	[tilespmem:$0x1D000] =	vst v63  }
0x96: {  	_ =	swait.ge [sflag:s17], $0x2000  }
0x97: {  	[sflag:s17] =	ssyncset.done $0x0  }
0x98: {  	[sflag:s17] =	ssyncadd.s32 $0xFFFFE000  }
0x99: {  	[tilespmem:s15], [sflag:$0x1] =	stream.indirect.gather [hbm4b:s4+s11], $0x80, s30, s11, $0xb8;
	[tilespmem:$0x1D000] =	vst v63  }
0x9a: {  	_ =	swait.ge [sflag:s16], $0x2000  }
0x9b: {  	[sflag:s16] =	ssyncset.done $0x0  }
0x9c: {  	[sflag:s16] =	ssyncadd.s32 $0xFFFFE000  }
0x9d: {  	[spmem:s2] =	stream.indirect.scatter.add.f32 [tilespmem:s12], [sflag:$0x2], $0x80, s31, s11, $0xb8;
	[tilespmem:$0x1D000] =	vst v63  }
0x9e: {  	_ =	swait.ge [sflag:s16], $0x2000  }
0x9f: {  	[sflag:s16] =	ssyncset.done $0x0  }
0xa0: {  	[sflag:s16] =	ssyncadd.s32 $0xFFFFE000  }
0xa1: {  	[spmem:s2] =	stream.indirect.scatter.add.f32 [tilespmem:s13], [sflag:$0x2], $0x80, s0, s11, $0xb8;
	[tilespmem:$0x1D000] =	vst v63  }
0xa2: {  	_ =	swait.ge [sflag:s16], $0x2000  }
0xa3: {  	[sflag:s16] =	ssyncset.done $0x0  }
0xa4: {  	[sflag:s16] =	ssyncadd.s32 $0xFFFFE000  }
0xa5: {  	[spmem:s2] =	stream.indirect.scatter.add.f32 [tilespmem:s14], [sflag:$0x2], $0x80, s1, s11, $0xb8;
	[tilespmem:$0x1D000] =	vst v63  }
0xa6: {  	_ =	swait.ge [sflag:s16], $0x2000  }
0xa7: {  	[sflag:s16] =	ssyncset.done $0x0  }
0xa8: {  	[sflag:s16] =	ssyncadd.s32 $0xFFFFE000  }
0xa9: {  	[spmem:s2] =	stream.indirect.scatter.add.f32 [tilespmem:s15], [sflag:$0x2], $0x80, s5, s11, $0xb8;
	[tilespmem:$0x1D000] =	vst v63  }
0xaa: {  	_ =	swait.ge [sflag:s17], $0x2000  }
0xab: {  	[sflag:s17] =	ssyncset.done $0x0  }
0xac: {  	[sflag:s17] =	ssyncadd.s32 $0xFFFFE000  }
0xad: {  	_ =	swait.ge [sflag:s17], $0x2000  }
0xae: {  	[sflag:s17] =	ssyncset.done $0x0  }
0xaf: {  	[sflag:s17] =	ssyncadd.s32 $0xFFFFE000  }
0xb0: {  	_ =	swait.ge [sflag:s17], $0x2000  }
0xb1: {  	[sflag:s17] =	ssyncset.done $0x0  }
0xb2: {  	[sflag:s17] =	ssyncadd.s32 $0xFFFFE000  }
0xb3: {  	s6 =	simm.s32 $0x200;
	_ =	swait.ge [sflag:s17], $0x2000  }
0xb4: {  	s24 =	simm.s32 $0x100;
	s8 =	rddreg [dreg:$0x5];
	[sflag:s17] =	ssyncset.done $0x0  }
.LBB2_2:
0xb5: {  	[sflag:s17] =	ssyncadd.s32 $0xFFFFE000;
	s8 =	sadd.s32 s24, s8  }
0xb6: {  	[tilespmem:s3], [sflag:$0x3] =	stream.linear.gather [hbm4b:s8+s3], $0x800, $0x38;
	[tilespmem:$0x1D000] =	vst v63  }
0xb7: {  	_ =	swait.ge [sflag:s9], $0x800  }
0xb8: {  	s8 =	rddreg [dreg:$0x4];
	[sflag:s9] =	ssyncset.done $0x0  }
0xb9: {  	[sflag:s9] =	ssyncadd.s32 $0xFFFFF800;
	s8 =	sadd.s32 s24, s8  }
0xba: {  	[tilespmem:s10], [sflag:$0x3] =	stream.linear.gather [hbm4b:s8+s3], $0x800, $0x38;
	[tilespmem:$0x1D000] =	vst v63  }
0xbb: {  	_ =	swait.ge [sflag:s9], $0x800  }
0xbc: {  	[sflag:s9] =	ssyncset.done $0x0  }
0xbd: {  	s7 =	smov.u32 s6;
	[sflag:s9] =	ssyncadd.s32 $0xFFFFF800  }
0xbe: {  	[tilespmem:s12], [sflag:$0x1] =	stream.indirect.gather [hbm4b:s4+s11], $0x80, s3, s11, $0xb8;
	[tilespmem:$0x1D000] =	vst v63  }
0xbf: {  	s24 =	smov.u32 s7;
	s7 =	rddreg [dreg:$0x6]  }
0xc0: {  	[tilespmem:s13], [sflag:$0x1] =	stream.indirect.gather [hbm4b:s4+s11], $0x80, s7, s11, $0xb8;
	[tilespmem:$0x1D000] =	vst v63  }
0xc1: {  	s8 =	rddreg [dreg:$0x7]  }
0xc2: {  	[tilespmem:s14], [sflag:$0x1] =	stream.indirect.gather [hbm4b:s4+s11], $0x80, s8, s11, $0xb8;
	[tilespmem:$0x1D000] =	vst v63  }
0xc3: {  	s7 =	rddreg [dreg:$0x8]  }
0xc4: {  	[tilespmem:s15], [sflag:$0x1] =	stream.indirect.gather [hbm4b:s4+s11], $0x80, s7, s11, $0xb8;
	[tilespmem:$0x1D000] =	vst v63  }
0xc5: {  	_ =	swait.ge [sflag:s16], $0x2000  }
0xc6: {  	[sflag:s16] =	ssyncset.done $0x0  }
0xc7: {  	[sflag:s16] =	ssyncadd.s32 $0xFFFFE000  }
0xc8: {  	[spmem:s2] =	stream.indirect.scatter.add.f32 [tilespmem:s12], [sflag:$0x2], $0x80, s10, s11, $0xb8;
	[tilespmem:$0x1D000] =	vst v63  }
0xc9: {  	_ =	swait.ge [sflag:s17], $0x2000  }
0xca: {  	[sflag:s17] =	ssyncset.done $0x0  }
0xcb: {  	s8 =	rddreg [dreg:$0x9];
	[sflag:s17] =	ssyncadd.s32 $0xFFFFE000  }
0xcc: {  	[tilespmem:s12], [sflag:$0x1] =	stream.indirect.gather [hbm4b:s4+s11], $0x80, s8, s11, $0xb8;
	[tilespmem:$0x1D000] =	vst v63  }
0xcd: {  	_ =	swait.ge [sflag:s16], $0x2000  }
0xce: {  	[sflag:s16] =	ssyncset.done $0x0  }
0xcf: {  	s8 =	rddreg [dreg:$0xa];
	[sflag:s16] =	ssyncadd.s32 $0xFFFFE000  }
0xd0: {  	[spmem:s2] =	stream.indirect.scatter.add.f32 [tilespmem:s13], [sflag:$0x2], $0x80, s8, s11, $0xb8;
	[tilespmem:$0x1D000] =	vst v63  }
0xd1: {  	_ =	swait.ge [sflag:s17], $0x2000  }
0xd2: {  	[sflag:s17] =	ssyncset.done $0x0  }
0xd3: {  	s8 =	rddreg [dreg:$0xb];
	[sflag:s17] =	ssyncadd.s32 $0xFFFFE000  }
0xd4: {  	[tilespmem:s13], [sflag:$0x1] =	stream.indirect.gather [hbm4b:s4+s11], $0x80, s8, s11, $0xb8;
	[tilespmem:$0x1D000] =	vst v63  }
0xd5: {  	_ =	swait.ge [sflag:s16], $0x2000  }
0xd6: {  	[sflag:s16] =	ssyncset.done $0x0  }
0xd7: {  	s8 =	rddreg [dreg:$0xc];
	[sflag:s16] =	ssyncadd.s32 $0xFFFFE000  }
0xd8: {  	[spmem:s2] =	stream.indirect.scatter.add.f32 [tilespmem:s14], [sflag:$0x2], $0x80, s8, s11, $0xb8;
	[tilespmem:$0x1D000] =	vst v63  }
0xd9: {  	_ =	swait.ge [sflag:s17], $0x2000  }
0xda: {  	[sflag:s17] =	ssyncset.done $0x0  }
0xdb: {  	s8 =	rddreg [dreg:$0xd];
	[sflag:s17] =	ssyncadd.s32 $0xFFFFE000  }
0xdc: {  	[tilespmem:s14], [sflag:$0x1] =	stream.indirect.gather [hbm4b:s4+s11], $0x80, s8, s11, $0xb8;
	[tilespmem:$0x1D000] =	vst v63  }
0xdd: {  	_ =	swait.ge [sflag:s16], $0x2000  }
0xde: {  	[sflag:s16] =	ssyncset.done $0x0  }
0xdf: {  	s8 =	rddreg [dreg:$0xe];
	[sflag:s16] =	ssyncadd.s32 $0xFFFFE000  }
0xe0: {  	[spmem:s2] =	stream.indirect.scatter.add.f32 [tilespmem:s15], [sflag:$0x2], $0x80, s8, s11, $0xb8;
	[tilespmem:$0x1D000] =	vst v63  }
0xe1: {  	_ =	swait.ge [sflag:s17], $0x2000  }
0xe2: {  	[sflag:s17] =	ssyncset.done $0x0  }
0xe3: {  	s8 =	rddreg [dreg:$0xf];
	[sflag:s17] =	ssyncadd.s32 $0xFFFFE000  }
0xe4: {  	[tilespmem:s15], [sflag:$0x1] =	stream.indirect.gather [hbm4b:s4+s11], $0x80, s8, s11, $0xb8;
	[tilespmem:$0x1D000] =	vst v63  }
0xe5: {  	_ =	swait.ge [sflag:s16], $0x2000  }
0xe6: {  	[sflag:s16] =	ssyncset.done $0x0  }
0xe7: {  	s8 =	rddreg [dreg:$0x10];
	[sflag:s16] =	ssyncadd.s32 $0xFFFFE000  }
0xe8: {  	[spmem:s2] =	stream.indirect.scatter.add.f32 [tilespmem:s12], [sflag:$0x2], $0x80, s8, s11, $0xb8;
	[tilespmem:$0x1D000] =	vst v63  }
0xe9: {  	_ =	swait.ge [sflag:s17], $0x2000  }
0xea: {  	[sflag:s17] =	ssyncset.done $0x0  }
0xeb: {  	s8 =	rddreg [dreg:$0x11];
	[sflag:s17] =	ssyncadd.s32 $0xFFFFE000  }
0xec: {  	[tilespmem:s12], [sflag:$0x1] =	stream.indirect.gather [hbm4b:s4+s11], $0x80, s8, s11, $0xb8;
	[tilespmem:$0x1D000] =	vst v63  }
0xed: {  	_ =	swait.ge [sflag:s16], $0x2000  }
0xee: {  	[sflag:s16] =	ssyncset.done $0x0  }
0xef: {  	s8 =	rddreg [dreg:$0x12];
	[sflag:s16] =	ssyncadd.s32 $0xFFFFE000  }
0xf0: {  	[spmem:s2] =	stream.indirect.scatter.add.f32 [tilespmem:s13], [sflag:$0x2], $0x80, s8, s11, $0xb8;
	[tilespmem:$0x1D000] =	vst v63  }
0xf1: {  	_ =	swait.ge [sflag:s17], $0x2000  }
0xf2: {  	[sflag:s17] =	ssyncset.done $0x0  }
0xf3: {  	s8 =	rddreg [dreg:$0x13];
	[sflag:s17] =	ssyncadd.s32 $0xFFFFE000  }
0xf4: {  	[tilespmem:s13], [sflag:$0x1] =	stream.indirect.gather [hbm4b:s4+s11], $0x80, s8, s11, $0xb8;
	[tilespmem:$0x1D000] =	vst v63  }
0xf5: {  	_ =	swait.ge [sflag:s16], $0x2000  }
0xf6: {  	[sflag:s16] =	ssyncset.done $0x0  }
0xf7: {  	s8 =	rddreg [dreg:$0x14];
	[sflag:s16] =	ssyncadd.s32 $0xFFFFE000  }
0xf8: {  	[spmem:s2] =	stream.indirect.scatter.add.f32 [tilespmem:s14], [sflag:$0x2], $0x80, s8, s11, $0xb8;
	[tilespmem:$0x1D000] =	vst v63  }
0xf9: {  	_ =	swait.ge [sflag:s17], $0x2000  }
0xfa: {  	[sflag:s17] =	ssyncset.done $0x0  }
0xfb: {  	[sflag:s17] =	ssyncadd.s32 $0xFFFFE000  }
0xfc: {  	[tilespmem:s14], [sflag:$0x1] =	stream.indirect.gather [hbm4b:s4+s11], $0x80, s18, s11, $0xb8;
	[tilespmem:$0x1D000] =	vst v63  }
0xfd: {  	_ =	swait.ge [sflag:s16], $0x2000  }
0xfe: {  	[sflag:s16] =	ssyncset.done $0x0  }
0xff: {  	[sflag:s16] =	ssyncadd.s32 $0xFFFFE000  }
0x100: {  	[spmem:s2] =	stream.indirect.scatter.add.f32 [tilespmem:s15], [sflag:$0x2], $0x80, s19, s11, $0xb8;
	[tilespmem:$0x1D000] =	vst v63  }
0x101: {  	_ =	swait.ge [sflag:s17], $0x2000  }
0x102: {  	[sflag:s17] =	ssyncset.done $0x0  }
0x103: {  	[sflag:s17] =	ssyncadd.s32 $0xFFFFE000  }
0x104: {  	[tilespmem:s15], [sflag:$0x1] =	stream.indirect.gather [hbm4b:s4+s11], $0x80, s20, s11, $0xb8;
	[tilespmem:$0x1D000] =	vst v63  }
0x105: {  	_ =	swait.ge [sflag:s16], $0x2000  }
0x106: {  	[sflag:s16] =	ssyncset.done $0x0  }
0x107: {  	[sflag:s16] =	ssyncadd.s32 $0xFFFFE000  }
0x108: {  	[spmem:s2] =	stream.indirect.scatter.add.f32 [tilespmem:s12], [sflag:$0x2], $0x80, s21, s11, $0xb8;
	[tilespmem:$0x1D000] =	vst v63  }
0x109: {  	_ =	swait.ge [sflag:s17], $0x2000  }
0x10a: {  	[sflag:s17] =	ssyncset.done $0x0  }
0x10b: {  	[sflag:s17] =	ssyncadd.s32 $0xFFFFE000  }
0x10c: {  	[tilespmem:s12], [sflag:$0x1] =	stream.indirect.gather [hbm4b:s4+s11], $0x80, s22, s11, $0xb8;
	[tilespmem:$0x1D000] =	vst v63  }
0x10d: {  	_ =	swait.ge [sflag:s16], $0x2000  }
0x10e: {  	[sflag:s16] =	ssyncset.done $0x0  }
0x10f: {  	[sflag:s16] =	ssyncadd.s32 $0xFFFFE000  }
0x110: {  	[spmem:s2] =	stream.indirect.scatter.add.f32 [tilespmem:s13], [sflag:$0x2], $0x80, s23, s11, $0xb8;
	[tilespmem:$0x1D000] =	vst v63  }
0x111: {  	_ =	swait.ge [sflag:s17], $0x2000  }
0x112: {  	[sflag:s17] =	ssyncset.done $0x0  }
0x113: {  	[sflag:s17] =	ssyncadd.s32 $0xFFFFE000  }
0x114: {  	[tilespmem:s13], [sflag:$0x1] =	stream.indirect.gather [hbm4b:s4+s11], $0x80, s25, s11, $0xb8;
	[tilespmem:$0x1D000] =	vst v63  }
0x115: {  	_ =	swait.ge [sflag:s16], $0x2000  }
0x116: {  	[sflag:s16] =	ssyncset.done $0x0  }
0x117: {  	[sflag:s16] =	ssyncadd.s32 $0xFFFFE000  }
0x118: {  	[spmem:s2] =	stream.indirect.scatter.add.f32 [tilespmem:s14], [sflag:$0x2], $0x80, s26, s11, $0xb8;
	[tilespmem:$0x1D000] =	vst v63  }
0x119: {  	_ =	swait.ge [sflag:s17], $0x2000  }
0x11a: {  	[sflag:s17] =	ssyncset.done $0x0  }
0x11b: {  	[sflag:s17] =	ssyncadd.s32 $0xFFFFE000  }
0x11c: {  	[tilespmem:s14], [sflag:$0x1] =	stream.indirect.gather [hbm4b:s4+s11], $0x80, s28, s11, $0xb8;
	[tilespmem:$0x1D000] =	vst v63  }
0x11d: {  	_ =	swait.ge [sflag:s16], $0x2000  }
0x11e: {  	[sflag:s16] =	ssyncset.done $0x0  }
0x11f: {  	[sflag:s16] =	ssyncadd.s32 $0xFFFFE000  }
0x120: {  	[spmem:s2] =	stream.indirect.scatter.add.f32 [tilespmem:s15], [sflag:$0x2], $0x80, s29, s11, $0xb8;
	[tilespmem:$0x1D000] =	vst v63  }
0x121: {  	_ =	swait.ge [sflag:s17], $0x2000  }
0x122: {  	[sflag:s17] =	ssyncset.done $0x0  }
0x123: {  	[sflag:s17] =	ssyncadd.s32 $0xFFFFE000  }
0x124: {  	[tilespmem:s15], [sflag:$0x1] =	stream.indirect.gather [hbm4b:s4+s11], $0x80, s30, s11, $0xb8;
	[tilespmem:$0x1D000] =	vst v63  }
0x125: {  	_ =	swait.ge [sflag:s16], $0x2000  }
0x126: {  	[sflag:s16] =	ssyncset.done $0x0  }
0x127: {  	[sflag:s16] =	ssyncadd.s32 $0xFFFFE000  }
0x128: {  	[spmem:s2] =	stream.indirect.scatter.add.f32 [tilespmem:s12], [sflag:$0x2], $0x80, s31, s11, $0xb8;
	[tilespmem:$0x1D000] =	vst v63  }
0x129: {  	_ =	swait.ge [sflag:s16], $0x2000  }
0x12a: {  	[sflag:s16] =	ssyncset.done $0x0  }
0x12b: {  	[sflag:s16] =	ssyncadd.s32 $0xFFFFE000  }
0x12c: {  	[spmem:s2] =	stream.indirect.scatter.add.f32 [tilespmem:s13], [sflag:$0x2], $0x80, s0, s11, $0xb8;
	[tilespmem:$0x1D000] =	vst v63  }
0x12d: {  	_ =	swait.ge [sflag:s16], $0x2000  }
0x12e: {  	[sflag:s16] =	ssyncset.done $0x0  }
0x12f: {  	[sflag:s16] =	ssyncadd.s32 $0xFFFFE000  }
0x130: {  	[spmem:s2] =	stream.indirect.scatter.add.f32 [tilespmem:s14], [sflag:$0x2], $0x80, s1, s11, $0xb8;
	[tilespmem:$0x1D000] =	vst v63  }
0x131: {  	_ =	swait.ge [sflag:s16], $0x2000  }
0x132: {  	[sflag:s16] =	ssyncset.done $0x0  }
0x133: {  	[sflag:s16] =	ssyncadd.s32 $0xFFFFE000  }
0x134: {  	[spmem:s2] =	stream.indirect.scatter.add.f32 [tilespmem:s15], [sflag:$0x2], $0x80, s5, s11, $0xb8;
	[tilespmem:$0x1D000] =	vst v63  }
0x135: {  	_ =	swait.ge [sflag:s17], $0x2000  }
0x136: {  	[sflag:s17] =	ssyncset.done $0x0  }
0x137: {  	[sflag:s17] =	ssyncadd.s32 $0xFFFFE000  }
0x138: {  	_ =	swait.ge [sflag:s17], $0x2000  }
0x139: {  	[sflag:s17] =	ssyncset.done $0x0  }
0x13a: {  	p0 =	sne.s32 s6, $0x900;
	[sflag:s17] =	ssyncadd.s32 $0xFFFFE000  }
.Ltmp0:
0x13b: {  	_ =	swait.ge [sflag:s17], $0x2000;
	(pc) =	sbr.rel @p0 .LBB2_2-.Ltmp0, $4  }
0x13c: {  	[sflag:s17] =	ssyncset.done $0x0  }
0x13d: {  	[sflag:s17] =	ssyncadd.s32 $0xFFFFE000  }
0x13e: {  	_ =	swait.ge [sflag:s17], $0x2000  }
0x13f: {  	s6 =	sadd.s32 $0x100, s6;
	s8 =	rddreg [dreg:$0x5];
	[sflag:s17] =	ssyncset.done $0x0  }
0x140: {  	[sflag:s17] =	ssyncadd.s32 $0xFFFFE000;
	s6 =	sadd.s32 s24, s8  }
0x141: {  	[tilespmem:s3], [sflag:$0x3] =	stream.linear.gather [hbm4b:s6+s3], $0x800, $0x38;
	[tilespmem:$0x1D000] =	vst v63  }
0x142: {  	_ =	swait.ge [sflag:s9], $0x800  }
0x143: {  	s8 =	rddreg [dreg:$0x4];
	[sflag:s9] =	ssyncset.done $0x0  }
0x144: {  	[sflag:s9] =	ssyncadd.s32 $0xFFFFF800;
	s6 =	sadd.s32 s24, s8  }
0x145: {  	[tilespmem:s10], [sflag:$0x3] =	stream.linear.gather [hbm4b:s6+s3], $0x800, $0x38;
	[tilespmem:$0x1D000] =	vst v63  }
0x146: {  	_ =	swait.ge [sflag:s9], $0x800  }
0x147: {  	[sflag:s9] =	ssyncset.done $0x0  }
0x148: {  	[sflag:s9] =	ssyncadd.s32 $0xFFFFF800  }
0x149: {  	[tilespmem:s12], [sflag:$0x1] =	stream.indirect.gather [hbm4b:s4+s11], $0x80, s3, s11, $0xb8;
	[tilespmem:$0x1D000] =	vst v63  }
0x14a: {  	s24 =	rddreg [dreg:$0x6]  }
0x14b: {  	[tilespmem:s13], [sflag:$0x1] =	stream.indirect.gather [hbm4b:s4+s11], $0x80, s24, s11, $0xb8;
	[tilespmem:$0x1D000] =	vst v63  }
0x14c: {  	s7 =	rddreg [dreg:$0x7]  }
0x14d: {  	[tilespmem:s14], [sflag:$0x1] =	stream.indirect.gather [hbm4b:s4+s11], $0x80, s7, s11, $0xb8;
	[tilespmem:$0x1D000] =	vst v63  }
0x14e: {  	s8 =	rddreg [dreg:$0x8]  }
0x14f: {  	[tilespmem:s15], [sflag:$0x1] =	stream.indirect.gather [hbm4b:s4+s11], $0x80, s8, s11, $0xb8;
	[tilespmem:$0x1D000] =	vst v63  }
0x150: {  	_ =	swait.ge [sflag:s16], $0x2000  }
0x151: {  	[sflag:s16] =	ssyncset.done $0x0  }
0x152: {  	[sflag:s16] =	ssyncadd.s32 $0xFFFFE000  }
0x153: {  	[spmem:s2] =	stream.indirect.scatter.add.f32 [tilespmem:s12], [sflag:$0x2], $0x80, s10, s11, $0xb8;
	[tilespmem:$0x1D000] =	vst v63  }
0x154: {  	_ =	swait.ge [sflag:s17], $0x2000  }
0x155: {  	[sflag:s17] =	ssyncset.done $0x0  }
0x156: {  	s24 =	rddreg [dreg:$0x9];
	[sflag:s17] =	ssyncadd.s32 $0xFFFFE000  }
0x157: {  	[tilespmem:s12], [sflag:$0x1] =	stream.indirect.gather [hbm4b:s4+s11], $0x80, s24, s11, $0xb8;
	[tilespmem:$0x1D000] =	vst v63  }
0x158: {  	_ =	swait.ge [sflag:s16], $0x2000  }
0x159: {  	[sflag:s16] =	ssyncset.done $0x0  }
0x15a: {  	s7 =	rddreg [dreg:$0xa];
	[sflag:s16] =	ssyncadd.s32 $0xFFFFE000  }
0x15b: {  	[spmem:s2] =	stream.indirect.scatter.add.f32 [tilespmem:s13], [sflag:$0x2], $0x80, s7, s11, $0xb8;
	[tilespmem:$0x1D000] =	vst v63  }
0x15c: {  	_ =	swait.ge [sflag:s17], $0x2000  }
0x15d: {  	[sflag:s17] =	ssyncset.done $0x0  }
0x15e: {  	s8 =	rddreg [dreg:$0xb];
	[sflag:s17] =	ssyncadd.s32 $0xFFFFE000  }
0x15f: {  	[tilespmem:s13], [sflag:$0x1] =	stream.indirect.gather [hbm4b:s4+s11], $0x80, s8, s11, $0xb8;
	[tilespmem:$0x1D000] =	vst v63  }
0x160: {  	_ =	swait.ge [sflag:s16], $0x2000  }
0x161: {  	[sflag:s16] =	ssyncset.done $0x0  }
0x162: {  	s24 =	rddreg [dreg:$0xc];
	[sflag:s16] =	ssyncadd.s32 $0xFFFFE000  }
0x163: {  	[spmem:s2] =	stream.indirect.scatter.add.f32 [tilespmem:s14], [sflag:$0x2], $0x80, s24, s11, $0xb8;
	[tilespmem:$0x1D000] =	vst v63  }
0x164: {  	_ =	swait.ge [sflag:s17], $0x2000  }
0x165: {  	[sflag:s17] =	ssyncset.done $0x0  }
0x166: {  	s7 =	rddreg [dreg:$0xd];
	[sflag:s17] =	ssyncadd.s32 $0xFFFFE000  }
0x167: {  	[tilespmem:s14], [sflag:$0x1] =	stream.indirect.gather [hbm4b:s4+s11], $0x80, s7, s11, $0xb8;
	[tilespmem:$0x1D000] =	vst v63  }
0x168: {  	_ =	swait.ge [sflag:s16], $0x2000  }
0x169: {  	[sflag:s16] =	ssyncset.done $0x0  }
0x16a: {  	s8 =	rddreg [dreg:$0xe];
	[sflag:s16] =	ssyncadd.s32 $0xFFFFE000  }
0x16b: {  	[spmem:s2] =	stream.indirect.scatter.add.f32 [tilespmem:s15], [sflag:$0x2], $0x80, s8, s11, $0xb8;
	[tilespmem:$0x1D000] =	vst v63  }
0x16c: {  	_ =	swait.ge [sflag:s17], $0x2000  }
0x16d: {  	[sflag:s17] =	ssyncset.done $0x0  }
0x16e: {  	s24 =	rddreg [dreg:$0xf];
	[sflag:s17] =	ssyncadd.s32 $0xFFFFE000  }
0x16f: {  	[tilespmem:s15], [sflag:$0x1] =	stream.indirect.gather [hbm4b:s4+s11], $0x80, s24, s11, $0xb8;
	[tilespmem:$0x1D000] =	vst v63  }
0x170: {  	_ =	swait.ge [sflag:s16], $0x2000  }
0x171: {  	[sflag:s16] =	ssyncset.done $0x0  }
0x172: {  	s7 =	rddreg [dreg:$0x10];
	[sflag:s16] =	ssyncadd.s32 $0xFFFFE000  }
0x173: {  	[spmem:s2] =	stream.indirect.scatter.add.f32 [tilespmem:s12], [sflag:$0x2], $0x80, s7, s11, $0xb8;
	[tilespmem:$0x1D000] =	vst v63  }
0x174: {  	_ =	swait.ge [sflag:s17], $0x2000  }
0x175: {  	[sflag:s17] =	ssyncset.done $0x0  }
0x176: {  	s8 =	rddreg [dreg:$0x11];
	[sflag:s17] =	ssyncadd.s32 $0xFFFFE000  }
0x177: {  	[tilespmem:s12], [sflag:$0x1] =	stream.indirect.gather [hbm4b:s4+s11], $0x80, s8, s11, $0xb8;
	[tilespmem:$0x1D000] =	vst v63  }
0x178: {  	_ =	swait.ge [sflag:s16], $0x2000  }
0x179: {  	[sflag:s16] =	ssyncset.done $0x0  }
0x17a: {  	s24 =	rddreg [dreg:$0x12];
	[sflag:s16] =	ssyncadd.s32 $0xFFFFE000  }
0x17b: {  	[spmem:s2] =	stream.indirect.scatter.add.f32 [tilespmem:s13], [sflag:$0x2], $0x80, s24, s11, $0xb8;
	[tilespmem:$0x1D000] =	vst v63  }
0x17c: {  	_ =	swait.ge [sflag:s17], $0x2000  }
0x17d: {  	[sflag:s17] =	ssyncset.done $0x0  }
0x17e: {  	s7 =	rddreg [dreg:$0x13];
	[sflag:s17] =	ssyncadd.s32 $0xFFFFE000  }
0x17f: {  	[tilespmem:s13], [sflag:$0x1] =	stream.indirect.gather [hbm4b:s4+s11], $0x80, s7, s11, $0xb8;
	[tilespmem:$0x1D000] =	vst v63  }
0x180: {  	_ =	swait.ge [sflag:s16], $0x2000  }
0x181: {  	[sflag:s16] =	ssyncset.done $0x0  }
0x182: {  	s8 =	rddreg [dreg:$0x14];
	[sflag:s16] =	ssyncadd.s32 $0xFFFFE000  }
0x183: {  	[spmem:s2] =	stream.indirect.scatter.add.f32 [tilespmem:s14], [sflag:$0x2], $0x80, s8, s11, $0xb8;
	[tilespmem:$0x1D000] =	vst v63  }
0x184: {  	_ =	swait.ge [sflag:s17], $0x2000  }
0x185: {  	[sflag:s17] =	ssyncset.done $0x0  }
0x186: {  	[sflag:s17] =	ssyncadd.s32 $0xFFFFE000  }
0x187: {  	[tilespmem:s14], [sflag:$0x1] =	stream.indirect.gather [hbm4b:s4+s11], $0x80, s18, s11, $0xb8;
	[tilespmem:$0x1D000] =	vst v63  }
0x188: {  	_ =	swait.ge [sflag:s16], $0x2000  }
0x189: {  	[sflag:s16] =	ssyncset.done $0x0  }
0x18a: {  	[sflag:s16] =	ssyncadd.s32 $0xFFFFE000  }
0x18b: {  	[spmem:s2] =	stream.indirect.scatter.add.f32 [tilespmem:s15], [sflag:$0x2], $0x80, s19, s11, $0xb8;
	[tilespmem:$0x1D000] =	vst v63  }
0x18c: {  	_ =	swait.ge [sflag:s17], $0x2000  }
0x18d: {  	[sflag:s17] =	ssyncset.done $0x0  }
0x18e: {  	[sflag:s17] =	ssyncadd.s32 $0xFFFFE000  }
0x18f: {  	[tilespmem:s15], [sflag:$0x1] =	stream.indirect.gather [hbm4b:s4+s11], $0x80, s20, s11, $0xb8;
	[tilespmem:$0x1D000] =	vst v63  }
0x190: {  	_ =	swait.ge [sflag:s16], $0x2000  }
0x191: {  	[sflag:s16] =	ssyncset.done $0x0  }
0x192: {  	[sflag:s16] =	ssyncadd.s32 $0xFFFFE000  }
0x193: {  	[spmem:s2] =	stream.indirect.scatter.add.f32 [tilespmem:s12], [sflag:$0x2], $0x80, s21, s11, $0xb8;
	[tilespmem:$0x1D000] =	vst v63  }
0x194: {  	_ =	swait.ge [sflag:s17], $0x2000  }
0x195: {  	[sflag:s17] =	ssyncset.done $0x0  }
0x196: {  	[sflag:s17] =	ssyncadd.s32 $0xFFFFE000  }
0x197: {  	[tilespmem:s12], [sflag:$0x1] =	stream.indirect.gather [hbm4b:s4+s11], $0x80, s22, s11, $0xb8;
	[tilespmem:$0x1D000] =	vst v63  }
0x198: {  	_ =	swait.ge [sflag:s16], $0x2000  }
0x199: {  	[sflag:s16] =	ssyncset.done $0x0  }
0x19a: {  	[sflag:s16] =	ssyncadd.s32 $0xFFFFE000  }
0x19b: {  	[spmem:s2] =	stream.indirect.scatter.add.f32 [tilespmem:s13], [sflag:$0x2], $0x80, s23, s11, $0xb8;
	[tilespmem:$0x1D000] =	vst v63  }
0x19c: {  	_ =	swait.ge [sflag:s17], $0x2000  }
0x19d: {  	[sflag:s17] =	ssyncset.done $0x0  }
0x19e: {  	[sflag:s17] =	ssyncadd.s32 $0xFFFFE000  }
0x19f: {  	[tilespmem:s13], [sflag:$0x1] =	stream.indirect.gather [hbm4b:s4+s11], $0x80, s25, s11, $0xb8;
	[tilespmem:$0x1D000] =	vst v63  }
0x1a0: {  	_ =	swait.ge [sflag:s16], $0x2000  }
0x1a1: {  	[sflag:s16] =	ssyncset.done $0x0  }
0x1a2: {  	[sflag:s16] =	ssyncadd.s32 $0xFFFFE000  }
0x1a3: {  	[spmem:s2] =	stream.indirect.scatter.add.f32 [tilespmem:s14], [sflag:$0x2], $0x80, s26, s11, $0xb8;
	[tilespmem:$0x1D000] =	vst v63  }
0x1a4: {  	_ =	swait.ge [sflag:s17], $0x2000  }
0x1a5: {  	[sflag:s17] =	ssyncset.done $0x0  }
0x1a6: {  	[sflag:s17] =	ssyncadd.s32 $0xFFFFE000  }
0x1a7: {  	[tilespmem:s14], [sflag:$0x1] =	stream.indirect.gather [hbm4b:s4+s11], $0x80, s28, s11, $0xb8;
	[tilespmem:$0x1D000] =	vst v63  }
0x1a8: {  	_ =	swait.ge [sflag:s16], $0x2000  }
0x1a9: {  	[sflag:s16] =	ssyncset.done $0x0  }
0x1aa: {  	[sflag:s16] =	ssyncadd.s32 $0xFFFFE000  }
0x1ab: {  	[spmem:s2] =	stream.indirect.scatter.add.f32 [tilespmem:s15], [sflag:$0x2], $0x80, s29, s11, $0xb8;
	[tilespmem:$0x1D000] =	vst v63  }
0x1ac: {  	_ =	swait.ge [sflag:s17], $0x2000  }
0x1ad: {  	[sflag:s17] =	ssyncset.done $0x0  }
0x1ae: {  	[sflag:s17] =	ssyncadd.s32 $0xFFFFE000  }
0x1af: {  	[tilespmem:s15], [sflag:$0x1] =	stream.indirect.gather [hbm4b:s4+s11], $0x80, s30, s11, $0xb8;
	[tilespmem:$0x1D000] =	vst v63  }
0x1b0: {  	_ =	swait.ge [sflag:s16], $0x2000  }
0x1b1: {  	[sflag:s16] =	ssyncset.done $0x0  }
0x1b2: {  	[sflag:s16] =	ssyncadd.s32 $0xFFFFE000  }
0x1b3: {  	[spmem:s2] =	stream.indirect.scatter.add.f32 [tilespmem:s12], [sflag:$0x2], $0x80, s31, s11, $0xb8;
	[tilespmem:$0x1D000] =	vst v63  }
0x1b4: {  	_ =	swait.ge [sflag:s16], $0x2000  }
0x1b5: {  	[sflag:s16] =	ssyncset.done $0x0  }
0x1b6: {  	[sflag:s16] =	ssyncadd.s32 $0xFFFFE000  }
0x1b7: {  	[spmem:s2] =	stream.indirect.scatter.add.f32 [tilespmem:s13], [sflag:$0x2], $0x80, s0, s11, $0xb8;
	[tilespmem:$0x1D000] =	vst v63  }
0x1b8: {  	_ =	swait.ge [sflag:s16], $0x2000  }
0x1b9: {  	[sflag:s16] =	ssyncset.done $0x0  }
0x1ba: {  	[sflag:s16] =	ssyncadd.s32 $0xFFFFE000  }
0x1bb: {  	[spmem:s2] =	stream.indirect.scatter.add.f32 [tilespmem:s14], [sflag:$0x2], $0x80, s1, s11, $0xb8;
	[tilespmem:$0x1D000] =	vst v63  }
0x1bc: {  	_ =	swait.ge [sflag:s16], $0x2000  }
0x1bd: {  	[sflag:s16] =	ssyncset.done $0x0  }
0x1be: {  	[sflag:s16] =	ssyncadd.s32 $0xFFFFE000  }
0x1bf: {  	[spmem:s2] =	stream.indirect.scatter.add.f32 [tilespmem:s15], [sflag:$0x2], $0x80, s5, s11, $0xb8;
	[tilespmem:$0x1D000] =	vst v63  }
0x1c0: {  	_ =	swait.ge [sflag:s17], $0x2000  }
0x1c1: {  	[sflag:s17] =	ssyncset.done $0x0  }
0x1c2: {  	[sflag:s17] =	ssyncadd.s32 $0xFFFFE000  }
0x1c3: {  	_ =	swait.ge [sflag:s17], $0x2000  }
0x1c4: {  	[sflag:s17] =	ssyncset.done $0x0  }
0x1c5: {  	[sflag:s17] =	ssyncadd.s32 $0xFFFFE000  }
0x1c6: {  	_ =	swait.ge [sflag:s17], $0x2000  }
0x1c7: {  	[sflag:s17] =	ssyncset.done $0x0  }
0x1c8: {  	[sflag:s17] =	ssyncadd.s32 $0xFFFFE000  }
0x1c9: {  	_ =	swait.ge [sflag:s17], $0x2000  }
0x1ca: {  	[sflag:s17] =	ssyncset.done $0x0  }
0x1cb: {  	[sflag:s17] =	ssyncadd.s32 $0xFFFFE000  }
0x1cc: {  	[bflag:$0x0] =	sbarrier.arrive $0xFFFF  }
0x1cd: {  	s8 =	rddreg [dreg:$0x16]  }
0x1ce: {  	s7 =	rddreg [dreg:$0x18]  }
0x1cf: {  	s24 =	rddreg [dreg:$0x19]  }
0x1d0: {  	[hbm:s24], [sflag:s8] =	dma.local [spmem:s7], $0x2800  }
0x1d1: {  	_ =	swait.ge [sflag:s9], $0x2800  }
0x1d2: {  	s6 =	rddreg [dreg:$0x1a]  }
0x1d3: {  	s24 =	sadd.s32 $0x1, s6;
	s6 =	rddreg [dreg:$0x17]  }
0x1d4: {  	p0 =	sne.s32 s24, s6  }
.Ltmp1:
0x1d5: {  	_ = 	snop;
	(pc) =	sbr.rel @p0 .LBB2_1-.Ltmp1, $3  }
0x1d6: {  	_ =	sdelay $0x1  }
0x1d7: {  	[sflag:s9] =	ssyncset.done $0x0  }
0x1d8: {  	[sflag:s9] =	ssyncadd.s32 $0xFFFFD800  }
0x1d9: {  	_ =	sfence.sel $0x180000  }
0x1da: {  	[bflag:$0x0] =	sbarrier.arrive $0xFFFF  }
0x1db: {  	_ =	strace $0x9000004A  }
0x1dc: {  	s0 =	stileid.u32;
	[bflag:$0x2] =	sbarrier.arrive $0xFFFF  }
0x1dd: {  	p0 =	sne.s32 s0, $0x0;
	s0 =	rddreg [dreg:$0x3]  }
0x1de: {  	s0 =	sadd.s32 @!p0 $0x100000, s0  }
0x1df: {  	[sflag:s0] =	ssyncadd.tile.s32 @!p0 $0x1;
	_ =	shalt  }
.Lfunc_end2:
_tile_overlayer_lowered:
.L_overlay_start_2:
0x1e0: {  	(tag) =	ssettag $0x2  }
0x1e1: {  	s0 =	rddreg [dreg:$0x0];
	s2 =	stileid.u32  }
0x1e2: {  	s1 =	rddreg [dreg:$0x1];
	p0 =	sne.s32 s2, $0x0  }
0x1e3: {  	s3 =	rddreg [dreg:$0x2];
	[bflag:$0x3] =	sbarrier.arrive $0xFFFF;
	s2 =	simm.s32 @!p0 $0x1C03  }
0x1e4: {  	[timem:s3], [sflag:s2] =	dma.local @!p0 [hbm:s0], s1  }
0x1e5: {  	s0 =	simm.s32 @!p0 $0x3  }
0x1e6: {  	_ =	swait.ge @!p0 [sflag:s0], s1  }
0x1e7: {  	s1 =	ssub.s32 @!p0 $0x0, s1;
	[sflag:s0] =	ssyncset.done @!p0 $0x0  }
0x1e8: {  	[sflag:s0] =	ssyncadd.s32 @!p0 s1  }
0x1e9: {  	[bflag:$0x3] =	sbarrier.arrive $0xFFFF  }
0x1ea: {  	_ =	shalt  }

// kernel: kernel.15.cloned.1.call-start
scs
__scs_entry_jumppad:
0x0: {  	(pc) =	sbr.rel $0x88, $3  }
0x1: {  	(tag) =	ssettag $0x0;
	lr =	simm.s32 $0x1  }
0x2: {  	[smem:$0x3F9B] =	sst lr;
	_ =	strace $0xD0000000  }
0x3: {  	_ = 	snop  }
0x4: {  	_ = 	snop  }
0x5: {  	_ = 	snop  }
0x6: {  	_ = 	snop  }
0x7: {  	_ = 	snop  }
__scs_overlays_trampoline_lowered:
0x8: {  	[smem:$0x3FAA] =	sst s0  }
0x9: {  	[smem:$0x3FAB] =	sst s1  }
0xa: {  	[smem:$0x3FAC] =	sst s2  }
0xb: {  	[smem:$0x3FAD] =	sst s3  }
0xc: {  	[smem:$0x3FAE] =	sst s4  }
0xd: {  	[smem:$0x3FAF] =	sst s5  }
0xe: {  	[smem:$0x3FB0] =	sst s6  }
0xf: {  	[smem:$0x3FB1] =	sst s7  }
0x10: {  	[smem:$0x3FB2] =	sst s8  }
0x11: {  	[smem:$0x3FB3] =	sst s9;
	s0 =	simm.s32 @!p0 $0x0  }
0x12: {  	s1 =	sld [smem:$0x3F99];
	s0 =	simm.s32 @p0 $0x1  }
0x13: {  	[smem:$0x3FB4] =	sst s0;
	s0 =	simm.s32 @!p1 $0x0  }
0x14: {  	s2 =	sld [smem:$0x3F98];
	s0 =	simm.s32 @p1 $0x1  }
0x15: {  	[smem:$0x3FB5] =	sst s0;
	s0 =	simm.s32 @!p2 $0x0  }
0x16: {  	s3 =	sld [smem:$0x3FDB];
	s0 =	simm.s32 @p2 $0x1  }
0x17: {  	s4 =	simm.s32 $0x1BF5;
	[smem:$0x3FB7] =	sst s0  }
0x18: {  	s0 =	sld [smem:$0x3F9A];
	_ =	swait.ge [sflag:s4], $0x0  }
0x19: {  	s7 =	sld [smem:$0x3F9B]  }
0x1a: {  	s8 =	sadd.s32 $0xFFFFE003, lr  }
0x1b: {  	s9 =	sadd.s32 $0xFFFFFEF7, lr;
	s5 =	simm.s32 $0xFFFFFFFF;
	p2 =	slt.u32 s8, $0xFFFFF086  }
0x1c: {  	p1 =	slt.u32 s9, $0xF7A;
	s5 =	simm.s32 @!p2 $0x0  }
0x1d: {  	s5 =	simm.s32 @p1 $0x1;
	p0 =	seq.s32 s7, s2  }
0x1e: {  	s7 =	smul.u32 @!p0 $0xF7A, s2;
	p2 =	seq.s32 @!p0 s5, $0x0  }
0x1f: {  	s9 =	smul.u32 $0xF7A, s1;
	s8 =	simm.s32 @!p0 $0x1BF5;
	p2 =	por !p2, p0  }
0x20: {  	[sflag:s8] =	ssyncset.s32 @!p0 $0xFFFFF086;
	s6 =	sadd.s32 @!p0 s3, s7;
	s7 =	simm.s32 @!p0 $0x108  }
0x21: {  	s3 =	sadd.s32 s3, s9;
	s6 =	sadd.s32 @!p0 $0x88, s6;
	s7 =	simm.s32 @p2 $0x1082  }
0x22: {  	[simem:s7], [sflag:s8] =	dma.local @!p0 [hbm:s6], $0xF7A  }
0x23: {  	s9 =	sor.u32 $0xD0000000, s2;
	s6 =	simm.s32 $0x108;
	_ =	swait.ge @!p0 [sflag:s8], $0x0  }
0x24: {  	s3 =	sadd.s32 $0x88, s3;
	s6 =	simm.s32 @!p1 $0x1082;
	[sflag:s4] =	ssyncset.s32 $0xFFFFF086  }
0x25: {  	[simem:s6], [sflag:s4] =	dma.local [hbm:s3], $0xF7A  }
0x26: {  	[smem:$0x3F9B] =	sst s1;
	(tag) =	ssettag s2;
	_ =	strace s9  }
0x27: {  	s1 =	sld [smem:$0x3FAB]  }
0x28: {  	s2 =	sld [smem:$0x3FAC]  }
0x29: {  	s4 =	sld [smem:$0x3FAE]  }
0x2a: {  	p0 =	seq.s32 s5, $0x0;
	s5 =	sld [smem:$0x3FAF]  }
0x2b: {  	s6 =	sld [smem:$0x3FB0]  }
0x2c: {  	s7 =	sld [smem:$0x3FB1]  }
0x2d: {  	s3 =	simm.s32 $0x108;
	s8 =	sld [smem:$0x3FB2]  }
0x2e: {  	s3 =	simm.s32 @!p0 $0x1082;
	s9 =	sld [smem:$0x3FB3]  }
0x2f: {  	lr =	sadd.s32 s0, s3;
	s0 =	sld [smem:$0x3FAA]  }
0x30: {  	s3 =	sld [smem:$0x3FAD]  }
0x31: {  	[smem:$0x3FB6] =	sst s10  }
0x32: {  	s10 =	sld [smem:$0x3FB4];
	_ =	sdelay $0x3  }
0x33: {  	p0 =	seq.s32 s10, $0x1;
	s10 =	sld [smem:$0x3FB6];
	_ =	sdelay $0x3  }
0x34: {  	[smem:$0x3FB6] =	sst s10  }
0x35: {  	s10 =	sld [smem:$0x3FB5];
	_ =	sdelay $0x3  }
0x36: {  	p1 =	seq.s32 s10, $0x1;
	s10 =	sld [smem:$0x3FB6];
	_ =	sdelay $0x3  }
0x37: {  	[smem:$0x3FB6] =	sst s10  }
0x38: {  	s10 =	sld [smem:$0x3FB7]  }
0x39: {  	_ = 	snop;
	(pc) =	sbr.ind lr, $3  }
0x3a: {  	_ = 	snop  }
0x3b: {  	_ = 	snop  }
0x3c: {  	p2 =	seq.s32 s10, $0x1;
	s10 =	sld [smem:$0x3FB6]  }
0x3d: {  	_ =	shalt  }
0x3e: {  	_ =	shalt  }
0x3f: {  	_ =	shalt  }
0x40: {  	_ =	shalt  }
0x41: {  	_ =	shalt  }
0x42: {  	_ =	shalt  }
0x43: {  	_ =	shalt  }
0x44: {  	_ =	shalt  }
0x45: {  	_ =	shalt  }
0x46: {  	_ =	shalt  }
0x47: {  	_ =	shalt  }
0x48: {  	_ =	shalt  }
0x49: {  	_ =	shalt  }
0x4a: {  	_ =	shalt  }
0x4b: {  	_ =	shalt  }
0x4c: {  	_ =	shalt  }
0x4d: {  	_ =	shalt  }
0x4e: {  	_ =	shalt  }
0x4f: {  	_ =	shalt  }
0x50: {  	_ =	shalt  }
0x51: {  	_ =	shalt  }
0x52: {  	_ =	shalt  }
0x53: {  	_ =	shalt  }
0x54: {  	_ =	shalt  }
0x55: {  	_ =	shalt  }
0x56: {  	_ =	shalt  }
0x57: {  	_ =	shalt  }
0x58: {  	_ =	shalt  }
0x59: {  	_ =	shalt  }
0x5a: {  	_ =	shalt  }
0x5b: {  	_ =	shalt  }
0x5c: {  	_ =	shalt  }
0x5d: {  	_ =	shalt  }
0x5e: {  	_ =	shalt  }
0x5f: {  	_ =	shalt  }
0x60: {  	_ =	shalt  }
0x61: {  	_ =	shalt  }
0x62: {  	_ =	shalt  }
0x63: {  	_ =	shalt  }
0x64: {  	_ =	shalt  }
0x65: {  	_ =	shalt  }
0x66: {  	_ =	shalt  }
0x67: {  	_ =	shalt  }
0x68: {  	_ =	shalt  }
0x69: {  	_ =	shalt  }
0x6a: {  	_ =	shalt  }
0x6b: {  	_ =	shalt  }
0x6c: {  	_ =	shalt  }
0x6d: {  	_ =	shalt  }
0x6e: {  	_ =	shalt  }
0x6f: {  	_ =	shalt  }
0x70: {  	_ =	shalt  }
0x71: {  	_ =	shalt  }
0x72: {  	_ =	shalt  }
0x73: {  	_ =	shalt  }
0x74: {  	_ =	shalt  }
0x75: {  	_ =	shalt  }
0x76: {  	_ =	shalt  }
0x77: {  	_ =	shalt  }
0x78: {  	_ =	shalt  }
0x79: {  	_ =	shalt  }
0x7a: {  	_ =	shalt  }
0x7b: {  	_ =	shalt  }
0x7c: {  	_ =	shalt  }
0x7d: {  	_ =	shalt  }
0x7e: {  	_ =	shalt  }
0x7f: {  	_ =	shalt  }
0x80: {  	_ =	shalt  }
0x81: {  	_ =	shalt  }
0x82: {  	_ =	shalt  }
0x83: {  	_ =	shalt  }
0x84: {  	_ =	shalt  }
0x85: {  	_ =	shalt  }
0x86: {  	_ =	shalt  }
0x87: {  	_ =	shalt  }
.Lfunc_end0:
.L_simem_size_0:
called_computation.2_lowered:
.L_overlay_start_0:
0x88: {  	s2 =	sld [smem:$0x3FD9]  }
0x89: {  	s3 =	sld [smem:$0x3FFE];
	_ =	sdelay $0x1  }
0x8a: {  	s1 =	srdreg.scid  }
0x8b: {  	s0 =	sand.u32 $0x1, s1  }
0x8c: {  	s17 =	sshll.u32 s0, $0xA;
	s2 =	sadd.s32 s3, s2  }
0x8d: {  	s2 =	sadd.s32 s2, s17  }
0x8e: {  	[smem:$0x3FC2] =	sst s2  }
0x8f: {  	_ = 	snop  }
0x90: {  	s2 =	sld [smem:$0x3FD0];
	(tm) =	ssettm $0x1  }
0x91: {  	s18 =	sld [smem:$0x3FFB];
	_ =	sdelay $0x3  }
0x92: {  	_ =	strace s18  }
0x93: {  	s3 =	sld [smem:$0x3FFC];
	_ =	sdelay $0x3  }
0x94: {  	_ =	strace s3  }
0x95: {  	s3 =	sld [smem:$0x3FFD];
	_ =	sdelay $0x3  }
0x96: {  	_ =	strace s3  }
0x97: {  	_ =	strace $0x8FFFFFFF  }
0x98: {  	s19 =	sld [smem:$0x3FDB];
	_ =	sdelay $0x1  }
0x99: {  	s4 =	simm.s32 $_scs_section_size  }
0x9a: {  	s5 =	simm.s32 $_size__tile_overlayer_lowered;
	s6 =	simm.s32 $_tile_overlayer_lowered  }
0x9b: {  	s22 =	simm.s32 $0x1BFF;
	s21 =	sshll.u32 s6, $0x1;
	s3 =	sadd.s32 s4, s19  }
0x9c: {  	s7 =	simm.s32 $0x0;
	s20 =	sshll.u32 s5, $0x1;
	s5 =	sadd.s32 s21, s3  }
0x9d: {  	[timem:s7], [sflag:s22] =	dma.local [hbm:s5], s20  }
0x9e: {  	_ =	swait.ge [sflag:s22], s20  }
0x9f: {  	s4 =	ssub.s32 $0x0, s20;
	[sflag:s22] =	ssyncset.done $0x0  }
0xa0: {  	[sflag:s22] =	ssyncadd.s32 s4;
	_ =	sdelay $0x1  }
0xa1: {  	s23 =	simm.s32 $0x1B8B  }
0xa2: {  	_ =	swait.ge [sflag:s23], $0x1  }
0xa3: {  	[sflag:s23] =	ssyncset.done $0x0  }
0xa4: {  	s25 =	simm.s32 $0x1B8E;
	s24 =	sld [smem:$0x3FFE];
	[sflag:s23] =	ssyncadd.s32 $0xFFFFFFFF  }
0xa5: {  	s26 =	simm.s32 $execute0_lowered;
	[smem:$0x3FD2] =	sst s25  }
0xa6: {  	s5 =	sshll.u32 s26, $0x1;
	_ =	strace $0x8000004C;
	[dreg:$0x1] =	wrdreg $0xFFFFFFFF  }
0xa7: {  	s28 =	simm.s32 $_size_execute0_lowered;
	s3 =	sadd.s32 s3, s5;
	[dreg:$0x0] =	wrdreg $0x0  }
0xa8: {  	s5 =	sshll.u32 s28, $0x1;
	[dreg:$0x2] =	wrdreg s3  }
0xa9: {  	[dreg:$0x3] =	wrdreg s5  }
0xaa: {  	[dreg:$0x4] =	wrdreg $0xC0  }
0xab: {  	_ =	task [dreg:s7], $0x5FFFF  }
0xac: {  	[dreg:$0x1] =	wrdreg $0xFFFFFFFF  }
0xad: {  	[dreg:$0x0] =	wrdreg $0x60  }
0xae: {  	[dreg:$0x2] =	wrdreg s24  }
0xaf: {  	[dreg:$0x3] =	wrdreg s2  }
0xb0: {  	[dreg:$0x4] =	wrdreg $0x90000  }
0xb1: {  	[dreg:$0x5] =	wrdreg $0x9  }
0xb2: {  	_ =	task.clear_ibuf [dreg:s7], $0x6FFFF;
	_ =	strace $0x9000004C  }
0xb3: {  	s29 =	simm.s32 $0x9;
	_ =	strace $0x8000004E  }
0xb4: {  	_ =	swait.ge [sflag:s29], $0x1  }
0xb5: {  	[sflag:s29] =	ssyncadd.s32 $0xFFFFFFFF  }
0xb6: {  	_ =	strace $0x9000004E  }
0xb7: {  	_ =	sfence  }
0xb8: {  	s30 =	sld [smem:$0x0];
	_ =	sdelay $0x2  }
0xb9: {  	s31 =	sshll.u32 s1, $0xD;
	s1 =	sshrl.u32 s1, $0x2  }
0xba: {  	s3 =	sand.u32 $0x4000, s31;
	s1 =	sadd.s32 s1, s30  }
0xbb: {  	s0 =	sor.u32 s3, s0;
	s1 =	sshll.u32 s1, $0x11  }
0xbc: {  	s0 =	sor.u32 s1, s0  }
0xbd: {  	s0 =	sadd.s32 $0x8F2B, s0  }
0xbe: {  	[sflag:s0] =	ssyncadd.remote.s32 $0x1  }
0xbf: {  	_ =	sfence.sel $0xFFFF  }
0xc0: {  	[dreg:$0x0] =	wrdreg $0xFFFFFFFF;
	(pc) =	sbr.abs _section_cstart, $3  }
0xc1: {  	[dreg:$0x1] =	wrdreg $0xFFFFFFFF  }
0xc2: {  	_ =	task.clear_ibuf [dreg:s7], $0x2FFFF;
	_ =	strace $0x9FFFFFFF  }
0xc3: {  	(tm) =	ssettm $0x7FFFFFFF  }
tec
execute0_lowered:
.L_overlay_start_1:
0x0: {  	(tag) =	ssettag $0x1  }
0x1: {  	s1 =	rddreg [dreg:$0x0]  }
0x2: {  	s5 =	rddreg [dreg:$0x1];
	s0 =	srdreg.scid  }
0x3: {  	s2 =	rddreg [dreg:$0x2];
	s12 =	stileid.u32;
	s3 =	simm.s32 $0x0  }
0x4: {  	s13 =	simm.s32 $0x100;
	s14 =	simm.s32 $0x180;
	s15 =	simm.s32 $0x200  }
0x5: {  	s16 =	simm.s32 $0x880;
	s17 =	simm.s32 $0x280;
	[smem:$0x7FF] =	sst s3  }
0x6: {  	s18 =	simm.s32 $0x900;
	_ =	strace $0x8000004D;
	[dreg:$0x7] =	wrdreg s13  }
0x7: {  	s19 =	simm.s32 $0x300;
	s20 =	simm.s32 $0x980;
	[dreg:$0x8] =	wrdreg s14  }
0x8: {  	s21 =	simm.s32 $0x380;
	s22 =	simm.s32 $0xA00;
	[dreg:$0x9] =	wrdreg s15  }
0x9: {  	s23 =	simm.s32 $0x400;
	s28 =	simm.s32 $0x700;
	[dreg:$0xa] =	wrdreg s16  }
0xa: {  	s29 =	simm.s32 $0xD80;
	s4 =	smul.u32 $0x5000, s12;
	[dreg:$0xb] =	wrdreg s17  }
0xb: {  	s6 =	sand.u32 $0x1, s0;
	s10 =	smul.u32 $0x50000, s12;
	[dreg:$0xc] =	wrdreg s18  }
0xc: {  	s30 =	simm.s32 $0x780;
	s0 =	smul.u32 $0x50000, s6;
	[dreg:$0xd] =	wrdreg s19  }
0xd: {  	s31 =	simm.s32 $0xE00;
	s8 =	smul.u32 $0x28000, s6;
	[dreg:$0xe] =	wrdreg s20  }
0xe: {  	s6 =	ssub.s32 $0x2, s6;
	s13 =	simm.s32 $0x3000;
	[dreg:$0xf] =	wrdreg s21  }
0xf: {  	s14 =	simm.s32 $0x5000;
	[dreg:$0x10] =	wrdreg s22;
	s15 =	simm.s32 $0x7000  }
0x10: {  	[dreg:$0x11] =	wrdreg s23;
	s16 =	simm.s32 $0x1;
	s17 =	simm.s32 $0x2  }
0x11: {  	s18 =	simm.s32 $0x500;
	s19 =	simm.s32 $0xB80;
	s20 =	simm.s32 $0x580  }
0x12: {  	s21 =	simm.s32 $0xC00;
	s22 =	simm.s32 $0x600;
	s23 =	simm.s32 $0xC80  }
0x13: {  	s24 =	sshrl.u32 s6, $0x1;
	s25 =	sshrl.u32 s10, $0x2;
	s7 =	sadd.s32 s4, s0  }
0x14: {  	s0 =	smul.u32 $0x2800, s12;
	s4 =	sadd.s32 $0x20200, s1;
	s6 =	ssub.s32 s6, s24  }
0x15: {  	s26 =	sadd.s32 s25, s2;
	s12 =	sshll.u32 s12, $0x6;
	s24 =	simm.s32 $0xA80  }
0x16: {  	s25 =	simm.s32 $0x480;
	s7 =	sshrl.u32 s7, $0x3;
	[dreg:$0x12] =	wrdreg s24  }
0x17: {  	s6 =	smax.u32 s6, $0x1;
	[dreg:$0x13] =	wrdreg s25;
	s9 =	sadd.s32 s7, s1  }
0x18: {  	s11 =	sadd.s32 s0, s1;
	s5 =	sadd.s32 s7, s5;
	[dreg:$0x17] =	wrdreg s6  }
0x19: {  	s7 =	sshrl.u32 s26, $0x3;
	s26 =	simm.s32 $0xB00;
	[dreg:$0x4] =	wrdreg s5  }
0x1a: {  	s1 =	sadd.s32 s8, s1;
	s8 =	sor.u32 $0x1C03, s12;
	[dreg:$0x14] =	wrdreg s26  }
0x1b: {  	s25 =	simm.s32 $0x680;
	s24 =	simm.s32 $0x0;
	[dreg:$0x16] =	wrdreg s8  }
0x1c: {  	s12 =	simm.s32 $0x1000;
	s10 =	sadd.s32 $0x48200, s11;
	[dreg:$0x18] =	wrdreg s7  }
0x1d: {  	s9 =	sadd.s32 $0xC200, s9;
	s11 =	simm.s32 $0x80;
	[dreg:$0x15] =	wrdreg s10  }
0x1e: {  	s1 =	sadd.s32 $0x70200, s1;
	s26 =	simm.s32 $0xD00;
	[dreg:$0x5] =	wrdreg s9  }
0x1f: {  	s5 =	simm.s32 $0xF80;
	[dreg:$0x6] =	wrdreg s11;
	s9 =	simm.s32 $0x3  }
0x20: {  	s10 =	simm.s32 $0x800;
	s11 =	simm.s32 $0x40;
	s0 =	sadd.s32 s0, s1  }
0x21: {  	s1 =	simm.s32 $0xF00;
	[dreg:$0x19] =	wrdreg s0;
	s0 =	simm.s32 $0xE80  }
.LBB2_1:
0x22: {  	[dreg:$0x1a] =	wrdreg s24  }
0x23: {  	s6 =	rddreg [dreg:$0x15]  }
0x24: {  	[spmem:s7], [sflag:s8] =	dma.local [hbm:s6], $0x2800  }
0x25: {  	_ =	swait.ge [sflag:s9], $0x2800  }
0x26: {  	[sflag:s9] =	ssyncset.done $0x0  }
0x27: {  	[sflag:s9] =	ssyncadd.s32 $0xFFFFD800  }
0x28: {  	[bflag:$0x0] =	sbarrier.arrive $0xFFFF  }
0x29: {  	s7 =	rddreg [dreg:$0x5]  }
0x2a: {  	s6 =	sadd.s32 $0x0, s7  }
0x2b: {  	[tilespmem:s3], [sflag:$0x3] =	stream.linear.gather [hbm4b:s6+s3], $0x800, $0x38;
	[tilespmem:$0x1D000] =	vst v63  }
0x2c: {  	_ =	swait.ge [sflag:s9], $0x800  }
0x2d: {  	s8 =	rddreg [dreg:$0x4];
	[sflag:s9] =	ssyncset.done $0x0  }
0x2e: {  	[sflag:s9] =	ssyncadd.s32 $0xFFFFF800;
	s6 =	sadd.s32 $0x0, s8  }
0x2f: {  	[tilespmem:s10], [sflag:$0x3] =	stream.linear.gather [hbm4b:s6+s3], $0x800, $0x38;
	[tilespmem:$0x1D000] =	vst v63  }
0x30: {  	_ =	swait.ge [sflag:s9], $0x800  }
0x31: {  	[sflag:s9] =	ssyncset.done $0x0  }
0x32: {  	[sflag:s9] =	ssyncadd.s32 $0xFFFFF800  }
0x33: {  	[tilespmem:s12], [sflag:$0x1] =	stream.indirect.gather [hbm4b:s4+s11], $0x80, s3, s11, $0xb8;
	[tilespmem:$0x1D000] =	vst v63  }
0x34: {  	s24 =	rddreg [dreg:$0x6]  }
0x35: {  	[tilespmem:s13], [sflag:$0x1] =	stream.indirect.gather [hbm4b:s4+s11], $0x80, s24, s11, $0xb8;
	[tilespmem:$0x1D000] =	vst v63  }
0x36: {  	s7 =	rddreg [dreg:$0x7]  }
0x37: {  	[tilespmem:s14], [sflag:$0x1] =	stream.indirect.gather [hbm4b:s4+s11], $0x80, s7, s11, $0xb8;
	[tilespmem:$0x1D000] =	vst v63  }
0x38: {  	s24 =	rddreg [dreg:$0x8]  }
0x39: {  	[tilespmem:s15], [sflag:$0x1] =	stream.indirect.gather [hbm4b:s4+s11], $0x80, s24, s11, $0xb8;
	[tilespmem:$0x1D000] =	vst v63  }
0x3a: {  	_ =	swait.ge [sflag:s16], $0x2000  }
0x3b: {  	[sflag:s16] =	ssyncset.done $0x0  }
0x3c: {  	[sflag:s16] =	ssyncadd.s32 $0xFFFFE000  }
0x3d: {  	[spmem:s2] =	stream.indirect.scatter.add.f32 [tilespmem:s12], [sflag:$0x2], $0x80, s10, s11, $0xb8;
	[tilespmem:$0x1D000] =	vst v63  }
0x3e: {  	_ =	swait.ge [sflag:s17], $0x2000  }
0x3f: {  	[sflag:s17] =	ssyncset.done $0x0  }
0x40: {  	s7 =	rddreg [dreg:$0x9];
	[sflag:s17] =	ssyncadd.s32 $0xFFFFE000  }
0x41: {  	[tilespmem:s12], [sflag:$0x1] =	stream.indirect.gather [hbm4b:s4+s11], $0x80, s7, s11, $0xb8;
	[tilespmem:$0x1D000] =	vst v63  }
0x42: {  	_ =	swait.ge [sflag:s16], $0x2000  }
0x43: {  	[sflag:s16] =	ssyncset.done $0x0  }
0x44: {  	s8 =	rddreg [dreg:$0xa];
	[sflag:s16] =	ssyncadd.s32 $0xFFFFE000  }
0x45: {  	[spmem:s2] =	stream.indirect.scatter.add.f32 [tilespmem:s13], [sflag:$0x2], $0x80, s8, s11, $0xb8;
	[tilespmem:$0x1D000] =	vst v63  }
0x46: {  	_ =	swait.ge [sflag:s17], $0x2000  }
0x47: {  	[sflag:s17] =	ssyncset.done $0x0  }
0x48: {  	s24 =	rddreg [dreg:$0xb];
	[sflag:s17] =	ssyncadd.s32 $0xFFFFE000  }
0x49: {  	[tilespmem:s13], [sflag:$0x1] =	stream.indirect.gather [hbm4b:s4+s11], $0x80, s24, s11, $0xb8;
	[tilespmem:$0x1D000] =	vst v63  }
0x4a: {  	_ =	swait.ge [sflag:s16], $0x2000  }
0x4b: {  	[sflag:s16] =	ssyncset.done $0x0  }
0x4c: {  	s7 =	rddreg [dreg:$0xc];
	[sflag:s16] =	ssyncadd.s32 $0xFFFFE000  }
0x4d: {  	[spmem:s2] =	stream.indirect.scatter.add.f32 [tilespmem:s14], [sflag:$0x2], $0x80, s7, s11, $0xb8;
	[tilespmem:$0x1D000] =	vst v63  }
0x4e: {  	_ =	swait.ge [sflag:s17], $0x2000  }
0x4f: {  	[sflag:s17] =	ssyncset.done $0x0  }
0x50: {  	s8 =	rddreg [dreg:$0xd];
	[sflag:s17] =	ssyncadd.s32 $0xFFFFE000  }
0x51: {  	[tilespmem:s14], [sflag:$0x1] =	stream.indirect.gather [hbm4b:s4+s11], $0x80, s8, s11, $0xb8;
	[tilespmem:$0x1D000] =	vst v63  }
0x52: {  	_ =	swait.ge [sflag:s16], $0x2000  }
0x53: {  	[sflag:s16] =	ssyncset.done $0x0  }
0x54: {  	s24 =	rddreg [dreg:$0xe];
	[sflag:s16] =	ssyncadd.s32 $0xFFFFE000  }
0x55: {  	[spmem:s2] =	stream.indirect.scatter.add.f32 [tilespmem:s15], [sflag:$0x2], $0x80, s24, s11, $0xb8;
	[tilespmem:$0x1D000] =	vst v63  }
0x56: {  	_ =	swait.ge [sflag:s17], $0x2000  }
0x57: {  	[sflag:s17] =	ssyncset.done $0x0  }
0x58: {  	s7 =	rddreg [dreg:$0xf];
	[sflag:s17] =	ssyncadd.s32 $0xFFFFE000  }
0x59: {  	[tilespmem:s15], [sflag:$0x1] =	stream.indirect.gather [hbm4b:s4+s11], $0x80, s7, s11, $0xb8;
	[tilespmem:$0x1D000] =	vst v63  }
0x5a: {  	_ =	swait.ge [sflag:s16], $0x2000  }
0x5b: {  	[sflag:s16] =	ssyncset.done $0x0  }
0x5c: {  	s8 =	rddreg [dreg:$0x10];
	[sflag:s16] =	ssyncadd.s32 $0xFFFFE000  }
0x5d: {  	[spmem:s2] =	stream.indirect.scatter.add.f32 [tilespmem:s12], [sflag:$0x2], $0x80, s8, s11, $0xb8;
	[tilespmem:$0x1D000] =	vst v63  }
0x5e: {  	_ =	swait.ge [sflag:s17], $0x2000  }
0x5f: {  	[sflag:s17] =	ssyncset.done $0x0  }
0x60: {  	s24 =	rddreg [dreg:$0x11];
	[sflag:s17] =	ssyncadd.s32 $0xFFFFE000  }
0x61: {  	[tilespmem:s12], [sflag:$0x1] =	stream.indirect.gather [hbm4b:s4+s11], $0x80, s24, s11, $0xb8;
	[tilespmem:$0x1D000] =	vst v63  }
0x62: {  	_ =	swait.ge [sflag:s16], $0x2000  }
0x63: {  	[sflag:s16] =	ssyncset.done $0x0  }
0x64: {  	s7 =	rddreg [dreg:$0x12];
	[sflag:s16] =	ssyncadd.s32 $0xFFFFE000  }
0x65: {  	[spmem:s2] =	stream.indirect.scatter.add.f32 [tilespmem:s13], [sflag:$0x2], $0x80, s7, s11, $0xb8;
	[tilespmem:$0x1D000] =	vst v63  }
0x66: {  	_ =	swait.ge [sflag:s17], $0x2000  }
0x67: {  	[sflag:s17] =	ssyncset.done $0x0  }
0x68: {  	s8 =	rddreg [dreg:$0x13];
	[sflag:s17] =	ssyncadd.s32 $0xFFFFE000  }
0x69: {  	[tilespmem:s13], [sflag:$0x1] =	stream.indirect.gather [hbm4b:s4+s11], $0x80, s8, s11, $0xb8;
	[tilespmem:$0x1D000] =	vst v63  }
0x6a: {  	_ =	swait.ge [sflag:s16], $0x2000  }
0x6b: {  	[sflag:s16] =	ssyncset.done $0x0  }
0x6c: {  	s24 =	rddreg [dreg:$0x14];
	[sflag:s16] =	ssyncadd.s32 $0xFFFFE000  }
0x6d: {  	[spmem:s2] =	stream.indirect.scatter.add.f32 [tilespmem:s14], [sflag:$0x2], $0x80, s24, s11, $0xb8;
	[tilespmem:$0x1D000] =	vst v63  }
0x6e: {  	_ =	swait.ge [sflag:s17], $0x2000  }
0x6f: {  	[sflag:s17] =	ssyncset.done $0x0  }
0x70: {  	[sflag:s17] =	ssyncadd.s32 $0xFFFFE000  }
0x71: {  	[tilespmem:s14], [sflag:$0x1] =	stream.indirect.gather [hbm4b:s4+s11], $0x80, s18, s11, $0xb8;
	[tilespmem:$0x1D000] =	vst v63  }
0x72: {  	_ =	swait.ge [sflag:s16], $0x2000  }
0x73: {  	[sflag:s16] =	ssyncset.done $0x0  }
0x74: {  	[sflag:s16] =	ssyncadd.s32 $0xFFFFE000  }
0x75: {  	[spmem:s2] =	stream.indirect.scatter.add.f32 [tilespmem:s15], [sflag:$0x2], $0x80, s19, s11, $0xb8;
	[tilespmem:$0x1D000] =	vst v63  }
0x76: {  	_ =	swait.ge [sflag:s17], $0x2000  }
0x77: {  	[sflag:s17] =	ssyncset.done $0x0  }
0x78: {  	[sflag:s17] =	ssyncadd.s32 $0xFFFFE000  }
0x79: {  	[tilespmem:s15], [sflag:$0x1] =	stream.indirect.gather [hbm4b:s4+s11], $0x80, s20, s11, $0xb8;
	[tilespmem:$0x1D000] =	vst v63  }
0x7a: {  	_ =	swait.ge [sflag:s16], $0x2000  }
0x7b: {  	[sflag:s16] =	ssyncset.done $0x0  }
0x7c: {  	[sflag:s16] =	ssyncadd.s32 $0xFFFFE000  }
0x7d: {  	[spmem:s2] =	stream.indirect.scatter.add.f32 [tilespmem:s12], [sflag:$0x2], $0x80, s21, s11, $0xb8;
	[tilespmem:$0x1D000] =	vst v63  }
0x7e: {  	_ =	swait.ge [sflag:s17], $0x2000  }
0x7f: {  	[sflag:s17] =	ssyncset.done $0x0  }
0x80: {  	[sflag:s17] =	ssyncadd.s32 $0xFFFFE000  }
0x81: {  	[tilespmem:s12], [sflag:$0x1] =	stream.indirect.gather [hbm4b:s4+s11], $0x80, s22, s11, $0xb8;
	[tilespmem:$0x1D000] =	vst v63  }
0x82: {  	_ =	swait.ge [sflag:s16], $0x2000  }
0x83: {  	[sflag:s16] =	ssyncset.done $0x0  }
0x84: {  	[sflag:s16] =	ssyncadd.s32 $0xFFFFE000  }
0x85: {  	[spmem:s2] =	stream.indirect.scatter.add.f32 [tilespmem:s13], [sflag:$0x2], $0x80, s23, s11, $0xb8;
	[tilespmem:$0x1D000] =	vst v63  }
0x86: {  	_ =	swait.ge [sflag:s17], $0x2000  }
0x87: {  	[sflag:s17] =	ssyncset.done $0x0  }
0x88: {  	[sflag:s17] =	ssyncadd.s32 $0xFFFFE000  }
0x89: {  	[tilespmem:s13], [sflag:$0x1] =	stream.indirect.gather [hbm4b:s4+s11], $0x80, s25, s11, $0xb8;
	[tilespmem:$0x1D000] =	vst v63  }
0x8a: {  	_ =	swait.ge [sflag:s16], $0x2000  }
0x8b: {  	[sflag:s16] =	ssyncset.done $0x0  }
0x8c: {  	[sflag:s16] =	ssyncadd.s32 $0xFFFFE000  }
0x8d: {  	[spmem:s2] =	stream.indirect.scatter.add.f32 [tilespmem:s14], [sflag:$0x2], $0x80, s26, s11, $0xb8;
	[tilespmem:$0x1D000] =	vst v63  }
0x8e: {  	_ =	swait.ge [sflag:s17], $0x2000  }
0x8f: {  	[sflag:s17] =	ssyncset.done $0x0  }
0x90: {  	[sflag:s17] =	ssyncadd.s32 $0xFFFFE000  }
0x91: {  	[tilespmem:s14], [sflag:$0x1] =	stream.indirect.gather [hbm4b:s4+s11], $0x80, s28, s11, $0xb8;
	[tilespmem:$0x1D000] =	vst v63  }
0x92: {  	_ =	swait.ge [sflag:s16], $0x2000  }
0x93: {  	[sflag:s16] =	ssyncset.done $0x0  }
0x94: {  	[sflag:s16] =	ssyncadd.s32 $0xFFFFE000  }
0x95: {  	[spmem:s2] =	stream.indirect.scatter.add.f32 [tilespmem:s15], [sflag:$0x2], $0x80, s29, s11, $0xb8;
	[tilespmem:$0x1D000] =	vst v63  }
0x96: {  	_ =	swait.ge [sflag:s17], $0x2000  }
0x97: {  	[sflag:s17] =	ssyncset.done $0x0  }
0x98: {  	[sflag:s17] =	ssyncadd.s32 $0xFFFFE000  }
0x99: {  	[tilespmem:s15], [sflag:$0x1] =	stream.indirect.gather [hbm4b:s4+s11], $0x80, s30, s11, $0xb8;
	[tilespmem:$0x1D000] =	vst v63  }
0x9a: {  	_ =	swait.ge [sflag:s16], $0x2000  }
0x9b: {  	[sflag:s16] =	ssyncset.done $0x0  }
0x9c: {  	[sflag:s16] =	ssyncadd.s32 $0xFFFFE000  }
0x9d: {  	[spmem:s2] =	stream.indirect.scatter.add.f32 [tilespmem:s12], [sflag:$0x2], $0x80, s31, s11, $0xb8;
	[tilespmem:$0x1D000] =	vst v63  }
0x9e: {  	_ =	swait.ge [sflag:s16], $0x2000  }
0x9f: {  	[sflag:s16] =	ssyncset.done $0x0  }
0xa0: {  	[sflag:s16] =	ssyncadd.s32 $0xFFFFE000  }
0xa1: {  	[spmem:s2] =	stream.indirect.scatter.add.f32 [tilespmem:s13], [sflag:$0x2], $0x80, s0, s11, $0xb8;
	[tilespmem:$0x1D000] =	vst v63  }
0xa2: {  	_ =	swait.ge [sflag:s16], $0x2000  }
0xa3: {  	[sflag:s16] =	ssyncset.done $0x0  }
0xa4: {  	[sflag:s16] =	ssyncadd.s32 $0xFFFFE000  }
0xa5: {  	[spmem:s2] =	stream.indirect.scatter.add.f32 [tilespmem:s14], [sflag:$0x2], $0x80, s1, s11, $0xb8;
	[tilespmem:$0x1D000] =	vst v63  }
0xa6: {  	_ =	swait.ge [sflag:s16], $0x2000  }
0xa7: {  	[sflag:s16] =	ssyncset.done $0x0  }
0xa8: {  	[sflag:s16] =	ssyncadd.s32 $0xFFFFE000  }
0xa9: {  	[spmem:s2] =	stream.indirect.scatter.add.f32 [tilespmem:s15], [sflag:$0x2], $0x80, s5, s11, $0xb8;
	[tilespmem:$0x1D000] =	vst v63  }
0xaa: {  	_ =	swait.ge [sflag:s17], $0x2000  }
0xab: {  	[sflag:s17] =	ssyncset.done $0x0  }
0xac: {  	[sflag:s17] =	ssyncadd.s32 $0xFFFFE000  }
0xad: {  	_ =	swait.ge [sflag:s17], $0x2000  }
0xae: {  	[sflag:s17] =	ssyncset.done $0x0  }
0xaf: {  	[sflag:s17] =	ssyncadd.s32 $0xFFFFE000  }
0xb0: {  	_ =	swait.ge [sflag:s17], $0x2000  }
0xb1: {  	[sflag:s17] =	ssyncset.done $0x0  }
0xb2: {  	[sflag:s17] =	ssyncadd.s32 $0xFFFFE000  }
0xb3: {  	s6 =	simm.s32 $0x200;
	_ =	swait.ge [sflag:s17], $0x2000  }
0xb4: {  	s24 =	simm.s32 $0x100;
	s8 =	rddreg [dreg:$0x5];
	[sflag:s17] =	ssyncset.done $0x0  }
.LBB2_2:
0xb5: {  	[sflag:s17] =	ssyncadd.s32 $0xFFFFE000;
	s8 =	sadd.s32 s24, s8  }
0xb6: {  	[tilespmem:s3], [sflag:$0x3] =	stream.linear.gather [hbm4b:s8+s3], $0x800, $0x38;
	[tilespmem:$0x1D000] =	vst v63  }
0xb7: {  	_ =	swait.ge [sflag:s9], $0x800  }
0xb8: {  	s8 =	rddreg [dreg:$0x4];
	[sflag:s9] =	ssyncset.done $0x0  }
0xb9: {  	[sflag:s9] =	ssyncadd.s32 $0xFFFFF800;
	s8 =	sadd.s32 s24, s8  }
0xba: {  	[tilespmem:s10], [sflag:$0x3] =	stream.linear.gather [hbm4b:s8+s3], $0x800, $0x38;
	[tilespmem:$0x1D000] =	vst v63  }
0xbb: {  	_ =	swait.ge [sflag:s9], $0x800  }
0xbc: {  	[sflag:s9] =	ssyncset.done $0x0  }
0xbd: {  	s7 =	smov.u32 s6;
	[sflag:s9] =	ssyncadd.s32 $0xFFFFF800  }
0xbe: {  	[tilespmem:s12], [sflag:$0x1] =	stream.indirect.gather [hbm4b:s4+s11], $0x80, s3, s11, $0xb8;
	[tilespmem:$0x1D000] =	vst v63  }
0xbf: {  	s24 =	smov.u32 s7;
	s7 =	rddreg [dreg:$0x6]  }
0xc0: {  	[tilespmem:s13], [sflag:$0x1] =	stream.indirect.gather [hbm4b:s4+s11], $0x80, s7, s11, $0xb8;
	[tilespmem:$0x1D000] =	vst v63  }
0xc1: {  	s8 =	rddreg [dreg:$0x7]  }
0xc2: {  	[tilespmem:s14], [sflag:$0x1] =	stream.indirect.gather [hbm4b:s4+s11], $0x80, s8, s11, $0xb8;
	[tilespmem:$0x1D000] =	vst v63  }
0xc3: {  	s7 =	rddreg [dreg:$0x8]  }
0xc4: {  	[tilespmem:s15], [sflag:$0x1] =	stream.indirect.gather [hbm4b:s4+s11], $0x80, s7, s11, $0xb8;
	[tilespmem:$0x1D000] =	vst v63  }
0xc5: {  	_ =	swait.ge [sflag:s16], $0x2000  }
0xc6: {  	[sflag:s16] =	ssyncset.done $0x0  }
0xc7: {  	[sflag:s16] =	ssyncadd.s32 $0xFFFFE000  }
0xc8: {  	[spmem:s2] =	stream.indirect.scatter.add.f32 [tilespmem:s12], [sflag:$0x2], $0x80, s10, s11, $0xb8;
	[tilespmem:$0x1D000] =	vst v63  }
0xc9: {  	_ =	swait.ge [sflag:s17], $0x2000  }
0xca: {  	[sflag:s17] =	ssyncset.done $0x0  }
0xcb: {  	s8 =	rddreg [dreg:$0x9];
	[sflag:s17] =	ssyncadd.s32 $0xFFFFE000  }
0xcc: {  	[tilespmem:s12], [sflag:$0x1] =	stream.indirect.gather [hbm4b:s4+s11], $0x80, s8, s11, $0xb8;
	[tilespmem:$0x1D000] =	vst v63  }
0xcd: {  	_ =	swait.ge [sflag:s16], $0x2000  }
0xce: {  	[sflag:s16] =	ssyncset.done $0x0  }
0xcf: {  	s8 =	rddreg [dreg:$0xa];
	[sflag:s16] =	ssyncadd.s32 $0xFFFFE000  }
0xd0: {  	[spmem:s2] =	stream.indirect.scatter.add.f32 [tilespmem:s13], [sflag:$0x2], $0x80, s8, s11, $0xb8;
	[tilespmem:$0x1D000] =	vst v63  }
0xd1: {  	_ =	swait.ge [sflag:s17], $0x2000  }
0xd2: {  	[sflag:s17] =	ssyncset.done $0x0  }
0xd3: {  	s8 =	rddreg [dreg:$0xb];
	[sflag:s17] =	ssyncadd.s32 $0xFFFFE000  }
0xd4: {  	[tilespmem:s13], [sflag:$0x1] =	stream.indirect.gather [hbm4b:s4+s11], $0x80, s8, s11, $0xb8;
	[tilespmem:$0x1D000] =	vst v63  }
0xd5: {  	_ =	swait.ge [sflag:s16], $0x2000  }
0xd6: {  	[sflag:s16] =	ssyncset.done $0x0  }
0xd7: {  	s8 =	rddreg [dreg:$0xc];
	[sflag:s16] =	ssyncadd.s32 $0xFFFFE000  }
0xd8: {  	[spmem:s2] =	stream.indirect.scatter.add.f32 [tilespmem:s14], [sflag:$0x2], $0x80, s8, s11, $0xb8;
	[tilespmem:$0x1D000] =	vst v63  }
0xd9: {  	_ =	swait.ge [sflag:s17], $0x2000  }
0xda: {  	[sflag:s17] =	ssyncset.done $0x0  }
0xdb: {  	s8 =	rddreg [dreg:$0xd];
	[sflag:s17] =	ssyncadd.s32 $0xFFFFE000  }
0xdc: {  	[tilespmem:s14], [sflag:$0x1] =	stream.indirect.gather [hbm4b:s4+s11], $0x80, s8, s11, $0xb8;
	[tilespmem:$0x1D000] =	vst v63  }
0xdd: {  	_ =	swait.ge [sflag:s16], $0x2000  }
0xde: {  	[sflag:s16] =	ssyncset.done $0x0  }
0xdf: {  	s8 =	rddreg [dreg:$0xe];
	[sflag:s16] =	ssyncadd.s32 $0xFFFFE000  }
0xe0: {  	[spmem:s2] =	stream.indirect.scatter.add.f32 [tilespmem:s15], [sflag:$0x2], $0x80, s8, s11, $0xb8;
	[tilespmem:$0x1D000] =	vst v63  }
0xe1: {  	_ =	swait.ge [sflag:s17], $0x2000  }
0xe2: {  	[sflag:s17] =	ssyncset.done $0x0  }
0xe3: {  	s8 =	rddreg [dreg:$0xf];
	[sflag:s17] =	ssyncadd.s32 $0xFFFFE000  }
0xe4: {  	[tilespmem:s15], [sflag:$0x1] =	stream.indirect.gather [hbm4b:s4+s11], $0x80, s8, s11, $0xb8;
	[tilespmem:$0x1D000] =	vst v63  }
0xe5: {  	_ =	swait.ge [sflag:s16], $0x2000  }
0xe6: {  	[sflag:s16] =	ssyncset.done $0x0  }
0xe7: {  	s8 =	rddreg [dreg:$0x10];
	[sflag:s16] =	ssyncadd.s32 $0xFFFFE000  }
0xe8: {  	[spmem:s2] =	stream.indirect.scatter.add.f32 [tilespmem:s12], [sflag:$0x2], $0x80, s8, s11, $0xb8;
	[tilespmem:$0x1D000] =	vst v63  }
0xe9: {  	_ =	swait.ge [sflag:s17], $0x2000  }
0xea: {  	[sflag:s17] =	ssyncset.done $0x0  }
0xeb: {  	s8 =	rddreg [dreg:$0x11];
	[sflag:s17] =	ssyncadd.s32 $0xFFFFE000  }
0xec: {  	[tilespmem:s12], [sflag:$0x1] =	stream.indirect.gather [hbm4b:s4+s11], $0x80, s8, s11, $0xb8;
	[tilespmem:$0x1D000] =	vst v63  }
0xed: {  	_ =	swait.ge [sflag:s16], $0x2000  }
0xee: {  	[sflag:s16] =	ssyncset.done $0x0  }
0xef: {  	s8 =	rddreg [dreg:$0x12];
	[sflag:s16] =	ssyncadd.s32 $0xFFFFE000  }
0xf0: {  	[spmem:s2] =	stream.indirect.scatter.add.f32 [tilespmem:s13], [sflag:$0x2], $0x80, s8, s11, $0xb8;
	[tilespmem:$0x1D000] =	vst v63  }
0xf1: {  	_ =	swait.ge [sflag:s17], $0x2000  }
0xf2: {  	[sflag:s17] =	ssyncset.done $0x0  }
0xf3: {  	s8 =	rddreg [dreg:$0x13];
	[sflag:s17] =	ssyncadd.s32 $0xFFFFE000  }
0xf4: {  	[tilespmem:s13], [sflag:$0x1] =	stream.indirect.gather [hbm4b:s4+s11], $0x80, s8, s11, $0xb8;
	[tilespmem:$0x1D000] =	vst v63  }
0xf5: {  	_ =	swait.ge [sflag:s16], $0x2000  }
0xf6: {  	[sflag:s16] =	ssyncset.done $0x0  }
0xf7: {  	s8 =	rddreg [dreg:$0x14];
	[sflag:s16] =	ssyncadd.s32 $0xFFFFE000  }
0xf8: {  	[spmem:s2] =	stream.indirect.scatter.add.f32 [tilespmem:s14], [sflag:$0x2], $0x80, s8, s11, $0xb8;
	[tilespmem:$0x1D000] =	vst v63  }
0xf9: {  	_ =	swait.ge [sflag:s17], $0x2000  }
0xfa: {  	[sflag:s17] =	ssyncset.done $0x0  }
0xfb: {  	[sflag:s17] =	ssyncadd.s32 $0xFFFFE000  }
0xfc: {  	[tilespmem:s14], [sflag:$0x1] =	stream.indirect.gather [hbm4b:s4+s11], $0x80, s18, s11, $0xb8;
	[tilespmem:$0x1D000] =	vst v63  }
0xfd: {  	_ =	swait.ge [sflag:s16], $0x2000  }
0xfe: {  	[sflag:s16] =	ssyncset.done $0x0  }
0xff: {  	[sflag:s16] =	ssyncadd.s32 $0xFFFFE000  }
0x100: {  	[spmem:s2] =	stream.indirect.scatter.add.f32 [tilespmem:s15], [sflag:$0x2], $0x80, s19, s11, $0xb8;
	[tilespmem:$0x1D000] =	vst v63  }
0x101: {  	_ =	swait.ge [sflag:s17], $0x2000  }
0x102: {  	[sflag:s17] =	ssyncset.done $0x0  }
0x103: {  	[sflag:s17] =	ssyncadd.s32 $0xFFFFE000  }
0x104: {  	[tilespmem:s15], [sflag:$0x1] =	stream.indirect.gather [hbm4b:s4+s11], $0x80, s20, s11, $0xb8;
	[tilespmem:$0x1D000] =	vst v63  }
0x105: {  	_ =	swait.ge [sflag:s16], $0x2000  }
0x106: {  	[sflag:s16] =	ssyncset.done $0x0  }
0x107: {  	[sflag:s16] =	ssyncadd.s32 $0xFFFFE000  }
0x108: {  	[spmem:s2] =	stream.indirect.scatter.add.f32 [tilespmem:s12], [sflag:$0x2], $0x80, s21, s11, $0xb8;
	[tilespmem:$0x1D000] =	vst v63  }
0x109: {  	_ =	swait.ge [sflag:s17], $0x2000  }
0x10a: {  	[sflag:s17] =	ssyncset.done $0x0  }
0x10b: {  	[sflag:s17] =	ssyncadd.s32 $0xFFFFE000  }
0x10c: {  	[tilespmem:s12], [sflag:$0x1] =	stream.indirect.gather [hbm4b:s4+s11], $0x80, s22, s11, $0xb8;
	[tilespmem:$0x1D000] =	vst v63  }
0x10d: {  	_ =	swait.ge [sflag:s16], $0x2000  }
0x10e: {  	[sflag:s16] =	ssyncset.done $0x0  }
0x10f: {  	[sflag:s16] =	ssyncadd.s32 $0xFFFFE000  }
0x110: {  	[spmem:s2] =	stream.indirect.scatter.add.f32 [tilespmem:s13], [sflag:$0x2], $0x80, s23, s11, $0xb8;
	[tilespmem:$0x1D000] =	vst v63  }
0x111: {  	_ =	swait.ge [sflag:s17], $0x2000  }
0x112: {  	[sflag:s17] =	ssyncset.done $0x0  }
0x113: {  	[sflag:s17] =	ssyncadd.s32 $0xFFFFE000  }
0x114: {  	[tilespmem:s13], [sflag:$0x1] =	stream.indirect.gather [hbm4b:s4+s11], $0x80, s25, s11, $0xb8;
	[tilespmem:$0x1D000] =	vst v63  }
0x115: {  	_ =	swait.ge [sflag:s16], $0x2000  }
0x116: {  	[sflag:s16] =	ssyncset.done $0x0  }
0x117: {  	[sflag:s16] =	ssyncadd.s32 $0xFFFFE000  }
0x118: {  	[spmem:s2] =	stream.indirect.scatter.add.f32 [tilespmem:s14], [sflag:$0x2], $0x80, s26, s11, $0xb8;
	[tilespmem:$0x1D000] =	vst v63  }
0x119: {  	_ =	swait.ge [sflag:s17], $0x2000  }
0x11a: {  	[sflag:s17] =	ssyncset.done $0x0  }
0x11b: {  	[sflag:s17] =	ssyncadd.s32 $0xFFFFE000  }
0x11c: {  	[tilespmem:s14], [sflag:$0x1] =	stream.indirect.gather [hbm4b:s4+s11], $0x80, s28, s11, $0xb8;
	[tilespmem:$0x1D000] =	vst v63  }
0x11d: {  	_ =	swait.ge [sflag:s16], $0x2000  }
0x11e: {  	[sflag:s16] =	ssyncset.done $0x0  }
0x11f: {  	[sflag:s16] =	ssyncadd.s32 $0xFFFFE000  }
0x120: {  	[spmem:s2] =	stream.indirect.scatter.add.f32 [tilespmem:s15], [sflag:$0x2], $0x80, s29, s11, $0xb8;
	[tilespmem:$0x1D000] =	vst v63  }
0x121: {  	_ =	swait.ge [sflag:s17], $0x2000  }
0x122: {  	[sflag:s17] =	ssyncset.done $0x0  }
0x123: {  	[sflag:s17] =	ssyncadd.s32 $0xFFFFE000  }
0x124: {  	[tilespmem:s15], [sflag:$0x1] =	stream.indirect.gather [hbm4b:s4+s11], $0x80, s30, s11, $0xb8;
	[tilespmem:$0x1D000] =	vst v63  }
0x125: {  	_ =	swait.ge [sflag:s16], $0x2000  }
0x126: {  	[sflag:s16] =	ssyncset.done $0x0  }
0x127: {  	[sflag:s16] =	ssyncadd.s32 $0xFFFFE000  }
0x128: {  	[spmem:s2] =	stream.indirect.scatter.add.f32 [tilespmem:s12], [sflag:$0x2], $0x80, s31, s11, $0xb8;
	[tilespmem:$0x1D000] =	vst v63  }
0x129: {  	_ =	swait.ge [sflag:s16], $0x2000  }
0x12a: {  	[sflag:s16] =	ssyncset.done $0x0  }
0x12b: {  	[sflag:s16] =	ssyncadd.s32 $0xFFFFE000  }
0x12c: {  	[spmem:s2] =	stream.indirect.scatter.add.f32 [tilespmem:s13], [sflag:$0x2], $0x80, s0, s11, $0xb8;
	[tilespmem:$0x1D000] =	vst v63  }
0x12d: {  	_ =	swait.ge [sflag:s16], $0x2000  }
0x12e: {  	[sflag:s16] =	ssyncset.done $0x0  }
0x12f: {  	[sflag:s16] =	ssyncadd.s32 $0xFFFFE000  }
0x130: {  	[spmem:s2] =	stream.indirect.scatter.add.f32 [tilespmem:s14], [sflag:$0x2], $0x80, s1, s11, $0xb8;
	[tilespmem:$0x1D000] =	vst v63  }
0x131: {  	_ =	swait.ge [sflag:s16], $0x2000  }
0x132: {  	[sflag:s16] =	ssyncset.done $0x0  }
0x133: {  	[sflag:s16] =	ssyncadd.s32 $0xFFFFE000  }
0x134: {  	[spmem:s2] =	stream.indirect.scatter.add.f32 [tilespmem:s15], [sflag:$0x2], $0x80, s5, s11, $0xb8;
	[tilespmem:$0x1D000] =	vst v63  }
0x135: {  	_ =	swait.ge [sflag:s17], $0x2000  }
0x136: {  	[sflag:s17] =	ssyncset.done $0x0  }
0x137: {  	[sflag:s17] =	ssyncadd.s32 $0xFFFFE000  }
0x138: {  	_ =	swait.ge [sflag:s17], $0x2000  }
0x139: {  	[sflag:s17] =	ssyncset.done $0x0  }
0x13a: {  	p0 =	sne.s32 s6, $0x900;
	[sflag:s17] =	ssyncadd.s32 $0xFFFFE000  }
.Ltmp0:
0x13b: {  	_ =	swait.ge [sflag:s17], $0x2000;
	(pc) =	sbr.rel @p0 .LBB2_2-.Ltmp0, $4  }
0x13c: {  	[sflag:s17] =	ssyncset.done $0x0  }
0x13d: {  	[sflag:s17] =	ssyncadd.s32 $0xFFFFE000  }
0x13e: {  	_ =	swait.ge [sflag:s17], $0x2000  }
0x13f: {  	s6 =	sadd.s32 $0x100, s6;
	s8 =	rddreg [dreg:$0x5];
	[sflag:s17] =	ssyncset.done $0x0  }
0x140: {  	[sflag:s17] =	ssyncadd.s32 $0xFFFFE000;
	s6 =	sadd.s32 s24, s8  }
0x141: {  	[tilespmem:s3], [sflag:$0x3] =	stream.linear.gather [hbm4b:s6+s3], $0x800, $0x38;
	[tilespmem:$0x1D000] =	vst v63  }
0x142: {  	_ =	swait.ge [sflag:s9], $0x800  }
0x143: {  	s8 =	rddreg [dreg:$0x4];
	[sflag:s9] =	ssyncset.done $0x0  }
0x144: {  	[sflag:s9] =	ssyncadd.s32 $0xFFFFF800;
	s6 =	sadd.s32 s24, s8  }
0x145: {  	[tilespmem:s10], [sflag:$0x3] =	stream.linear.gather [hbm4b:s6+s3], $0x800, $0x38;
	[tilespmem:$0x1D000] =	vst v63  }
0x146: {  	_ =	swait.ge [sflag:s9], $0x800  }
0x147: {  	[sflag:s9] =	ssyncset.done $0x0  }
0x148: {  	[sflag:s9] =	ssyncadd.s32 $0xFFFFF800  }
0x149: {  	[tilespmem:s12], [sflag:$0x1] =	stream.indirect.gather [hbm4b:s4+s11], $0x80, s3, s11, $0xb8;
	[tilespmem:$0x1D000] =	vst v63  }
0x14a: {  	s24 =	rddreg [dreg:$0x6]  }
0x14b: {  	[tilespmem:s13], [sflag:$0x1] =	stream.indirect.gather [hbm4b:s4+s11], $0x80, s24, s11, $0xb8;
	[tilespmem:$0x1D000] =	vst v63  }
0x14c: {  	s7 =	rddreg [dreg:$0x7]  }
0x14d: {  	[tilespmem:s14], [sflag:$0x1] =	stream.indirect.gather [hbm4b:s4+s11], $0x80, s7, s11, $0xb8;
	[tilespmem:$0x1D000] =	vst v63  }
0x14e: {  	s8 =	rddreg [dreg:$0x8]  }
0x14f: {  	[tilespmem:s15], [sflag:$0x1] =	stream.indirect.gather [hbm4b:s4+s11], $0x80, s8, s11, $0xb8;
	[tilespmem:$0x1D000] =	vst v63  }
0x150: {  	_ =	swait.ge [sflag:s16], $0x2000  }
0x151: {  	[sflag:s16] =	ssyncset.done $0x0  }
0x152: {  	[sflag:s16] =	ssyncadd.s32 $0xFFFFE000  }
0x153: {  	[spmem:s2] =	stream.indirect.scatter.add.f32 [tilespmem:s12], [sflag:$0x2], $0x80, s10, s11, $0xb8;
	[tilespmem:$0x1D000] =	vst v63  }
0x154: {  	_ =	swait.ge [sflag:s17], $0x2000  }
0x155: {  	[sflag:s17] =	ssyncset.done $0x0  }
0x156: {  	s24 =	rddreg [dreg:$0x9];
	[sflag:s17] =	ssyncadd.s32 $0xFFFFE000  }
0x157: {  	[tilespmem:s12], [sflag:$0x1] =	stream.indirect.gather [hbm4b:s4+s11], $0x80, s24, s11, $0xb8;
	[tilespmem:$0x1D000] =	vst v63  }
0x158: {  	_ =	swait.ge [sflag:s16], $0x2000  }
0x159: {  	[sflag:s16] =	ssyncset.done $0x0  }
0x15a: {  	s7 =	rddreg [dreg:$0xa];
	[sflag:s16] =	ssyncadd.s32 $0xFFFFE000  }
0x15b: {  	[spmem:s2] =	stream.indirect.scatter.add.f32 [tilespmem:s13], [sflag:$0x2], $0x80, s7, s11, $0xb8;
	[tilespmem:$0x1D000] =	vst v63  }
0x15c: {  	_ =	swait.ge [sflag:s17], $0x2000  }
0x15d: {  	[sflag:s17] =	ssyncset.done $0x0  }
0x15e: {  	s8 =	rddreg [dreg:$0xb];
	[sflag:s17] =	ssyncadd.s32 $0xFFFFE000  }
0x15f: {  	[tilespmem:s13], [sflag:$0x1] =	stream.indirect.gather [hbm4b:s4+s11], $0x80, s8, s11, $0xb8;
	[tilespmem:$0x1D000] =	vst v63  }
0x160: {  	_ =	swait.ge [sflag:s16], $0x2000  }
0x161: {  	[sflag:s16] =	ssyncset.done $0x0  }
0x162: {  	s24 =	rddreg [dreg:$0xc];
	[sflag:s16] =	ssyncadd.s32 $0xFFFFE000  }
0x163: {  	[spmem:s2] =	stream.indirect.scatter.add.f32 [tilespmem:s14], [sflag:$0x2], $0x80, s24, s11, $0xb8;
	[tilespmem:$0x1D000] =	vst v63  }
0x164: {  	_ =	swait.ge [sflag:s17], $0x2000  }
0x165: {  	[sflag:s17] =	ssyncset.done $0x0  }
0x166: {  	s7 =	rddreg [dreg:$0xd];
	[sflag:s17] =	ssyncadd.s32 $0xFFFFE000  }
0x167: {  	[tilespmem:s14], [sflag:$0x1] =	stream.indirect.gather [hbm4b:s4+s11], $0x80, s7, s11, $0xb8;
	[tilespmem:$0x1D000] =	vst v63  }
0x168: {  	_ =	swait.ge [sflag:s16], $0x2000  }
0x169: {  	[sflag:s16] =	ssyncset.done $0x0  }
0x16a: {  	s8 =	rddreg [dreg:$0xe];
	[sflag:s16] =	ssyncadd.s32 $0xFFFFE000  }
0x16b: {  	[spmem:s2] =	stream.indirect.scatter.add.f32 [tilespmem:s15], [sflag:$0x2], $0x80, s8, s11, $0xb8;
	[tilespmem:$0x1D000] =	vst v63  }
0x16c: {  	_ =	swait.ge [sflag:s17], $0x2000  }
0x16d: {  	[sflag:s17] =	ssyncset.done $0x0  }
0x16e: {  	s24 =	rddreg [dreg:$0xf];
	[sflag:s17] =	ssyncadd.s32 $0xFFFFE000  }
0x16f: {  	[tilespmem:s15], [sflag:$0x1] =	stream.indirect.gather [hbm4b:s4+s11], $0x80, s24, s11, $0xb8;
	[tilespmem:$0x1D000] =	vst v63  }
0x170: {  	_ =	swait.ge [sflag:s16], $0x2000  }
0x171: {  	[sflag:s16] =	ssyncset.done $0x0  }
0x172: {  	s7 =	rddreg [dreg:$0x10];
	[sflag:s16] =	ssyncadd.s32 $0xFFFFE000  }
0x173: {  	[spmem:s2] =	stream.indirect.scatter.add.f32 [tilespmem:s12], [sflag:$0x2], $0x80, s7, s11, $0xb8;
	[tilespmem:$0x1D000] =	vst v63  }
0x174: {  	_ =	swait.ge [sflag:s17], $0x2000  }
0x175: {  	[sflag:s17] =	ssyncset.done $0x0  }
0x176: {  	s8 =	rddreg [dreg:$0x11];
	[sflag:s17] =	ssyncadd.s32 $0xFFFFE000  }
0x177: {  	[tilespmem:s12], [sflag:$0x1] =	stream.indirect.gather [hbm4b:s4+s11], $0x80, s8, s11, $0xb8;
	[tilespmem:$0x1D000] =	vst v63  }
0x178: {  	_ =	swait.ge [sflag:s16], $0x2000  }
0x179: {  	[sflag:s16] =	ssyncset.done $0x0  }
0x17a: {  	s24 =	rddreg [dreg:$0x12];
	[sflag:s16] =	ssyncadd.s32 $0xFFFFE000  }
0x17b: {  	[spmem:s2] =	stream.indirect.scatter.add.f32 [tilespmem:s13], [sflag:$0x2], $0x80, s24, s11, $0xb8;
	[tilespmem:$0x1D000] =	vst v63  }
0x17c: {  	_ =	swait.ge [sflag:s17], $0x2000  }
0x17d: {  	[sflag:s17] =	ssyncset.done $0x0  }
0x17e: {  	s7 =	rddreg [dreg:$0x13];
	[sflag:s17] =	ssyncadd.s32 $0xFFFFE000  }
0x17f: {  	[tilespmem:s13], [sflag:$0x1] =	stream.indirect.gather [hbm4b:s4+s11], $0x80, s7, s11, $0xb8;
	[tilespmem:$0x1D000] =	vst v63  }
0x180: {  	_ =	swait.ge [sflag:s16], $0x2000  }
0x181: {  	[sflag:s16] =	ssyncset.done $0x0  }
0x182: {  	s8 =	rddreg [dreg:$0x14];
	[sflag:s16] =	ssyncadd.s32 $0xFFFFE000  }
0x183: {  	[spmem:s2] =	stream.indirect.scatter.add.f32 [tilespmem:s14], [sflag:$0x2], $0x80, s8, s11, $0xb8;
	[tilespmem:$0x1D000] =	vst v63  }
0x184: {  	_ =	swait.ge [sflag:s17], $0x2000  }
0x185: {  	[sflag:s17] =	ssyncset.done $0x0  }
0x186: {  	[sflag:s17] =	ssyncadd.s32 $0xFFFFE000  }
0x187: {  	[tilespmem:s14], [sflag:$0x1] =	stream.indirect.gather [hbm4b:s4+s11], $0x80, s18, s11, $0xb8;
	[tilespmem:$0x1D000] =	vst v63  }
0x188: {  	_ =	swait.ge [sflag:s16], $0x2000  }
0x189: {  	[sflag:s16] =	ssyncset.done $0x0  }
0x18a: {  	[sflag:s16] =	ssyncadd.s32 $0xFFFFE000  }
0x18b: {  	[spmem:s2] =	stream.indirect.scatter.add.f32 [tilespmem:s15], [sflag:$0x2], $0x80, s19, s11, $0xb8;
	[tilespmem:$0x1D000] =	vst v63  }
0x18c: {  	_ =	swait.ge [sflag:s17], $0x2000  }
0x18d: {  	[sflag:s17] =	ssyncset.done $0x0  }
0x18e: {  	[sflag:s17] =	ssyncadd.s32 $0xFFFFE000  }
0x18f: {  	[tilespmem:s15], [sflag:$0x1] =	stream.indirect.gather [hbm4b:s4+s11], $0x80, s20, s11, $0xb8;
	[tilespmem:$0x1D000] =	vst v63  }
0x190: {  	_ =	swait.ge [sflag:s16], $0x2000  }
0x191: {  	[sflag:s16] =	ssyncset.done $0x0  }
0x192: {  	[sflag:s16] =	ssyncadd.s32 $0xFFFFE000  }
0x193: {  	[spmem:s2] =	stream.indirect.scatter.add.f32 [tilespmem:s12], [sflag:$0x2], $0x80, s21, s11, $0xb8;
	[tilespmem:$0x1D000] =	vst v63  }
0x194: {  	_ =	swait.ge [sflag:s17], $0x2000  }
0x195: {  	[sflag:s17] =	ssyncset.done $0x0  }
0x196: {  	[sflag:s17] =	ssyncadd.s32 $0xFFFFE000  }
0x197: {  	[tilespmem:s12], [sflag:$0x1] =	stream.indirect.gather [hbm4b:s4+s11], $0x80, s22, s11, $0xb8;
	[tilespmem:$0x1D000] =	vst v63  }
0x198: {  	_ =	swait.ge [sflag:s16], $0x2000  }
0x199: {  	[sflag:s16] =	ssyncset.done $0x0  }
0x19a: {  	[sflag:s16] =	ssyncadd.s32 $0xFFFFE000  }
0x19b: {  	[spmem:s2] =	stream.indirect.scatter.add.f32 [tilespmem:s13], [sflag:$0x2], $0x80, s23, s11, $0xb8;
	[tilespmem:$0x1D000] =	vst v63  }
0x19c: {  	_ =	swait.ge [sflag:s17], $0x2000  }
0x19d: {  	[sflag:s17] =	ssyncset.done $0x0  }
0x19e: {  	[sflag:s17] =	ssyncadd.s32 $0xFFFFE000  }
0x19f: {  	[tilespmem:s13], [sflag:$0x1] =	stream.indirect.gather [hbm4b:s4+s11], $0x80, s25, s11, $0xb8;
	[tilespmem:$0x1D000] =	vst v63  }
0x1a0: {  	_ =	swait.ge [sflag:s16], $0x2000  }
0x1a1: {  	[sflag:s16] =	ssyncset.done $0x0  }
0x1a2: {  	[sflag:s16] =	ssyncadd.s32 $0xFFFFE000  }
0x1a3: {  	[spmem:s2] =	stream.indirect.scatter.add.f32 [tilespmem:s14], [sflag:$0x2], $0x80, s26, s11, $0xb8;
	[tilespmem:$0x1D000] =	vst v63  }
0x1a4: {  	_ =	swait.ge [sflag:s17], $0x2000  }
0x1a5: {  	[sflag:s17] =	ssyncset.done $0x0  }
0x1a6: {  	[sflag:s17] =	ssyncadd.s32 $0xFFFFE000  }
0x1a7: {  	[tilespmem:s14], [sflag:$0x1] =	stream.indirect.gather [hbm4b:s4+s11], $0x80, s28, s11, $0xb8;
	[tilespmem:$0x1D000] =	vst v63  }
0x1a8: {  	_ =	swait.ge [sflag:s16], $0x2000  }
0x1a9: {  	[sflag:s16] =	ssyncset.done $0x0  }
0x1aa: {  	[sflag:s16] =	ssyncadd.s32 $0xFFFFE000  }
0x1ab: {  	[spmem:s2] =	stream.indirect.scatter.add.f32 [tilespmem:s15], [sflag:$0x2], $0x80, s29, s11, $0xb8;
	[tilespmem:$0x1D000] =	vst v63  }
0x1ac: {  	_ =	swait.ge [sflag:s17], $0x2000  }
0x1ad: {  	[sflag:s17] =	ssyncset.done $0x0  }
0x1ae: {  	[sflag:s17] =	ssyncadd.s32 $0xFFFFE000  }
0x1af: {  	[tilespmem:s15], [sflag:$0x1] =	stream.indirect.gather [hbm4b:s4+s11], $0x80, s30, s11, $0xb8;
	[tilespmem:$0x1D000] =	vst v63  }
0x1b0: {  	_ =	swait.ge [sflag:s16], $0x2000  }
0x1b1: {  	[sflag:s16] =	ssyncset.done $0x0  }
0x1b2: {  	[sflag:s16] =	ssyncadd.s32 $0xFFFFE000  }
0x1b3: {  	[spmem:s2] =	stream.indirect.scatter.add.f32 [tilespmem:s12], [sflag:$0x2], $0x80, s31, s11, $0xb8;
	[tilespmem:$0x1D000] =	vst v63  }
0x1b4: {  	_ =	swait.ge [sflag:s16], $0x2000  }
0x1b5: {  	[sflag:s16] =	ssyncset.done $0x0  }
0x1b6: {  	[sflag:s16] =	ssyncadd.s32 $0xFFFFE000  }
0x1b7: {  	[spmem:s2] =	stream.indirect.scatter.add.f32 [tilespmem:s13], [sflag:$0x2], $0x80, s0, s11, $0xb8;
	[tilespmem:$0x1D000] =	vst v63  }
0x1b8: {  	_ =	swait.ge [sflag:s16], $0x2000  }
0x1b9: {  	[sflag:s16] =	ssyncset.done $0x0  }
0x1ba: {  	[sflag:s16] =	ssyncadd.s32 $0xFFFFE000  }
0x1bb: {  	[spmem:s2] =	stream.indirect.scatter.add.f32 [tilespmem:s14], [sflag:$0x2], $0x80, s1, s11, $0xb8;
	[tilespmem:$0x1D000] =	vst v63  }
0x1bc: {  	_ =	swait.ge [sflag:s16], $0x2000  }
0x1bd: {  	[sflag:s16] =	ssyncset.done $0x0  }
0x1be: {  	[sflag:s16] =	ssyncadd.s32 $0xFFFFE000  }
0x1bf: {  	[spmem:s2] =	stream.indirect.scatter.add.f32 [tilespmem:s15], [sflag:$0x2], $0x80, s5, s11, $0xb8;
	[tilespmem:$0x1D000] =	vst v63  }
0x1c0: {  	_ =	swait.ge [sflag:s17], $0x2000  }
0x1c1: {  	[sflag:s17] =	ssyncset.done $0x0  }
0x1c2: {  	[sflag:s17] =	ssyncadd.s32 $0xFFFFE000  }
0x1c3: {  	_ =	swait.ge [sflag:s17], $0x2000  }
0x1c4: {  	[sflag:s17] =	ssyncset.done $0x0  }
0x1c5: {  	[sflag:s17] =	ssyncadd.s32 $0xFFFFE000  }
0x1c6: {  	_ =	swait.ge [sflag:s17], $0x2000  }
0x1c7: {  	[sflag:s17] =	ssyncset.done $0x0  }
0x1c8: {  	[sflag:s17] =	ssyncadd.s32 $0xFFFFE000  }
0x1c9: {  	_ =	swait.ge [sflag:s17], $0x2000  }
0x1ca: {  	[sflag:s17] =	ssyncset.done $0x0  }
0x1cb: {  	[sflag:s17] =	ssyncadd.s32 $0xFFFFE000  }
0x1cc: {  	[bflag:$0x0] =	sbarrier.arrive $0xFFFF  }
0x1cd: {  	s8 =	rddreg [dreg:$0x16]  }
0x1ce: {  	s7 =	rddreg [dreg:$0x18]  }
0x1cf: {  	s24 =	rddreg [dreg:$0x19]  }
0x1d0: {  	[hbm:s24], [sflag:s8] =	dma.local [spmem:s7], $0x2800  }
0x1d1: {  	_ =	swait.ge [sflag:s9], $0x2800  }
0x1d2: {  	s6 =	rddreg [dreg:$0x1a]  }
0x1d3: {  	s24 =	sadd.s32 $0x1, s6;
	s6 =	rddreg [dreg:$0x17]  }
0x1d4: {  	p0 =	sne.s32 s24, s6  }
.Ltmp1:
0x1d5: {  	_ = 	snop;
	(pc) =	sbr.rel @p0 .LBB2_1-.Ltmp1, $3  }
0x1d6: {  	_ =	sdelay $0x1  }
0x1d7: {  	[sflag:s9] =	ssyncset.done $0x0  }
0x1d8: {  	[sflag:s9] =	ssyncadd.s32 $0xFFFFD800  }
0x1d9: {  	_ =	sfence.sel $0x180000  }
0x1da: {  	[bflag:$0x0] =	sbarrier.arrive $0xFFFF  }
0x1db: {  	_ =	strace $0x9000004D  }
0x1dc: {  	s0 =	stileid.u32;
	[bflag:$0x2] =	sbarrier.arrive $0xFFFF  }
0x1dd: {  	p0 =	sne.s32 s0, $0x0;
	s0 =	rddreg [dreg:$0x3]  }
0x1de: {  	s0 =	sadd.s32 @!p0 $0x100000, s0  }
0x1df: {  	[sflag:s0] =	ssyncadd.tile.s32 @!p0 $0x1;
	_ =	shalt  }
.Lfunc_end2:
_tile_overlayer_lowered:
.L_overlay_start_2:
0x1e0: {  	(tag) =	ssettag $0x2  }
0x1e1: {  	s0 =	rddreg [dreg:$0x0];
	s2 =	stileid.u32  }
0x1e2: {  	s1 =	rddreg [dreg:$0x1];
	p0 =	sne.s32 s2, $0x0  }
0x1e3: {  	s3 =	rddreg [dreg:$0x2];
	[bflag:$0x3] =	sbarrier.arrive $0xFFFF;
	s2 =	simm.s32 @!p0 $0x1C03  }
0x1e4: {  	[timem:s3], [sflag:s2] =	dma.local @!p0 [hbm:s0], s1  }
0x1e5: {  	s0 =	simm.s32 @!p0 $0x3  }
0x1e6: {  	_ =	swait.ge @!p0 [sflag:s0], s1  }
0x1e7: {  	s1 =	ssub.s32 @!p0 $0x0, s1;
	[sflag:s0] =	ssyncset.done @!p0 $0x0  }
0x1e8: {  	[sflag:s0] =	ssyncadd.s32 @!p0 s1  }
0x1e9: {  	[bflag:$0x3] =	sbarrier.arrive $0xFFFF  }
0x1ea: {  	_ =	shalt  }

// kernel: kernel.9.cloned.1.call-start
scs
__scs_entry_jumppad:
0x0: {  	(pc) =	sbr.rel $0x88, $3  }
0x1: {  	(tag) =	ssettag $0x0;
	lr =	simm.s32 $0x1  }
0x2: {  	[smem:$0x3F9B] =	sst lr;
	_ =	strace $0xD0000000  }
0x3: {  	_ = 	snop  }
0x4: {  	_ = 	snop  }
0x5: {  	_ = 	snop  }
0x6: {  	_ = 	snop  }
0x7: {  	_ = 	snop  }
__scs_overlays_trampoline_lowered:
0x8: {  	[smem:$0x3FAA] =	sst s0  }
0x9: {  	[smem:$0x3FAB] =	sst s1  }
0xa: {  	[smem:$0x3FAC] =	sst s2  }
0xb: {  	[smem:$0x3FAD] =	sst s3  }
0xc: {  	[smem:$0x3FAE] =	sst s4  }
0xd: {  	[smem:$0x3FAF] =	sst s5  }
0xe: {  	[smem:$0x3FB0] =	sst s6  }
0xf: {  	[smem:$0x3FB1] =	sst s7  }
0x10: {  	[smem:$0x3FB2] =	sst s8  }
0x11: {  	[smem:$0x3FB3] =	sst s9;
	s0 =	simm.s32 @!p0 $0x0  }
0x12: {  	s1 =	sld [smem:$0x3F99];
	s0 =	simm.s32 @p0 $0x1  }
0x13: {  	[smem:$0x3FB4] =	sst s0;
	s0 =	simm.s32 @!p1 $0x0  }
0x14: {  	s2 =	sld [smem:$0x3F98];
	s0 =	simm.s32 @p1 $0x1  }
0x15: {  	[smem:$0x3FB5] =	sst s0;
	s0 =	simm.s32 @!p2 $0x0  }
0x16: {  	s3 =	sld [smem:$0x3FDB];
	s0 =	simm.s32 @p2 $0x1  }
0x17: {  	s4 =	simm.s32 $0x1BF5;
	[smem:$0x3FB7] =	sst s0  }
0x18: {  	s0 =	sld [smem:$0x3F9A];
	_ =	swait.ge [sflag:s4], $0x0  }
0x19: {  	s7 =	sld [smem:$0x3F9B]  }
0x1a: {  	s8 =	sadd.s32 $0xFFFFE003, lr  }
0x1b: {  	s9 =	sadd.s32 $0xFFFFFEF7, lr;
	s5 =	simm.s32 $0xFFFFFFFF;
	p2 =	slt.u32 s8, $0xFFFFF086  }
0x1c: {  	p1 =	slt.u32 s9, $0xF7A;
	s5 =	simm.s32 @!p2 $0x0  }
0x1d: {  	s5 =	simm.s32 @p1 $0x1;
	p0 =	seq.s32 s7, s2  }
0x1e: {  	s7 =	smul.u32 @!p0 $0xF7A, s2;
	p2 =	seq.s32 @!p0 s5, $0x0  }
0x1f: {  	s9 =	smul.u32 $0xF7A, s1;
	s8 =	simm.s32 @!p0 $0x1BF5;
	p2 =	por !p2, p0  }
0x20: {  	[sflag:s8] =	ssyncset.s32 @!p0 $0xFFFFF086;
	s6 =	sadd.s32 @!p0 s3, s7;
	s7 =	simm.s32 @!p0 $0x108  }
0x21: {  	s3 =	sadd.s32 s3, s9;
	s6 =	sadd.s32 @!p0 $0x88, s6;
	s7 =	simm.s32 @p2 $0x1082  }
0x22: {  	[simem:s7], [sflag:s8] =	dma.local @!p0 [hbm:s6], $0xF7A  }
0x23: {  	s9 =	sor.u32 $0xD0000000, s2;
	s6 =	simm.s32 $0x108;
	_ =	swait.ge @!p0 [sflag:s8], $0x0  }
0x24: {  	s3 =	sadd.s32 $0x88, s3;
	s6 =	simm.s32 @!p1 $0x1082;
	[sflag:s4] =	ssyncset.s32 $0xFFFFF086  }
0x25: {  	[simem:s6], [sflag:s4] =	dma.local [hbm:s3], $0xF7A  }
0x26: {  	[smem:$0x3F9B] =	sst s1;
	(tag) =	ssettag s2;
	_ =	strace s9  }
0x27: {  	s1 =	sld [smem:$0x3FAB]  }
0x28: {  	s2 =	sld [smem:$0x3FAC]  }
0x29: {  	s4 =	sld [smem:$0x3FAE]  }
0x2a: {  	p0 =	seq.s32 s5, $0x0;
	s5 =	sld [smem:$0x3FAF]  }
0x2b: {  	s6 =	sld [smem:$0x3FB0]  }
0x2c: {  	s7 =	sld [smem:$0x3FB1]  }
0x2d: {  	s3 =	simm.s32 $0x108;
	s8 =	sld [smem:$0x3FB2]  }
0x2e: {  	s3 =	simm.s32 @!p0 $0x1082;
	s9 =	sld [smem:$0x3FB3]  }
0x2f: {  	lr =	sadd.s32 s0, s3;
	s0 =	sld [smem:$0x3FAA]  }
0x30: {  	s3 =	sld [smem:$0x3FAD]  }
0x31: {  	[smem:$0x3FB6] =	sst s10  }
0x32: {  	s10 =	sld [smem:$0x3FB4];
	_ =	sdelay $0x3  }
0x33: {  	p0 =	seq.s32 s10, $0x1;
	s10 =	sld [smem:$0x3FB6];
	_ =	sdelay $0x3  }
0x34: {  	[smem:$0x3FB6] =	sst s10  }
0x35: {  	s10 =	sld [smem:$0x3FB5];
	_ =	sdelay $0x3  }
0x36: {  	p1 =	seq.s32 s10, $0x1;
	s10 =	sld [smem:$0x3FB6];
	_ =	sdelay $0x3  }
0x37: {  	[smem:$0x3FB6] =	sst s10  }
0x38: {  	s10 =	sld [smem:$0x3FB7]  }
0x39: {  	_ = 	snop;
	(pc) =	sbr.ind lr, $3  }
0x3a: {  	_ = 	snop  }
0x3b: {  	_ = 	snop  }
0x3c: {  	p2 =	seq.s32 s10, $0x1;
	s10 =	sld [smem:$0x3FB6]  }
0x3d: {  	_ =	shalt  }
0x3e: {  	_ =	shalt  }
0x3f: {  	_ =	shalt  }
0x40: {  	_ =	shalt  }
0x41: {  	_ =	shalt  }
0x42: {  	_ =	shalt  }
0x43: {  	_ =	shalt  }
0x44: {  	_ =	shalt  }
0x45: {  	_ =	shalt  }
0x46: {  	_ =	shalt  }
0x47: {  	_ =	shalt  }
0x48: {  	_ =	shalt  }
0x49: {  	_ =	shalt  }
0x4a: {  	_ =	shalt  }
0x4b: {  	_ =	shalt  }
0x4c: {  	_ =	shalt  }
0x4d: {  	_ =	shalt  }
0x4e: {  	_ =	shalt  }
0x4f: {  	_ =	shalt  }
0x50: {  	_ =	shalt  }
0x51: {  	_ =	shalt  }
0x52: {  	_ =	shalt  }
0x53: {  	_ =	shalt  }
0x54: {  	_ =	shalt  }
0x55: {  	_ =	shalt  }
0x56: {  	_ =	shalt  }
0x57: {  	_ =	shalt  }
0x58: {  	_ =	shalt  }
0x59: {  	_ =	shalt  }
0x5a: {  	_ =	shalt  }
0x5b: {  	_ =	shalt  }
0x5c: {  	_ =	shalt  }
0x5d: {  	_ =	shalt  }
0x5e: {  	_ =	shalt  }
0x5f: {  	_ =	shalt  }
0x60: {  	_ =	shalt  }
0x61: {  	_ =	shalt  }
0x62: {  	_ =	shalt  }
0x63: {  	_ =	shalt  }
0x64: {  	_ =	shalt  }
0x65: {  	_ =	shalt  }
0x66: {  	_ =	shalt  }
0x67: {  	_ =	shalt  }
0x68: {  	_ =	shalt  }
0x69: {  	_ =	shalt  }
0x6a: {  	_ =	shalt  }
0x6b: {  	_ =	shalt  }
0x6c: {  	_ =	shalt  }
0x6d: {  	_ =	shalt  }
0x6e: {  	_ =	shalt  }
0x6f: {  	_ =	shalt  }
0x70: {  	_ =	shalt  }
0x71: {  	_ =	shalt  }
0x72: {  	_ =	shalt  }
0x73: {  	_ =	shalt  }
0x74: {  	_ =	shalt  }
0x75: {  	_ =	shalt  }
0x76: {  	_ =	shalt  }
0x77: {  	_ =	shalt  }
0x78: {  	_ =	shalt  }
0x79: {  	_ =	shalt  }
0x7a: {  	_ =	shalt  }
0x7b: {  	_ =	shalt  }
0x7c: {  	_ =	shalt  }
0x7d: {  	_ =	shalt  }
0x7e: {  	_ =	shalt  }
0x7f: {  	_ =	shalt  }
0x80: {  	_ =	shalt  }
0x81: {  	_ =	shalt  }
0x82: {  	_ =	shalt  }
0x83: {  	_ =	shalt  }
0x84: {  	_ =	shalt  }
0x85: {  	_ =	shalt  }
0x86: {  	_ =	shalt  }
0x87: {  	_ =	shalt  }
.Lfunc_end0:
.L_simem_size_0:
called_computation_lowered:
.L_overlay_start_0:
0x88: {  	s2 =	sld [smem:$0x3FD9]  }
0x89: {  	s3 =	sld [smem:$0x3FFE];
	_ =	sdelay $0x1  }
0x8a: {  	s1 =	srdreg.scid  }
0x8b: {  	s0 =	sand.u32 $0x1, s1  }
0x8c: {  	s17 =	sshll.u32 s0, $0xA;
	s2 =	sadd.s32 s3, s2  }
0x8d: {  	s2 =	sadd.s32 s2, s17  }
0x8e: {  	[smem:$0x3FC2] =	sst s2  }
0x8f: {  	_ = 	snop  }
0x90: {  	s2 =	sld [smem:$0x3FD0];
	(tm) =	ssettm $0x1  }
0x91: {  	s18 =	sld [smem:$0x3FFB];
	_ =	sdelay $0x3  }
0x92: {  	_ =	strace s18  }
0x93: {  	s3 =	sld [smem:$0x3FFC];
	_ =	sdelay $0x3  }
0x94: {  	_ =	strace s3  }
0x95: {  	s3 =	sld [smem:$0x3FFD];
	_ =	sdelay $0x3  }
0x96: {  	_ =	strace s3  }
0x97: {  	_ =	strace $0x8FFFFFFF  }
0x98: {  	s19 =	sld [smem:$0x3FDB];
	_ =	sdelay $0x1  }
0x99: {  	s4 =	simm.s32 $_scs_section_size  }
0x9a: {  	s5 =	simm.s32 $_size__tile_overlayer_lowered;
	s6 =	simm.s32 $_tile_overlayer_lowered  }
0x9b: {  	s22 =	simm.s32 $0x1BFF;
	s21 =	sshll.u32 s6, $0x1;
	s3 =	sadd.s32 s4, s19  }
0x9c: {  	s7 =	simm.s32 $0x0;
	s20 =	sshll.u32 s5, $0x1;
	s5 =	sadd.s32 s21, s3  }
0x9d: {  	[timem:s7], [sflag:s22] =	dma.local [hbm:s5], s20  }
0x9e: {  	_ =	swait.ge [sflag:s22], s20  }
0x9f: {  	s4 =	ssub.s32 $0x0, s20;
	[sflag:s22] =	ssyncset.done $0x0  }
0xa0: {  	[sflag:s22] =	ssyncadd.s32 s4;
	_ =	sdelay $0x1  }
0xa1: {  	s23 =	simm.s32 $0x1B8B  }
0xa2: {  	_ =	swait.ge [sflag:s23], $0x1  }
0xa3: {  	[sflag:s23] =	ssyncset.done $0x0  }
0xa4: {  	s25 =	simm.s32 $0x1B8E;
	s24 =	sld [smem:$0x3FFE];
	[sflag:s23] =	ssyncadd.s32 $0xFFFFFFFF  }
0xa5: {  	s26 =	simm.s32 $execute0_lowered;
	[smem:$0x3FD2] =	sst s25  }
0xa6: {  	s5 =	sshll.u32 s26, $0x1;
	_ =	strace $0x80000046;
	[dreg:$0x1] =	wrdreg $0xFFFFFFFF  }
0xa7: {  	s28 =	simm.s32 $_size_execute0_lowered;
	s3 =	sadd.s32 s3, s5;
	[dreg:$0x0] =	wrdreg $0x0  }
0xa8: {  	s5 =	sshll.u32 s28, $0x1;
	[dreg:$0x2] =	wrdreg s3  }
0xa9: {  	[dreg:$0x3] =	wrdreg s5  }
0xaa: {  	[dreg:$0x4] =	wrdreg $0xC0  }
0xab: {  	_ =	task [dreg:s7], $0x5FFFF  }
0xac: {  	[dreg:$0x1] =	wrdreg $0xFFFFFFFF  }
0xad: {  	[dreg:$0x0] =	wrdreg $0x60  }
0xae: {  	[dreg:$0x2] =	wrdreg s2  }
0xaf: {  	[dreg:$0x3] =	wrdreg s24  }
0xb0: {  	[dreg:$0x4] =	wrdreg $0x9  }
0xb1: {  	_ =	task.clear_ibuf [dreg:s7], $0x5FFFF;
	_ =	strace $0x90000046  }
0xb2: {  	s29 =	simm.s32 $0x9;
	_ =	strace $0x80000048  }
0xb3: {  	_ =	swait.ge [sflag:s29], $0x1  }
0xb4: {  	[sflag:s29] =	ssyncadd.s32 $0xFFFFFFFF  }
0xb5: {  	_ =	strace $0x90000048  }
0xb6: {  	_ =	sfence  }
0xb7: {  	s30 =	sld [smem:$0x0];
	_ =	sdelay $0x2  }
0xb8: {  	s31 =	sshll.u32 s1, $0xD;
	s1 =	sshrl.u32 s1, $0x2  }
0xb9: {  	s3 =	sand.u32 $0x4000, s31;
	s1 =	sadd.s32 s1, s30  }
0xba: {  	s0 =	sor.u32 s3, s0;
	s1 =	sshll.u32 s1, $0x11  }
0xbb: {  	s0 =	sor.u32 s1, s0  }
0xbc: {  	s0 =	sadd.s32 $0x8F2B, s0  }
0xbd: {  	[sflag:s0] =	ssyncadd.remote.s32 $0x1  }
0xbe: {  	_ =	sfence.sel $0xFFFF  }
0xbf: {  	[dreg:$0x0] =	wrdreg $0xFFFFFFFF;
	(pc) =	sbr.abs _section_cstart, $3  }
0xc0: {  	[dreg:$0x1] =	wrdreg $0xFFFFFFFF  }
0xc1: {  	_ =	task.clear_ibuf [dreg:s7], $0x2FFFF;
	_ =	strace $0x9FFFFFFF  }
0xc2: {  	(tm) =	ssettm $0x7FFFFFFF  }
0xc3: {  	_ =	shalt  }
tec
execute0_lowered:
.L_overlay_start_1:
0x0: {  	(tag) =	ssettag $0x1  }
0x1: {  	s0 =	srdreg.scid  }
0x2: {  	s3 =	rddreg [dreg:$0x0];
	s4 =	sand.u32 $0x1, s0  }
0x3: {  	s5 =	rddreg [dreg:$0x1];
	s1 =	stileid.u32;
	s2 =	sshll.u32 s4, $0x4  }
0x4: {  	s0 =	rddreg [dreg:$0x2];
	s6 =	sor.u32 s1, s2  }
0x5: {  	s4 =	ssub.s32 $0x2, s4;
	s2 =	simm.s32 $0x0;
	s7 =	smul.u32 $0x500, s6  }
0x6: {  	s8 =	sshrl.u32 s4, $0x1;
	[smem:$0x7FF] =	sst s2;
	s6 =	smul.u32 $0xA00, s6  }
0x7: {  	s31 =	ssub.s32 s4, s8;
	s8 =	simm.s32 $0x0;
	_ =	strace $0x80000047  }
0x8: {  	s5 =	sadd.s32 s7, s5;
	s3 =	sadd.s32 s3, s6;
	s6 =	simm.s32 $0x1  }
0x9: {  	v0 =	vimm.f32 $0.0e+00;
	v1 =	vimm.f32 $1.000000000e+00;
	s7 =	simm.s32 $0x5000;
	s4 =	sadd.s32 $0x2200, s5;
	s5 =	smax.u32 s31, $0x1  }
.LBB2_1:
0xa: {  	[tilespmem:s2], [sflag:$0x1] =	stream.linear.gather [hbm4b:s3+s2], $0x5000, $0x38;
	[tilespmem:$0x7800] =	vst v63  }
0xb: {  	_ =	swait.ge [sflag:s6], $0x5000  }
0xc: {  	[sflag:s6] =	ssyncset.done $0x0  }
0xd: {  	s9 =	simm.s32 $0x0;
	[sflag:s6] =	ssyncadd.s32 $0xFFFFB000  }
.LBB2_2:
0xe: {  	p0 =	sne.s32 s9, $0x27F0  }
.Ltmp0:
0xf: {  	_ = 	snop;
	(pc) =	sbr.rel @p0 .LBB2_2-.Ltmp0, $3  }
0x10: {  	_ =	sdelay $0x1  }
0x11: {  	s10 =	sand.u32 $0x3FF0, s9  }
0x12: {  	s9 =	sadd.s32 $0x10, s9;
	[tilespmem:s10+$0x5000] =	vst v0  }
0x13: {  	s9 =	simm.s32 $0x0  }
0x14: {  	s10 =	sand.u32 $0x30, s9;
	s9 =	sand.u32 $0x7F80, s9  }
0x15: {  	s10 =	sor.u32 s10, s9  }
0x16: {  	v2 =	vld [tilespmem:s10+$0x0];
	_ =	sdelay $0x5  }
0x17: {  	s11 =	simm.s32 $0x10;
	s9 =	simm.s32 $0x20  }
0x18: {  	s11 =	sand.u32 $0x30, s11;
	s12 =	sand.u32 $0x7F80, s9;
	s10 =	simm.s32 $0x20  }
.LBB2_4:
0x19: {  	p0 =	sne.s32 s10, $0x27F0;
	s11 =	sor.u32 s11, s12;
	[tilespmem:v2+s7+$0x0] =	vst.idx.add.f32.msk $0xffff, v1  }
0x1a: {  	v2 =	vld [tilespmem:s11+$0x0];
	_ =	sdelay $0x2  }
.Ltmp1:
0x1b: {  	(pc) =	sbr.rel @p0 .LBB2_4-.Ltmp1, $3  }
0x1c: {  	_ =	sdelay $0x1  }
0x1d: {  	s9 =	sadd.s32 $0x20, s9  }
0x1e: {  	s11 =	sand.u32 $0x30, s10;
	s12 =	sand.u32 $0x7F80, s9;
	s10 =	sadd.s32 $0x10, s10  }
0x1f: {  	_ =	sdelay $0x3  }
0x20: {  	s9 =	sor.u32 s11, s12;
	[tilespmem:v2+s7+$0x0] =	vst.idx.add.f32.msk $0xffff, v1  }
0x21: {  	v2 =	vld [tilespmem:s9+$0x0];
	_ =	sdelay $0x5  }
0x22: {  	s8 =	sadd.s32 $0x1, s8  }
0x23: {  	p0 =	sne.s32 s8, s5  }
.Ltmp2:
0x24: {  	[tilespmem:v2+s7+$0x0] =	vst.idx.add.f32.msk $0xffff, v1;
	(pc) =	sbr.rel @p0 .LBB2_1-.Ltmp2, $4  }
0x25: {  	[hbm4b:s4+s2] =	stream.linear.scatter [tilespmem:s7], [sflag:$0x1], $0x2800, $0x38;
	[tilespmem:$0x7800] =	vst v63  }
0x26: {  	_ =	swait.ge [sflag:s6], $0x2800  }
0x27: {  	[sflag:s6] =	ssyncset.done $0x0  }
0x28: {  	[sflag:s6] =	ssyncadd.s32 $0xFFFFD800  }
0x29: {  	_ =	sfence.sel $0x180000  }
0x2a: {  	[bflag:$0x0] =	sbarrier.arrive $0xFFFF  }
0x2b: {  	p0 =	sne.s32 s1, $0x0;
	_ =	strace $0x90000047  }
0x2c: {  	s0 =	sadd.s32 @!p0 $0x100000, s0;
	[bflag:$0x2] =	sbarrier.arrive $0xFFFF  }
0x2d: {  	[sflag:s0] =	ssyncadd.tile.s32 @!p0 $0x1;
	_ =	shalt  }
.Lfunc_end2:
_tile_overlayer_lowered:
.L_overlay_start_2:
0x2e: {  	(tag) =	ssettag $0x2  }
0x2f: {  	s0 =	rddreg [dreg:$0x0];
	s2 =	stileid.u32  }
0x30: {  	s1 =	rddreg [dreg:$0x1];
	p0 =	sne.s32 s2, $0x0  }
0x31: {  	s3 =	rddreg [dreg:$0x2];
	[bflag:$0x3] =	sbarrier.arrive $0xFFFF;
	s2 =	simm.s32 @!p0 $0x1C01  }
0x32: {  	[timem:s3], [sflag:s2] =	dma.local @!p0 [hbm:s0], s1  }
0x33: {  	s0 =	simm.s32 @!p0 $0x1  }
0x34: {  	_ =	swait.ge @!p0 [sflag:s0], s1  }
0x35: {  	s1 =	ssub.s32 @!p0 $0x0, s1;
	[sflag:s0] =	ssyncset.done @!p0 $0x0  }
0x36: {  	[sflag:s0] =	ssyncadd.s32 @!p0 s1  }
0x37: {  	[bflag:$0x3] =	sbarrier.arrive $0xFFFF  }
0x38: {  	_ =	shalt  }

</sc_bundles>
